<compile_context>
chip_gen: v7x
topology: tpu7x:2x2x1
jax: 0.10.2.dev20260603
libtpu: 0.0.44.dev20260713+nightly
codegen_flags: <defaults>
</compile_context>

<pallas_src>
import functools

import jax
import jax.numpy as jnp
from jax import lax
from jax.experimental import pallas as pl
from jax.experimental.pallas import tpu as pltpu
from jax.experimental.pallas import tpu_sc as plsc

N = 10000
D = 128
NC = 2
NS = 16
NW = NC * NS
NPAD = 10240
ROWS_PER_TILE = NPAD // NS
E = 320000
EPW = E // NW
ZCH = 128
CH = 80
DNCH = EPW // CH
NCHUNK0 = 196
NCHUNK1 = 54
NB = 4

_mesh = plsc.VectorSubcoreMesh(
    core_axis_name="c", subcore_axis_name="s", num_cores=NC, num_subcores=NS
)


@functools.partial(
    pl.kernel,
    out_type=(
        jax.ShapeDtypeStruct((NPAD,), jnp.float32),
        jax.ShapeDtypeStruct((NPAD,), jnp.float32),
    ),
    mesh=_mesh,
    scratch_types=[
        pltpu.VMEM((NB, CH), jnp.int32),
        pltpu.VMEM((CH,), jnp.float32),
        pltpu.VMEM((ZCH,), jnp.float32),
        pltpu.VMEM_SHARED((NPAD,), jnp.float32),
        [pltpu.SemaphoreType.DMA] * NB,
    ],
)
def _deg_sc(dst_hbm, deg0_hbm, deg1_hbm, idx_v, ones_v, zeros_v, deg_sh,
            dsems):
    c = lax.axis_index("c")
    s = lax.axis_index("s")
    wid = c * NS + s
    ebase = wid * EPW

    def idx_start(b, j):
        pltpu.async_copy(dst_hbm.at[pl.ds(ebase + j * CH, CH)],
                         idx_v.at[b], dsems[b])

    def idx_wait(b, j):
        pltpu.make_async_copy(dst_hbm.at[pl.ds(ebase + j * CH, CH)],
                              idx_v.at[b], dsems[b]).wait()

    def scat(b):
        pltpu.sync_copy(ones_v, deg_sh.at[idx_v.at[b]], add=True)

    for b in range(NB):
        idx_start(b, b)
    for k in range(CH // 16):
        ones_v[pl.ds(k * 16, 16)] = jnp.ones((16,), jnp.float32)
    for k in range(ZCH // 16):
        zeros_v[pl.ds(k * 16, 16)] = jnp.zeros((16,), jnp.float32)
    for k in range(ROWS_PER_TILE // ZCH):
        pltpu.sync_copy(zeros_v, deg_sh.at[pl.ds(s * ROWS_PER_TILE + k * ZCH, ZCH)])
    plsc.subcore_barrier()

    def body(g, carry):
        for b in range(NB):
            j = g * NB + b
            idx_wait(b, j)
            scat(b)
            idx_start(b, j + NB)
        return carry

    ngfull = DNCH // NB
    nextra = DNCH - ngfull * NB
    lax.fori_loop(0, ngfull - 1, body, 0)
    for b in range(NB):
        idx_wait(b, (ngfull - 1) * NB + b)
        scat(b)
    for e in range(nextra):
        idx_start(e, ngfull * NB + e)
        idx_wait(e, ngfull * NB + e)
        scat(e)
    plsc.subcore_barrier()
    sl = pl.ds(s * ROWS_PER_TILE, ROWS_PER_TILE)

    @pl.when(c == 0)
    def _():
        pltpu.sync_copy(deg_sh.at[sl], deg0_hbm.at[sl])

    @pl.when(c == 1)
    def _():
        pltpu.sync_copy(deg_sh.at[sl], deg1_hbm.at[sl])


NG0 = NCHUNK0 // NB
NX0 = NCHUNK0 - NG0 * NB
NG1 = NCHUNK1 // NB
NX1 = NCHUNK1 - NG1 * NB


@functools.partial(
    pl.kernel,
    out_type=(
        jax.ShapeDtypeStruct((NPAD, D), jnp.float32),
        jax.ShapeDtypeStruct((NPAD, D), jnp.float32),
    ),
    mesh=_mesh,
    scratch_types=[
        pltpu.VMEM((NB, 2, CH), jnp.int32),
        pltpu.VMEM((NB, CH, D), jnp.float32),
        pltpu.VMEM_SHARED((NPAD, D), jnp.float32),
        [pltpu.SemaphoreType.DMA] * NB,
        [pltpu.SemaphoreType.DMA] * NB,
        [pltpu.SemaphoreType.DMA] * NB,
    ],
)
def _edge_sc(y_hbm, src_hbm, dst_hbm, acc0_hbm, acc1_hbm,
             sd_v, rows_v, acc_sh, isems, gsems, ssems):
    c = lax.axis_index("c")
    s = lax.axis_index("s")

    def _run(yref, cbase, ng, nextra):
        def idx_start(b, j):
            off = pl.ds((cbase + j) * CH, CH)
            pltpu.async_copy(src_hbm.at[off], sd_v.at[b, 0], isems[b])
            pltpu.async_copy(dst_hbm.at[off], sd_v.at[b, 1], isems[b])

        def idx_wait(b, j):
            off = pl.ds((cbase + j) * CH, CH)
            pltpu.make_async_copy(src_hbm.at[off], sd_v.at[b, 0],
                                  isems[b]).wait()
            pltpu.make_async_copy(dst_hbm.at[off], sd_v.at[b, 1],
                                  isems[b]).wait()

        def gather_start(b):
            pltpu.async_copy(yref.at[sd_v.at[b, 0]], rows_v.at[b], gsems[b])

        def gather_wait(b):
            pltpu.make_async_copy(yref.at[sd_v.at[b, 0]], rows_v.at[b],
                                  gsems[b]).wait()

        for b in range(NB):
            idx_start(b, b)
        for b in range(NB):
            idx_wait(b, b)
            gather_start(b)

        def scatter_start(b):
            return pltpu.async_copy(rows_v.at[b], acc_sh.at[sd_v.at[b, 1]],
                                    ssems[b], add=True)

        def body(g, carry):
            descs = []
            for b in range(NB):
                gather_wait(b)
                if b > 0:
                    descs[b - 1].wait()
                    idx_start(b - 1, (g + 1) * NB + b - 1)
                descs.append(scatter_start(b))
            descs[NB - 1].wait()
            idx_start(NB - 1, (g + 1) * NB + NB - 1)
            for b in range(NB):
                idx_wait(b, (g + 1) * NB + b)
                gather_start(b)
            return carry

        lax.fori_loop(0, ng - 1, body, 0)
        descs = []
        for b in range(NB):
            gather_wait(b)
            if b > 0:
                descs[b - 1].wait()
            descs.append(scatter_start(b))
        descs[NB - 1].wait()
        for e in range(nextra):
            j = ng * NB + e
            idx_start(e, j)
            idx_wait(e, j)
            gather_start(e)
            gather_wait(e)
            scatter_start(e).wait()

    def zbody(r, carry):
        for k in range(D // 16):
            rows_v[0, r, pl.ds(k * 16, 16)] = jnp.zeros((16,), jnp.float32)
        return carry

    lax.fori_loop(0, CH, zbody, 0)
    for k in range(ROWS_PER_TILE // CH):
        pltpu.sync_copy(rows_v.at[0],
                        acc_sh.at[pl.ds(s * ROWS_PER_TILE + k * CH, CH)])
    plsc.subcore_barrier()

    @pl.when(c == 0)
    def _():
        _run(y_hbm, s * NCHUNK0, NG0, NX0)

    @pl.when(c == 1)
    def _():
        _run(y_hbm, NS * NCHUNK0 + s * NCHUNK1, NG1, NX1)

    plsc.subcore_barrier()
    sl = pl.ds(s * ROWS_PER_TILE, ROWS_PER_TILE)

    @pl.when(c == 0)
    def _():
        pltpu.sync_copy(acc_sh.at[sl], acc0_hbm.at[sl])

    @pl.when(c == 1)
    def _():
        pltpu.sync_copy(acc_sh.at[sl], acc1_hbm.at[sl])


BS = 5000


def _matmul_body(x_ref, w_ref, xw_ref):
    xw_ref[...] = jnp.dot(x_ref[...], w_ref[...],
                          preferred_element_type=jnp.float32)


def _matmul_tc(x_p, W_conv):
    return pl.pallas_call(
        _matmul_body,
        grid=(N // BS,),
        in_specs=[
            pl.BlockSpec((BS, D), lambda i: (i, 0)),
            pl.BlockSpec((D, D), lambda i: (0, 0)),
        ],
        out_specs=pl.BlockSpec((BS, D), lambda i: (i, 0)),
        out_shape=jax.ShapeDtypeStruct((N, D), jnp.float32),
    )(x_p, W_conv)


def _scale_body(xw_ref, d0_ref, d1_ref, y_ref):
    deg = d0_ref[...] + d1_ref[...] + 1.0
    dinv = lax.rsqrt(deg)
    y_ref[...] = xw_ref[...] * dinv


def _scale_tc(xw, deg0, deg1):
    grid = (N // BS,)
    return pl.pallas_call(
        _scale_body,
        grid=grid,
        in_specs=[
            pl.BlockSpec((BS, D), lambda i: (i, 0)),
            pl.BlockSpec((BS, 1), lambda i: (i, 0)),
            pl.BlockSpec((BS, 1), lambda i: (i, 0)),
        ],
        out_specs=pl.BlockSpec((BS, D), lambda i: (i, 0)),
        out_shape=jax.ShapeDtypeStruct((N, D), jnp.float32),
    )(xw, deg0, deg1)


def _combine_body(a0_ref, a1_ref, y_ref, d0_ref, d1_ref, bc_ref, wl_ref,
                  bl_ref, o_ref):
    deg = d0_ref[...] + d1_ref[...] + 1.0
    dinv = lax.rsqrt(deg)
    pre = (a0_ref[...] + a1_ref[...] + y_ref[...]) * dinv
    h = jnp.maximum(pre + bc_ref[...], 0.0)
    o_ref[...] = (
        jnp.dot(h, wl_ref[...], preferred_element_type=jnp.float32)
        + bl_ref[...]
    )


def _combine_tc(acc0, acc1, y, deg0, deg1, b_conv, W_lin, b_lin):
    grid = (N // BS,)
    blk = pl.BlockSpec((BS, D), lambda i: (i, 0))
    return pl.pallas_call(
        _combine_body,
        grid=grid,
        in_specs=[
            blk, blk, blk,
            pl.BlockSpec((BS, 1), lambda i: (i, 0)),
            pl.BlockSpec((BS, 1), lambda i: (i, 0)),
            pl.BlockSpec((1, D), lambda i: (0, 0)),
            pl.BlockSpec((D, D), lambda i: (0, 0)),
            pl.BlockSpec((1, D), lambda i: (0, 0)),
        ],
        out_specs=blk,
        out_shape=jax.ShapeDtypeStruct((N, D), jnp.float32),
    )(acc0, acc1, y, deg0, deg1, b_conv, W_lin, b_lin)


def kernel(x, edge_index, W_conv, b_conv, W_lin, b_lin):
    src = edge_index[0].astype(jnp.int32)
    dst = edge_index[1].astype(jnp.int32)

    xw = _matmul_tc(x, W_conv)
    deg0, deg1 = _deg_sc(dst)
    deg0 = deg0.reshape(NPAD, 1)
    deg1 = deg1.reshape(NPAD, 1)
    y = _scale_tc(xw, deg0, deg1)
    acc0, acc1 = _edge_sc(y, src, dst)
    out = _combine_tc(acc0, acc1, y, deg0, deg1,
                      b_conv.reshape(1, D), W_lin, b_lin.reshape(1, D))
    return out

# --- scband reference (transcript-rebuilt; emitter-appended) ---
"""Pipeline reference for scband-hetero-gcn-49074296324598 (READ-ONLY COPY).

The authoritative reference and input builder live on the scoring server;
editing this copy changes nothing except your own understanding.
"""

import jax, jax.numpy as jnp
import numpy as np

N = 10000
E = 320000
D_FEAT = 128
HIDDEN = 128

def setup_inputs(seed: int = 0) -> dict:
    key = jax.random.key(seed)
    k1, k2, k3, k4, k5, k6 = jax.random.split(key, 6)
    x = jax.random.normal(k1, (N, D_FEAT), dtype=jnp.float32)
    edge_index = jax.random.randint(k2, (2, E), 0, N, dtype=jnp.int64)
    # GCNConv params (glorot for weight, zeros for bias, matching PyG defaults)
    W_conv = jax.random.normal(k3, (D_FEAT, HIDDEN), dtype=jnp.float32) * (1.0 / np.sqrt(D_FEAT))
    b_conv = jnp.zeros((HIDDEN,), dtype=jnp.float32)
    # Final Linear(hidden_channels -> d_feat)
    W_lin = jax.random.normal(k4, (HIDDEN, D_FEAT), dtype=jnp.float32) * (1.0 / np.sqrt(HIDDEN))
    b_lin = jnp.zeros((D_FEAT,), dtype=jnp.float32)
    return {"x": x, "edge_index": edge_index, "W_conv": W_conv, "b_conv": b_conv, "W_lin": W_lin, "b_lin": b_lin}

def reference(x, edge_index, W_conv, b_conv, W_lin, b_lin):
    n = x.shape[0]
    # GCNConv with add_self_loops=True, symmetric normalization
    loop = jnp.arange(n, dtype=edge_index.dtype)
    src = jnp.concatenate([edge_index[0], loop])
    dst = jnp.concatenate([edge_index[1], loop])
    xw = x @ W_conv  # linear transform first
    deg = jnp.zeros((n,), dtype=jnp.float32).at[dst].add(1.0)
    deg_inv_sqrt = jnp.where(deg > 0, 1.0 / jnp.sqrt(deg), 0.0)
    norm = deg_inv_sqrt[src] * deg_inv_sqrt[dst]
    msg = xw[src] * norm[:, None]
    agg = jnp.zeros((n, xw.shape[1]), dtype=jnp.float32).at[dst].add(msg)
    h = agg + b_conv  # HeteroConv aggr='sum' over single relation is identity
    # relu, then dropout (identity in eval mode), then final Linear
    h = jax.nn.relu(h)
    out = h @ W_lin + b_lin
    return out

if __name__ == "__main__":
    import jax
    _d = setup_inputs()
    print(jax.jit(kernel)(*tuple(_d.values())))

</pallas_src>

<mosaic_0001>
#map = affine_map<(d0, d1) -> (0, 0)>
#map1 = affine_map<(d0, d1) -> (0)>
module attributes {stable_mosaic.version = 14 : i64} {
  func.func @_edge_sc(%arg0: i32, %arg1: i32, %arg2: memref<10000x128xf32, #tpu.memory_space<hbm>>, %arg3: memref<320000xi32, #tpu.memory_space<hbm>>, %arg4: memref<320000xi32, #tpu.memory_space<hbm>>, %arg5: memref<10240x128xf32, #tpu.memory_space<hbm>>, %arg6: memref<10240x128xf32, #tpu.memory_space<hbm>>, %arg7: memref<4x2x80xi32, #tpu.memory_space<vmem>>, %arg8: memref<4x80x128xf32, #tpu.memory_space<vmem>>, %arg9: memref<10240x128xf32, #tpu.memory_space<vmem_shared>>, %arg10: memref<!tpu.dma_semaphore, #tpu.memory_space<semaphore_mem>>, %arg11: memref<!tpu.dma_semaphore, #tpu.memory_space<semaphore_mem>>, %arg12: memref<!tpu.dma_semaphore, #tpu.memory_space<semaphore_mem>>, %arg13: memref<!tpu.dma_semaphore, #tpu.memory_space<semaphore_mem>>, %arg14: memref<!tpu.dma_semaphore, #tpu.memory_space<semaphore_mem>>, %arg15: memref<!tpu.dma_semaphore, #tpu.memory_space<semaphore_mem>>, %arg16: memref<!tpu.dma_semaphore, #tpu.memory_space<semaphore_mem>>, %arg17: memref<!tpu.dma_semaphore, #tpu.memory_space<semaphore_mem>>, %arg18: memref<!tpu.dma_semaphore, #tpu.memory_space<semaphore_mem>>, %arg19: memref<!tpu.dma_semaphore, #tpu.memory_space<semaphore_mem>>, %arg20: memref<!tpu.dma_semaphore, #tpu.memory_space<semaphore_mem>>, %arg21: memref<!tpu.dma_semaphore, #tpu.memory_space<semaphore_mem>>) attributes {dimension_semantics = [#tpu.dimension_semantics<core_parallel>, #tpu.dimension_semantics<subcore_parallel>], iteration_bounds = array<i64: 2, 16>, scalar_prefetch = 0 : i64, scratch_operands = 15 : i64, tpu.core_type = #tpu.core_type<sc_vector_subcore>, window_params = [{transform_indices = #map}, {transform_indices = #map1}, {transform_indices = #map1}, {transform_indices = #map}, {transform_indices = #map}]} {
    %scan3A = arith.constant 0 : i32
    %scan3A_0 = arith.constant 0 : i32
    %scan3A_1 = arith.constant 80 : i32
    %scan3A_2 = arith.addi %scan3A_0, %scan3A_1 : i32
    %scan3A_3 = arith.constant 1 : i32
    scf.for %scan3A_62 = %scan3A_0 to %scan3A_2 step %scan3A_3  : i32 {
      %broadcast_in_dim3A = arith.constant 0.000000e+00 : f32
      %broadcast_in_dim3A_63 = vector.broadcast %broadcast_in_dim3A : f32 to vector<16xf32>
      %swap3A = arith.constant 0 : i32
      %swap3A_64 = arith.index_cast %swap3A : i32 to index
      %swap3A_65 = arith.index_cast %scan3A_62 : i32 to index
      %swap3A_66 = arith.constant 0 : index
      %swap3A_67 = tpu.vector_load %arg8[%swap3A_64, %swap3A_65, %swap3A_66] {strides = array<i32>} : memref<4x80x128xf32, #tpu.memory_space<vmem>>, vector<1x1x16xf32>,
      %swap3A_68 = vector.shape_cast %swap3A_67 : vector<1x1x16xf32> to vector<16xf32>
      %swap3A_69 = vector.shape_cast %broadcast_in_dim3A_63 : vector<16xf32> to vector<1x1x16xf32>
      tpu.vector_store %arg8[%swap3A_64, %swap3A_65, %swap3A_66], %swap3A_69 {strides = array<i32>} : memref<4x80x128xf32, #tpu.memory_space<vmem>>, vector<1x1x16xf32>,
      %broadcast_in_dim3A_70 = arith.constant 0.000000e+00 : f32
      %broadcast_in_dim3A_71 = vector.broadcast %broadcast_in_dim3A_70 : f32 to vector<16xf32>
      %swap3A_72 = arith.constant 0 : i32
      %swap3A_73 = arith.index_cast %swap3A_72 : i32 to index
      %swap3A_74 = arith.index_cast %scan3A_62 : i32 to index
      %swap3A_75 = arith.constant 16 : index
      %swap3A_76 = tpu.vector_load %arg8[%swap3A_73, %swap3A_74, %swap3A_75] {strides = array<i32>} : memref<4x80x128xf32, #tpu.memory_space<vmem>>, vector<1x1x16xf32>,
      %swap3A_77 = vector.shape_cast %swap3A_76 : vector<1x1x16xf32> to vector<16xf32>
      %swap3A_78 = vector.shape_cast %broadcast_in_dim3A_71 : vector<16xf32> to vector<1x1x16xf32>
      tpu.vector_store %arg8[%swap3A_73, %swap3A_74, %swap3A_75], %swap3A_78 {strides = array<i32>} : memref<4x80x128xf32, #tpu.memory_space<vmem>>, vector<1x1x16xf32>,
      %broadcast_in_dim3A_79 = arith.constant 0.000000e+00 : f32
      %broadcast_in_dim3A_80 = vector.broadcast %broadcast_in_dim3A_79 : f32 to vector<16xf32>
      %swap3A_81 = arith.constant 0 : i32
      %swap3A_82 = arith.index_cast %swap3A_81 : i32 to index
      %swap3A_83 = arith.index_cast %scan3A_62 : i32 to index
      %swap3A_84 = arith.constant 32 : index
      %swap3A_85 = tpu.vector_load %arg8[%swap3A_82, %swap3A_83, %swap3A_84] {strides = array<i32>} : memref<4x80x128xf32, #tpu.memory_space<vmem>>, vector<1x1x16xf32>,
      %swap3A_86 = vector.shape_cast %swap3A_85 : vector<1x1x16xf32> to vector<16xf32>
      %swap3A_87 = vector.shape_cast %broadcast_in_dim3A_80 : vector<16xf32> to vector<1x1x16xf32>
      tpu.vector_store %arg8[%swap3A_82, %swap3A_83, %swap3A_84], %swap3A_87 {strides = array<i32>} : memref<4x80x128xf32, #tpu.memory_space<vmem>>, vector<1x1x16xf32>,
      %broadcast_in_dim3A_88 = arith.constant 0.000000e+00 : f32
      %broadcast_in_dim3A_89 = vector.broadcast %broadcast_in_dim3A_88 : f32 to vector<16xf32>
      %swap3A_90 = arith.constant 0 : i32
      %swap3A_91 = arith.index_cast %swap3A_90 : i32 to index
      %swap3A_92 = arith.index_cast %scan3A_62 : i32 to index
      %swap3A_93 = arith.constant 48 : index
      %swap3A_94 = tpu.vector_load %arg8[%swap3A_91, %swap3A_92, %swap3A_93] {strides = array<i32>} : memref<4x80x128xf32, #tpu.memory_space<vmem>>, vector<1x1x16xf32>,
      %swap3A_95 = vector.shape_cast %swap3A_94 : vector<1x1x16xf32> to vector<16xf32>
      %swap3A_96 = vector.shape_cast %broadcast_in_dim3A_89 : vector<16xf32> to vector<1x1x16xf32>
      tpu.vector_store %arg8[%swap3A_91, %swap3A_92, %swap3A_93], %swap3A_96 {strides = array<i32>} : memref<4x80x128xf32, #tpu.memory_space<vmem>>, vector<1x1x16xf32>,
      %broadcast_in_dim3A_97 = arith.constant 0.000000e+00 : f32
      %broadcast_in_dim3A_98 = vector.broadcast %broadcast_in_dim3A_97 : f32 to vector<16xf32>
      %swap3A_99 = arith.constant 0 : i32
      %swap3A_100 = arith.index_cast %swap3A_99 : i32 to index
      %swap3A_101 = arith.index_cast %scan3A_62 : i32 to index
      %swap3A_102 = arith.constant 64 : index
      %swap3A_103 = tpu.vector_load %arg8[%swap3A_100, %swap3A_101, %swap3A_102] {strides = array<i32>} : memref<4x80x128xf32, #tpu.memory_space<vmem>>, vector<1x1x16xf32>,
      %swap3A_104 = vector.shape_cast %swap3A_103 : vector<1x1x16xf32> to vector<16xf32>
      %swap3A_105 = vector.shape_cast %broadcast_in_dim3A_98 : vector<16xf32> to vector<1x1x16xf32>
      tpu.vector_store %arg8[%swap3A_100, %swap3A_101, %swap3A_102], %swap3A_105 {strides = array<i32>} : memref<4x80x128xf32, #tpu.memory_space<vmem>>, vector<1x1x16xf32>,
      %broadcast_in_dim3A_106 = arith.constant 0.000000e+00 : f32
      %broadcast_in_dim3A_107 = vector.broadcast %broadcast_in_dim3A_106 : f32 to vector<16xf32>
      %swap3A_108 = arith.constant 0 : i32
      %swap3A_109 = arith.index_cast %swap3A_108 : i32 to index
      %swap3A_110 = arith.index_cast %scan3A_62 : i32 to index
      %swap3A_111 = arith.constant 80 : index
      %swap3A_112 = tpu.vector_load %arg8[%swap3A_109, %swap3A_110, %swap3A_111] {strides = array<i32>} : memref<4x80x128xf32, #tpu.memory_space<vmem>>, vector<1x1x16xf32>,
      %swap3A_113 = vector.shape_cast %swap3A_112 : vector<1x1x16xf32> to vector<16xf32>
      %swap3A_114 = vector.shape_cast %broadcast_in_dim3A_107 : vector<16xf32> to vector<1x1x16xf32>
      tpu.vector_store %arg8[%swap3A_109, %swap3A_110, %swap3A_111], %swap3A_114 {strides = array<i32>} : memref<4x80x128xf32, #tpu.memory_space<vmem>>, vector<1x1x16xf32>,
      %broadcast_in_dim3A_115 = arith.constant 0.000000e+00 : f32
      %broadcast_in_dim3A_116 = vector.broadcast %broadcast_in_dim3A_115 : f32 to vector<16xf32>
      %swap3A_117 = arith.constant 0 : i32
      %swap3A_118 = arith.index_cast %swap3A_117 : i32 to index
      %swap3A_119 = arith.index_cast %scan3A_62 : i32 to index
      %swap3A_120 = arith.constant 96 : index
      %swap3A_121 = tpu.vector_load %arg8[%swap3A_118, %swap3A_119, %swap3A_120] {strides = array<i32>} : memref<4x80x128xf32, #tpu.memory_space<vmem>>, vector<1x1x16xf32>,
      %swap3A_122 = vector.shape_cast %swap3A_121 : vector<1x1x16xf32> to vector<16xf32>
      %swap3A_123 = vector.shape_cast %broadcast_in_dim3A_116 : vector<16xf32> to vector<1x1x16xf32>
      tpu.vector_store %arg8[%swap3A_118, %swap3A_119, %swap3A_120], %swap3A_123 {strides = array<i32>} : memref<4x80x128xf32, #tpu.memory_space<vmem>>, vector<1x1x16xf32>,
      %broadcast_in_dim3A_124 = arith.constant 0.000000e+00 : f32
      %broadcast_in_dim3A_125 = vector.broadcast %broadcast_in_dim3A_124 : f32 to vector<16xf32>
      %swap3A_126 = arith.constant 0 : i32
      %swap3A_127 = arith.index_cast %swap3A_126 : i32 to index
      %swap3A_128 = arith.index_cast %scan3A_62 : i32 to index
      %swap3A_129 = arith.constant 112 : index
      %swap3A_130 = tpu.vector_load %arg8[%swap3A_127, %swap3A_128, %swap3A_129] {strides = array<i32>} : memref<4x80x128xf32, #tpu.memory_space<vmem>>, vector<1x1x16xf32>,
      %swap3A_131 = vector.shape_cast %swap3A_130 : vector<1x1x16xf32> to vector<16xf32>
      %swap3A_132 = vector.shape_cast %broadcast_in_dim3A_125 : vector<16xf32> to vector<1x1x16xf32>
      tpu.vector_store %arg8[%swap3A_127, %swap3A_128, %swap3A_129], %swap3A_132 {strides = array<i32>} : memref<4x80x128xf32, #tpu.memory_space<vmem>>, vector<1x1x16xf32>,
    }
    %scan3A_4 = arith.constant 80 : i32
    %mul3A = arith.constant 640 : i32
    %mul3A_5 = arith.muli %arg1, %mul3A : i32
    %add3A = arith.constant 0 : i32
    %add3A_6 = arith.addi %mul3A_5, %add3A : i32
    %run_scoped3A = arith.constant 0 : i32
    "tpu.region"() ({
      %run_scoped3A_62 = tpu.sem_alloc : memref<!tpu.dma_semaphore, #tpu.memory_space<semaphore_mem>>
      %dma_start3A = arith.constant 0 : i32
      %dma_start3A_63 = arith.constant 0 : i32
      %dma_start3A_64 = tpu.memref_slice %arg8[%run_scoped3A, %dma_start3A, %dma_start3A_63] : memref<4x80x128xf32, #tpu.memory_space<vmem>> -> memref<1x80x128xf32, #tpu.memory_space<vmem>>
      %dma_start3A_65 = tpu.memref_squeeze %dma_start3A_64 : memref<1x80x128xf32, #tpu.memory_space<vmem>> -> memref<80x128xf32, #tpu.memory_space<vmem>>
      %dma_start3A_66 = arith.constant 0 : i32
      %dma_start3A_67 = tpu.memref_slice %arg9[%add3A_6, %dma_start3A_66] : memref<10240x128xf32, #tpu.memory_space<vmem_shared>> -> memref<80x128xf32, #tpu.memory_space<vmem_shared>>
      %dma_start3A_68 = arith.constant 0 : i32
      %dma_start3A_69 = tpu.memref_slice %arg9[%add3A_6, %dma_start3A_68] : memref<10240x128xf32, #tpu.memory_space<vmem_shared>> -> memref<80x128xf32, #tpu.memory_space<vmem_shared>>
      %dma_start3A_70 = arith.constant 0 : i32
      %dma_start3A_71 = arith.constant 0 : i32
      %dma_start3A_72 = tpu.memref_slice %arg8[%run_scoped3A, %dma_start3A_70, %dma_start3A_71] : memref<4x80x128xf32, #tpu.memory_space<vmem>> -> memref<1x80x128xf32, #tpu.memory_space<vmem>>
      %dma_start3A_73 = tpu.memref_squeeze %dma_start3A_72 : memref<1x80x128xf32, #tpu.memory_space<vmem>> -> memref<80x128xf32, #tpu.memory_space<vmem>>
      tpu.enqueue_dma source(%dma_start3A_73 : memref<80x128xf32, #tpu.memory_space<vmem>>) target(%dma_start3A_69 : memref<80x128xf32, #tpu.memory_space<vmem_shared>>) target_semaphore(%run_scoped3A_62 : memref<!tpu.dma_semaphore, #tpu.memory_space<semaphore_mem>>)
      %dma_wait3A = arith.constant 0 : i32
      %dma_wait3A_74 = arith.constant 0 : i32
      %dma_wait3A_75 = tpu.memref_slice %arg8[%run_scoped3A, %dma_wait3A, %dma_wait3A_74] : memref<4x80x128xf32, #tpu.memory_space<vmem>> -> memref<1x80x128xf32, #tpu.memory_space<vmem>>
      %dma_wait3A_76 = tpu.memref_squeeze %dma_wait3A_75 : memref<1x80x128xf32, #tpu.memory_space<vmem>> -> memref<80x128xf32, #tpu.memory_space<vmem>>
      %dma_wait3A_77 = arith.constant 0 : i32
      %dma_wait3A_78 = tpu.memref_slice %arg9[%add3A_6, %dma_wait3A_77] : memref<10240x128xf32, #tpu.memory_space<vmem_shared>> -> memref<80x128xf32, #tpu.memory_space<vmem_shared>>
      %dma_wait3A_79 = arith.constant 0 : i32
      %dma_wait3A_80 = tpu.memref_slice %arg9[%add3A_6, %dma_wait3A_79] : memref<10240x128xf32, #tpu.memory_space<vmem_shared>> -> memref<80x128xf32, #tpu.memory_space<vmem_shared>>
      %dma_wait3A_81 = arith.constant 0 : i32
      %dma_wait3A_82 = arith.constant 0 : i32
      %dma_wait3A_83 = tpu.memref_slice %arg8[%run_scoped3A, %dma_wait3A_81, %dma_wait3A_82] : memref<4x80x128xf32, #tpu.memory_space<vmem>> -> memref<1x80x128xf32, #tpu.memory_space<vmem>>
      %dma_wait3A_84 = tpu.memref_squeeze %dma_wait3A_83 : memref<1x80x128xf32, #tpu.memory_space<vmem>> -> memref<80x128xf32, #tpu.memory_space<vmem>>
      tpu.wait_dma2 semaphore(%run_scoped3A_62 : memref<!tpu.dma_semaphore, #tpu.memory_space<semaphore_mem>>) src(%dma_wait3A_84 : memref<80x128xf32, #tpu.memory_space<vmem>>) dst(%dma_wait3A_80 : memref<80x128xf32, #tpu.memory_space<vmem_shared>>)
      tpu.yield
    }) : () -> ()
    %mul3A_7 = arith.constant 640 : i32
    %mul3A_8 = arith.muli %arg1, %mul3A_7 : i32
    %add3A_9 = arith.constant 80 : i32
    %add3A_10 = arith.addi %mul3A_8, %add3A_9 : i32
    %run_scoped3A_11 = arith.constant 0 : i32
    "tpu.region"() ({
      %run_scoped3A_62 = tpu.sem_alloc : memref<!tpu.dma_semaphore, #tpu.memory_space<semaphore_mem>>
      %dma_start3A = arith.constant 0 : i32
      %dma_start3A_63 = arith.constant 0 : i32
      %dma_start3A_64 = tpu.memref_slice %arg8[%run_scoped3A_11, %dma_start3A, %dma_start3A_63] : memref<4x80x128xf32, #tpu.memory_space<vmem>> -> memref<1x80x128xf32, #tpu.memory_space<vmem>>
      %dma_start3A_65 = tpu.memref_squeeze %dma_start3A_64 : memref<1x80x128xf32, #tpu.memory_space<vmem>> -> memref<80x128xf32, #tpu.memory_space<vmem>>
      %dma_start3A_66 = arith.constant 0 : i32
      %dma_start3A_67 = tpu.memref_slice %arg9[%add3A_10, %dma_start3A_66] : memref<10240x128xf32, #tpu.memory_space<vmem_shared>> -> memref<80x128xf32, #tpu.memory_space<vmem_shared>>
      %dma_start3A_68 = arith.constant 0 : i32
      %dma_start3A_69 = tpu.memref_slice %arg9[%add3A_10, %dma_start3A_68] : memref<10240x128xf32, #tpu.memory_space<vmem_shared>> -> memref<80x128xf32, #tpu.memory_space<vmem_shared>>
      %dma_start3A_70 = arith.constant 0 : i32
      %dma_start3A_71 = arith.constant 0 : i32
      %dma_start3A_72 = tpu.memref_slice %arg8[%run_scoped3A_11, %dma_start3A_70, %dma_start3A_71] : memref<4x80x128xf32, #tpu.memory_space<vmem>> -> memref<1x80x128xf32, #tpu.memory_space<vmem>>
      %dma_start3A_73 = tpu.memref_squeeze %dma_start3A_72 : memref<1x80x128xf32, #tpu.memory_space<vmem>> -> memref<80x128xf32, #tpu.memory_space<vmem>>
      tpu.enqueue_dma source(%dma_start3A_73 : memref<80x128xf32, #tpu.memory_space<vmem>>) target(%dma_start3A_69 : memref<80x128xf32, #tpu.memory_space<vmem_shared>>) target_semaphore(%run_scoped3A_62 : memref<!tpu.dma_semaphore, #tpu.memory_space<semaphore_mem>>)
      %dma_wait3A = arith.constant 0 : i32
      %dma_wait3A_74 = arith.constant 0 : i32
      %dma_wait3A_75 = tpu.memref_slice %arg8[%run_scoped3A_11, %dma_wait3A, %dma_wait3A_74] : memref<4x80x128xf32, #tpu.memory_space<vmem>> -> memref<1x80x128xf32, #tpu.memory_space<vmem>>
      %dma_wait3A_76 = tpu.memref_squeeze %dma_wait3A_75 : memref<1x80x128xf32, #tpu.memory_space<vmem>> -> memref<80x128xf32, #tpu.memory_space<vmem>>
      %dma_wait3A_77 = arith.constant 0 : i32
      %dma_wait3A_78 = tpu.memref_slice %arg9[%add3A_10, %dma_wait3A_77] : memref<10240x128xf32, #tpu.memory_space<vmem_shared>> -> memref<80x128xf32, #tpu.memory_space<vmem_shared>>
      %dma_wait3A_79 = arith.constant 0 : i32
      %dma_wait3A_80 = tpu.memref_slice %arg9[%add3A_10, %dma_wait3A_79] : memref<10240x128xf32, #tpu.memory_space<vmem_shared>> -> memref<80x128xf32, #tpu.memory_space<vmem_shared>>
      %dma_wait3A_81 = arith.constant 0 : i32
      %dma_wait3A_82 = arith.constant 0 : i32
      %dma_wait3A_83 = tpu.memref_slice %arg8[%run_scoped3A_11, %dma_wait3A_81, %dma_wait3A_82] : memref<4x80x128xf32, #tpu.memory_space<vmem>> -> memref<1x80x128xf32, #tpu.memory_space<vmem>>
      %dma_wait3A_84 = tpu.memref_squeeze %dma_wait3A_83 : memref<1x80x128xf32, #tpu.memory_space<vmem>> -> memref<80x128xf32, #tpu.memory_space<vmem>>
      tpu.wait_dma2 semaphore(%run_scoped3A_62 : memref<!tpu.dma_semaphore, #tpu.memory_space<semaphore_mem>>) src(%dma_wait3A_84 : memref<80x128xf32, #tpu.memory_space<vmem>>) dst(%dma_wait3A_80 : memref<80x128xf32, #tpu.memory_space<vmem_shared>>)
      tpu.yield
    }) : () -> ()
    %mul3A_12 = arith.constant 640 : i32
    %mul3A_13 = arith.muli %arg1, %mul3A_12 : i32
    %add3A_14 = arith.constant 160 : i32
    %add3A_15 = arith.addi %mul3A_13, %add3A_14 : i32
    %run_scoped3A_16 = arith.constant 0 : i32
    "tpu.region"() ({
      %run_scoped3A_62 = tpu.sem_alloc : memref<!tpu.dma_semaphore, #tpu.memory_space<semaphore_mem>>
      %dma_start3A = arith.constant 0 : i32
      %dma_start3A_63 = arith.constant 0 : i32
      %dma_start3A_64 = tpu.memref_slice %arg8[%run_scoped3A_16, %dma_start3A, %dma_start3A_63] : memref<4x80x128xf32, #tpu.memory_space<vmem>> -> memref<1x80x128xf32, #tpu.memory_space<vmem>>
      %dma_start3A_65 = tpu.memref_squeeze %dma_start3A_64 : memref<1x80x128xf32, #tpu.memory_space<vmem>> -> memref<80x128xf32, #tpu.memory_space<vmem>>
      %dma_start3A_66 = arith.constant 0 : i32
      %dma_start3A_67 = tpu.memref_slice %arg9[%add3A_15, %dma_start3A_66] : memref<10240x128xf32, #tpu.memory_space<vmem_shared>> -> memref<80x128xf32, #tpu.memory_space<vmem_shared>>
      %dma_start3A_68 = arith.constant 0 : i32
      %dma_start3A_69 = tpu.memref_slice %arg9[%add3A_15, %dma_start3A_68] : memref<10240x128xf32, #tpu.memory_space<vmem_shared>> -> memref<80x128xf32, #tpu.memory_space<vmem_shared>>
      %dma_start3A_70 = arith.constant 0 : i32
      %dma_start3A_71 = arith.constant 0 : i32
      %dma_start3A_72 = tpu.memref_slice %arg8[%run_scoped3A_16, %dma_start3A_70, %dma_start3A_71] : memref<4x80x128xf32, #tpu.memory_space<vmem>> -> memref<1x80x128xf32, #tpu.memory_space<vmem>>
      %dma_start3A_73 = tpu.memref_squeeze %dma_start3A_72 : memref<1x80x128xf32, #tpu.memory_space<vmem>> -> memref<80x128xf32, #tpu.memory_space<vmem>>
      tpu.enqueue_dma source(%dma_start3A_73 : memref<80x128xf32, #tpu.memory_space<vmem>>) target(%dma_start3A_69 : memref<80x128xf32, #tpu.memory_space<vmem_shared>>) target_semaphore(%run_scoped3A_62 : memref<!tpu.dma_semaphore, #tpu.memory_space<semaphore_mem>>)
      %dma_wait3A = arith.constant 0 : i32
      %dma_wait3A_74 = arith.constant 0 : i32
      %dma_wait3A_75 = tpu.memref_slice %arg8[%run_scoped3A_16, %dma_wait3A, %dma_wait3A_74] : memref<4x80x128xf32, #tpu.memory_space<vmem>> -> memref<1x80x128xf32, #tpu.memory_space<vmem>>
      %dma_wait3A_76 = tpu.memref_squeeze %dma_wait3A_75 : memref<1x80x128xf32, #tpu.memory_space<vmem>> -> memref<80x128xf32, #tpu.memory_space<vmem>>
      %dma_wait3A_77 = arith.constant 0 : i32
      %dma_wait3A_78 = tpu.memref_slice %arg9[%add3A_15, %dma_wait3A_77] : memref<10240x128xf32, #tpu.memory_space<vmem_shared>> -> memref<80x128xf32, #tpu.memory_space<vmem_shared>>
      %dma_wait3A_79 = arith.constant 0 : i32
      %dma_wait3A_80 = tpu.memref_slice %arg9[%add3A_15, %dma_wait3A_79] : memref<10240x128xf32, #tpu.memory_space<vmem_shared>> -> memref<80x128xf32, #tpu.memory_space<vmem_shared>>
      %dma_wait3A_81 = arith.constant 0 : i32
      %dma_wait3A_82 = arith.constant 0 : i32
      %dma_wait3A_83 = tpu.memref_slice %arg8[%run_scoped3A_16, %dma_wait3A_81, %dma_wait3A_82] : memref<4x80x128xf32, #tpu.memory_space<vmem>> -> memref<1x80x128xf32, #tpu.memory_space<vmem>>
      %dma_wait3A_84 = tpu.memref_squeeze %dma_wait3A_83 : memref<1x80x128xf32, #tpu.memory_space<vmem>> -> memref<80x128xf32, #tpu.memory_space<vmem>>
      tpu.wait_dma2 semaphore(%run_scoped3A_62 : memref<!tpu.dma_semaphore, #tpu.memory_space<semaphore_mem>>) src(%dma_wait3A_84 : memref<80x128xf32, #tpu.memory_space<vmem>>) dst(%dma_wait3A_80 : memref<80x128xf32, #tpu.memory_space<vmem_shared>>)
      tpu.yield
    }) : () -> ()
    %mul3A_17 = arith.constant 640 : i32
    %mul3A_18 = arith.muli %arg1, %mul3A_17 : i32
    %add3A_19 = arith.constant 240 : i32
    %add3A_20 = arith.addi %mul3A_18, %add3A_19 : i32
    %run_scoped3A_21 = arith.constant 0 : i32
    "tpu.region"() ({
      %run_scoped3A_62 = tpu.sem_alloc : memref<!tpu.dma_semaphore, #tpu.memory_space<semaphore_mem>>
      %dma_start3A = arith.constant 0 : i32
      %dma_start3A_63 = arith.constant 0 : i32
      %dma_start3A_64 = tpu.memref_slice %arg8[%run_scoped3A_21, %dma_start3A, %dma_start3A_63] : memref<4x80x128xf32, #tpu.memory_space<vmem>> -> memref<1x80x128xf32, #tpu.memory_space<vmem>>
      %dma_start3A_65 = tpu.memref_squeeze %dma_start3A_64 : memref<1x80x128xf32, #tpu.memory_space<vmem>> -> memref<80x128xf32, #tpu.memory_space<vmem>>
      %dma_start3A_66 = arith.constant 0 : i32
      %dma_start3A_67 = tpu.memref_slice %arg9[%add3A_20, %dma_start3A_66] : memref<10240x128xf32, #tpu.memory_space<vmem_shared>> -> memref<80x128xf32, #tpu.memory_space<vmem_shared>>
      %dma_start3A_68 = arith.constant 0 : i32
      %dma_start3A_69 = tpu.memref_slice %arg9[%add3A_20, %dma_start3A_68] : memref<10240x128xf32, #tpu.memory_space<vmem_shared>> -> memref<80x128xf32, #tpu.memory_space<vmem_shared>>
      %dma_start3A_70 = arith.constant 0 : i32
      %dma_start3A_71 = arith.constant 0 : i32
      %dma_start3A_72 = tpu.memref_slice %arg8[%run_scoped3A_21, %dma_start3A_70, %dma_start3A_71] : memref<4x80x128xf32, #tpu.memory_space<vmem>> -> memref<1x80x128xf32, #tpu.memory_space<vmem>>
      %dma_start3A_73 = tpu.memref_squeeze %dma_start3A_72 : memref<1x80x128xf32, #tpu.memory_space<vmem>> -> memref<80x128xf32, #tpu.memory_space<vmem>>
      tpu.enqueue_dma source(%dma_start3A_73 : memref<80x128xf32, #tpu.memory_space<vmem>>) target(%dma_start3A_69 : memref<80x128xf32, #tpu.memory_space<vmem_shared>>) target_semaphore(%run_scoped3A_62 : memref<!tpu.dma_semaphore, #tpu.memory_space<semaphore_mem>>)
      %dma_wait3A = arith.constant 0 : i32
      %dma_wait3A_74 = arith.constant 0 : i32
      %dma_wait3A_75 = tpu.memref_slice %arg8[%run_scoped3A_21, %dma_wait3A, %dma_wait3A_74] : memref<4x80x128xf32, #tpu.memory_space<vmem>> -> memref<1x80x128xf32, #tpu.memory_space<vmem>>
      %dma_wait3A_76 = tpu.memref_squeeze %dma_wait3A_75 : memref<1x80x128xf32, #tpu.memory_space<vmem>> -> memref<80x128xf32, #tpu.memory_space<vmem>>
      %dma_wait3A_77 = arith.constant 0 : i32
      %dma_wait3A_78 = tpu.memref_slice %arg9[%add3A_20, %dma_wait3A_77] : memref<10240x128xf32, #tpu.memory_space<vmem_shared>> -> memref<80x128xf32, #tpu.memory_space<vmem_shared>>
      %dma_wait3A_79 = arith.constant 0 : i32
      %dma_wait3A_80 = tpu.memref_slice %arg9[%add3A_20, %dma_wait3A_79] : memref<10240x128xf32, #tpu.memory_space<vmem_shared>> -> memref<80x128xf32, #tpu.memory_space<vmem_shared>>
      %dma_wait3A_81 = arith.constant 0 : i32
      %dma_wait3A_82 = arith.constant 0 : i32
      %dma_wait3A_83 = tpu.memref_slice %arg8[%run_scoped3A_21, %dma_wait3A_81, %dma_wait3A_82] : memref<4x80x128xf32, #tpu.memory_space<vmem>> -> memref<1x80x128xf32, #tpu.memory_space<vmem>>
      %dma_wait3A_84 = tpu.memref_squeeze %dma_wait3A_83 : memref<1x80x128xf32, #tpu.memory_space<vmem>> -> memref<80x128xf32, #tpu.memory_space<vmem>>
      tpu.wait_dma2 semaphore(%run_scoped3A_62 : memref<!tpu.dma_semaphore, #tpu.memory_space<semaphore_mem>>) src(%dma_wait3A_84 : memref<80x128xf32, #tpu.memory_space<vmem>>) dst(%dma_wait3A_80 : memref<80x128xf32, #tpu.memory_space<vmem_shared>>)
      tpu.yield
    }) : () -> ()
    %mul3A_22 = arith.constant 640 : i32
    %mul3A_23 = arith.muli %arg1, %mul3A_22 : i32
    %add3A_24 = arith.constant 320 : i32
    %add3A_25 = arith.addi %mul3A_23, %add3A_24 : i32
    %run_scoped3A_26 = arith.constant 0 : i32
    "tpu.region"() ({
      %run_scoped3A_62 = tpu.sem_alloc : memref<!tpu.dma_semaphore, #tpu.memory_space<semaphore_mem>>
      %dma_start3A = arith.constant 0 : i32
      %dma_start3A_63 = arith.constant 0 : i32
      %dma_start3A_64 = tpu.memref_slice %arg8[%run_scoped3A_26, %dma_start3A, %dma_start3A_63] : memref<4x80x128xf32, #tpu.memory_space<vmem>> -> memref<1x80x128xf32, #tpu.memory_space<vmem>>
      %dma_start3A_65 = tpu.memref_squeeze %dma_start3A_64 : memref<1x80x128xf32, #tpu.memory_space<vmem>> -> memref<80x128xf32, #tpu.memory_space<vmem>>
      %dma_start3A_66 = arith.constant 0 : i32
      %dma_start3A_67 = tpu.memref_slice %arg9[%add3A_25, %dma_start3A_66] : memref<10240x128xf32, #tpu.memory_space<vmem_shared>> -> memref<80x128xf32, #tpu.memory_space<vmem_shared>>
      %dma_start3A_68 = arith.constant 0 : i32
      %dma_start3A_69 = tpu.memref_slice %arg9[%add3A_25, %dma_start3A_68] : memref<10240x128xf32, #tpu.memory_space<vmem_shared>> -> memref<80x128xf32, #tpu.memory_space<vmem_shared>>
      %dma_start3A_70 = arith.constant 0 : i32
      %dma_start3A_71 = arith.constant 0 : i32
      %dma_start3A_72 = tpu.memref_slice %arg8[%run_scoped3A_26, %dma_start3A_70, %dma_start3A_71] : memref<4x80x128xf32, #tpu.memory_space<vmem>> -> memref<1x80x128xf32, #tpu.memory_space<vmem>>
      %dma_start3A_73 = tpu.memref_squeeze %dma_start3A_72 : memref<1x80x128xf32, #tpu.memory_space<vmem>> -> memref<80x128xf32, #tpu.memory_space<vmem>>
      tpu.enqueue_dma source(%dma_start3A_73 : memref<80x128xf32, #tpu.memory_space<vmem>>) target(%dma_start3A_69 : memref<80x128xf32, #tpu.memory_space<vmem_shared>>) target_semaphore(%run_scoped3A_62 : memref<!tpu.dma_semaphore, #tpu.memory_space<semaphore_mem>>)
      %dma_wait3A = arith.constant 0 : i32
      %dma_wait3A_74 = arith.constant 0 : i32
      %dma_wait3A_75 = tpu.memref_slice %arg8[%run_scoped3A_26, %dma_wait3A, %dma_wait3A_74] : memref<4x80x128xf32, #tpu.memory_space<vmem>> -> memref<1x80x128xf32, #tpu.memory_space<vmem>>
      %dma_wait3A_76 = tpu.memref_squeeze %dma_wait3A_75 : memref<1x80x128xf32, #tpu.memory_space<vmem>> -> memref<80x128xf32, #tpu.memory_space<vmem>>
      %dma_wait3A_77 = arith.constant 0 : i32
      %dma_wait3A_78 = tpu.memref_slice %arg9[%add3A_25, %dma_wait3A_77] : memref<10240x128xf32, #tpu.memory_space<vmem_shared>> -> memref<80x128xf32, #tpu.memory_space<vmem_shared>>
      %dma_wait3A_79 = arith.constant 0 : i32
      %dma_wait3A_80 = tpu.memref_slice %arg9[%add3A_25, %dma_wait3A_79] : memref<10240x128xf32, #tpu.memory_space<vmem_shared>> -> memref<80x128xf32, #tpu.memory_space<vmem_shared>>
      %dma_wait3A_81 = arith.constant 0 : i32
      %dma_wait3A_82 = arith.constant 0 : i32
      %dma_wait3A_83 = tpu.memref_slice %arg8[%run_scoped3A_26, %dma_wait3A_81, %dma_wait3A_82] : memref<4x80x128xf32, #tpu.memory_space<vmem>> -> memref<1x80x128xf32, #tpu.memory_space<vmem>>
      %dma_wait3A_84 = tpu.memref_squeeze %dma_wait3A_83 : memref<1x80x128xf32, #tpu.memory_space<vmem>> -> memref<80x128xf32, #tpu.memory_space<vmem>>
      tpu.wait_dma2 semaphore(%run_scoped3A_62 : memref<!tpu.dma_semaphore, #tpu.memory_space<semaphore_mem>>) src(%dma_wait3A_84 : memref<80x128xf32, #tpu.memory_space<vmem>>) dst(%dma_wait3A_80 : memref<80x128xf32, #tpu.memory_space<vmem_shared>>)
      tpu.yield
    }) : () -> ()
    %mul3A_27 = arith.constant 640 : i32
    %mul3A_28 = arith.muli %arg1, %mul3A_27 : i32
    %add3A_29 = arith.constant 400 : i32
    %add3A_30 = arith.addi %mul3A_28, %add3A_29 : i32
    %run_scoped3A_31 = arith.constant 0 : i32
    "tpu.region"() ({
      %run_scoped3A_62 = tpu.sem_alloc : memref<!tpu.dma_semaphore, #tpu.memory_space<semaphore_mem>>
      %dma_start3A = arith.constant 0 : i32
      %dma_start3A_63 = arith.constant 0 : i32
      %dma_start3A_64 = tpu.memref_slice %arg8[%run_scoped3A_31, %dma_start3A, %dma_start3A_63] : memref<4x80x128xf32, #tpu.memory_space<vmem>> -> memref<1x80x128xf32, #tpu.memory_space<vmem>>
      %dma_start3A_65 = tpu.memref_squeeze %dma_start3A_64 : memref<1x80x128xf32, #tpu.memory_space<vmem>> -> memref<80x128xf32, #tpu.memory_space<vmem>>
      %dma_start3A_66 = arith.constant 0 : i32
      %dma_start3A_67 = tpu.memref_slice %arg9[%add3A_30, %dma_start3A_66] : memref<10240x128xf32, #tpu.memory_space<vmem_shared>> -> memref<80x128xf32, #tpu.memory_space<vmem_shared>>
      %dma_start3A_68 = arith.constant 0 : i32
      %dma_start3A_69 = tpu.memref_slice %arg9[%add3A_30, %dma_start3A_68] : memref<10240x128xf32, #tpu.memory_space<vmem_shared>> -> memref<80x128xf32, #tpu.memory_space<vmem_shared>>
      %dma_start3A_70 = arith.constant 0 : i32
      %dma_start3A_71 = arith.constant 0 : i32
      %dma_start3A_72 = tpu.memref_slice %arg8[%run_scoped3A_31, %dma_start3A_70, %dma_start3A_71] : memref<4x80x128xf32, #tpu.memory_space<vmem>> -> memref<1x80x128xf32, #tpu.memory_space<vmem>>
      %dma_start3A_73 = tpu.memref_squeeze %dma_start3A_72 : memref<1x80x128xf32, #tpu.memory_space<vmem>> -> memref<80x128xf32, #tpu.memory_space<vmem>>
      tpu.enqueue_dma source(%dma_start3A_73 : memref<80x128xf32, #tpu.memory_space<vmem>>) target(%dma_start3A_69 : memref<80x128xf32, #tpu.memory_space<vmem_shared>>) target_semaphore(%run_scoped3A_62 : memref<!tpu.dma_semaphore, #tpu.memory_space<semaphore_mem>>)
      %dma_wait3A = arith.constant 0 : i32
      %dma_wait3A_74 = arith.constant 0 : i32
      %dma_wait3A_75 = tpu.memref_slice %arg8[%run_scoped3A_31, %dma_wait3A, %dma_wait3A_74] : memref<4x80x128xf32, #tpu.memory_space<vmem>> -> memref<1x80x128xf32, #tpu.memory_space<vmem>>
      %dma_wait3A_76 = tpu.memref_squeeze %dma_wait3A_75 : memref<1x80x128xf32, #tpu.memory_space<vmem>> -> memref<80x128xf32, #tpu.memory_space<vmem>>
      %dma_wait3A_77 = arith.constant 0 : i32
      %dma_wait3A_78 = tpu.memref_slice %arg9[%add3A_30, %dma_wait3A_77] : memref<10240x128xf32, #tpu.memory_space<vmem_shared>> -> memref<80x128xf32, #tpu.memory_space<vmem_shared>>
      %dma_wait3A_79 = arith.constant 0 : i32
      %dma_wait3A_80 = tpu.memref_slice %arg9[%add3A_30, %dma_wait3A_79] : memref<10240x128xf32, #tpu.memory_space<vmem_shared>> -> memref<80x128xf32, #tpu.memory_space<vmem_shared>>
      %dma_wait3A_81 = arith.constant 0 : i32
      %dma_wait3A_82 = arith.constant 0 : i32
      %dma_wait3A_83 = tpu.memref_slice %arg8[%run_scoped3A_31, %dma_wait3A_81, %dma_wait3A_82] : memref<4x80x128xf32, #tpu.memory_space<vmem>> -> memref<1x80x128xf32, #tpu.memory_space<vmem>>
      %dma_wait3A_84 = tpu.memref_squeeze %dma_wait3A_83 : memref<1x80x128xf32, #tpu.memory_space<vmem>> -> memref<80x128xf32, #tpu.memory_space<vmem>>
      tpu.wait_dma2 semaphore(%run_scoped3A_62 : memref<!tpu.dma_semaphore, #tpu.memory_space<semaphore_mem>>) src(%dma_wait3A_84 : memref<80x128xf32, #tpu.memory_space<vmem>>) dst(%dma_wait3A_80 : memref<80x128xf32, #tpu.memory_space<vmem_shared>>)
      tpu.yield
    }) : () -> ()
    %mul3A_32 = arith.constant 640 : i32
    %mul3A_33 = arith.muli %arg1, %mul3A_32 : i32
    %add3A_34 = arith.constant 480 : i32
    %add3A_35 = arith.addi %mul3A_33, %add3A_34 : i32
    %run_scoped3A_36 = arith.constant 0 : i32
    "tpu.region"() ({
      %run_scoped3A_62 = tpu.sem_alloc : memref<!tpu.dma_semaphore, #tpu.memory_space<semaphore_mem>>
      %dma_start3A = arith.constant 0 : i32
      %dma_start3A_63 = arith.constant 0 : i32
      %dma_start3A_64 = tpu.memref_slice %arg8[%run_scoped3A_36, %dma_start3A, %dma_start3A_63] : memref<4x80x128xf32, #tpu.memory_space<vmem>> -> memref<1x80x128xf32, #tpu.memory_space<vmem>>
      %dma_start3A_65 = tpu.memref_squeeze %dma_start3A_64 : memref<1x80x128xf32, #tpu.memory_space<vmem>> -> memref<80x128xf32, #tpu.memory_space<vmem>>
      %dma_start3A_66 = arith.constant 0 : i32
      %dma_start3A_67 = tpu.memref_slice %arg9[%add3A_35, %dma_start3A_66] : memref<10240x128xf32, #tpu.memory_space<vmem_shared>> -> memref<80x128xf32, #tpu.memory_space<vmem_shared>>
      %dma_start3A_68 = arith.constant 0 : i32
      %dma_start3A_69 = tpu.memref_slice %arg9[%add3A_35, %dma_start3A_68] : memref<10240x128xf32, #tpu.memory_space<vmem_shared>> -> memref<80x128xf32, #tpu.memory_space<vmem_shared>>
      %dma_start3A_70 = arith.constant 0 : i32
      %dma_start3A_71 = arith.constant 0 : i32
      %dma_start3A_72 = tpu.memref_slice %arg8[%run_scoped3A_36, %dma_start3A_70, %dma_start3A_71] : memref<4x80x128xf32, #tpu.memory_space<vmem>> -> memref<1x80x128xf32, #tpu.memory_space<vmem>>
      %dma_start3A_73 = tpu.memref_squeeze %dma_start3A_72 : memref<1x80x128xf32, #tpu.memory_space<vmem>> -> memref<80x128xf32, #tpu.memory_space<vmem>>
      tpu.enqueue_dma source(%dma_start3A_73 : memref<80x128xf32, #tpu.memory_space<vmem>>) target(%dma_start3A_69 : memref<80x128xf32, #tpu.memory_space<vmem_shared>>) target_semaphore(%run_scoped3A_62 : memref<!tpu.dma_semaphore, #tpu.memory_space<semaphore_mem>>)
      %dma_wait3A = arith.constant 0 : i32
      %dma_wait3A_74 = arith.constant 0 : i32
      %dma_wait3A_75 = tpu.memref_slice %arg8[%run_scoped3A_36, %dma_wait3A, %dma_wait3A_74] : memref<4x80x128xf32, #tpu.memory_space<vmem>> -> memref<1x80x128xf32, #tpu.memory_space<vmem>>
      %dma_wait3A_76 = tpu.memref_squeeze %dma_wait3A_75 : memref<1x80x128xf32, #tpu.memory_space<vmem>> -> memref<80x128xf32, #tpu.memory_space<vmem>>
      %dma_wait3A_77 = arith.constant 0 : i32
      %dma_wait3A_78 = tpu.memref_slice %arg9[%add3A_35, %dma_wait3A_77] : memref<10240x128xf32, #tpu.memory_space<vmem_shared>> -> memref<80x128xf32, #tpu.memory_space<vmem_shared>>
      %dma_wait3A_79 = arith.constant 0 : i32
      %dma_wait3A_80 = tpu.memref_slice %arg9[%add3A_35, %dma_wait3A_79] : memref<10240x128xf32, #tpu.memory_space<vmem_shared>> -> memref<80x128xf32, #tpu.memory_space<vmem_shared>>
      %dma_wait3A_81 = arith.constant 0 : i32
      %dma_wait3A_82 = arith.constant 0 : i32
      %dma_wait3A_83 = tpu.memref_slice %arg8[%run_scoped3A_36, %dma_wait3A_81, %dma_wait3A_82] : memref<4x80x128xf32, #tpu.memory_space<vmem>> -> memref<1x80x128xf32, #tpu.memory_space<vmem>>
      %dma_wait3A_84 = tpu.memref_squeeze %dma_wait3A_83 : memref<1x80x128xf32, #tpu.memory_space<vmem>> -> memref<80x128xf32, #tpu.memory_space<vmem>>
      tpu.wait_dma2 semaphore(%run_scoped3A_62 : memref<!tpu.dma_semaphore, #tpu.memory_space<semaphore_mem>>) src(%dma_wait3A_84 : memref<80x128xf32, #tpu.memory_space<vmem>>) dst(%dma_wait3A_80 : memref<80x128xf32, #tpu.memory_space<vmem_shared>>)
      tpu.yield
    }) : () -> ()
    %mul3A_37 = arith.constant 640 : i32
    %mul3A_38 = arith.muli %arg1, %mul3A_37 : i32
    %add3A_39 = arith.constant 560 : i32
    %add3A_40 = arith.addi %mul3A_38, %add3A_39 : i32
    %run_scoped3A_41 = arith.constant 0 : i32
    "tpu.region"() ({
      %run_scoped3A_62 = tpu.sem_alloc : memref<!tpu.dma_semaphore, #tpu.memory_space<semaphore_mem>>
      %dma_start3A = arith.constant 0 : i32
      %dma_start3A_63 = arith.constant 0 : i32
      %dma_start3A_64 = tpu.memref_slice %arg8[%run_scoped3A_41, %dma_start3A, %dma_start3A_63] : memref<4x80x128xf32, #tpu.memory_space<vmem>> -> memref<1x80x128xf32, #tpu.memory_space<vmem>>
      %dma_start3A_65 = tpu.memref_squeeze %dma_start3A_64 : memref<1x80x128xf32, #tpu.memory_space<vmem>> -> memref<80x128xf32, #tpu.memory_space<vmem>>
      %dma_start3A_66 = arith.constant 0 : i32
      %dma_start3A_67 = tpu.memref_slice %arg9[%add3A_40, %dma_start3A_66] : memref<10240x128xf32, #tpu.memory_space<vmem_shared>> -> memref<80x128xf32, #tpu.memory_space<vmem_shared>>
      %dma_start3A_68 = arith.constant 0 : i32
      %dma_start3A_69 = tpu.memref_slice %arg9[%add3A_40, %dma_start3A_68] : memref<10240x128xf32, #tpu.memory_space<vmem_shared>> -> memref<80x128xf32, #tpu.memory_space<vmem_shared>>
      %dma_start3A_70 = arith.constant 0 : i32
      %dma_start3A_71 = arith.constant 0 : i32
      %dma_start3A_72 = tpu.memref_slice %arg8[%run_scoped3A_41, %dma_start3A_70, %dma_start3A_71] : memref<4x80x128xf32, #tpu.memory_space<vmem>> -> memref<1x80x128xf32, #tpu.memory_space<vmem>>
      %dma_start3A_73 = tpu.memref_squeeze %dma_start3A_72 : memref<1x80x128xf32, #tpu.memory_space<vmem>> -> memref<80x128xf32, #tpu.memory_space<vmem>>
      tpu.enqueue_dma source(%dma_start3A_73 : memref<80x128xf32, #tpu.memory_space<vmem>>) target(%dma_start3A_69 : memref<80x128xf32, #tpu.memory_space<vmem_shared>>) target_semaphore(%run_scoped3A_62 : memref<!tpu.dma_semaphore, #tpu.memory_space<semaphore_mem>>)
      %dma_wait3A = arith.constant 0 : i32
      %dma_wait3A_74 = arith.constant 0 : i32
      %dma_wait3A_75 = tpu.memref_slice %arg8[%run_scoped3A_41, %dma_wait3A, %dma_wait3A_74] : memref<4x80x128xf32, #tpu.memory_space<vmem>> -> memref<1x80x128xf32, #tpu.memory_space<vmem>>
      %dma_wait3A_76 = tpu.memref_squeeze %dma_wait3A_75 : memref<1x80x128xf32, #tpu.memory_space<vmem>> -> memref<80x128xf32, #tpu.memory_space<vmem>>
      %dma_wait3A_77 = arith.constant 0 : i32
      %dma_wait3A_78 = tpu.memref_slice %arg9[%add3A_40, %dma_wait3A_77] : memref<10240x128xf32, #tpu.memory_space<vmem_shared>> -> memref<80x128xf32, #tpu.memory_space<vmem_shared>>
      %dma_wait3A_79 = arith.constant 0 : i32
      %dma_wait3A_80 = tpu.memref_slice %arg9[%add3A_40, %dma_wait3A_79] : memref<10240x128xf32, #tpu.memory_space<vmem_shared>> -> memref<80x128xf32, #tpu.memory_space<vmem_shared>>
      %dma_wait3A_81 = arith.constant 0 : i32
      %dma_wait3A_82 = arith.constant 0 : i32
      %dma_wait3A_83 = tpu.memref_slice %arg8[%run_scoped3A_41, %dma_wait3A_81, %dma_wait3A_82] : memref<4x80x128xf32, #tpu.memory_space<vmem>> -> memref<1x80x128xf32, #tpu.memory_space<vmem>>
      %dma_wait3A_84 = tpu.memref_squeeze %dma_wait3A_83 : memref<1x80x128xf32, #tpu.memory_space<vmem>> -> memref<80x128xf32, #tpu.memory_space<vmem>>
      tpu.wait_dma2 semaphore(%run_scoped3A_62 : memref<!tpu.dma_semaphore, #tpu.memory_space<semaphore_mem>>) src(%dma_wait3A_84 : memref<80x128xf32, #tpu.memory_space<vmem>>) dst(%dma_wait3A_80 : memref<80x128xf32, #tpu.memory_space<vmem_shared>>)
      tpu.yield
    }) : () -> ()
    %barrier3A = arith.constant 0 : index
    tpu.barrier barrier_id(%barrier3A)
    %eq3A = arith.constant 0 : i32
    %eq3A_42 = arith.cmpi eq, %arg0, %eq3A : i32
    %convert_element_type3A = arith.extui %eq3A_42 : i1 to i32
    %cond3A = arith.constant 0 : i32
    %cond3A_43 = arith.cmpi ne, %convert_element_type3A, %cond3A : i32
    scf.if %cond3A_43 {
      %mul3A_62 = arith.constant 196 : i32
      %mul3A_63 = arith.muli %arg1, %mul3A_62 : i32
      %add3A_64 = arith.constant 0 : i32
      %add3A_65 = arith.addi %mul3A_63, %add3A_64 : i32
      %mul3A_66 = arith.constant 80 : i32
      %mul3A_67 = arith.muli %add3A_65, %mul3A_66 : i32
      %dma_start3A = arith.constant 0 : i32
      %dma_start3A_68 = arith.constant 0 : i32
      %dma_start3A_69 = arith.constant 0 : i32
      %dma_start3A_70 = tpu.memref_slice %arg7[%dma_start3A, %dma_start3A_68, %dma_start3A_69] : memref<4x2x80xi32, #tpu.memory_space<vmem>> -> memref<1x1x80xi32, #tpu.memory_space<vmem>>
      %dma_start3A_71 = tpu.memref_squeeze %dma_start3A_70 : memref<1x1x80xi32, #tpu.memory_space<vmem>> -> memref<80xi32, #tpu.memory_space<vmem>>
      %dma_start3A_72 = tpu.memref_slice %arg3[%mul3A_67] : memref<320000xi32, #tpu.memory_space<hbm>> -> memref<80xi32, #tpu.memory_space<hbm>>
      %dma_start3A_73 = arith.constant 0 : i32
      %dma_start3A_74 = tpu.memref_slice %arg7[%dma_start3A, %dma_start3A_68, %dma_start3A_73] : memref<4x2x80xi32, #tpu.memory_space<vmem>> -> memref<1x1x80xi32, #tpu.memory_space<vmem>>
      %dma_start3A_75 = tpu.memref_squeeze %dma_start3A_74 : memref<1x1x80xi32, #tpu.memory_space<vmem>> -> memref<80xi32, #tpu.memory_space<vmem>>
      %dma_start3A_76 = tpu.memref_slice %arg3[%mul3A_67] : memref<320000xi32, #tpu.memory_space<hbm>> -> memref<80xi32, #tpu.memory_space<hbm>>
      tpu.enqueue_dma source(%dma_start3A_76 : memref<80xi32, #tpu.memory_space<hbm>>) target(%dma_start3A_75 : memref<80xi32, #tpu.memory_space<vmem>>) target_semaphore(%arg10 : memref<!tpu.dma_semaphore, #tpu.memory_space<semaphore_mem>>)
      %dma_start3A_77 = arith.constant 0 : i32
      %dma_start3A_78 = arith.constant 1 : i32
      %dma_start3A_79 = arith.constant 0 : i32
      %dma_start3A_80 = tpu.memref_slice %arg7[%dma_start3A_77, %dma_start3A_78, %dma_start3A_79] : memref<4x2x80xi32, #tpu.memory_space<vmem>> -> memref<1x1x80xi32, #tpu.memory_space<vmem>>
      %dma_start3A_81 = tpu.memref_squeeze %dma_start3A_80 : memref<1x1x80xi32, #tpu.memory_space<vmem>> -> memref<80xi32, #tpu.memory_space<vmem>>
      %dma_start3A_82 = tpu.memref_slice %arg4[%mul3A_67] : memref<320000xi32, #tpu.memory_space<hbm>> -> memref<80xi32, #tpu.memory_space<hbm>>
      %dma_start3A_83 = arith.constant 0 : i32
      %dma_start3A_84 = tpu.memref_slice %arg7[%dma_start3A_77, %dma_start3A_78, %dma_start3A_83] : memref<4x2x80xi32, #tpu.memory_space<vmem>> -> memref<1x1x80xi32, #tpu.memory_space<vmem>>
      %dma_start3A_85 = tpu.memref_squeeze %dma_start3A_84 : memref<1x1x80xi32, #tpu.memory_space<vmem>> -> memref<80xi32, #tpu.memory_space<vmem>>
      %dma_start3A_86 = tpu.memref_slice %arg4[%mul3A_67] : memref<320000xi32, #tpu.memory_space<hbm>> -> memref<80xi32, #tpu.memory_space<hbm>>
      tpu.enqueue_dma source(%dma_start3A_86 : memref<80xi32, #tpu.memory_space<hbm>>) target(%dma_start3A_85 : memref<80xi32, #tpu.memory_space<vmem>>) target_semaphore(%arg10 : memref<!tpu.dma_semaphore, #tpu.memory_space<semaphore_mem>>)
      %add3A_87 = arith.constant 1 : i32
      %add3A_88 = arith.addi %mul3A_63, %add3A_87 : i32
      %mul3A_89 = arith.constant 80 : i32
      %mul3A_90 = arith.muli %add3A_88, %mul3A_89 : i32
      %dma_start3A_91 = arith.constant 1 : i32
      %dma_start3A_92 = arith.constant 0 : i32
      %dma_start3A_93 = arith.constant 0 : i32
      %dma_start3A_94 = tpu.memref_slice %arg7[%dma_start3A_91, %dma_start3A_92, %dma_start3A_93] : memref<4x2x80xi32, #tpu.memory_space<vmem>> -> memref<1x1x80xi32, #tpu.memory_space<vmem>>
      %dma_start3A_95 = tpu.memref_squeeze %dma_start3A_94 : memref<1x1x80xi32, #tpu.memory_space<vmem>> -> memref<80xi32, #tpu.memory_space<vmem>>
      %dma_start3A_96 = tpu.memref_slice %arg3[%mul3A_90] : memref<320000xi32, #tpu.memory_space<hbm>> -> memref<80xi32, #tpu.memory_space<hbm>>
      %dma_start3A_97 = arith.constant 0 : i32
      %dma_start3A_98 = tpu.memref_slice %arg7[%dma_start3A_91, %dma_start3A_92, %dma_start3A_97] : memref<4x2x80xi32, #tpu.memory_space<vmem>> -> memref<1x1x80xi32, #tpu.memory_space<vmem>>
      %dma_start3A_99 = tpu.memref_squeeze %dma_start3A_98 : memref<1x1x80xi32, #tpu.memory_space<vmem>> -> memref<80xi32, #tpu.memory_space<vmem>>
      %dma_start3A_100 = tpu.memref_slice %arg3[%mul3A_90] : memref<320000xi32, #tpu.memory_space<hbm>> -> memref<80xi32, #tpu.memory_space<hbm>>
      tpu.enqueue_dma source(%dma_start3A_100 : memref<80xi32, #tpu.memory_space<hbm>>) target(%dma_start3A_99 : memref<80xi32, #tpu.memory_space<vmem>>) target_semaphore(%arg11 : memref<!tpu.dma_semaphore, #tpu.memory_space<semaphore_mem>>)
      %dma_start3A_101 = arith.constant 1 : i32
      %dma_start3A_102 = arith.constant 1 : i32
      %dma_start3A_103 = arith.constant 0 : i32
      %dma_start3A_104 = tpu.memref_slice %arg7[%dma_start3A_101, %dma_start3A_102, %dma_start3A_103] : memref<4x2x80xi32, #tpu.memory_space<vmem>> -> memref<1x1x80xi32, #tpu.memory_space<vmem>>
      %dma_start3A_105 = tpu.memref_squeeze %dma_start3A_104 : memref<1x1x80xi32, #tpu.memory_space<vmem>> -> memref<80xi32, #tpu.memory_space<vmem>>
      %dma_start3A_106 = tpu.memref_slice %arg4[%mul3A_90] : memref<320000xi32, #tpu.memory_space<hbm>> -> memref<80xi32, #tpu.memory_space<hbm>>
      %dma_start3A_107 = arith.constant 0 : i32
      %dma_start3A_108 = tpu.memref_slice %arg7[%dma_start3A_101, %dma_start3A_102, %dma_start3A_107] : memref<4x2x80xi32, #tpu.memory_space<vmem>> -> memref<1x1x80xi32, #tpu.memory_space<vmem>>
      %dma_start3A_109 = tpu.memref_squeeze %dma_start3A_108 : memref<1x1x80xi32, #tpu.memory_space<vmem>> -> memref<80xi32, #tpu.memory_space<vmem>>
      %dma_start3A_110 = tpu.memref_slice %arg4[%mul3A_90] : memref<320000xi32, #tpu.memory_space<hbm>> -> memref<80xi32, #tpu.memory_space<hbm>>
      tpu.enqueue_dma source(%dma_start3A_110 : memref<80xi32, #tpu.memory_space<hbm>>) target(%dma_start3A_109 : memref<80xi32, #tpu.memory_space<vmem>>) target_semaphore(%arg11 : memref<!tpu.dma_semaphore, #tpu.memory_space<semaphore_mem>>)
      %add3A_111 = arith.constant 2 : i32
      %add3A_112 = arith.addi %mul3A_63, %add3A_111 : i32
      %mul3A_113 = arith.constant 80 : i32
      %mul3A_114 = arith.muli %add3A_112, %mul3A_113 : i32
      %dma_start3A_115 = arith.constant 2 : i32
      %dma_start3A_116 = arith.constant 0 : i32
      %dma_start3A_117 = arith.constant 0 : i32
      %dma_start3A_118 = tpu.memref_slice %arg7[%dma_start3A_115, %dma_start3A_116, %dma_start3A_117] : memref<4x2x80xi32, #tpu.memory_space<vmem>> -> memref<1x1x80xi32, #tpu.memory_space<vmem>>
      %dma_start3A_119 = tpu.memref_squeeze %dma_start3A_118 : memref<1x1x80xi32, #tpu.memory_space<vmem>> -> memref<80xi32, #tpu.memory_space<vmem>>
      %dma_start3A_120 = tpu.memref_slice %arg3[%mul3A_114] : memref<320000xi32, #tpu.memory_space<hbm>> -> memref<80xi32, #tpu.memory_space<hbm>>
      %dma_start3A_121 = arith.constant 0 : i32
      %dma_start3A_122 = tpu.memref_slice %arg7[%dma_start3A_115, %dma_start3A_116, %dma_start3A_121] : memref<4x2x80xi32, #tpu.memory_space<vmem>> -> memref<1x1x80xi32, #tpu.memory_space<vmem>>
      %dma_start3A_123 = tpu.memref_squeeze %dma_start3A_122 : memref<1x1x80xi32, #tpu.memory_space<vmem>> -> memref<80xi32, #tpu.memory_space<vmem>>
      %dma_start3A_124 = tpu.memref_slice %arg3[%mul3A_114] : memref<320000xi32, #tpu.memory_space<hbm>> -> memref<80xi32, #tpu.memory_space<hbm>>
      tpu.enqueue_dma source(%dma_start3A_124 : memref<80xi32, #tpu.memory_space<hbm>>) target(%dma_start3A_123 : memref<80xi32, #tpu.memory_space<vmem>>) target_semaphore(%arg12 : memref<!tpu.dma_semaphore, #tpu.memory_space<semaphore_mem>>)
      %dma_start3A_125 = arith.constant 2 : i32
      %dma_start3A_126 = arith.constant 1 : i32
      %dma_start3A_127 = arith.constant 0 : i32
      %dma_start3A_128 = tpu.memref_slice %arg7[%dma_start3A_125, %dma_start3A_126, %dma_start3A_127] : memref<4x2x80xi32, #tpu.memory_space<vmem>> -> memref<1x1x80xi32, #tpu.memory_space<vmem>>
      %dma_start3A_129 = tpu.memref_squeeze %dma_start3A_128 : memref<1x1x80xi32, #tpu.memory_space<vmem>> -> memref<80xi32, #tpu.memory_space<vmem>>
      %dma_start3A_130 = tpu.memref_slice %arg4[%mul3A_114] : memref<320000xi32, #tpu.memory_space<hbm>> -> memref<80xi32, #tpu.memory_space<hbm>>
      %dma_start3A_131 = arith.constant 0 : i32
      %dma_start3A_132 = tpu.memref_slice %arg7[%dma_start3A_125, %dma_start3A_126, %dma_start3A_131] : memref<4x2x80xi32, #tpu.memory_space<vmem>> -> memref<1x1x80xi32, #tpu.memory_space<vmem>>
      %dma_start3A_133 = tpu.memref_squeeze %dma_start3A_132 : memref<1x1x80xi32, #tpu.memory_space<vmem>> -> memref<80xi32, #tpu.memory_space<vmem>>
      %dma_start3A_134 = tpu.memref_slice %arg4[%mul3A_114] : memref<320000xi32, #tpu.memory_space<hbm>> -> memref<80xi32, #tpu.memory_space<hbm>>
      tpu.enqueue_dma source(%dma_start3A_134 : memref<80xi32, #tpu.memory_space<hbm>>) target(%dma_start3A_133 : memref<80xi32, #tpu.memory_space<vmem>>) target_semaphore(%arg12 : memref<!tpu.dma_semaphore, #tpu.memory_space<semaphore_mem>>)
      %add3A_135 = arith.constant 3 : i32
      %add3A_136 = arith.addi %mul3A_63, %add3A_135 : i32
      %mul3A_137 = arith.constant 80 : i32
      %mul3A_138 = arith.muli %add3A_136, %mul3A_137 : i32
      %dma_start3A_139 = arith.constant 3 : i32
      %dma_start3A_140 = arith.constant 0 : i32
      %dma_start3A_141 = arith.constant 0 : i32
      %dma_start3A_142 = tpu.memref_slice %arg7[%dma_start3A_139, %dma_start3A_140, %dma_start3A_141] : memref<4x2x80xi32, #tpu.memory_space<vmem>> -> memref<1x1x80xi32, #tpu.memory_space<vmem>>
      %dma_start3A_143 = tpu.memref_squeeze %dma_start3A_142 : memref<1x1x80xi32, #tpu.memory_space<vmem>> -> memref<80xi32, #tpu.memory_space<vmem>>
      %dma_start3A_144 = tpu.memref_slice %arg3[%mul3A_138] : memref<320000xi32, #tpu.memory_space<hbm>> -> memref<80xi32, #tpu.memory_space<hbm>>
      %dma_start3A_145 = arith.constant 0 : i32
      %dma_start3A_146 = tpu.memref_slice %arg7[%dma_start3A_139, %dma_start3A_140, %dma_start3A_145] : memref<4x2x80xi32, #tpu.memory_space<vmem>> -> memref<1x1x80xi32, #tpu.memory_space<vmem>>
      %dma_start3A_147 = tpu.memref_squeeze %dma_start3A_146 : memref<1x1x80xi32, #tpu.memory_space<vmem>> -> memref<80xi32, #tpu.memory_space<vmem>>
      %dma_start3A_148 = tpu.memref_slice %arg3[%mul3A_138] : memref<320000xi32, #tpu.memory_space<hbm>> -> memref<80xi32, #tpu.memory_space<hbm>>
      tpu.enqueue_dma source(%dma_start3A_148 : memref<80xi32, #tpu.memory_space<hbm>>) target(%dma_start3A_147 : memref<80xi32, #tpu.memory_space<vmem>>) target_semaphore(%arg13 : memref<!tpu.dma_semaphore, #tpu.memory_space<semaphore_mem>>)
      %dma_start3A_149 = arith.constant 3 : i32
      %dma_start3A_150 = arith.constant 1 : i32
      %dma_start3A_151 = arith.constant 0 : i32
      %dma_start3A_152 = tpu.memref_slice %arg7[%dma_start3A_149, %dma_start3A_150, %dma_start3A_151] : memref<4x2x80xi32, #tpu.memory_space<vmem>> -> memref<1x1x80xi32, #tpu.memory_space<vmem>>
      %dma_start3A_153 = tpu.memref_squeeze %dma_start3A_152 : memref<1x1x80xi32, #tpu.memory_space<vmem>> -> memref<80xi32, #tpu.memory_space<vmem>>
      %dma_start3A_154 = tpu.memref_slice %arg4[%mul3A_138] : memref<320000xi32, #tpu.memory_space<hbm>> -> memref<80xi32, #tpu.memory_space<hbm>>
      %dma_start3A_155 = arith.constant 0 : i32
      %dma_start3A_156 = tpu.memref_slice %arg7[%dma_start3A_149, %dma_start3A_150, %dma_start3A_155] : memref<4x2x80xi32, #tpu.memory_space<vmem>> -> memref<1x1x80xi32, #tpu.memory_space<vmem>>
      %dma_start3A_157 = tpu.memref_squeeze %dma_start3A_156 : memref<1x1x80xi32, #tpu.memory_space<vmem>> -> memref<80xi32, #tpu.memory_space<vmem>>
      %dma_start3A_158 = tpu.memref_slice %arg4[%mul3A_138] : memref<320000xi32, #tpu.memory_space<hbm>> -> memref<80xi32, #tpu.memory_space<hbm>>
      tpu.enqueue_dma source(%dma_start3A_158 : memref<80xi32, #tpu.memory_space<hbm>>) target(%dma_start3A_157 : memref<80xi32, #tpu.memory_space<vmem>>) target_semaphore(%arg13 : memref<!tpu.dma_semaphore, #tpu.memory_space<semaphore_mem>>)
      %add3A_159 = arith.constant 0 : i32
      %add3A_160 = arith.addi %mul3A_63, %add3A_159 : i32
      %mul3A_161 = arith.constant 80 : i32
      %mul3A_162 = arith.muli %add3A_160, %mul3A_161 : i32
      %dma_wait3A = arith.constant 0 : i32
      %dma_wait3A_163 = arith.constant 0 : i32
      %dma_wait3A_164 = arith.constant 0 : i32
      %dma_wait3A_165 = tpu.memref_slice %arg7[%dma_wait3A, %dma_wait3A_163, %dma_wait3A_164] : memref<4x2x80xi32, #tpu.memory_space<vmem>> -> memref<1x1x80xi32, #tpu.memory_space<vmem>>
      %dma_wait3A_166 = tpu.memref_squeeze %dma_wait3A_165 : memref<1x1x80xi32, #tpu.memory_space<vmem>> -> memref<80xi32, #tpu.memory_space<vmem>>
      %dma_wait3A_167 = tpu.memref_slice %arg3[%mul3A_162] : memref<320000xi32, #tpu.memory_space<hbm>> -> memref<80xi32, #tpu.memory_space<hbm>>
      %dma_wait3A_168 = arith.constant 0 : i32
      %dma_wait3A_169 = tpu.memref_slice %arg7[%dma_wait3A, %dma_wait3A_163, %dma_wait3A_168] : memref<4x2x80xi32, #tpu.memory_space<vmem>> -> memref<1x1x80xi32, #tpu.memory_space<vmem>>
      %dma_wait3A_170 = tpu.memref_squeeze %dma_wait3A_169 : memref<1x1x80xi32, #tpu.memory_space<vmem>> -> memref<80xi32, #tpu.memory_space<vmem>>
      %dma_wait3A_171 = tpu.memref_slice %arg3[%mul3A_162] : memref<320000xi32, #tpu.memory_space<hbm>> -> memref<80xi32, #tpu.memory_space<hbm>>
      tpu.wait_dma2 semaphore(%arg10 : memref<!tpu.dma_semaphore, #tpu.memory_space<semaphore_mem>>) src(%dma_wait3A_171 : memref<80xi32, #tpu.memory_space<hbm>>) dst(%dma_wait3A_170 : memref<80xi32, #tpu.memory_space<vmem>>)
      %dma_wait3A_172 = arith.constant 0 : i32
      %dma_wait3A_173 = arith.constant 1 : i32
      %dma_wait3A_174 = arith.constant 0 : i32
      %dma_wait3A_175 = tpu.memref_slice %arg7[%dma_wait3A_172, %dma_wait3A_173, %dma_wait3A_174] : memref<4x2x80xi32, #tpu.memory_space<vmem>> -> memref<1x1x80xi32, #tpu.memory_space<vmem>>
      %dma_wait3A_176 = tpu.memref_squeeze %dma_wait3A_175 : memref<1x1x80xi32, #tpu.memory_space<vmem>> -> memref<80xi32, #tpu.memory_space<vmem>>
      %dma_wait3A_177 = tpu.memref_slice %arg4[%mul3A_162] : memref<320000xi32, #tpu.memory_space<hbm>> -> memref<80xi32, #tpu.memory_space<hbm>>
      %dma_wait3A_178 = arith.constant 0 : i32
      %dma_wait3A_179 = tpu.memref_slice %arg7[%dma_wait3A_172, %dma_wait3A_173, %dma_wait3A_178] : memref<4x2x80xi32, #tpu.memory_space<vmem>> -> memref<1x1x80xi32, #tpu.memory_space<vmem>>
      %dma_wait3A_180 = tpu.memref_squeeze %dma_wait3A_179 : memref<1x1x80xi32, #tpu.memory_space<vmem>> -> memref<80xi32, #tpu.memory_space<vmem>>
      %dma_wait3A_181 = tpu.memref_slice %arg4[%mul3A_162] : memref<320000xi32, #tpu.memory_space<hbm>> -> memref<80xi32, #tpu.memory_space<hbm>>
      tpu.wait_dma2 semaphore(%arg10 : memref<!tpu.dma_semaphore, #tpu.memory_space<semaphore_mem>>) src(%dma_wait3A_181 : memref<80xi32, #tpu.memory_space<hbm>>) dst(%dma_wait3A_180 : memref<80xi32, #tpu.memory_space<vmem>>)
      %dma_start3A_182 = arith.constant 0 : i32
      %dma_start3A_183 = arith.constant 0 : i32
      %dma_start3A_184 = arith.constant 0 : i32
      %dma_start3A_185 = arith.constant 0 : i32
      %dma_start3A_186 = arith.constant 0 : i32
      %dma_start3A_187 = tpu.memref_slice %arg8[%dma_start3A_184, %dma_start3A_185, %dma_start3A_186] : memref<4x80x128xf32, #tpu.memory_space<vmem>> -> memref<1x80x128xf32, #tpu.memory_space<vmem>>
      %dma_start3A_188 = tpu.memref_squeeze %dma_start3A_187 : memref<1x80x128xf32, #tpu.memory_space<vmem>> -> memref<80x128xf32, #tpu.memory_space<vmem>>
      %dma_start3A_189 = arith.constant 0 : i32
      %dma_start3A_190 = tpu.memref_slice %arg7[%dma_start3A_182, %dma_start3A_183, %dma_start3A_189] : memref<4x2x80xi32, #tpu.memory_space<vmem>> -> memref<1x1x80xi32, #tpu.memory_space<vmem>>
      %dma_start3A_191 = tpu.memref_squeeze %dma_start3A_190 : memref<1x1x80xi32, #tpu.memory_space<vmem>> -> memref<80xi32, #tpu.memory_space<vmem>>
      %dma_start3A_192 = arith.constant 0 : i32
      %dma_start3A_193 = arith.constant 0 : i32
      %dma_start3A_194 = tpu.memref_slice %arg2[%dma_start3A_192, %dma_start3A_193] : memref<10000x128xf32, #tpu.memory_space<hbm>> -> memref<10000x128xf32, #tpu.memory_space<hbm>>
      tpu.enqueue_indirect_dma source(%dma_start3A_194 : memref<10000x128xf32, #tpu.memory_space<hbm>>) target(%dma_start3A_188 : memref<80x128xf32, #tpu.memory_space<vmem>>) offsets(%dma_start3A_191 : memref<80xi32, #tpu.memory_space<vmem>>) semaphore(%arg14 : memref<!tpu.dma_semaphore, #tpu.memory_space<semaphore_mem>>)
      %add3A_195 = arith.constant 1 : i32
      %add3A_196 = arith.addi %mul3A_63, %add3A_195 : i32
      %mul3A_197 = arith.constant 80 : i32
      %mul3A_198 = arith.muli %add3A_196, %mul3A_197 : i32
      %dma_wait3A_199 = arith.constant 1 : i32
      %dma_wait3A_200 = arith.constant 0 : i32
      %dma_wait3A_201 = arith.constant 0 : i32
      %dma_wait3A_202 = tpu.memref_slice %arg7[%dma_wait3A_199, %dma_wait3A_200, %dma_wait3A_201] : memref<4x2x80xi32, #tpu.memory_space<vmem>> -> memref<1x1x80xi32, #tpu.memory_space<vmem>>
      %dma_wait3A_203 = tpu.memref_squeeze %dma_wait3A_202 : memref<1x1x80xi32, #tpu.memory_space<vmem>> -> memref<80xi32, #tpu.memory_space<vmem>>
      %dma_wait3A_204 = tpu.memref_slice %arg3[%mul3A_198] : memref<320000xi32, #tpu.memory_space<hbm>> -> memref<80xi32, #tpu.memory_space<hbm>>
      %dma_wait3A_205 = arith.constant 0 : i32
      %dma_wait3A_206 = tpu.memref_slice %arg7[%dma_wait3A_199, %dma_wait3A_200, %dma_wait3A_205] : memref<4x2x80xi32, #tpu.memory_space<vmem>> -> memref<1x1x80xi32, #tpu.memory_space<vmem>>
      %dma_wait3A_207 = tpu.memref_squeeze %dma_wait3A_206 : memref<1x1x80xi32, #tpu.memory_space<vmem>> -> memref<80xi32, #tpu.memory_space<vmem>>
      %dma_wait3A_208 = tpu.memref_slice %arg3[%mul3A_198] : memref<320000xi32, #tpu.memory_space<hbm>> -> memref<80xi32, #tpu.memory_space<hbm>>
      tpu.wait_dma2 semaphore(%arg11 : memref<!tpu.dma_semaphore, #tpu.memory_space<semaphore_mem>>) src(%dma_wait3A_208 : memref<80xi32, #tpu.memory_space<hbm>>) dst(%dma_wait3A_207 : memref<80xi32, #tpu.memory_space<vmem>>)
      %dma_wait3A_209 = arith.constant 1 : i32
      %dma_wait3A_210 = arith.constant 1 : i32
      %dma_wait3A_211 = arith.constant 0 : i32
      %dma_wait3A_212 = tpu.memref_slice %arg7[%dma_wait3A_209, %dma_wait3A_210, %dma_wait3A_211] : memref<4x2x80xi32, #tpu.memory_space<vmem>> -> memref<1x1x80xi32, #tpu.memory_space<vmem>>
      %dma_wait3A_213 = tpu.memref_squeeze %dma_wait3A_212 : memref<1x1x80xi32, #tpu.memory_space<vmem>> -> memref<80xi32, #tpu.memory_space<vmem>>
      %dma_wait3A_214 = tpu.memref_slice %arg4[%mul3A_198] : memref<320000xi32, #tpu.memory_space<hbm>> -> memref<80xi32, #tpu.memory_space<hbm>>
      %dma_wait3A_215 = arith.constant 0 : i32
      %dma_wait3A_216 = tpu.memref_slice %arg7[%dma_wait3A_209, %dma_wait3A_210, %dma_wait3A_215] : memref<4x2x80xi32, #tpu.memory_space<vmem>> -> memref<1x1x80xi32, #tpu.memory_space<vmem>>
      %dma_wait3A_217 = tpu.memref_squeeze %dma_wait3A_216 : memref<1x1x80xi32, #tpu.memory_space<vmem>> -> memref<80xi32, #tpu.memory_space<vmem>>
      %dma_wait3A_218 = tpu.memref_slice %arg4[%mul3A_198] : memref<320000xi32, #tpu.memory_space<hbm>> -> memref<80xi32, #tpu.memory_space<hbm>>
      tpu.wait_dma2 semaphore(%arg11 : memref<!tpu.dma_semaphore, #tpu.memory_space<semaphore_mem>>) src(%dma_wait3A_218 : memref<80xi32, #tpu.memory_space<hbm>>) dst(%dma_wait3A_217 : memref<80xi32, #tpu.memory_space<vmem>>)
      %dma_start3A_219 = arith.constant 1 : i32
      %dma_start3A_220 = arith.constant 0 : i32
      %dma_start3A_221 = arith.constant 1 : i32
      %dma_start3A_222 = arith.constant 0 : i32
      %dma_start3A_223 = arith.constant 0 : i32
      %dma_start3A_224 = tpu.memref_slice %arg8[%dma_start3A_221, %dma_start3A_222, %dma_start3A_223] : memref<4x80x128xf32, #tpu.memory_space<vmem>> -> memref<1x80x128xf32, #tpu.memory_space<vmem>>
      %dma_start3A_225 = tpu.memref_squeeze %dma_start3A_224 : memref<1x80x128xf32, #tpu.memory_space<vmem>> -> memref<80x128xf32, #tpu.memory_space<vmem>>
      %dma_start3A_226 = arith.constant 0 : i32
      %dma_start3A_227 = tpu.memref_slice %arg7[%dma_start3A_219, %dma_start3A_220, %dma_start3A_226] : memref<4x2x80xi32, #tpu.memory_space<vmem>> -> memref<1x1x80xi32, #tpu.memory_space<vmem>>
      %dma_start3A_228 = tpu.memref_squeeze %dma_start3A_227 : memref<1x1x80xi32, #tpu.memory_space<vmem>> -> memref<80xi32, #tpu.memory_space<vmem>>
      %dma_start3A_229 = arith.constant 0 : i32
      %dma_start3A_230 = arith.constant 0 : i32
      %dma_start3A_231 = tpu.memref_slice %arg2[%dma_start3A_229, %dma_start3A_230] : memref<10000x128xf32, #tpu.memory_space<hbm>> -> memref<10000x128xf32, #tpu.memory_space<hbm>>
      tpu.enqueue_indirect_dma source(%dma_start3A_231 : memref<10000x128xf32, #tpu.memory_space<hbm>>) target(%dma_start3A_225 : memref<80x128xf32, #tpu.memory_space<vmem>>) offsets(%dma_start3A_228 : memref<80xi32, #tpu.memory_space<vmem>>) semaphore(%arg15 : memref<!tpu.dma_semaphore, #tpu.memory_space<semaphore_mem>>)
      %add3A_232 = arith.constant 2 : i32
      %add3A_233 = arith.addi %mul3A_63, %add3A_232 : i32
      %mul3A_234 = arith.constant 80 : i32
      %mul3A_235 = arith.muli %add3A_233, %mul3A_234 : i32
      %dma_wait3A_236 = arith.constant 2 : i32
      %dma_wait3A_237 = arith.constant 0 : i32
      %dma_wait3A_238 = arith.constant 0 : i32
      %dma_wait3A_239 = tpu.memref_slice %arg7[%dma_wait3A_236, %dma_wait3A_237, %dma_wait3A_238] : memref<4x2x80xi32, #tpu.memory_space<vmem>> -> memref<1x1x80xi32, #tpu.memory_space<vmem>>
      %dma_wait3A_240 = tpu.memref_squeeze %dma_wait3A_239 : memref<1x1x80xi32, #tpu.memory_space<vmem>> -> memref<80xi32, #tpu.memory_space<vmem>>
      %dma_wait3A_241 = tpu.memref_slice %arg3[%mul3A_235] : memref<320000xi32, #tpu.memory_space<hbm>> -> memref<80xi32, #tpu.memory_space<hbm>>
      %dma_wait3A_242 = arith.constant 0 : i32
      %dma_wait3A_243 = tpu.memref_slice %arg7[%dma_wait3A_236, %dma_wait3A_237, %dma_wait3A_242] : memref<4x2x80xi32, #tpu.memory_space<vmem>> -> memref<1x1x80xi32, #tpu.memory_space<vmem>>
      %dma_wait3A_244 = tpu.memref_squeeze %dma_wait3A_243 : memref<1x1x80xi32, #tpu.memory_space<vmem>> -> memref<80xi32, #tpu.memory_space<vmem>>
      %dma_wait3A_245 = tpu.memref_slice %arg3[%mul3A_235] : memref<320000xi32, #tpu.memory_space<hbm>> -> memref<80xi32, #tpu.memory_space<hbm>>
      tpu.wait_dma2 semaphore(%arg12 : memref<!tpu.dma_semaphore, #tpu.memory_space<semaphore_mem>>) src(%dma_wait3A_245 : memref<80xi32, #tpu.memory_space<hbm>>) dst(%dma_wait3A_244 : memref<80xi32, #tpu.memory_space<vmem>>)
      %dma_wait3A_246 = arith.constant 2 : i32
      %dma_wait3A_247 = arith.constant 1 : i32
      %dma_wait3A_248 = arith.constant 0 : i32
      %dma_wait3A_249 = tpu.memref_slice %arg7[%dma_wait3A_246, %dma_wait3A_247, %dma_wait3A_248] : memref<4x2x80xi32, #tpu.memory_space<vmem>> -> memref<1x1x80xi32, #tpu.memory_space<vmem>>
      %dma_wait3A_250 = tpu.memref_squeeze %dma_wait3A_249 : memref<1x1x80xi32, #tpu.memory_space<vmem>> -> memref<80xi32, #tpu.memory_space<vmem>>
      %dma_wait3A_251 = tpu.memref_slice %arg4[%mul3A_235] : memref<320000xi32, #tpu.memory_space<hbm>> -> memref<80xi32, #tpu.memory_space<hbm>>
      %dma_wait3A_252 = arith.constant 0 : i32
      %dma_wait3A_253 = tpu.memref_slice %arg7[%dma_wait3A_246, %dma_wait3A_247, %dma_wait3A_252] : memref<4x2x80xi32, #tpu.memory_space<vmem>> -> memref<1x1x80xi32, #tpu.memory_space<vmem>>
      %dma_wait3A_254 = tpu.memref_squeeze %dma_wait3A_253 : memref<1x1x80xi32, #tpu.memory_space<vmem>> -> memref<80xi32, #tpu.memory_space<vmem>>
      %dma_wait3A_255 = tpu.memref_slice %arg4[%mul3A_235] : memref<320000xi32, #tpu.memory_space<hbm>> -> memref<80xi32, #tpu.memory_space<hbm>>
      tpu.wait_dma2 semaphore(%arg12 : memref<!tpu.dma_semaphore, #tpu.memory_space<semaphore_mem>>) src(%dma_wait3A_255 : memref<80xi32, #tpu.memory_space<hbm>>) dst(%dma_wait3A_254 : memref<80xi32, #tpu.memory_space<vmem>>)
      %dma_start3A_256 = arith.constant 2 : i32
      %dma_start3A_257 = arith.constant 0 : i32
      %dma_start3A_258 = arith.constant 2 : i32
      %dma_start3A_259 = arith.constant 0 : i32
      %dma_start3A_260 = arith.constant 0 : i32
      %dma_start3A_261 = tpu.memref_slice %arg8[%dma_start3A_258, %dma_start3A_259, %dma_start3A_260] : memref<4x80x128xf32, #tpu.memory_space<vmem>> -> memref<1x80x128xf32, #tpu.memory_space<vmem>>
      %dma_start3A_262 = tpu.memref_squeeze %dma_start3A_261 : memref<1x80x128xf32, #tpu.memory_space<vmem>> -> memref<80x128xf32, #tpu.memory_space<vmem>>
      %dma_start3A_263 = arith.constant 0 : i32
      %dma_start3A_264 = tpu.memref_slice %arg7[%dma_start3A_256, %dma_start3A_257, %dma_start3A_263] : memref<4x2x80xi32, #tpu.memory_space<vmem>> -> memref<1x1x80xi32, #tpu.memory_space<vmem>>
      %dma_start3A_265 = tpu.memref_squeeze %dma_start3A_264 : memref<1x1x80xi32, #tpu.memory_space<vmem>> -> memref<80xi32, #tpu.memory_space<vmem>>
      %dma_start3A_266 = arith.constant 0 : i32
      %dma_start3A_267 = arith.constant 0 : i32
      %dma_start3A_268 = tpu.memref_slice %arg2[%dma_start3A_266, %dma_start3A_267] : memref<10000x128xf32, #tpu.memory_space<hbm>> -> memref<10000x128xf32, #tpu.memory_space<hbm>>
      tpu.enqueue_indirect_dma source(%dma_start3A_268 : memref<10000x128xf32, #tpu.memory_space<hbm>>) target(%dma_start3A_262 : memref<80x128xf32, #tpu.memory_space<vmem>>) offsets(%dma_start3A_265 : memref<80xi32, #tpu.memory_space<vmem>>) semaphore(%arg16 : memref<!tpu.dma_semaphore, #tpu.memory_space<semaphore_mem>>)
      %add3A_269 = arith.constant 3 : i32
      %add3A_270 = arith.addi %mul3A_63, %add3A_269 : i32
      %mul3A_271 = arith.constant 80 : i32
      %mul3A_272 = arith.muli %add3A_270, %mul3A_271 : i32
      %dma_wait3A_273 = arith.constant 3 : i32
      %dma_wait3A_274 = arith.constant 0 : i32
      %dma_wait3A_275 = arith.constant 0 : i32
      %dma_wait3A_276 = tpu.memref_slice %arg7[%dma_wait3A_273, %dma_wait3A_274, %dma_wait3A_275] : memref<4x2x80xi32, #tpu.memory_space<vmem>> -> memref<1x1x80xi32, #tpu.memory_space<vmem>>
      %dma_wait3A_277 = tpu.memref_squeeze %dma_wait3A_276 : memref<1x1x80xi32, #tpu.memory_space<vmem>> -> memref<80xi32, #tpu.memory_space<vmem>>
      %dma_wait3A_278 = tpu.memref_slice %arg3[%mul3A_272] : memref<320000xi32, #tpu.memory_space<hbm>> -> memref<80xi32, #tpu.memory_space<hbm>>
      %dma_wait3A_279 = arith.constant 0 : i32
      %dma_wait3A_280 = tpu.memref_slice %arg7[%dma_wait3A_273, %dma_wait3A_274, %dma_wait3A_279] : memref<4x2x80xi32, #tpu.memory_space<vmem>> -> memref<1x1x80xi32, #tpu.memory_space<vmem>>
      %dma_wait3A_281 = tpu.memref_squeeze %dma_wait3A_280 : memref<1x1x80xi32, #tpu.memory_space<vmem>> -> memref<80xi32, #tpu.memory_space<vmem>>
      %dma_wait3A_282 = tpu.memref_slice %arg3[%mul3A_272] : memref<320000xi32, #tpu.memory_space<hbm>> -> memref<80xi32, #tpu.memory_space<hbm>>
      tpu.wait_dma2 semaphore(%arg13 : memref<!tpu.dma_semaphore, #tpu.memory_space<semaphore_mem>>) src(%dma_wait3A_282 : memref<80xi32, #tpu.memory_space<hbm>>) dst(%dma_wait3A_281 : memref<80xi32, #tpu.memory_space<vmem>>)
      %dma_wait3A_283 = arith.constant 3 : i32
      %dma_wait3A_284 = arith.constant 1 : i32
      %dma_wait3A_285 = arith.constant 0 : i32
      %dma_wait3A_286 = tpu.memref_slice %arg7[%dma_wait3A_283, %dma_wait3A_284, %dma_wait3A_285] : memref<4x2x80xi32, #tpu.memory_space<vmem>> -> memref<1x1x80xi32, #tpu.memory_space<vmem>>
      %dma_wait3A_287 = tpu.memref_squeeze %dma_wait3A_286 : memref<1x1x80xi32, #tpu.memory_space<vmem>> -> memref<80xi32, #tpu.memory_space<vmem>>
      %dma_wait3A_288 = tpu.memref_slice %arg4[%mul3A_272] : memref<320000xi32, #tpu.memory_space<hbm>> -> memref<80xi32, #tpu.memory_space<hbm>>
      %dma_wait3A_289 = arith.constant 0 : i32
      %dma_wait3A_290 = tpu.memref_slice %arg7[%dma_wait3A_283, %dma_wait3A_284, %dma_wait3A_289] : memref<4x2x80xi32, #tpu.memory_space<vmem>> -> memref<1x1x80xi32, #tpu.memory_space<vmem>>
      %dma_wait3A_291 = tpu.memref_squeeze %dma_wait3A_290 : memref<1x1x80xi32, #tpu.memory_space<vmem>> -> memref<80xi32, #tpu.memory_space<vmem>>
      %dma_wait3A_292 = tpu.memref_slice %arg4[%mul3A_272] : memref<320000xi32, #tpu.memory_space<hbm>> -> memref<80xi32, #tpu.memory_space<hbm>>
      tpu.wait_dma2 semaphore(%arg13 : memref<!tpu.dma_semaphore, #tpu.memory_space<semaphore_mem>>) src(%dma_wait3A_292 : memref<80xi32, #tpu.memory_space<hbm>>) dst(%dma_wait3A_291 : memref<80xi32, #tpu.memory_space<vmem>>)
      %dma_start3A_293 = arith.constant 3 : i32
      %dma_start3A_294 = arith.constant 0 : i32
      %dma_start3A_295 = arith.constant 3 : i32
      %dma_start3A_296 = arith.constant 0 : i32
      %dma_start3A_297 = arith.constant 0 : i32
      %dma_start3A_298 = tpu.memref_slice %arg8[%dma_start3A_295, %dma_start3A_296, %dma_start3A_297] : memref<4x80x128xf32, #tpu.memory_space<vmem>> -> memref<1x80x128xf32, #tpu.memory_space<vmem>>
      %dma_start3A_299 = tpu.memref_squeeze %dma_start3A_298 : memref<1x80x128xf32, #tpu.memory_space<vmem>> -> memref<80x128xf32, #tpu.memory_space<vmem>>
      %dma_start3A_300 = arith.constant 0 : i32
      %dma_start3A_301 = tpu.memref_slice %arg7[%dma_start3A_293, %dma_start3A_294, %dma_start3A_300] : memref<4x2x80xi32, #tpu.memory_space<vmem>> -> memref<1x1x80xi32, #tpu.memory_space<vmem>>
      %dma_start3A_302 = tpu.memref_squeeze %dma_start3A_301 : memref<1x1x80xi32, #tpu.memory_space<vmem>> -> memref<80xi32, #tpu.memory_space<vmem>>
      %dma_start3A_303 = arith.constant 0 : i32
      %dma_start3A_304 = arith.constant 0 : i32
      %dma_start3A_305 = tpu.memref_slice %arg2[%dma_start3A_303, %dma_start3A_304] : memref<10000x128xf32, #tpu.memory_space<hbm>> -> memref<10000x128xf32, #tpu.memory_space<hbm>>
      tpu.enqueue_indirect_dma source(%dma_start3A_305 : memref<10000x128xf32, #tpu.memory_space<hbm>>) target(%dma_start3A_299 : memref<80x128xf32, #tpu.memory_space<vmem>>) offsets(%dma_start3A_302 : memref<80xi32, #tpu.memory_space<vmem>>) semaphore(%arg17 : memref<!tpu.dma_semaphore, #tpu.memory_space<semaphore_mem>>)
      %scan3A_306 = arith.constant 0 : i32
      %scan3A_307 = arith.constant 0 : i32
      %scan3A_308 = arith.constant 48 : i32
      %scan3A_309 = arith.addi %scan3A_307, %scan3A_308 : i32
      %scan3A_310 = arith.constant 1 : i32
      scf.for %scan3A_468 = %scan3A_307 to %scan3A_309 step %scan3A_310  : i32 {
        %dma_wait3A_469 = arith.constant 0 : i32
        %dma_wait3A_470 = arith.constant 0 : i32
        %dma_wait3A_471 = arith.constant 0 : i32
        %dma_wait3A_472 = arith.constant 0 : i32
        %dma_wait3A_473 = arith.constant 0 : i32
        %dma_wait3A_474 = tpu.memref_slice %arg8[%dma_wait3A_471, %dma_wait3A_472, %dma_wait3A_473] : memref<4x80x128xf32, #tpu.memory_space<vmem>> -> memref<1x80x128xf32, #tpu.memory_space<vmem>>
        %dma_wait3A_475 = tpu.memref_squeeze %dma_wait3A_474 : memref<1x80x128xf32, #tpu.memory_space<vmem>> -> memref<80x128xf32, #tpu.memory_space<vmem>>
        %dma_wait3A_476 = arith.constant 0 : i32
        %dma_wait3A_477 = tpu.memref_slice %arg7[%dma_wait3A_469, %dma_wait3A_470, %dma_wait3A_476] : memref<4x2x80xi32, #tpu.memory_space<vmem>> -> memref<1x1x80xi32, #tpu.memory_space<vmem>>
        %dma_wait3A_478 = tpu.memref_squeeze %dma_wait3A_477 : memref<1x1x80xi32, #tpu.memory_space<vmem>> -> memref<80xi32, #tpu.memory_space<vmem>>
        %dma_wait3A_479 = arith.constant 0 : i32
        %dma_wait3A_480 = arith.constant 0 : i32
        %dma_wait3A_481 = tpu.memref_slice %arg2[%dma_wait3A_479, %dma_wait3A_480] : memref<10000x128xf32, #tpu.memory_space<hbm>> -> memref<10000x128xf32, #tpu.memory_space<hbm>>
        tpu.wait_indirect_dma semaphore(%arg14 : memref<!tpu.dma_semaphore, #tpu.memory_space<semaphore_mem>>) src(%dma_wait3A_481 : memref<10000x128xf32, #tpu.memory_space<hbm>>) dst(%dma_wait3A_475 : memref<80x128xf32, #tpu.memory_space<vmem>>)
        %dma_start3A_482 = arith.constant 0 : i32
        %dma_start3A_483 = arith.constant 0 : i32
        %dma_start3A_484 = arith.constant 1 : i32
        %dma_start3A_485 = arith.constant 0 : i32
        %dma_start3A_486 = arith.constant 0 : i32
        %dma_start3A_487 = tpu.memref_slice %arg8[%dma_start3A_482, %dma_start3A_485, %dma_start3A_486] : memref<4x80x128xf32, #tpu.memory_space<vmem>> -> memref<1x80x128xf32, #tpu.memory_space<vmem>>
        %dma_start3A_488 = tpu.memref_squeeze %dma_start3A_487 : memref<1x80x128xf32, #tpu.memory_space<vmem>> -> memref<80x128xf32, #tpu.memory_space<vmem>>
        %dma_start3A_489 = arith.constant 0 : i32
        %dma_start3A_490 = tpu.memref_slice %arg7[%dma_start3A_483, %dma_start3A_484, %dma_start3A_489] : memref<4x2x80xi32, #tpu.memory_space<vmem>> -> memref<1x1x80xi32, #tpu.memory_space<vmem>>
        %dma_start3A_491 = tpu.memref_squeeze %dma_start3A_490 : memref<1x1x80xi32, #tpu.memory_space<vmem>> -> memref<80xi32, #tpu.memory_space<vmem>>
        %dma_start3A_492 = arith.constant 0 : i32
        %dma_start3A_493 = arith.constant 0 : i32
        %dma_start3A_494 = tpu.memref_slice %arg9[%dma_start3A_492, %dma_start3A_493] : memref<10240x128xf32, #tpu.memory_space<vmem_shared>> -> memref<10240x128xf32, #tpu.memory_space<vmem_shared>>
        tpu.enqueue_indirect_dma source(%dma_start3A_488 : memref<80x128xf32, #tpu.memory_space<vmem>>) target(%dma_start3A_494 : memref<10240x128xf32, #tpu.memory_space<vmem_shared>>) offsets(%dma_start3A_491 : memref<80xi32, #tpu.memory_space<vmem>>) semaphore(%arg18 : memref<!tpu.dma_semaphore, #tpu.memory_space<semaphore_mem>>) {add = true}
        %dma_wait3A_495 = arith.constant 1 : i32
        %dma_wait3A_496 = arith.constant 0 : i32
        %dma_wait3A_497 = arith.constant 1 : i32
        %dma_wait3A_498 = arith.constant 0 : i32
        %dma_wait3A_499 = arith.constant 0 : i32
        %dma_wait3A_500 = tpu.memref_slice %arg8[%dma_wait3A_497, %dma_wait3A_498, %dma_wait3A_499] : memref<4x80x128xf32, #tpu.memory_space<vmem>> -> memref<1x80x128xf32, #tpu.memory_space<vmem>>
        %dma_wait3A_501 = tpu.memref_squeeze %dma_wait3A_500 : memref<1x80x128xf32, #tpu.memory_space<vmem>> -> memref<80x128xf32, #tpu.memory_space<vmem>>
        %dma_wait3A_502 = arith.constant 0 : i32
        %dma_wait3A_503 = tpu.memref_slice %arg7[%dma_wait3A_495, %dma_wait3A_496, %dma_wait3A_502] : memref<4x2x80xi32, #tpu.memory_space<vmem>> -> memref<1x1x80xi32, #tpu.memory_space<vmem>>
        %dma_wait3A_504 = tpu.memref_squeeze %dma_wait3A_503 : memref<1x1x80xi32, #tpu.memory_space<vmem>> -> memref<80xi32, #tpu.memory_space<vmem>>
        %dma_wait3A_505 = arith.constant 0 : i32
        %dma_wait3A_506 = arith.constant 0 : i32
        %dma_wait3A_507 = tpu.memref_slice %arg2[%dma_wait3A_505, %dma_wait3A_506] : memref<10000x128xf32, #tpu.memory_space<hbm>> -> memref<10000x128xf32, #tpu.memory_space<hbm>>
        tpu.wait_indirect_dma semaphore(%arg15 : memref<!tpu.dma_semaphore, #tpu.memory_space<semaphore_mem>>) src(%dma_wait3A_507 : memref<10000x128xf32, #tpu.memory_space<hbm>>) dst(%dma_wait3A_501 : memref<80x128xf32, #tpu.memory_space<vmem>>)
        %dma_wait3A_508 = arith.constant 0 : i32
        %dma_wait3A_509 = arith.constant 0 : i32
        %dma_wait3A_510 = arith.constant 1 : i32
        %dma_wait3A_511 = arith.constant 0 : i32
        %dma_wait3A_512 = arith.constant 0 : i32
        %dma_wait3A_513 = tpu.memref_slice %arg8[%dma_wait3A_508, %dma_wait3A_511, %dma_wait3A_512] : memref<4x80x128xf32, #tpu.memory_space<vmem>> -> memref<1x80x128xf32, #tpu.memory_space<vmem>>
        %dma_wait3A_514 = tpu.memref_squeeze %dma_wait3A_513 : memref<1x80x128xf32, #tpu.memory_space<vmem>> -> memref<80x128xf32, #tpu.memory_space<vmem>>
        %dma_wait3A_515 = arith.constant 0 : i32
        %dma_wait3A_516 = tpu.memref_slice %arg7[%dma_wait3A_509, %dma_wait3A_510, %dma_wait3A_515] : memref<4x2x80xi32, #tpu.memory_space<vmem>> -> memref<1x1x80xi32, #tpu.memory_space<vmem>>
        %dma_wait3A_517 = tpu.memref_squeeze %dma_wait3A_516 : memref<1x1x80xi32, #tpu.memory_space<vmem>> -> memref<80xi32, #tpu.memory_space<vmem>>
        %dma_wait3A_518 = arith.constant 0 : i32
        %dma_wait3A_519 = arith.constant 0 : i32
        %dma_wait3A_520 = tpu.memref_slice %arg9[%dma_wait3A_518, %dma_wait3A_519] : memref<10240x128xf32, #tpu.memory_space<vmem_shared>> -> memref<10240x128xf32, #tpu.memory_space<vmem_shared>>
        tpu.wait_indirect_dma semaphore(%arg18 : memref<!tpu.dma_semaphore, #tpu.memory_space<semaphore_mem>>) src(%dma_wait3A_514 : memref<80x128xf32, #tpu.memory_space<vmem>>) dst(%dma_wait3A_520 : memref<10240x128xf32, #tpu.memory_space<vmem_shared>>)
        %add3A_521 = arith.constant 1 : i32
        %add3A_522 = arith.addi %scan3A_468, %add3A_521 : i32
        %mul3A_523 = arith.constant 4 : i32
        %mul3A_524 = arith.muli %add3A_522, %mul3A_523 : i32
        %add3A_525 = arith.constant 1 : i32
        %add3A_526 = arith.addi %mul3A_524, %add3A_525 : i32
        %sub3A = arith.constant 1 : i32
        %sub3A_527 = arith.subi %add3A_526, %sub3A : i32
        %add3A_528 = arith.addi %mul3A_63, %sub3A_527 : i32
        %mul3A_529 = arith.constant 80 : i32
        %mul3A_530 = arith.muli %add3A_528, %mul3A_529 : i32
        %dma_start3A_531 = arith.constant 0 : i32
        %dma_start3A_532 = arith.constant 0 : i32
        %dma_start3A_533 = arith.constant 0 : i32
        %dma_start3A_534 = tpu.memref_slice %arg7[%dma_start3A_531, %dma_start3A_532, %dma_start3A_533] : memref<4x2x80xi32, #tpu.memory_space<vmem>> -> memref<1x1x80xi32, #tpu.memory_space<vmem>>
        %dma_start3A_535 = tpu.memref_squeeze %dma_start3A_534 : memref<1x1x80xi32, #tpu.memory_space<vmem>> -> memref<80xi32, #tpu.memory_space<vmem>>
        %dma_start3A_536 = tpu.memref_slice %arg3[%mul3A_530] : memref<320000xi32, #tpu.memory_space<hbm>> -> memref<80xi32, #tpu.memory_space<hbm>>
        %dma_start3A_537 = arith.constant 0 : i32
        %dma_start3A_538 = tpu.memref_slice %arg7[%dma_start3A_531, %dma_start3A_532, %dma_start3A_537] : memref<4x2x80xi32, #tpu.memory_space<vmem>> -> memref<1x1x80xi32, #tpu.memory_space<vmem>>
        %dma_start3A_539 = tpu.memref_squeeze %dma_start3A_538 : memref<1x1x80xi32, #tpu.memory_space<vmem>> -> memref<80xi32, #tpu.memory_space<vmem>>
        %dma_start3A_540 = tpu.memref_slice %arg3[%mul3A_530] : memref<320000xi32, #tpu.memory_space<hbm>> -> memref<80xi32, #tpu.memory_space<hbm>>
        tpu.enqueue_dma source(%dma_start3A_540 : memref<80xi32, #tpu.memory_space<hbm>>) target(%dma_start3A_539 : memref<80xi32, #tpu.memory_space<vmem>>) target_semaphore(%arg10 : memref<!tpu.dma_semaphore, #tpu.memory_space<semaphore_mem>>)
        %dma_start3A_541 = arith.constant 0 : i32
        %dma_start3A_542 = arith.constant 1 : i32
        %dma_start3A_543 = arith.constant 0 : i32
        %dma_start3A_544 = tpu.memref_slice %arg7[%dma_start3A_541, %dma_start3A_542, %dma_start3A_543] : memref<4x2x80xi32, #tpu.memory_space<vmem>> -> memref<1x1x80xi32, #tpu.memory_space<vmem>>
        %dma_start3A_545 = tpu.memref_squeeze %dma_start3A_544 : memref<1x1x80xi32, #tpu.memory_space<vmem>> -> memref<80xi32, #tpu.memory_space<vmem>>
        %dma_start3A_546 = tpu.memref_slice %arg4[%mul3A_530] : memref<320000xi32, #tpu.memory_space<hbm>> -> memref<80xi32, #tpu.memory_space<hbm>>
        %dma_start3A_547 = arith.constant 0 : i32
        %dma_start3A_548 = tpu.memref_slice %arg7[%dma_start3A_541, %dma_start3A_542, %dma_start3A_547] : memref<4x2x80xi32, #tpu.memory_space<vmem>> -> memref<1x1x80xi32, #tpu.memory_space<vmem>>
        %dma_start3A_549 = tpu.memref_squeeze %dma_start3A_548 : memref<1x1x80xi32, #tpu.memory_space<vmem>> -> memref<80xi32, #tpu.memory_space<vmem>>
        %dma_start3A_550 = tpu.memref_slice %arg4[%mul3A_530] : memref<320000xi32, #tpu.memory_space<hbm>> -> memref<80xi32, #tpu.memory_space<hbm>>
        tpu.enqueue_dma source(%dma_start3A_550 : memref<80xi32, #tpu.memory_space<hbm>>) target(%dma_start3A_549 : memref<80xi32, #tpu.memory_space<vmem>>) target_semaphore(%arg10 : memref<!tpu.dma_semaphore, #tpu.memory_space<semaphore_mem>>)
        %dma_start3A_551 = arith.constant 1 : i32
        %dma_start3A_552 = arith.constant 1 : i32
        %dma_start3A_553 = arith.constant 1 : i32
        %dma_start3A_554 = arith.constant 0 : i32
        %dma_start3A_555 = arith.constant 0 : i32
        %dma_start3A_556 = tpu.memref_slice %arg8[%dma_start3A_551, %dma_start3A_554, %dma_start3A_555] : memref<4x80x128xf32, #tpu.memory_space<vmem>> -> memref<1x80x128xf32, #tpu.memory_space<vmem>>
        %dma_start3A_557 = tpu.memref_squeeze %dma_start3A_556 : memref<1x80x128xf32, #tpu.memory_space<vmem>> -> memref<80x128xf32, #tpu.memory_space<vmem>>
        %dma_start3A_558 = arith.constant 0 : i32
        %dma_start3A_559 = tpu.memref_slice %arg7[%dma_start3A_552, %dma_start3A_553, %dma_start3A_558] : memref<4x2x80xi32, #tpu.memory_space<vmem>> -> memref<1x1x80xi32, #tpu.memory_space<vmem>>
        %dma_start3A_560 = tpu.memref_squeeze %dma_start3A_559 : memref<1x1x80xi32, #tpu.memory_space<vmem>> -> memref<80xi32, #tpu.memory_space<vmem>>
        %dma_start3A_561 = arith.constant 0 : i32
        %dma_start3A_562 = arith.constant 0 : i32
        %dma_start3A_563 = tpu.memref_slice %arg9[%dma_start3A_561, %dma_start3A_562] : memref<10240x128xf32, #tpu.memory_space<vmem_shared>> -> memref<10240x128xf32, #tpu.memory_space<vmem_shared>>
        tpu.enqueue_indirect_dma source(%dma_start3A_557 : memref<80x128xf32, #tpu.memory_space<vmem>>) target(%dma_start3A_563 : memref<10240x128xf32, #tpu.memory_space<vmem_shared>>) offsets(%dma_start3A_560 : memref<80xi32, #tpu.memory_space<vmem>>) semaphore(%arg19 : memref<!tpu.dma_semaphore, #tpu.memory_space<semaphore_mem>>) {add = true}
        %dma_wait3A_564 = arith.constant 2 : i32
        %dma_wait3A_565 = arith.constant 0 : i32
        %dma_wait3A_566 = arith.constant 2 : i32
        %dma_wait3A_567 = arith.constant 0 : i32
        %dma_wait3A_568 = arith.constant 0 : i32
        %dma_wait3A_569 = tpu.memref_slice %arg8[%dma_wait3A_566, %dma_wait3A_567, %dma_wait3A_568] : memref<4x80x128xf32, #tpu.memory_space<vmem>> -> memref<1x80x128xf32, #tpu.memory_space<vmem>>
        %dma_wait3A_570 = tpu.memref_squeeze %dma_wait3A_569 : memref<1x80x128xf32, #tpu.memory_space<vmem>> -> memref<80x128xf32, #tpu.memory_space<vmem>>
        %dma_wait3A_571 = arith.constant 0 : i32
        %dma_wait3A_572 = tpu.memref_slice %arg7[%dma_wait3A_564, %dma_wait3A_565, %dma_wait3A_571] : memref<4x2x80xi32, #tpu.memory_space<vmem>> -> memref<1x1x80xi32, #tpu.memory_space<vmem>>
        %dma_wait3A_573 = tpu.memref_squeeze %dma_wait3A_572 : memref<1x1x80xi32, #tpu.memory_space<vmem>> -> memref<80xi32, #tpu.memory_space<vmem>>
        %dma_wait3A_574 = arith.constant 0 : i32
        %dma_wait3A_575 = arith.constant 0 : i32
        %dma_wait3A_576 = tpu.memref_slice %arg2[%dma_wait3A_574, %dma_wait3A_575] : memref<10000x128xf32, #tpu.memory_space<hbm>> -> memref<10000x128xf32, #tpu.memory_space<hbm>>
        tpu.wait_indirect_dma semaphore(%arg16 : memref<!tpu.dma_semaphore, #tpu.memory_space<semaphore_mem>>) src(%dma_wait3A_576 : memref<10000x128xf32, #tpu.memory_space<hbm>>) dst(%dma_wait3A_570 : memref<80x128xf32, #tpu.memory_space<vmem>>)
        %dma_wait3A_577 = arith.constant 1 : i32
        %dma_wait3A_578 = arith.constant 1 : i32
        %dma_wait3A_579 = arith.constant 1 : i32
        %dma_wait3A_580 = arith.constant 0 : i32
        %dma_wait3A_581 = arith.constant 0 : i32
        %dma_wait3A_582 = tpu.memref_slice %arg8[%dma_wait3A_577, %dma_wait3A_580, %dma_wait3A_581] : memref<4x80x128xf32, #tpu.memory_space<vmem>> -> memref<1x80x128xf32, #tpu.memory_space<vmem>>
        %dma_wait3A_583 = tpu.memref_squeeze %dma_wait3A_582 : memref<1x80x128xf32, #tpu.memory_space<vmem>> -> memref<80x128xf32, #tpu.memory_space<vmem>>
        %dma_wait3A_584 = arith.constant 0 : i32
        %dma_wait3A_585 = tpu.memref_slice %arg7[%dma_wait3A_578, %dma_wait3A_579, %dma_wait3A_584] : memref<4x2x80xi32, #tpu.memory_space<vmem>> -> memref<1x1x80xi32, #tpu.memory_space<vmem>>
        %dma_wait3A_586 = tpu.memref_squeeze %dma_wait3A_585 : memref<1x1x80xi32, #tpu.memory_space<vmem>> -> memref<80xi32, #tpu.memory_space<vmem>>
        %dma_wait3A_587 = arith.constant 0 : i32
        %dma_wait3A_588 = arith.constant 0 : i32
        %dma_wait3A_589 = tpu.memref_slice %arg9[%dma_wait3A_587, %dma_wait3A_588] : memref<10240x128xf32, #tpu.memory_space<vmem_shared>> -> memref<10240x128xf32, #tpu.memory_space<vmem_shared>>
        tpu.wait_indirect_dma semaphore(%arg19 : memref<!tpu.dma_semaphore, #tpu.memory_space<semaphore_mem>>) src(%dma_wait3A_583 : memref<80x128xf32, #tpu.memory_space<vmem>>) dst(%dma_wait3A_589 : memref<10240x128xf32, #tpu.memory_space<vmem_shared>>)
        %add3A_590 = arith.constant 1 : i32
        %add3A_591 = arith.addi %scan3A_468, %add3A_590 : i32
        %mul3A_592 = arith.constant 4 : i32
        %mul3A_593 = arith.muli %add3A_591, %mul3A_592 : i32
        %add3A_594 = arith.constant 2 : i32
        %add3A_595 = arith.addi %mul3A_593, %add3A_594 : i32
        %sub3A_596 = arith.constant 1 : i32
        %sub3A_597 = arith.subi %add3A_595, %sub3A_596 : i32
        %add3A_598 = arith.addi %mul3A_63, %sub3A_597 : i32
        %mul3A_599 = arith.constant 80 : i32
        %mul3A_600 = arith.muli %add3A_598, %mul3A_599 : i32
        %dma_start3A_601 = arith.constant 1 : i32
        %dma_start3A_602 = arith.constant 0 : i32
        %dma_start3A_603 = arith.constant 0 : i32
        %dma_start3A_604 = tpu.memref_slice %arg7[%dma_start3A_601, %dma_start3A_602, %dma_start3A_603] : memref<4x2x80xi32, #tpu.memory_space<vmem>> -> memref<1x1x80xi32, #tpu.memory_space<vmem>>
        %dma_start3A_605 = tpu.memref_squeeze %dma_start3A_604 : memref<1x1x80xi32, #tpu.memory_space<vmem>> -> memref<80xi32, #tpu.memory_space<vmem>>
        %dma_start3A_606 = tpu.memref_slice %arg3[%mul3A_600] : memref<320000xi32, #tpu.memory_space<hbm>> -> memref<80xi32, #tpu.memory_space<hbm>>
        %dma_start3A_607 = arith.constant 0 : i32
        %dma_start3A_608 = tpu.memref_slice %arg7[%dma_start3A_601, %dma_start3A_602, %dma_start3A_607] : memref<4x2x80xi32, #tpu.memory_space<vmem>> -> memref<1x1x80xi32, #tpu.memory_space<vmem>>
        %dma_start3A_609 = tpu.memref_squeeze %dma_start3A_608 : memref<1x1x80xi32, #tpu.memory_space<vmem>> -> memref<80xi32, #tpu.memory_space<vmem>>
        %dma_start3A_610 = tpu.memref_slice %arg3[%mul3A_600] : memref<320000xi32, #tpu.memory_space<hbm>> -> memref<80xi32, #tpu.memory_space<hbm>>
        tpu.enqueue_dma source(%dma_start3A_610 : memref<80xi32, #tpu.memory_space<hbm>>) target(%dma_start3A_609 : memref<80xi32, #tpu.memory_space<vmem>>) target_semaphore(%arg11 : memref<!tpu.dma_semaphore, #tpu.memory_space<semaphore_mem>>)
        %dma_start3A_611 = arith.constant 1 : i32
        %dma_start3A_612 = arith.constant 1 : i32
        %dma_start3A_613 = arith.constant 0 : i32
        %dma_start3A_614 = tpu.memref_slice %arg7[%dma_start3A_611, %dma_start3A_612, %dma_start3A_613] : memref<4x2x80xi32, #tpu.memory_space<vmem>> -> memref<1x1x80xi32, #tpu.memory_space<vmem>>
        %dma_start3A_615 = tpu.memref_squeeze %dma_start3A_614 : memref<1x1x80xi32, #tpu.memory_space<vmem>> -> memref<80xi32, #tpu.memory_space<vmem>>
        %dma_start3A_616 = tpu.memref_slice %arg4[%mul3A_600] : memref<320000xi32, #tpu.memory_space<hbm>> -> memref<80xi32, #tpu.memory_space<hbm>>
        %dma_start3A_617 = arith.constant 0 : i32
        %dma_start3A_618 = tpu.memref_slice %arg7[%dma_start3A_611, %dma_start3A_612, %dma_start3A_617] : memref<4x2x80xi32, #tpu.memory_space<vmem>> -> memref<1x1x80xi32, #tpu.memory_space<vmem>>
        %dma_start3A_619 = tpu.memref_squeeze %dma_start3A_618 : memref<1x1x80xi32, #tpu.memory_space<vmem>> -> memref<80xi32, #tpu.memory_space<vmem>>
        %dma_start3A_620 = tpu.memref_slice %arg4[%mul3A_600] : memref<320000xi32, #tpu.memory_space<hbm>> -> memref<80xi32, #tpu.memory_space<hbm>>
        tpu.enqueue_dma source(%dma_start3A_620 : memref<80xi32, #tpu.memory_space<hbm>>) target(%dma_start3A_619 : memref<80xi32, #tpu.memory_space<vmem>>) target_semaphore(%arg11 : memref<!tpu.dma_semaphore, #tpu.memory_space<semaphore_mem>>)
        %dma_start3A_621 = arith.constant 2 : i32
        %dma_start3A_622 = arith.constant 2 : i32
        %dma_start3A_623 = arith.constant 1 : i32
        %dma_start3A_624 = arith.constant 0 : i32
        %dma_start3A_625 = arith.constant 0 : i32
        %dma_start3A_626 = tpu.memref_slice %arg8[%dma_start3A_621, %dma_start3A_624, %dma_start3A_625] : memref<4x80x128xf32, #tpu.memory_space<vmem>> -> memref<1x80x128xf32, #tpu.memory_space<vmem>>
        %dma_start3A_627 = tpu.memref_squeeze %dma_start3A_626 : memref<1x80x128xf32, #tpu.memory_space<vmem>> -> memref<80x128xf32, #tpu.memory_space<vmem>>
        %dma_start3A_628 = arith.constant 0 : i32
        %dma_start3A_629 = tpu.memref_slice %arg7[%dma_start3A_622, %dma_start3A_623, %dma_start3A_628] : memref<4x2x80xi32, #tpu.memory_space<vmem>> -> memref<1x1x80xi32, #tpu.memory_space<vmem>>
        %dma_start3A_630 = tpu.memref_squeeze %dma_start3A_629 : memref<1x1x80xi32, #tpu.memory_space<vmem>> -> memref<80xi32, #tpu.memory_space<vmem>>
        %dma_start3A_631 = arith.constant 0 : i32
        %dma_start3A_632 = arith.constant 0 : i32
        %dma_start3A_633 = tpu.memref_slice %arg9[%dma_start3A_631, %dma_start3A_632] : memref<10240x128xf32, #tpu.memory_space<vmem_shared>> -> memref<10240x128xf32, #tpu.memory_space<vmem_shared>>
        tpu.enqueue_indirect_dma source(%dma_start3A_627 : memref<80x128xf32, #tpu.memory_space<vmem>>) target(%dma_start3A_633 : memref<10240x128xf32, #tpu.memory_space<vmem_shared>>) offsets(%dma_start3A_630 : memref<80xi32, #tpu.memory_space<vmem>>) semaphore(%arg20 : memref<!tpu.dma_semaphore, #tpu.memory_space<semaphore_mem>>) {add = true}
        %dma_wait3A_634 = arith.constant 3 : i32
        %dma_wait3A_635 = arith.constant 0 : i32
        %dma_wait3A_636 = arith.constant 3 : i32
        %dma_wait3A_637 = arith.constant 0 : i32
        %dma_wait3A_638 = arith.constant 0 : i32
        %dma_wait3A_639 = tpu.memref_slice %arg8[%dma_wait3A_636, %dma_wait3A_637, %dma_wait3A_638] : memref<4x80x128xf32, #tpu.memory_space<vmem>> -> memref<1x80x128xf32, #tpu.memory_space<vmem>>
        %dma_wait3A_640 = tpu.memref_squeeze %dma_wait3A_639 : memref<1x80x128xf32, #tpu.memory_space<vmem>> -> memref<80x128xf32, #tpu.memory_space<vmem>>
        %dma_wait3A_641 = arith.constant 0 : i32
        %dma_wait3A_642 = tpu.memref_slice %arg7[%dma_wait3A_634, %dma_wait3A_635, %dma_wait3A_641] : memref<4x2x80xi32, #tpu.memory_space<vmem>> -> memref<1x1x80xi32, #tpu.memory_space<vmem>>
        %dma_wait3A_643 = tpu.memref_squeeze %dma_wait3A_642 : memref<1x1x80xi32, #tpu.memory_space<vmem>> -> memref<80xi32, #tpu.memory_space<vmem>>
        %dma_wait3A_644 = arith.constant 0 : i32
        %dma_wait3A_645 = arith.constant 0 : i32
        %dma_wait3A_646 = tpu.memref_slice %arg2[%dma_wait3A_644, %dma_wait3A_645] : memref<10000x128xf32, #tpu.memory_space<hbm>> -> memref<10000x128xf32, #tpu.memory_space<hbm>>
        tpu.wait_indirect_dma semaphore(%arg17 : memref<!tpu.dma_semaphore, #tpu.memory_space<semaphore_mem>>) src(%dma_wait3A_646 : memref<10000x128xf32, #tpu.memory_space<hbm>>) dst(%dma_wait3A_640 : memref<80x128xf32, #tpu.memory_space<vmem>>)
        %dma_wait3A_647 = arith.constant 2 : i32
        %dma_wait3A_648 = arith.constant 2 : i32
        %dma_wait3A_649 = arith.constant 1 : i32
        %dma_wait3A_650 = arith.constant 0 : i32
        %dma_wait3A_651 = arith.constant 0 : i32
        %dma_wait3A_652 = tpu.memref_slice %arg8[%dma_wait3A_647, %dma_wait3A_650, %dma_wait3A_651] : memref<4x80x128xf32, #tpu.memory_space<vmem>> -> memref<1x80x128xf32, #tpu.memory_space<vmem>>
        %dma_wait3A_653 = tpu.memref_squeeze %dma_wait3A_652 : memref<1x80x128xf32, #tpu.memory_space<vmem>> -> memref<80x128xf32, #tpu.memory_space<vmem>>
        %dma_wait3A_654 = arith.constant 0 : i32
        %dma_wait3A_655 = tpu.memref_slice %arg7[%dma_wait3A_648, %dma_wait3A_649, %dma_wait3A_654] : memref<4x2x80xi32, #tpu.memory_space<vmem>> -> memref<1x1x80xi32, #tpu.memory_space<vmem>>
        %dma_wait3A_656 = tpu.memref_squeeze %dma_wait3A_655 : memref<1x1x80xi32, #tpu.memory_space<vmem>> -> memref<80xi32, #tpu.memory_space<vmem>>
        %dma_wait3A_657 = arith.constant 0 : i32
        %dma_wait3A_658 = arith.constant 0 : i32
        %dma_wait3A_659 = tpu.memref_slice %arg9[%dma_wait3A_657, %dma_wait3A_658] : memref<10240x128xf32, #tpu.memory_space<vmem_shared>> -> memref<10240x128xf32, #tpu.memory_space<vmem_shared>>
        tpu.wait_indirect_dma semaphore(%arg20 : memref<!tpu.dma_semaphore, #tpu.memory_space<semaphore_mem>>) src(%dma_wait3A_653 : memref<80x128xf32, #tpu.memory_space<vmem>>) dst(%dma_wait3A_659 : memref<10240x128xf32, #tpu.memory_space<vmem_shared>>)
        %add3A_660 = arith.constant 1 : i32
        %add3A_661 = arith.addi %scan3A_468, %add3A_660 : i32
        %mul3A_662 = arith.constant 4 : i32
        %mul3A_663 = arith.muli %add3A_661, %mul3A_662 : i32
        %add3A_664 = arith.constant 3 : i32
        %add3A_665 = arith.addi %mul3A_663, %add3A_664 : i32
        %sub3A_666 = arith.constant 1 : i32
        %sub3A_667 = arith.subi %add3A_665, %sub3A_666 : i32
        %add3A_668 = arith.addi %mul3A_63, %sub3A_667 : i32
        %mul3A_669 = arith.constant 80 : i32
        %mul3A_670 = arith.muli %add3A_668, %mul3A_669 : i32
        %dma_start3A_671 = arith.constant 2 : i32
        %dma_start3A_672 = arith.constant 0 : i32
        %dma_start3A_673 = arith.constant 0 : i32
        %dma_start3A_674 = tpu.memref_slice %arg7[%dma_start3A_671, %dma_start3A_672, %dma_start3A_673] : memref<4x2x80xi32, #tpu.memory_space<vmem>> -> memref<1x1x80xi32, #tpu.memory_space<vmem>>
        %dma_start3A_675 = tpu.memref_squeeze %dma_start3A_674 : memref<1x1x80xi32, #tpu.memory_space<vmem>> -> memref<80xi32, #tpu.memory_space<vmem>>
        %dma_start3A_676 = tpu.memref_slice %arg3[%mul3A_670] : memref<320000xi32, #tpu.memory_space<hbm>> -> memref<80xi32, #tpu.memory_space<hbm>>
        %dma_start3A_677 = arith.constant 0 : i32
        %dma_start3A_678 = tpu.memref_slice %arg7[%dma_start3A_671, %dma_start3A_672, %dma_start3A_677] : memref<4x2x80xi32, #tpu.memory_space<vmem>> -> memref<1x1x80xi32, #tpu.memory_space<vmem>>
        %dma_start3A_679 = tpu.memref_squeeze %dma_start3A_678 : memref<1x1x80xi32, #tpu.memory_space<vmem>> -> memref<80xi32, #tpu.memory_space<vmem>>
        %dma_start3A_680 = tpu.memref_slice %arg3[%mul3A_670] : memref<320000xi32, #tpu.memory_space<hbm>> -> memref<80xi32, #tpu.memory_space<hbm>>
        tpu.enqueue_dma source(%dma_start3A_680 : memref<80xi32, #tpu.memory_space<hbm>>) target(%dma_start3A_679 : memref<80xi32, #tpu.memory_space<vmem>>) target_semaphore(%arg12 : memref<!tpu.dma_semaphore, #tpu.memory_space<semaphore_mem>>)
        %dma_start3A_681 = arith.constant 2 : i32
        %dma_start3A_682 = arith.constant 1 : i32
        %dma_start3A_683 = arith.constant 0 : i32
        %dma_start3A_684 = tpu.memref_slice %arg7[%dma_start3A_681, %dma_start3A_682, %dma_start3A_683] : memref<4x2x80xi32, #tpu.memory_space<vmem>> -> memref<1x1x80xi32, #tpu.memory_space<vmem>>
        %dma_start3A_685 = tpu.memref_squeeze %dma_start3A_684 : memref<1x1x80xi32, #tpu.memory_space<vmem>> -> memref<80xi32, #tpu.memory_space<vmem>>
        %dma_start3A_686 = tpu.memref_slice %arg4[%mul3A_670] : memref<320000xi32, #tpu.memory_space<hbm>> -> memref<80xi32, #tpu.memory_space<hbm>>
        %dma_start3A_687 = arith.constant 0 : i32
        %dma_start3A_688 = tpu.memref_slice %arg7[%dma_start3A_681, %dma_start3A_682, %dma_start3A_687] : memref<4x2x80xi32, #tpu.memory_space<vmem>> -> memref<1x1x80xi32, #tpu.memory_space<vmem>>
        %dma_start3A_689 = tpu.memref_squeeze %dma_start3A_688 : memref<1x1x80xi32, #tpu.memory_space<vmem>> -> memref<80xi32, #tpu.memory_space<vmem>>
        %dma_start3A_690 = tpu.memref_slice %arg4[%mul3A_670] : memref<320000xi32, #tpu.memory_space<hbm>> -> memref<80xi32, #tpu.memory_space<hbm>>
        tpu.enqueue_dma source(%dma_start3A_690 : memref<80xi32, #tpu.memory_space<hbm>>) target(%dma_start3A_689 : memref<80xi32, #tpu.memory_space<vmem>>) target_semaphore(%arg12 : memref<!tpu.dma_semaphore, #tpu.memory_space<semaphore_mem>>)
        %dma_start3A_691 = arith.constant 3 : i32
        %dma_start3A_692 = arith.constant 3 : i32
        %dma_start3A_693 = arith.constant 1 : i32
        %dma_start3A_694 = arith.constant 0 : i32
        %dma_start3A_695 = arith.constant 0 : i32
        %dma_start3A_696 = tpu.memref_slice %arg8[%dma_start3A_691, %dma_start3A_694, %dma_start3A_695] : memref<4x80x128xf32, #tpu.memory_space<vmem>> -> memref<1x80x128xf32, #tpu.memory_space<vmem>>
        %dma_start3A_697 = tpu.memref_squeeze %dma_start3A_696 : memref<1x80x128xf32, #tpu.memory_space<vmem>> -> memref<80x128xf32, #tpu.memory_space<vmem>>
        %dma_start3A_698 = arith.constant 0 : i32
        %dma_start3A_699 = tpu.memref_slice %arg7[%dma_start3A_692, %dma_start3A_693, %dma_start3A_698] : memref<4x2x80xi32, #tpu.memory_space<vmem>> -> memref<1x1x80xi32, #tpu.memory_space<vmem>>
        %dma_start3A_700 = tpu.memref_squeeze %dma_start3A_699 : memref<1x1x80xi32, #tpu.memory_space<vmem>> -> memref<80xi32, #tpu.memory_space<vmem>>
        %dma_start3A_701 = arith.constant 0 : i32
        %dma_start3A_702 = arith.constant 0 : i32
        %dma_start3A_703 = tpu.memref_slice %arg9[%dma_start3A_701, %dma_start3A_702] : memref<10240x128xf32, #tpu.memory_space<vmem_shared>> -> memref<10240x128xf32, #tpu.memory_space<vmem_shared>>
        tpu.enqueue_indirect_dma source(%dma_start3A_697 : memref<80x128xf32, #tpu.memory_space<vmem>>) target(%dma_start3A_703 : memref<10240x128xf32, #tpu.memory_space<vmem_shared>>) offsets(%dma_start3A_700 : memref<80xi32, #tpu.memory_space<vmem>>) semaphore(%arg21 : memref<!tpu.dma_semaphore, #tpu.memory_space<semaphore_mem>>) {add = true}
        %dma_wait3A_704 = arith.constant 3 : i32
        %dma_wait3A_705 = arith.constant 3 : i32
        %dma_wait3A_706 = arith.constant 1 : i32
        %dma_wait3A_707 = arith.constant 0 : i32
        %dma_wait3A_708 = arith.constant 0 : i32
        %dma_wait3A_709 = tpu.memref_slice %arg8[%dma_wait3A_704, %dma_wait3A_707, %dma_wait3A_708] : memref<4x80x128xf32, #tpu.memory_space<vmem>> -> memref<1x80x128xf32, #tpu.memory_space<vmem>>
        %dma_wait3A_710 = tpu.memref_squeeze %dma_wait3A_709 : memref<1x80x128xf32, #tpu.memory_space<vmem>> -> memref<80x128xf32, #tpu.memory_space<vmem>>
        %dma_wait3A_711 = arith.constant 0 : i32
        %dma_wait3A_712 = tpu.memref_slice %arg7[%dma_wait3A_705, %dma_wait3A_706, %dma_wait3A_711] : memref<4x2x80xi32, #tpu.memory_space<vmem>> -> memref<1x1x80xi32, #tpu.memory_space<vmem>>
        %dma_wait3A_713 = tpu.memref_squeeze %dma_wait3A_712 : memref<1x1x80xi32, #tpu.memory_space<vmem>> -> memref<80xi32, #tpu.memory_space<vmem>>
        %dma_wait3A_714 = arith.constant 0 : i32
        %dma_wait3A_715 = arith.constant 0 : i32
        %dma_wait3A_716 = tpu.memref_slice %arg9[%dma_wait3A_714, %dma_wait3A_715] : memref<10240x128xf32, #tpu.memory_space<vmem_shared>> -> memref<10240x128xf32, #tpu.memory_space<vmem_shared>>
        tpu.wait_indirect_dma semaphore(%arg21 : memref<!tpu.dma_semaphore, #tpu.memory_space<semaphore_mem>>) src(%dma_wait3A_710 : memref<80x128xf32, #tpu.memory_space<vmem>>) dst(%dma_wait3A_716 : memref<10240x128xf32, #tpu.memory_space<vmem_shared>>)
        %add3A_717 = arith.constant 1 : i32
        %add3A_718 = arith.addi %scan3A_468, %add3A_717 : i32
        %mul3A_719 = arith.constant 4 : i32
        %mul3A_720 = arith.muli %add3A_718, %mul3A_719 : i32
        %add3A_721 = arith.constant 4 : i32
        %add3A_722 = arith.addi %mul3A_720, %add3A_721 : i32
        %sub3A_723 = arith.constant 1 : i32
        %sub3A_724 = arith.subi %add3A_722, %sub3A_723 : i32
        %add3A_725 = arith.addi %mul3A_63, %sub3A_724 : i32
        %mul3A_726 = arith.constant 80 : i32
        %mul3A_727 = arith.muli %add3A_725, %mul3A_726 : i32
        %dma_start3A_728 = arith.constant 3 : i32
        %dma_start3A_729 = arith.constant 0 : i32
        %dma_start3A_730 = arith.constant 0 : i32
        %dma_start3A_731 = tpu.memref_slice %arg7[%dma_start3A_728, %dma_start3A_729, %dma_start3A_730] : memref<4x2x80xi32, #tpu.memory_space<vmem>> -> memref<1x1x80xi32, #tpu.memory_space<vmem>>
        %dma_start3A_732 = tpu.memref_squeeze %dma_start3A_731 : memref<1x1x80xi32, #tpu.memory_space<vmem>> -> memref<80xi32, #tpu.memory_space<vmem>>
        %dma_start3A_733 = tpu.memref_slice %arg3[%mul3A_727] : memref<320000xi32, #tpu.memory_space<hbm>> -> memref<80xi32, #tpu.memory_space<hbm>>
        %dma_start3A_734 = arith.constant 0 : i32
        %dma_start3A_735 = tpu.memref_slice %arg7[%dma_start3A_728, %dma_start3A_729, %dma_start3A_734] : memref<4x2x80xi32, #tpu.memory_space<vmem>> -> memref<1x1x80xi32, #tpu.memory_space<vmem>>
        %dma_start3A_736 = tpu.memref_squeeze %dma_start3A_735 : memref<1x1x80xi32, #tpu.memory_space<vmem>> -> memref<80xi32, #tpu.memory_space<vmem>>
        %dma_start3A_737 = tpu.memref_slice %arg3[%mul3A_727] : memref<320000xi32, #tpu.memory_space<hbm>> -> memref<80xi32, #tpu.memory_space<hbm>>
        tpu.enqueue_dma source(%dma_start3A_737 : memref<80xi32, #tpu.memory_space<hbm>>) target(%dma_start3A_736 : memref<80xi32, #tpu.memory_space<vmem>>) target_semaphore(%arg13 : memref<!tpu.dma_semaphore, #tpu.memory_space<semaphore_mem>>)
        %dma_start3A_738 = arith.constant 3 : i32
        %dma_start3A_739 = arith.constant 1 : i32
        %dma_start3A_740 = arith.constant 0 : i32
        %dma_start3A_741 = tpu.memref_slice %arg7[%dma_start3A_738, %dma_start3A_739, %dma_start3A_740] : memref<4x2x80xi32, #tpu.memory_space<vmem>> -> memref<1x1x80xi32, #tpu.memory_space<vmem>>
        %dma_start3A_742 = tpu.memref_squeeze %dma_start3A_741 : memref<1x1x80xi32, #tpu.memory_space<vmem>> -> memref<80xi32, #tpu.memory_space<vmem>>
        %dma_start3A_743 = tpu.memref_slice %arg4[%mul3A_727] : memref<320000xi32, #tpu.memory_space<hbm>> -> memref<80xi32, #tpu.memory_space<hbm>>
        %dma_start3A_744 = arith.constant 0 : i32
        %dma_start3A_745 = tpu.memref_slice %arg7[%dma_start3A_738, %dma_start3A_739, %dma_start3A_744] : memref<4x2x80xi32, #tpu.memory_space<vmem>> -> memref<1x1x80xi32, #tpu.memory_space<vmem>>
        %dma_start3A_746 = tpu.memref_squeeze %dma_start3A_745 : memref<1x1x80xi32, #tpu.memory_space<vmem>> -> memref<80xi32, #tpu.memory_space<vmem>>
        %dma_start3A_747 = tpu.memref_slice %arg4[%mul3A_727] : memref<320000xi32, #tpu.memory_space<hbm>> -> memref<80xi32, #tpu.memory_space<hbm>>
        tpu.enqueue_dma source(%dma_start3A_747 : memref<80xi32, #tpu.memory_space<hbm>>) target(%dma_start3A_746 : memref<80xi32, #tpu.memory_space<vmem>>) target_semaphore(%arg13 : memref<!tpu.dma_semaphore, #tpu.memory_space<semaphore_mem>>)
        %add3A_748 = arith.constant 1 : i32
        %add3A_749 = arith.addi %scan3A_468, %add3A_748 : i32
        %mul3A_750 = arith.constant 4 : i32
        %mul3A_751 = arith.muli %add3A_749, %mul3A_750 : i32
        %add3A_752 = arith.constant 0 : i32
        %add3A_753 = arith.addi %mul3A_751, %add3A_752 : i32
        %add3A_754 = arith.addi %mul3A_63, %add3A_753 : i32
        %mul3A_755 = arith.constant 80 : i32
        %mul3A_756 = arith.muli %add3A_754, %mul3A_755 : i32
        %dma_wait3A_757 = arith.constant 0 : i32
        %dma_wait3A_758 = arith.constant 0 : i32
        %dma_wait3A_759 = arith.constant 0 : i32
        %dma_wait3A_760 = tpu.memref_slice %arg7[%dma_wait3A_757, %dma_wait3A_758, %dma_wait3A_759] : memref<4x2x80xi32, #tpu.memory_space<vmem>> -> memref<1x1x80xi32, #tpu.memory_space<vmem>>
        %dma_wait3A_761 = tpu.memref_squeeze %dma_wait3A_760 : memref<1x1x80xi32, #tpu.memory_space<vmem>> -> memref<80xi32, #tpu.memory_space<vmem>>
        %dma_wait3A_762 = tpu.memref_slice %arg3[%mul3A_756] : memref<320000xi32, #tpu.memory_space<hbm>> -> memref<80xi32, #tpu.memory_space<hbm>>
        %dma_wait3A_763 = arith.constant 0 : i32
        %dma_wait3A_764 = tpu.memref_slice %arg7[%dma_wait3A_757, %dma_wait3A_758, %dma_wait3A_763] : memref<4x2x80xi32, #tpu.memory_space<vmem>> -> memref<1x1x80xi32, #tpu.memory_space<vmem>>
        %dma_wait3A_765 = tpu.memref_squeeze %dma_wait3A_764 : memref<1x1x80xi32, #tpu.memory_space<vmem>> -> memref<80xi32, #tpu.memory_space<vmem>>
        %dma_wait3A_766 = tpu.memref_slice %arg3[%mul3A_756] : memref<320000xi32, #tpu.memory_space<hbm>> -> memref<80xi32, #tpu.memory_space<hbm>>
        tpu.wait_dma2 semaphore(%arg10 : memref<!tpu.dma_semaphore, #tpu.memory_space<semaphore_mem>>) src(%dma_wait3A_766 : memref<80xi32, #tpu.memory_space<hbm>>) dst(%dma_wait3A_765 : memref<80xi32, #tpu.memory_space<vmem>>)
        %dma_wait3A_767 = arith.constant 0 : i32
        %dma_wait3A_768 = arith.constant 1 : i32
        %dma_wait3A_769 = arith.constant 0 : i32
        %dma_wait3A_770 = tpu.memref_slice %arg7[%dma_wait3A_767, %dma_wait3A_768, %dma_wait3A_769] : memref<4x2x80xi32, #tpu.memory_space<vmem>> -> memref<1x1x80xi32, #tpu.memory_space<vmem>>
        %dma_wait3A_771 = tpu.memref_squeeze %dma_wait3A_770 : memref<1x1x80xi32, #tpu.memory_space<vmem>> -> memref<80xi32, #tpu.memory_space<vmem>>
        %dma_wait3A_772 = tpu.memref_slice %arg4[%mul3A_756] : memref<320000xi32, #tpu.memory_space<hbm>> -> memref<80xi32, #tpu.memory_space<hbm>>
        %dma_wait3A_773 = arith.constant 0 : i32
        %dma_wait3A_774 = tpu.memref_slice %arg7[%dma_wait3A_767, %dma_wait3A_768, %dma_wait3A_773] : memref<4x2x80xi32, #tpu.memory_space<vmem>> -> memref<1x1x80xi32, #tpu.memory_space<vmem>>
        %dma_wait3A_775 = tpu.memref_squeeze %dma_wait3A_774 : memref<1x1x80xi32, #tpu.memory_space<vmem>> -> memref<80xi32, #tpu.memory_space<vmem>>
        %dma_wait3A_776 = tpu.memref_slice %arg4[%mul3A_756] : memref<320000xi32, #tpu.memory_space<hbm>> -> memref<80xi32, #tpu.memory_space<hbm>>
        tpu.wait_dma2 semaphore(%arg10 : memref<!tpu.dma_semaphore, #tpu.memory_space<semaphore_mem>>) src(%dma_wait3A_776 : memref<80xi32, #tpu.memory_space<hbm>>) dst(%dma_wait3A_775 : memref<80xi32, #tpu.memory_space<vmem>>)
        %dma_start3A_777 = arith.constant 0 : i32
        %dma_start3A_778 = arith.constant 0 : i32
        %dma_start3A_779 = arith.constant 0 : i32
        %dma_start3A_780 = arith.constant 0 : i32
        %dma_start3A_781 = arith.constant 0 : i32
        %dma_start3A_782 = tpu.memref_slice %arg8[%dma_start3A_779, %dma_start3A_780, %dma_start3A_781] : memref<4x80x128xf32, #tpu.memory_space<vmem>> -> memref<1x80x128xf32, #tpu.memory_space<vmem>>
        %dma_start3A_783 = tpu.memref_squeeze %dma_start3A_782 : memref<1x80x128xf32, #tpu.memory_space<vmem>> -> memref<80x128xf32, #tpu.memory_space<vmem>>
        %dma_start3A_784 = arith.constant 0 : i32
        %dma_start3A_785 = tpu.memref_slice %arg7[%dma_start3A_777, %dma_start3A_778, %dma_start3A_784] : memref<4x2x80xi32, #tpu.memory_space<vmem>> -> memref<1x1x80xi32, #tpu.memory_space<vmem>>
        %dma_start3A_786 = tpu.memref_squeeze %dma_start3A_785 : memref<1x1x80xi32, #tpu.memory_space<vmem>> -> memref<80xi32, #tpu.memory_space<vmem>>
        %dma_start3A_787 = arith.constant 0 : i32
        %dma_start3A_788 = arith.constant 0 : i32
        %dma_start3A_789 = tpu.memref_slice %arg2[%dma_start3A_787, %dma_start3A_788] : memref<10000x128xf32, #tpu.memory_space<hbm>> -> memref<10000x128xf32, #tpu.memory_space<hbm>>
        tpu.enqueue_indirect_dma source(%dma_start3A_789 : memref<10000x128xf32, #tpu.memory_space<hbm>>) target(%dma_start3A_783 : memref<80x128xf32, #tpu.memory_space<vmem>>) offsets(%dma_start3A_786 : memref<80xi32, #tpu.memory_space<vmem>>) semaphore(%arg14 : memref<!tpu.dma_semaphore, #tpu.memory_space<semaphore_mem>>)
        %add3A_790 = arith.constant 1 : i32
        %add3A_791 = arith.addi %scan3A_468, %add3A_790 : i32
        %mul3A_792 = arith.constant 4 : i32
        %mul3A_793 = arith.muli %add3A_791, %mul3A_792 : i32
        %add3A_794 = arith.constant 1 : i32
        %add3A_795 = arith.addi %mul3A_793, %add3A_794 : i32
        %add3A_796 = arith.addi %mul3A_63, %add3A_795 : i32
        %mul3A_797 = arith.constant 80 : i32
        %mul3A_798 = arith.muli %add3A_796, %mul3A_797 : i32
        %dma_wait3A_799 = arith.constant 1 : i32
        %dma_wait3A_800 = arith.constant 0 : i32
        %dma_wait3A_801 = arith.constant 0 : i32
        %dma_wait3A_802 = tpu.memref_slice %arg7[%dma_wait3A_799, %dma_wait3A_800, %dma_wait3A_801] : memref<4x2x80xi32, #tpu.memory_space<vmem>> -> memref<1x1x80xi32, #tpu.memory_space<vmem>>
        %dma_wait3A_803 = tpu.memref_squeeze %dma_wait3A_802 : memref<1x1x80xi32, #tpu.memory_space<vmem>> -> memref<80xi32, #tpu.memory_space<vmem>>
        %dma_wait3A_804 = tpu.memref_slice %arg3[%mul3A_798] : memref<320000xi32, #tpu.memory_space<hbm>> -> memref<80xi32, #tpu.memory_space<hbm>>
        %dma_wait3A_805 = arith.constant 0 : i32
        %dma_wait3A_806 = tpu.memref_slice %arg7[%dma_wait3A_799, %dma_wait3A_800, %dma_wait3A_805] : memref<4x2x80xi32, #tpu.memory_space<vmem>> -> memref<1x1x80xi32, #tpu.memory_space<vmem>>
        %dma_wait3A_807 = tpu.memref_squeeze %dma_wait3A_806 : memref<1x1x80xi32, #tpu.memory_space<vmem>> -> memref<80xi32, #tpu.memory_space<vmem>>
        %dma_wait3A_808 = tpu.memref_slice %arg3[%mul3A_798] : memref<320000xi32, #tpu.memory_space<hbm>> -> memref<80xi32, #tpu.memory_space<hbm>>
        tpu.wait_dma2 semaphore(%arg11 : memref<!tpu.dma_semaphore, #tpu.memory_space<semaphore_mem>>) src(%dma_wait3A_808 : memref<80xi32, #tpu.memory_space<hbm>>) dst(%dma_wait3A_807 : memref<80xi32, #tpu.memory_space<vmem>>)
        %dma_wait3A_809 = arith.constant 1 : i32
        %dma_wait3A_810 = arith.constant 1 : i32
        %dma_wait3A_811 = arith.constant 0 : i32
        %dma_wait3A_812 = tpu.memref_slice %arg7[%dma_wait3A_809, %dma_wait3A_810, %dma_wait3A_811] : memref<4x2x80xi32, #tpu.memory_space<vmem>> -> memref<1x1x80xi32, #tpu.memory_space<vmem>>
        %dma_wait3A_813 = tpu.memref_squeeze %dma_wait3A_812 : memref<1x1x80xi32, #tpu.memory_space<vmem>> -> memref<80xi32, #tpu.memory_space<vmem>>
        %dma_wait3A_814 = tpu.memref_slice %arg4[%mul3A_798] : memref<320000xi32, #tpu.memory_space<hbm>> -> memref<80xi32, #tpu.memory_space<hbm>>
        %dma_wait3A_815 = arith.constant 0 : i32
        %dma_wait3A_816 = tpu.memref_slice %arg7[%dma_wait3A_809, %dma_wait3A_810, %dma_wait3A_815] : memref<4x2x80xi32, #tpu.memory_space<vmem>> -> memref<1x1x80xi32, #tpu.memory_space<vmem>>
        %dma_wait3A_817 = tpu.memref_squeeze %dma_wait3A_816 : memref<1x1x80xi32, #tpu.memory_space<vmem>> -> memref<80xi32, #tpu.memory_space<vmem>>
        %dma_wait3A_818 = tpu.memref_slice %arg4[%mul3A_798] : memref<320000xi32, #tpu.memory_space<hbm>> -> memref<80xi32, #tpu.memory_space<hbm>>
        tpu.wait_dma2 semaphore(%arg11 : memref<!tpu.dma_semaphore, #tpu.memory_space<semaphore_mem>>) src(%dma_wait3A_818 : memref<80xi32, #tpu.memory_space<hbm>>) dst(%dma_wait3A_817 : memref<80xi32, #tpu.memory_space<vmem>>)
        %dma_start3A_819 = arith.constant 1 : i32
        %dma_start3A_820 = arith.constant 0 : i32
        %dma_start3A_821 = arith.constant 1 : i32
        %dma_start3A_822 = arith.constant 0 : i32
        %dma_start3A_823 = arith.constant 0 : i32
        %dma_start3A_824 = tpu.memref_slice %arg8[%dma_start3A_821, %dma_start3A_822, %dma_start3A_823] : memref<4x80x128xf32, #tpu.memory_space<vmem>> -> memref<1x80x128xf32, #tpu.memory_space<vmem>>
        %dma_start3A_825 = tpu.memref_squeeze %dma_start3A_824 : memref<1x80x128xf32, #tpu.memory_space<vmem>> -> memref<80x128xf32, #tpu.memory_space<vmem>>
        %dma_start3A_826 = arith.constant 0 : i32
        %dma_start3A_827 = tpu.memref_slice %arg7[%dma_start3A_819, %dma_start3A_820, %dma_start3A_826] : memref<4x2x80xi32, #tpu.memory_space<vmem>> -> memref<1x1x80xi32, #tpu.memory_space<vmem>>
        %dma_start3A_828 = tpu.memref_squeeze %dma_start3A_827 : memref<1x1x80xi32, #tpu.memory_space<vmem>> -> memref<80xi32, #tpu.memory_space<vmem>>
        %dma_start3A_829 = arith.constant 0 : i32
        %dma_start3A_830 = arith.constant 0 : i32
        %dma_start3A_831 = tpu.memref_slice %arg2[%dma_start3A_829, %dma_start3A_830] : memref<10000x128xf32, #tpu.memory_space<hbm>> -> memref<10000x128xf32, #tpu.memory_space<hbm>>
        tpu.enqueue_indirect_dma source(%dma_start3A_831 : memref<10000x128xf32, #tpu.memory_space<hbm>>) target(%dma_start3A_825 : memref<80x128xf32, #tpu.memory_space<vmem>>) offsets(%dma_start3A_828 : memref<80xi32, #tpu.memory_space<vmem>>) semaphore(%arg15 : memref<!tpu.dma_semaphore, #tpu.memory_space<semaphore_mem>>)
        %add3A_832 = arith.constant 1 : i32
        %add3A_833 = arith.addi %scan3A_468, %add3A_832 : i32
        %mul3A_834 = arith.constant 4 : i32
        %mul3A_835 = arith.muli %add3A_833, %mul3A_834 : i32
        %add3A_836 = arith.constant 2 : i32
        %add3A_837 = arith.addi %mul3A_835, %add3A_836 : i32
        %add3A_838 = arith.addi %mul3A_63, %add3A_837 : i32
        %mul3A_839 = arith.constant 80 : i32
        %mul3A_840 = arith.muli %add3A_838, %mul3A_839 : i32
        %dma_wait3A_841 = arith.constant 2 : i32
        %dma_wait3A_842 = arith.constant 0 : i32
        %dma_wait3A_843 = arith.constant 0 : i32
        %dma_wait3A_844 = tpu.memref_slice %arg7[%dma_wait3A_841, %dma_wait3A_842, %dma_wait3A_843] : memref<4x2x80xi32, #tpu.memory_space<vmem>> -> memref<1x1x80xi32, #tpu.memory_space<vmem>>
        %dma_wait3A_845 = tpu.memref_squeeze %dma_wait3A_844 : memref<1x1x80xi32, #tpu.memory_space<vmem>> -> memref<80xi32, #tpu.memory_space<vmem>>
        %dma_wait3A_846 = tpu.memref_slice %arg3[%mul3A_840] : memref<320000xi32, #tpu.memory_space<hbm>> -> memref<80xi32, #tpu.memory_space<hbm>>
        %dma_wait3A_847 = arith.constant 0 : i32
        %dma_wait3A_848 = tpu.memref_slice %arg7[%dma_wait3A_841, %dma_wait3A_842, %dma_wait3A_847] : memref<4x2x80xi32, #tpu.memory_space<vmem>> -> memref<1x1x80xi32, #tpu.memory_space<vmem>>
        %dma_wait3A_849 = tpu.memref_squeeze %dma_wait3A_848 : memref<1x1x80xi32, #tpu.memory_space<vmem>> -> memref<80xi32, #tpu.memory_space<vmem>>
        %dma_wait3A_850 = tpu.memref_slice %arg3[%mul3A_840] : memref<320000xi32, #tpu.memory_space<hbm>> -> memref<80xi32, #tpu.memory_space<hbm>>
        tpu.wait_dma2 semaphore(%arg12 : memref<!tpu.dma_semaphore, #tpu.memory_space<semaphore_mem>>) src(%dma_wait3A_850 : memref<80xi32, #tpu.memory_space<hbm>>) dst(%dma_wait3A_849 : memref<80xi32, #tpu.memory_space<vmem>>)
        %dma_wait3A_851 = arith.constant 2 : i32
        %dma_wait3A_852 = arith.constant 1 : i32
        %dma_wait3A_853 = arith.constant 0 : i32
        %dma_wait3A_854 = tpu.memref_slice %arg7[%dma_wait3A_851, %dma_wait3A_852, %dma_wait3A_853] : memref<4x2x80xi32, #tpu.memory_space<vmem>> -> memref<1x1x80xi32, #tpu.memory_space<vmem>>
        %dma_wait3A_855 = tpu.memref_squeeze %dma_wait3A_854 : memref<1x1x80xi32, #tpu.memory_space<vmem>> -> memref<80xi32, #tpu.memory_space<vmem>>
        %dma_wait3A_856 = tpu.memref_slice %arg4[%mul3A_840] : memref<320000xi32, #tpu.memory_space<hbm>> -> memref<80xi32, #tpu.memory_space<hbm>>
        %dma_wait3A_857 = arith.constant 0 : i32
        %dma_wait3A_858 = tpu.memref_slice %arg7[%dma_wait3A_851, %dma_wait3A_852, %dma_wait3A_857] : memref<4x2x80xi32, #tpu.memory_space<vmem>> -> memref<1x1x80xi32, #tpu.memory_space<vmem>>
        %dma_wait3A_859 = tpu.memref_squeeze %dma_wait3A_858 : memref<1x1x80xi32, #tpu.memory_space<vmem>> -> memref<80xi32, #tpu.memory_space<vmem>>
        %dma_wait3A_860 = tpu.memref_slice %arg4[%mul3A_840] : memref<320000xi32, #tpu.memory_space<hbm>> -> memref<80xi32, #tpu.memory_space<hbm>>
        tpu.wait_dma2 semaphore(%arg12 : memref<!tpu.dma_semaphore, #tpu.memory_space<semaphore_mem>>) src(%dma_wait3A_860 : memref<80xi32, #tpu.memory_space<hbm>>) dst(%dma_wait3A_859 : memref<80xi32, #tpu.memory_space<vmem>>)
        %dma_start3A_861 = arith.constant 2 : i32
        %dma_start3A_862 = arith.constant 0 : i32
        %dma_start3A_863 = arith.constant 2 : i32
        %dma_start3A_864 = arith.constant 0 : i32
        %dma_start3A_865 = arith.constant 0 : i32
        %dma_start3A_866 = tpu.memref_slice %arg8[%dma_start3A_863, %dma_start3A_864, %dma_start3A_865] : memref<4x80x128xf32, #tpu.memory_space<vmem>> -> memref<1x80x128xf32, #tpu.memory_space<vmem>>
        %dma_start3A_867 = tpu.memref_squeeze %dma_start3A_866 : memref<1x80x128xf32, #tpu.memory_space<vmem>> -> memref<80x128xf32, #tpu.memory_space<vmem>>
        %dma_start3A_868 = arith.constant 0 : i32
        %dma_start3A_869 = tpu.memref_slice %arg7[%dma_start3A_861, %dma_start3A_862, %dma_start3A_868] : memref<4x2x80xi32, #tpu.memory_space<vmem>> -> memref<1x1x80xi32, #tpu.memory_space<vmem>>
        %dma_start3A_870 = tpu.memref_squeeze %dma_start3A_869 : memref<1x1x80xi32, #tpu.memory_space<vmem>> -> memref<80xi32, #tpu.memory_space<vmem>>
        %dma_start3A_871 = arith.constant 0 : i32
        %dma_start3A_872 = arith.constant 0 : i32
        %dma_start3A_873 = tpu.memref_slice %arg2[%dma_start3A_871, %dma_start3A_872] : memref<10000x128xf32, #tpu.memory_space<hbm>> -> memref<10000x128xf32, #tpu.memory_space<hbm>>
        tpu.enqueue_indirect_dma source(%dma_start3A_873 : memref<10000x128xf32, #tpu.memory_space<hbm>>) target(%dma_start3A_867 : memref<80x128xf32, #tpu.memory_space<vmem>>) offsets(%dma_start3A_870 : memref<80xi32, #tpu.memory_space<vmem>>) semaphore(%arg16 : memref<!tpu.dma_semaphore, #tpu.memory_space<semaphore_mem>>)
        %add3A_874 = arith.constant 1 : i32
        %add3A_875 = arith.addi %scan3A_468, %add3A_874 : i32
        %mul3A_876 = arith.constant 4 : i32
        %mul3A_877 = arith.muli %add3A_875, %mul3A_876 : i32
        %add3A_878 = arith.constant 3 : i32
        %add3A_879 = arith.addi %mul3A_877, %add3A_878 : i32
        %add3A_880 = arith.addi %mul3A_63, %add3A_879 : i32
        %mul3A_881 = arith.constant 80 : i32
        %mul3A_882 = arith.muli %add3A_880, %mul3A_881 : i32
        %dma_wait3A_883 = arith.constant 3 : i32
        %dma_wait3A_884 = arith.constant 0 : i32
        %dma_wait3A_885 = arith.constant 0 : i32
        %dma_wait3A_886 = tpu.memref_slice %arg7[%dma_wait3A_883, %dma_wait3A_884, %dma_wait3A_885] : memref<4x2x80xi32, #tpu.memory_space<vmem>> -> memref<1x1x80xi32, #tpu.memory_space<vmem>>
        %dma_wait3A_887 = tpu.memref_squeeze %dma_wait3A_886 : memref<1x1x80xi32, #tpu.memory_space<vmem>> -> memref<80xi32, #tpu.memory_space<vmem>>
        %dma_wait3A_888 = tpu.memref_slice %arg3[%mul3A_882] : memref<320000xi32, #tpu.memory_space<hbm>> -> memref<80xi32, #tpu.memory_space<hbm>>
        %dma_wait3A_889 = arith.constant 0 : i32
        %dma_wait3A_890 = tpu.memref_slice %arg7[%dma_wait3A_883, %dma_wait3A_884, %dma_wait3A_889] : memref<4x2x80xi32, #tpu.memory_space<vmem>> -> memref<1x1x80xi32, #tpu.memory_space<vmem>>
        %dma_wait3A_891 = tpu.memref_squeeze %dma_wait3A_890 : memref<1x1x80xi32, #tpu.memory_space<vmem>> -> memref<80xi32, #tpu.memory_space<vmem>>
        %dma_wait3A_892 = tpu.memref_slice %arg3[%mul3A_882] : memref<320000xi32, #tpu.memory_space<hbm>> -> memref<80xi32, #tpu.memory_space<hbm>>
        tpu.wait_dma2 semaphore(%arg13 : memref<!tpu.dma_semaphore, #tpu.memory_space<semaphore_mem>>) src(%dma_wait3A_892 : memref<80xi32, #tpu.memory_space<hbm>>) dst(%dma_wait3A_891 : memref<80xi32, #tpu.memory_space<vmem>>)
        %dma_wait3A_893 = arith.constant 3 : i32
        %dma_wait3A_894 = arith.constant 1 : i32
        %dma_wait3A_895 = arith.constant 0 : i32
        %dma_wait3A_896 = tpu.memref_slice %arg7[%dma_wait3A_893, %dma_wait3A_894, %dma_wait3A_895] : memref<4x2x80xi32, #tpu.memory_space<vmem>> -> memref<1x1x80xi32, #tpu.memory_space<vmem>>
        %dma_wait3A_897 = tpu.memref_squeeze %dma_wait3A_896 : memref<1x1x80xi32, #tpu.memory_space<vmem>> -> memref<80xi32, #tpu.memory_space<vmem>>
        %dma_wait3A_898 = tpu.memref_slice %arg4[%mul3A_882] : memref<320000xi32, #tpu.memory_space<hbm>> -> memref<80xi32, #tpu.memory_space<hbm>>
        %dma_wait3A_899 = arith.constant 0 : i32
        %dma_wait3A_900 = tpu.memref_slice %arg7[%dma_wait3A_893, %dma_wait3A_894, %dma_wait3A_899] : memref<4x2x80xi32, #tpu.memory_space<vmem>> -> memref<1x1x80xi32, #tpu.memory_space<vmem>>
        %dma_wait3A_901 = tpu.memref_squeeze %dma_wait3A_900 : memref<1x1x80xi32, #tpu.memory_space<vmem>> -> memref<80xi32, #tpu.memory_space<vmem>>
        %dma_wait3A_902 = tpu.memref_slice %arg4[%mul3A_882] : memref<320000xi32, #tpu.memory_space<hbm>> -> memref<80xi32, #tpu.memory_space<hbm>>
        tpu.wait_dma2 semaphore(%arg13 : memref<!tpu.dma_semaphore, #tpu.memory_space<semaphore_mem>>) src(%dma_wait3A_902 : memref<80xi32, #tpu.memory_space<hbm>>) dst(%dma_wait3A_901 : memref<80xi32, #tpu.memory_space<vmem>>)
        %dma_start3A_903 = arith.constant 3 : i32
        %dma_start3A_904 = arith.constant 0 : i32
        %dma_start3A_905 = arith.constant 3 : i32
        %dma_start3A_906 = arith.constant 0 : i32
        %dma_start3A_907 = arith.constant 0 : i32
        %dma_start3A_908 = tpu.memref_slice %arg8[%dma_start3A_905, %dma_start3A_906, %dma_start3A_907] : memref<4x80x128xf32, #tpu.memory_space<vmem>> -> memref<1x80x128xf32, #tpu.memory_space<vmem>>
        %dma_start3A_909 = tpu.memref_squeeze %dma_start3A_908 : memref<1x80x128xf32, #tpu.memory_space<vmem>> -> memref<80x128xf32, #tpu.memory_space<vmem>>
        %dma_start3A_910 = arith.constant 0 : i32
        %dma_start3A_911 = tpu.memref_slice %arg7[%dma_start3A_903, %dma_start3A_904, %dma_start3A_910] : memref<4x2x80xi32, #tpu.memory_space<vmem>> -> memref<1x1x80xi32, #tpu.memory_space<vmem>>
        %dma_start3A_912 = tpu.memref_squeeze %dma_start3A_911 : memref<1x1x80xi32, #tpu.memory_space<vmem>> -> memref<80xi32, #tpu.memory_space<vmem>>
        %dma_start3A_913 = arith.constant 0 : i32
        %dma_start3A_914 = arith.constant 0 : i32
        %dma_start3A_915 = tpu.memref_slice %arg2[%dma_start3A_913, %dma_start3A_914] : memref<10000x128xf32, #tpu.memory_space<hbm>> -> memref<10000x128xf32, #tpu.memory_space<hbm>>
        tpu.enqueue_indirect_dma source(%dma_start3A_915 : memref<10000x128xf32, #tpu.memory_space<hbm>>) target(%dma_start3A_909 : memref<80x128xf32, #tpu.memory_space<vmem>>) offsets(%dma_start3A_912 : memref<80xi32, #tpu.memory_space<vmem>>) semaphore(%arg17 : memref<!tpu.dma_semaphore, #tpu.memory_space<semaphore_mem>>)
      }
      %scan3A_311 = arith.constant 48 : i32
      %dma_wait3A_312 = arith.constant 0 : i32
      %dma_wait3A_313 = arith.constant 0 : i32
      %dma_wait3A_314 = arith.constant 0 : i32
      %dma_wait3A_315 = arith.constant 0 : i32
      %dma_wait3A_316 = arith.constant 0 : i32
      %dma_wait3A_317 = tpu.memref_slice %arg8[%dma_wait3A_314, %dma_wait3A_315, %dma_wait3A_316] : memref<4x80x128xf32, #tpu.memory_space<vmem>> -> memref<1x80x128xf32, #tpu.memory_space<vmem>>
      %dma_wait3A_318 = tpu.memref_squeeze %dma_wait3A_317 : memref<1x80x128xf32, #tpu.memory_space<vmem>> -> memref<80x128xf32, #tpu.memory_space<vmem>>
      %dma_wait3A_319 = arith.constant 0 : i32
      %dma_wait3A_320 = tpu.memref_slice %arg7[%dma_wait3A_312, %dma_wait3A_313, %dma_wait3A_319] : memref<4x2x80xi32, #tpu.memory_space<vmem>> -> memref<1x1x80xi32, #tpu.memory_space<vmem>>
      %dma_wait3A_321 = tpu.memref_squeeze %dma_wait3A_320 : memref<1x1x80xi32, #tpu.memory_space<vmem>> -> memref<80xi32, #tpu.memory_space<vmem>>
      %dma_wait3A_322 = arith.constant 0 : i32
      %dma_wait3A_323 = arith.constant 0 : i32
      %dma_wait3A_324 = tpu.memref_slice %arg2[%dma_wait3A_322, %dma_wait3A_323] : memref<10000x128xf32, #tpu.memory_space<hbm>> -> memref<10000x128xf32, #tpu.memory_space<hbm>>
      tpu.wait_indirect_dma semaphore(%arg14 : memref<!tpu.dma_semaphore, #tpu.memory_space<semaphore_mem>>) src(%dma_wait3A_324 : memref<10000x128xf32, #tpu.memory_space<hbm>>) dst(%dma_wait3A_318 : memref<80x128xf32, #tpu.memory_space<vmem>>)
      %dma_start3A_325 = arith.constant 0 : i32
      %dma_start3A_326 = arith.constant 0 : i32
      %dma_start3A_327 = arith.constant 1 : i32
      %dma_start3A_328 = arith.constant 0 : i32
      %dma_start3A_329 = arith.constant 0 : i32
      %dma_start3A_330 = tpu.memref_slice %arg8[%dma_start3A_325, %dma_start3A_328, %dma_start3A_329] : memref<4x80x128xf32, #tpu.memory_space<vmem>> -> memref<1x80x128xf32, #tpu.memory_space<vmem>>
      %dma_start3A_331 = tpu.memref_squeeze %dma_start3A_330 : memref<1x80x128xf32, #tpu.memory_space<vmem>> -> memref<80x128xf32, #tpu.memory_space<vmem>>
      %dma_start3A_332 = arith.constant 0 : i32
      %dma_start3A_333 = tpu.memref_slice %arg7[%dma_start3A_326, %dma_start3A_327, %dma_start3A_332] : memref<4x2x80xi32, #tpu.memory_space<vmem>> -> memref<1x1x80xi32, #tpu.memory_space<vmem>>
      %dma_start3A_334 = tpu.memref_squeeze %dma_start3A_333 : memref<1x1x80xi32, #tpu.memory_space<vmem>> -> memref<80xi32, #tpu.memory_space<vmem>>
      %dma_start3A_335 = arith.constant 0 : i32
      %dma_start3A_336 = arith.constant 0 : i32
      %dma_start3A_337 = tpu.memref_slice %arg9[%dma_start3A_335, %dma_start3A_336] : memref<10240x128xf32, #tpu.memory_space<vmem_shared>> -> memref<10240x128xf32, #tpu.memory_space<vmem_shared>>
      tpu.enqueue_indirect_dma source(%dma_start3A_331 : memref<80x128xf32, #tpu.memory_space<vmem>>) target(%dma_start3A_337 : memref<10240x128xf32, #tpu.memory_space<vmem_shared>>) offsets(%dma_start3A_334 : memref<80xi32, #tpu.memory_space<vmem>>) semaphore(%arg18 : memref<!tpu.dma_semaphore, #tpu.memory_space<semaphore_mem>>) {add = true}
      %dma_wait3A_338 = arith.constant 1 : i32
      %dma_wait3A_339 = arith.constant 0 : i32
      %dma_wait3A_340 = arith.constant 1 : i32
      %dma_wait3A_341 = arith.constant 0 : i32
      %dma_wait3A_342 = arith.constant 0 : i32
      %dma_wait3A_343 = tpu.memref_slice %arg8[%dma_wait3A_340, %dma_wait3A_341, %dma_wait3A_342] : memref<4x80x128xf32, #tpu.memory_space<vmem>> -> memref<1x80x128xf32, #tpu.memory_space<vmem>>
      %dma_wait3A_344 = tpu.memref_squeeze %dma_wait3A_343 : memref<1x80x128xf32, #tpu.memory_space<vmem>> -> memref<80x128xf32, #tpu.memory_space<vmem>>
      %dma_wait3A_345 = arith.constant 0 : i32
      %dma_wait3A_346 = tpu.memref_slice %arg7[%dma_wait3A_338, %dma_wait3A_339, %dma_wait3A_345] : memref<4x2x80xi32, #tpu.memory_space<vmem>> -> memref<1x1x80xi32, #tpu.memory_space<vmem>>
      %dma_wait3A_347 = tpu.memref_squeeze %dma_wait3A_346 : memref<1x1x80xi32, #tpu.memory_space<vmem>> -> memref<80xi32, #tpu.memory_space<vmem>>
      %dma_wait3A_348 = arith.constant 0 : i32
      %dma_wait3A_349 = arith.constant 0 : i32
      %dma_wait3A_350 = tpu.memref_slice %arg2[%dma_wait3A_348, %dma_wait3A_349] : memref<10000x128xf32, #tpu.memory_space<hbm>> -> memref<10000x128xf32, #tpu.memory_space<hbm>>
      tpu.wait_indirect_dma semaphore(%arg15 : memref<!tpu.dma_semaphore, #tpu.memory_space<semaphore_mem>>) src(%dma_wait3A_350 : memref<10000x128xf32, #tpu.memory_space<hbm>>) dst(%dma_wait3A_344 : memref<80x128xf32, #tpu.memory_space<vmem>>)
      %dma_wait3A_351 = arith.constant 0 : i32
      %dma_wait3A_352 = arith.constant 0 : i32
      %dma_wait3A_353 = arith.constant 1 : i32
      %dma_wait3A_354 = arith.constant 0 : i32
      %dma_wait3A_355 = arith.constant 0 : i32
      %dma_wait3A_356 = tpu.memref_slice %arg8[%dma_wait3A_351, %dma_wait3A_354, %dma_wait3A_355] : memref<4x80x128xf32, #tpu.memory_space<vmem>> -> memref<1x80x128xf32, #tpu.memory_space<vmem>>
      %dma_wait3A_357 = tpu.memref_squeeze %dma_wait3A_356 : memref<1x80x128xf32, #tpu.memory_space<vmem>> -> memref<80x128xf32, #tpu.memory_space<vmem>>
      %dma_wait3A_358 = arith.constant 0 : i32
      %dma_wait3A_359 = tpu.memref_slice %arg7[%dma_wait3A_352, %dma_wait3A_353, %dma_wait3A_358] : memref<4x2x80xi32, #tpu.memory_space<vmem>> -> memref<1x1x80xi32, #tpu.memory_space<vmem>>
      %dma_wait3A_360 = tpu.memref_squeeze %dma_wait3A_359 : memref<1x1x80xi32, #tpu.memory_space<vmem>> -> memref<80xi32, #tpu.memory_space<vmem>>
      %dma_wait3A_361 = arith.constant 0 : i32
      %dma_wait3A_362 = arith.constant 0 : i32
      %dma_wait3A_363 = tpu.memref_slice %arg9[%dma_wait3A_361, %dma_wait3A_362] : memref<10240x128xf32, #tpu.memory_space<vmem_shared>> -> memref<10240x128xf32, #tpu.memory_space<vmem_shared>>
      tpu.wait_indirect_dma semaphore(%arg18 : memref<!tpu.dma_semaphore, #tpu.memory_space<semaphore_mem>>) src(%dma_wait3A_357 : memref<80x128xf32, #tpu.memory_space<vmem>>) dst(%dma_wait3A_363 : memref<10240x128xf32, #tpu.memory_space<vmem_shared>>)
      %dma_start3A_364 = arith.constant 1 : i32
      %dma_start3A_365 = arith.constant 1 : i32
      %dma_start3A_366 = arith.constant 1 : i32
      %dma_start3A_367 = arith.constant 0 : i32
      %dma_start3A_368 = arith.constant 0 : i32
      %dma_start3A_369 = tpu.memref_slice %arg8[%dma_start3A_364, %dma_start3A_367, %dma_start3A_368] : memref<4x80x128xf32, #tpu.memory_space<vmem>> -> memref<1x80x128xf32, #tpu.memory_space<vmem>>
      %dma_start3A_370 = tpu.memref_squeeze %dma_start3A_369 : memref<1x80x128xf32, #tpu.memory_space<vmem>> -> memref<80x128xf32, #tpu.memory_space<vmem>>
      %dma_start3A_371 = arith.constant 0 : i32
      %dma_start3A_372 = tpu.memref_slice %arg7[%dma_start3A_365, %dma_start3A_366, %dma_start3A_371] : memref<4x2x80xi32, #tpu.memory_space<vmem>> -> memref<1x1x80xi32, #tpu.memory_space<vmem>>
      %dma_start3A_373 = tpu.memref_squeeze %dma_start3A_372 : memref<1x1x80xi32, #tpu.memory_space<vmem>> -> memref<80xi32, #tpu.memory_space<vmem>>
      %dma_start3A_374 = arith.constant 0 : i32
      %dma_start3A_375 = arith.constant 0 : i32
      %dma_start3A_376 = tpu.memref_slice %arg9[%dma_start3A_374, %dma_start3A_375] : memref<10240x128xf32, #tpu.memory_space<vmem_shared>> -> memref<10240x128xf32, #tpu.memory_space<vmem_shared>>
      tpu.enqueue_indirect_dma source(%dma_start3A_370 : memref<80x128xf32, #tpu.memory_space<vmem>>) target(%dma_start3A_376 : memref<10240x128xf32, #tpu.memory_space<vmem_shared>>) offsets(%dma_start3A_373 : memref<80xi32, #tpu.memory_space<vmem>>) semaphore(%arg19 : memref<!tpu.dma_semaphore, #tpu.memory_space<semaphore_mem>>) {add = true}
      %dma_wait3A_377 = arith.constant 2 : i32
      %dma_wait3A_378 = arith.constant 0 : i32
      %dma_wait3A_379 = arith.constant 2 : i32
      %dma_wait3A_380 = arith.constant 0 : i32
      %dma_wait3A_381 = arith.constant 0 : i32
      %dma_wait3A_382 = tpu.memref_slice %arg8[%dma_wait3A_379, %dma_wait3A_380, %dma_wait3A_381] : memref<4x80x128xf32, #tpu.memory_space<vmem>> -> memref<1x80x128xf32, #tpu.memory_space<vmem>>
      %dma_wait3A_383 = tpu.memref_squeeze %dma_wait3A_382 : memref<1x80x128xf32, #tpu.memory_space<vmem>> -> memref<80x128xf32, #tpu.memory_space<vmem>>
      %dma_wait3A_384 = arith.constant 0 : i32
      %dma_wait3A_385 = tpu.memref_slice %arg7[%dma_wait3A_377, %dma_wait3A_378, %dma_wait3A_384] : memref<4x2x80xi32, #tpu.memory_space<vmem>> -> memref<1x1x80xi32, #tpu.memory_space<vmem>>
      %dma_wait3A_386 = tpu.memref_squeeze %dma_wait3A_385 : memref<1x1x80xi32, #tpu.memory_space<vmem>> -> memref<80xi32, #tpu.memory_space<vmem>>
      %dma_wait3A_387 = arith.constant 0 : i32
      %dma_wait3A_388 = arith.constant 0 : i32
      %dma_wait3A_389 = tpu.memref_slice %arg2[%dma_wait3A_387, %dma_wait3A_388] : memref<10000x128xf32, #tpu.memory_space<hbm>> -> memref<10000x128xf32, #tpu.memory_space<hbm>>
      tpu.wait_indirect_dma semaphore(%arg16 : memref<!tpu.dma_semaphore, #tpu.memory_space<semaphore_mem>>) src(%dma_wait3A_389 : memref<10000x128xf32, #tpu.memory_space<hbm>>) dst(%dma_wait3A_383 : memref<80x128xf32, #tpu.memory_space<vmem>>)
      %dma_wait3A_390 = arith.constant 1 : i32
      %dma_wait3A_391 = arith.constant 1 : i32
      %dma_wait3A_392 = arith.constant 1 : i32
      %dma_wait3A_393 = arith.constant 0 : i32
      %dma_wait3A_394 = arith.constant 0 : i32
      %dma_wait3A_395 = tpu.memref_slice %arg8[%dma_wait3A_390, %dma_wait3A_393, %dma_wait3A_394] : memref<4x80x128xf32, #tpu.memory_space<vmem>> -> memref<1x80x128xf32, #tpu.memory_space<vmem>>
      %dma_wait3A_396 = tpu.memref_squeeze %dma_wait3A_395 : memref<1x80x128xf32, #tpu.memory_space<vmem>> -> memref<80x128xf32, #tpu.memory_space<vmem>>
      %dma_wait3A_397 = arith.constant 0 : i32
      %dma_wait3A_398 = tpu.memref_slice %arg7[%dma_wait3A_391, %dma_wait3A_392, %dma_wait3A_397] : memref<4x2x80xi32, #tpu.memory_space<vmem>> -> memref<1x1x80xi32, #tpu.memory_space<vmem>>
      %dma_wait3A_399 = tpu.memref_squeeze %dma_wait3A_398 : memref<1x1x80xi32, #tpu.memory_space<vmem>> -> memref<80xi32, #tpu.memory_space<vmem>>
      %dma_wait3A_400 = arith.constant 0 : i32
      %dma_wait3A_401 = arith.constant 0 : i32
      %dma_wait3A_402 = tpu.memref_slice %arg9[%dma_wait3A_400, %dma_wait3A_401] : memref<10240x128xf32, #tpu.memory_space<vmem_shared>> -> memref<10240x128xf32, #tpu.memory_space<vmem_shared>>
      tpu.wait_indirect_dma semaphore(%arg19 : memref<!tpu.dma_semaphore, #tpu.memory_space<semaphore_mem>>) src(%dma_wait3A_396 : memref<80x128xf32, #tpu.memory_space<vmem>>) dst(%dma_wait3A_402 : memref<10240x128xf32, #tpu.memory_space<vmem_shared>>)
      %dma_start3A_403 = arith.constant 2 : i32
      %dma_start3A_404 = arith.constant 2 : i32
      %dma_start3A_405 = arith.constant 1 : i32
      %dma_start3A_406 = arith.constant 0 : i32
      %dma_start3A_407 = arith.constant 0 : i32
      %dma_start3A_408 = tpu.memref_slice %arg8[%dma_start3A_403, %dma_start3A_406, %dma_start3A_407] : memref<4x80x128xf32, #tpu.memory_space<vmem>> -> memref<1x80x128xf32, #tpu.memory_space<vmem>>
      %dma_start3A_409 = tpu.memref_squeeze %dma_start3A_408 : memref<1x80x128xf32, #tpu.memory_space<vmem>> -> memref<80x128xf32, #tpu.memory_space<vmem>>
      %dma_start3A_410 = arith.constant 0 : i32
      %dma_start3A_411 = tpu.memref_slice %arg7[%dma_start3A_404, %dma_start3A_405, %dma_start3A_410] : memref<4x2x80xi32, #tpu.memory_space<vmem>> -> memref<1x1x80xi32, #tpu.memory_space<vmem>>
      %dma_start3A_412 = tpu.memref_squeeze %dma_start3A_411 : memref<1x1x80xi32, #tpu.memory_space<vmem>> -> memref<80xi32, #tpu.memory_space<vmem>>
      %dma_start3A_413 = arith.constant 0 : i32
      %dma_start3A_414 = arith.constant 0 : i32
      %dma_start3A_415 = tpu.memref_slice %arg9[%dma_start3A_413, %dma_start3A_414] : memref<10240x128xf32, #tpu.memory_space<vmem_shared>> -> memref<10240x128xf32, #tpu.memory_space<vmem_shared>>
      tpu.enqueue_indirect_dma source(%dma_start3A_409 : memref<80x128xf32, #tpu.memory_space<vmem>>) target(%dma_start3A_415 : memref<10240x128xf32, #tpu.memory_space<vmem_shared>>) offsets(%dma_start3A_412 : memref<80xi32, #tpu.memory_space<vmem>>) semaphore(%arg20 : memref<!tpu.dma_semaphore, #tpu.memory_space<semaphore_mem>>) {add = true}
      %dma_wait3A_416 = arith.constant 3 : i32
      %dma_wait3A_417 = arith.constant 0 : i32
      %dma_wait3A_418 = arith.constant 3 : i32
      %dma_wait3A_419 = arith.constant 0 : i32
      %dma_wait3A_420 = arith.constant 0 : i32
      %dma_wait3A_421 = tpu.memref_slice %arg8[%dma_wait3A_418, %dma_wait3A_419, %dma_wait3A_420] : memref<4x80x128xf32, #tpu.memory_space<vmem>> -> memref<1x80x128xf32, #tpu.memory_space<vmem>>
      %dma_wait3A_422 = tpu.memref_squeeze %dma_wait3A_421 : memref<1x80x128xf32, #tpu.memory_space<vmem>> -> memref<80x128xf32, #tpu.memory_space<vmem>>
      %dma_wait3A_423 = arith.constant 0 : i32
      %dma_wait3A_424 = tpu.memref_slice %arg7[%dma_wait3A_416, %dma_wait3A_417, %dma_wait3A_423] : memref<4x2x80xi32, #tpu.memory_space<vmem>> -> memref<1x1x80xi32, #tpu.memory_space<vmem>>
      %dma_wait3A_425 = tpu.memref_squeeze %dma_wait3A_424 : memref<1x1x80xi32, #tpu.memory_space<vmem>> -> memref<80xi32, #tpu.memory_space<vmem>>
      %dma_wait3A_426 = arith.constant 0 : i32
      %dma_wait3A_427 = arith.constant 0 : i32
      %dma_wait3A_428 = tpu.memref_slice %arg2[%dma_wait3A_426, %dma_wait3A_427] : memref<10000x128xf32, #tpu.memory_space<hbm>> -> memref<10000x128xf32, #tpu.memory_space<hbm>>
      tpu.wait_indirect_dma semaphore(%arg17 : memref<!tpu.dma_semaphore, #tpu.memory_space<semaphore_mem>>) src(%dma_wait3A_428 : memref<10000x128xf32, #tpu.memory_space<hbm>>) dst(%dma_wait3A_422 : memref<80x128xf32, #tpu.memory_space<vmem>>)
      %dma_wait3A_429 = arith.constant 2 : i32
      %dma_wait3A_430 = arith.constant 2 : i32
      %dma_wait3A_431 = arith.constant 1 : i32
      %dma_wait3A_432 = arith.constant 0 : i32
      %dma_wait3A_433 = arith.constant 0 : i32
      %dma_wait3A_434 = tpu.memref_slice %arg8[%dma_wait3A_429, %dma_wait3A_432, %dma_wait3A_433] : memref<4x80x128xf32, #tpu.memory_space<vmem>> -> memref<1x80x128xf32, #tpu.memory_space<vmem>>
      %dma_wait3A_435 = tpu.memref_squeeze %dma_wait3A_434 : memref<1x80x128xf32, #tpu.memory_space<vmem>> -> memref<80x128xf32, #tpu.memory_space<vmem>>
      %dma_wait3A_436 = arith.constant 0 : i32
      %dma_wait3A_437 = tpu.memref_slice %arg7[%dma_wait3A_430, %dma_wait3A_431, %dma_wait3A_436] : memref<4x2x80xi32, #tpu.memory_space<vmem>> -> memref<1x1x80xi32, #tpu.memory_space<vmem>>
      %dma_wait3A_438 = tpu.memref_squeeze %dma_wait3A_437 : memref<1x1x80xi32, #tpu.memory_space<vmem>> -> memref<80xi32, #tpu.memory_space<vmem>>
      %dma_wait3A_439 = arith.constant 0 : i32
      %dma_wait3A_440 = arith.constant 0 : i32
      %dma_wait3A_441 = tpu.memref_slice %arg9[%dma_wait3A_439, %dma_wait3A_440] : memref<10240x128xf32, #tpu.memory_space<vmem_shared>> -> memref<10240x128xf32, #tpu.memory_space<vmem_shared>>
      tpu.wait_indirect_dma semaphore(%arg20 : memref<!tpu.dma_semaphore, #tpu.memory_space<semaphore_mem>>) src(%dma_wait3A_435 : memref<80x128xf32, #tpu.memory_space<vmem>>) dst(%dma_wait3A_441 : memref<10240x128xf32, #tpu.memory_space<vmem_shared>>)
      %dma_start3A_442 = arith.constant 3 : i32
      %dma_start3A_443 = arith.constant 3 : i32
      %dma_start3A_444 = arith.constant 1 : i32
      %dma_start3A_445 = arith.constant 0 : i32
      %dma_start3A_446 = arith.constant 0 : i32
      %dma_start3A_447 = tpu.memref_slice %arg8[%dma_start3A_442, %dma_start3A_445, %dma_start3A_446] : memref<4x80x128xf32, #tpu.memory_space<vmem>> -> memref<1x80x128xf32, #tpu.memory_space<vmem>>
      %dma_start3A_448 = tpu.memref_squeeze %dma_start3A_447 : memref<1x80x128xf32, #tpu.memory_space<vmem>> -> memref<80x128xf32, #tpu.memory_space<vmem>>
      %dma_start3A_449 = arith.constant 0 : i32
      %dma_start3A_450 = tpu.memref_slice %arg7[%dma_start3A_443, %dma_start3A_444, %dma_start3A_449] : memref<4x2x80xi32, #tpu.memory_space<vmem>> -> memref<1x1x80xi32, #tpu.memory_space<vmem>>
      %dma_start3A_451 = tpu.memref_squeeze %dma_start3A_450 : memref<1x1x80xi32, #tpu.memory_space<vmem>> -> memref<80xi32, #tpu.memory_space<vmem>>
      %dma_start3A_452 = arith.constant 0 : i32
      %dma_start3A_453 = arith.constant 0 : i32
      %dma_start3A_454 = tpu.memref_slice %arg9[%dma_start3A_452, %dma_start3A_453] : memref<10240x128xf32, #tpu.memory_space<vmem_shared>> -> memref<10240x128xf32, #tpu.memory_space<vmem_shared>>
      tpu.enqueue_indirect_dma source(%dma_start3A_448 : memref<80x128xf32, #tpu.memory_space<vmem>>) target(%dma_start3A_454 : memref<10240x128xf32, #tpu.memory_space<vmem_shared>>) offsets(%dma_start3A_451 : memref<80xi32, #tpu.memory_space<vmem>>) semaphore(%arg21 : memref<!tpu.dma_semaphore, #tpu.memory_space<semaphore_mem>>) {add = true}
      %dma_wait3A_455 = arith.constant 3 : i32
      %dma_wait3A_456 = arith.constant 3 : i32
      %dma_wait3A_457 = arith.constant 1 : i32
      %dma_wait3A_458 = arith.constant 0 : i32
      %dma_wait3A_459 = arith.constant 0 : i32
      %dma_wait3A_460 = tpu.memref_slice %arg8[%dma_wait3A_455, %dma_wait3A_458, %dma_wait3A_459] : memref<4x80x128xf32, #tpu.memory_space<vmem>> -> memref<1x80x128xf32, #tpu.memory_space<vmem>>
      %dma_wait3A_461 = tpu.memref_squeeze %dma_wait3A_460 : memref<1x80x128xf32, #tpu.memory_space<vmem>> -> memref<80x128xf32, #tpu.memory_space<vmem>>
      %dma_wait3A_462 = arith.constant 0 : i32
      %dma_wait3A_463 = tpu.memref_slice %arg7[%dma_wait3A_456, %dma_wait3A_457, %dma_wait3A_462] : memref<4x2x80xi32, #tpu.memory_space<vmem>> -> memref<1x1x80xi32, #tpu.memory_space<vmem>>
      %dma_wait3A_464 = tpu.memref_squeeze %dma_wait3A_463 : memref<1x1x80xi32, #tpu.memory_space<vmem>> -> memref<80xi32, #tpu.memory_space<vmem>>
      %dma_wait3A_465 = arith.constant 0 : i32
      %dma_wait3A_466 = arith.constant 0 : i32
      %dma_wait3A_467 = tpu.memref_slice %arg9[%dma_wait3A_465, %dma_wait3A_466] : memref<10240x128xf32, #tpu.memory_space<vmem_shared>> -> memref<10240x128xf32, #tpu.memory_space<vmem_shared>>
      tpu.wait_indirect_dma semaphore(%arg21 : memref<!tpu.dma_semaphore, #tpu.memory_space<semaphore_mem>>) src(%dma_wait3A_461 : memref<80x128xf32, #tpu.memory_space<vmem>>) dst(%dma_wait3A_467 : memref<10240x128xf32, #tpu.memory_space<vmem_shared>>)
    } else {
    }
    %eq3A_44 = arith.constant 1 : i32
    %eq3A_45 = arith.cmpi eq, %arg0, %eq3A_44 : i32
    %convert_element_type3A_46 = arith.extui %eq3A_45 : i1 to i32
    %cond3A_47 = arith.constant 0 : i32
    %cond3A_48 = arith.cmpi ne, %convert_element_type3A_46, %cond3A_47 : i32
    scf.if %cond3A_48 {
      %mul3A_62 = arith.constant 54 : i32
      %mul3A_63 = arith.muli %arg1, %mul3A_62 : i32
      %add3A_64 = arith.constant 3136 : i32
      %add3A_65 = arith.addi %add3A_64, %mul3A_63 : i32
      %add3A_66 = arith.constant 0 : i32
      %add3A_67 = arith.addi %add3A_65, %add3A_66 : i32
      %mul3A_68 = arith.constant 80 : i32
      %mul3A_69 = arith.muli %add3A_67, %mul3A_68 : i32
      %dma_start3A = arith.constant 0 : i32
      %dma_start3A_70 = arith.constant 0 : i32
      %dma_start3A_71 = arith.constant 0 : i32
      %dma_start3A_72 = tpu.memref_slice %arg7[%dma_start3A, %dma_start3A_70, %dma_start3A_71] : memref<4x2x80xi32, #tpu.memory_space<vmem>> -> memref<1x1x80xi32, #tpu.memory_space<vmem>>
      %dma_start3A_73 = tpu.memref_squeeze %dma_start3A_72 : memref<1x1x80xi32, #tpu.memory_space<vmem>> -> memref<80xi32, #tpu.memory_space<vmem>>
      %dma_start3A_74 = tpu.memref_slice %arg3[%mul3A_69] : memref<320000xi32, #tpu.memory_space<hbm>> -> memref<80xi32, #tpu.memory_space<hbm>>
      %dma_start3A_75 = arith.constant 0 : i32
      %dma_start3A_76 = tpu.memref_slice %arg7[%dma_start3A, %dma_start3A_70, %dma_start3A_75] : memref<4x2x80xi32, #tpu.memory_space<vmem>> -> memref<1x1x80xi32, #tpu.memory_space<vmem>>
      %dma_start3A_77 = tpu.memref_squeeze %dma_start3A_76 : memref<1x1x80xi32, #tpu.memory_space<vmem>> -> memref<80xi32, #tpu.memory_space<vmem>>
      %dma_start3A_78 = tpu.memref_slice %arg3[%mul3A_69] : memref<320000xi32, #tpu.memory_space<hbm>> -> memref<80xi32, #tpu.memory_space<hbm>>
      tpu.enqueue_dma source(%dma_start3A_78 : memref<80xi32, #tpu.memory_space<hbm>>) target(%dma_start3A_77 : memref<80xi32, #tpu.memory_space<vmem>>) target_semaphore(%arg10 : memref<!tpu.dma_semaphore, #tpu.memory_space<semaphore_mem>>)
      %dma_start3A_79 = arith.constant 0 : i32
      %dma_start3A_80 = arith.constant 1 : i32
      %dma_start3A_81 = arith.constant 0 : i32
      %dma_start3A_82 = tpu.memref_slice %arg7[%dma_start3A_79, %dma_start3A_80, %dma_start3A_81] : memref<4x2x80xi32, #tpu.memory_space<vmem>> -> memref<1x1x80xi32, #tpu.memory_space<vmem>>
      %dma_start3A_83 = tpu.memref_squeeze %dma_start3A_82 : memref<1x1x80xi32, #tpu.memory_space<vmem>> -> memref<80xi32, #tpu.memory_space<vmem>>
      %dma_start3A_84 = tpu.memref_slice %arg4[%mul3A_69] : memref<320000xi32, #tpu.memory_space<hbm>> -> memref<80xi32, #tpu.memory_space<hbm>>
      %dma_start3A_85 = arith.constant 0 : i32
      %dma_start3A_86 = tpu.memref_slice %arg7[%dma_start3A_79, %dma_start3A_80, %dma_start3A_85] : memref<4x2x80xi32, #tpu.memory_space<vmem>> -> memref<1x1x80xi32, #tpu.memory_space<vmem>>
      %dma_start3A_87 = tpu.memref_squeeze %dma_start3A_86 : memref<1x1x80xi32, #tpu.memory_space<vmem>> -> memref<80xi32, #tpu.memory_space<vmem>>
      %dma_start3A_88 = tpu.memref_slice %arg4[%mul3A_69] : memref<320000xi32, #tpu.memory_space<hbm>> -> memref<80xi32, #tpu.memory_space<hbm>>
      tpu.enqueue_dma source(%dma_start3A_88 : memref<80xi32, #tpu.memory_space<hbm>>) target(%dma_start3A_87 : memref<80xi32, #tpu.memory_space<vmem>>) target_semaphore(%arg10 : memref<!tpu.dma_semaphore, #tpu.memory_space<semaphore_mem>>)
      %add3A_89 = arith.constant 1 : i32
      %add3A_90 = arith.addi %add3A_65, %add3A_89 : i32
      %mul3A_91 = arith.constant 80 : i32
      %mul3A_92 = arith.muli %add3A_90, %mul3A_91 : i32
      %dma_start3A_93 = arith.constant 1 : i32
      %dma_start3A_94 = arith.constant 0 : i32
      %dma_start3A_95 = arith.constant 0 : i32
      %dma_start3A_96 = tpu.memref_slice %arg7[%dma_start3A_93, %dma_start3A_94, %dma_start3A_95] : memref<4x2x80xi32, #tpu.memory_space<vmem>> -> memref<1x1x80xi32, #tpu.memory_space<vmem>>
      %dma_start3A_97 = tpu.memref_squeeze %dma_start3A_96 : memref<1x1x80xi32, #tpu.memory_space<vmem>> -> memref<80xi32, #tpu.memory_space<vmem>>
      %dma_start3A_98 = tpu.memref_slice %arg3[%mul3A_92] : memref<320000xi32, #tpu.memory_space<hbm>> -> memref<80xi32, #tpu.memory_space<hbm>>
      %dma_start3A_99 = arith.constant 0 : i32
      %dma_start3A_100 = tpu.memref_slice %arg7[%dma_start3A_93, %dma_start3A_94, %dma_start3A_99] : memref<4x2x80xi32, #tpu.memory_space<vmem>> -> memref<1x1x80xi32, #tpu.memory_space<vmem>>
      %dma_start3A_101 = tpu.memref_squeeze %dma_start3A_100 : memref<1x1x80xi32, #tpu.memory_space<vmem>> -> memref<80xi32, #tpu.memory_space<vmem>>
      %dma_start3A_102 = tpu.memref_slice %arg3[%mul3A_92] : memref<320000xi32, #tpu.memory_space<hbm>> -> memref<80xi32, #tpu.memory_space<hbm>>
      tpu.enqueue_dma source(%dma_start3A_102 : memref<80xi32, #tpu.memory_space<hbm>>) target(%dma_start3A_101 : memref<80xi32, #tpu.memory_space<vmem>>) target_semaphore(%arg11 : memref<!tpu.dma_semaphore, #tpu.memory_space<semaphore_mem>>)
      %dma_start3A_103 = arith.constant 1 : i32
      %dma_start3A_104 = arith.constant 1 : i32
      %dma_start3A_105 = arith.constant 0 : i32
      %dma_start3A_106 = tpu.memref_slice %arg7[%dma_start3A_103, %dma_start3A_104, %dma_start3A_105] : memref<4x2x80xi32, #tpu.memory_space<vmem>> -> memref<1x1x80xi32, #tpu.memory_space<vmem>>
      %dma_start3A_107 = tpu.memref_squeeze %dma_start3A_106 : memref<1x1x80xi32, #tpu.memory_space<vmem>> -> memref<80xi32, #tpu.memory_space<vmem>>
      %dma_start3A_108 = tpu.memref_slice %arg4[%mul3A_92] : memref<320000xi32, #tpu.memory_space<hbm>> -> memref<80xi32, #tpu.memory_space<hbm>>
      %dma_start3A_109 = arith.constant 0 : i32
      %dma_start3A_110 = tpu.memref_slice %arg7[%dma_start3A_103, %dma_start3A_104, %dma_start3A_109] : memref<4x2x80xi32, #tpu.memory_space<vmem>> -> memref<1x1x80xi32, #tpu.memory_space<vmem>>
      %dma_start3A_111 = tpu.memref_squeeze %dma_start3A_110 : memref<1x1x80xi32, #tpu.memory_space<vmem>> -> memref<80xi32, #tpu.memory_space<vmem>>
      %dma_start3A_112 = tpu.memref_slice %arg4[%mul3A_92] : memref<320000xi32, #tpu.memory_space<hbm>> -> memref<80xi32, #tpu.memory_space<hbm>>
      tpu.enqueue_dma source(%dma_start3A_112 : memref<80xi32, #tpu.memory_space<hbm>>) target(%dma_start3A_111 : memref<80xi32, #tpu.memory_space<vmem>>) target_semaphore(%arg11 : memref<!tpu.dma_semaphore, #tpu.memory_space<semaphore_mem>>)
      %add3A_113 = arith.constant 2 : i32
      %add3A_114 = arith.addi %add3A_65, %add3A_113 : i32
      %mul3A_115 = arith.constant 80 : i32
      %mul3A_116 = arith.muli %add3A_114, %mul3A_115 : i32
      %dma_start3A_117 = arith.constant 2 : i32
      %dma_start3A_118 = arith.constant 0 : i32
      %dma_start3A_119 = arith.constant 0 : i32
      %dma_start3A_120 = tpu.memref_slice %arg7[%dma_start3A_117, %dma_start3A_118, %dma_start3A_119] : memref<4x2x80xi32, #tpu.memory_space<vmem>> -> memref<1x1x80xi32, #tpu.memory_space<vmem>>
      %dma_start3A_121 = tpu.memref_squeeze %dma_start3A_120 : memref<1x1x80xi32, #tpu.memory_space<vmem>> -> memref<80xi32, #tpu.memory_space<vmem>>
      %dma_start3A_122 = tpu.memref_slice %arg3[%mul3A_116] : memref<320000xi32, #tpu.memory_space<hbm>> -> memref<80xi32, #tpu.memory_space<hbm>>
      %dma_start3A_123 = arith.constant 0 : i32
      %dma_start3A_124 = tpu.memref_slice %arg7[%dma_start3A_117, %dma_start3A_118, %dma_start3A_123] : memref<4x2x80xi32, #tpu.memory_space<vmem>> -> memref<1x1x80xi32, #tpu.memory_space<vmem>>
      %dma_start3A_125 = tpu.memref_squeeze %dma_start3A_124 : memref<1x1x80xi32, #tpu.memory_space<vmem>> -> memref<80xi32, #tpu.memory_space<vmem>>
      %dma_start3A_126 = tpu.memref_slice %arg3[%mul3A_116] : memref<320000xi32, #tpu.memory_space<hbm>> -> memref<80xi32, #tpu.memory_space<hbm>>
      tpu.enqueue_dma source(%dma_start3A_126 : memref<80xi32, #tpu.memory_space<hbm>>) target(%dma_start3A_125 : memref<80xi32, #tpu.memory_space<vmem>>) target_semaphore(%arg12 : memref<!tpu.dma_semaphore, #tpu.memory_space<semaphore_mem>>)
      %dma_start3A_127 = arith.constant 2 : i32
      %dma_start3A_128 = arith.constant 1 : i32
      %dma_start3A_129 = arith.constant 0 : i32
      %dma_start3A_130 = tpu.memref_slice %arg7[%dma_start3A_127, %dma_start3A_128, %dma_start3A_129] : memref<4x2x80xi32, #tpu.memory_space<vmem>> -> memref<1x1x80xi32, #tpu.memory_space<vmem>>
      %dma_start3A_131 = tpu.memref_squeeze %dma_start3A_130 : memref<1x1x80xi32, #tpu.memory_space<vmem>> -> memref<80xi32, #tpu.memory_space<vmem>>
      %dma_start3A_132 = tpu.memref_slice %arg4[%mul3A_116] : memref<320000xi32, #tpu.memory_space<hbm>> -> memref<80xi32, #tpu.memory_space<hbm>>
      %dma_start3A_133 = arith.constant 0 : i32
      %dma_start3A_134 = tpu.memref_slice %arg7[%dma_start3A_127, %dma_start3A_128, %dma_start3A_133] : memref<4x2x80xi32, #tpu.memory_space<vmem>> -> memref<1x1x80xi32, #tpu.memory_space<vmem>>
      %dma_start3A_135 = tpu.memref_squeeze %dma_start3A_134 : memref<1x1x80xi32, #tpu.memory_space<vmem>> -> memref<80xi32, #tpu.memory_space<vmem>>
      %dma_start3A_136 = tpu.memref_slice %arg4[%mul3A_116] : memref<320000xi32, #tpu.memory_space<hbm>> -> memref<80xi32, #tpu.memory_space<hbm>>
      tpu.enqueue_dma source(%dma_start3A_136 : memref<80xi32, #tpu.memory_space<hbm>>) target(%dma_start3A_135 : memref<80xi32, #tpu.memory_space<vmem>>) target_semaphore(%arg12 : memref<!tpu.dma_semaphore, #tpu.memory_space<semaphore_mem>>)
      %add3A_137 = arith.constant 3 : i32
      %add3A_138 = arith.addi %add3A_65, %add3A_137 : i32
      %mul3A_139 = arith.constant 80 : i32
      %mul3A_140 = arith.muli %add3A_138, %mul3A_139 : i32
      %dma_start3A_141 = arith.constant 3 : i32
      %dma_start3A_142 = arith.constant 0 : i32
      %dma_start3A_143 = arith.constant 0 : i32
      %dma_start3A_144 = tpu.memref_slice %arg7[%dma_start3A_141, %dma_start3A_142, %dma_start3A_143] : memref<4x2x80xi32, #tpu.memory_space<vmem>> -> memref<1x1x80xi32, #tpu.memory_space<vmem>>
      %dma_start3A_145 = tpu.memref_squeeze %dma_start3A_144 : memref<1x1x80xi32, #tpu.memory_space<vmem>> -> memref<80xi32, #tpu.memory_space<vmem>>
      %dma_start3A_146 = tpu.memref_slice %arg3[%mul3A_140] : memref<320000xi32, #tpu.memory_space<hbm>> -> memref<80xi32, #tpu.memory_space<hbm>>
      %dma_start3A_147 = arith.constant 0 : i32
      %dma_start3A_148 = tpu.memref_slice %arg7[%dma_start3A_141, %dma_start3A_142, %dma_start3A_147] : memref<4x2x80xi32, #tpu.memory_space<vmem>> -> memref<1x1x80xi32, #tpu.memory_space<vmem>>
      %dma_start3A_149 = tpu.memref_squeeze %dma_start3A_148 : memref<1x1x80xi32, #tpu.memory_space<vmem>> -> memref<80xi32, #tpu.memory_space<vmem>>
      %dma_start3A_150 = tpu.memref_slice %arg3[%mul3A_140] : memref<320000xi32, #tpu.memory_space<hbm>> -> memref<80xi32, #tpu.memory_space<hbm>>
      tpu.enqueue_dma source(%dma_start3A_150 : memref<80xi32, #tpu.memory_space<hbm>>) target(%dma_start3A_149 : memref<80xi32, #tpu.memory_space<vmem>>) target_semaphore(%arg13 : memref<!tpu.dma_semaphore, #tpu.memory_space<semaphore_mem>>)
      %dma_start3A_151 = arith.constant 3 : i32
      %dma_start3A_152 = arith.constant 1 : i32
      %dma_start3A_153 = arith.constant 0 : i32
      %dma_start3A_154 = tpu.memref_slice %arg7[%dma_start3A_151, %dma_start3A_152, %dma_start3A_153] : memref<4x2x80xi32, #tpu.memory_space<vmem>> -> memref<1x1x80xi32, #tpu.memory_space<vmem>>
      %dma_start3A_155 = tpu.memref_squeeze %dma_start3A_154 : memref<1x1x80xi32, #tpu.memory_space<vmem>> -> memref<80xi32, #tpu.memory_space<vmem>>
      %dma_start3A_156 = tpu.memref_slice %arg4[%mul3A_140] : memref<320000xi32, #tpu.memory_space<hbm>> -> memref<80xi32, #tpu.memory_space<hbm>>
      %dma_start3A_157 = arith.constant 0 : i32
      %dma_start3A_158 = tpu.memref_slice %arg7[%dma_start3A_151, %dma_start3A_152, %dma_start3A_157] : memref<4x2x80xi32, #tpu.memory_space<vmem>> -> memref<1x1x80xi32, #tpu.memory_space<vmem>>
      %dma_start3A_159 = tpu.memref_squeeze %dma_start3A_158 : memref<1x1x80xi32, #tpu.memory_space<vmem>> -> memref<80xi32, #tpu.memory_space<vmem>>
      %dma_start3A_160 = tpu.memref_slice %arg4[%mul3A_140] : memref<320000xi32, #tpu.memory_space<hbm>> -> memref<80xi32, #tpu.memory_space<hbm>>
      tpu.enqueue_dma source(%dma_start3A_160 : memref<80xi32, #tpu.memory_space<hbm>>) target(%dma_start3A_159 : memref<80xi32, #tpu.memory_space<vmem>>) target_semaphore(%arg13 : memref<!tpu.dma_semaphore, #tpu.memory_space<semaphore_mem>>)
      %add3A_161 = arith.constant 0 : i32
      %add3A_162 = arith.addi %add3A_65, %add3A_161 : i32
      %mul3A_163 = arith.constant 80 : i32
      %mul3A_164 = arith.muli %add3A_162, %mul3A_163 : i32
      %dma_wait3A = arith.constant 0 : i32
      %dma_wait3A_165 = arith.constant 0 : i32
      %dma_wait3A_166 = arith.constant 0 : i32
      %dma_wait3A_167 = tpu.memref_slice %arg7[%dma_wait3A, %dma_wait3A_165, %dma_wait3A_166] : memref<4x2x80xi32, #tpu.memory_space<vmem>> -> memref<1x1x80xi32, #tpu.memory_space<vmem>>
      %dma_wait3A_168 = tpu.memref_squeeze %dma_wait3A_167 : memref<1x1x80xi32, #tpu.memory_space<vmem>> -> memref<80xi32, #tpu.memory_space<vmem>>
      %dma_wait3A_169 = tpu.memref_slice %arg3[%mul3A_164] : memref<320000xi32, #tpu.memory_space<hbm>> -> memref<80xi32, #tpu.memory_space<hbm>>
      %dma_wait3A_170 = arith.constant 0 : i32
      %dma_wait3A_171 = tpu.memref_slice %arg7[%dma_wait3A, %dma_wait3A_165, %dma_wait3A_170] : memref<4x2x80xi32, #tpu.memory_space<vmem>> -> memref<1x1x80xi32, #tpu.memory_space<vmem>>
      %dma_wait3A_172 = tpu.memref_squeeze %dma_wait3A_171 : memref<1x1x80xi32, #tpu.memory_space<vmem>> -> memref<80xi32, #tpu.memory_space<vmem>>
      %dma_wait3A_173 = tpu.memref_slice %arg3[%mul3A_164] : memref<320000xi32, #tpu.memory_space<hbm>> -> memref<80xi32, #tpu.memory_space<hbm>>
      tpu.wait_dma2 semaphore(%arg10 : memref<!tpu.dma_semaphore, #tpu.memory_space<semaphore_mem>>) src(%dma_wait3A_173 : memref<80xi32, #tpu.memory_space<hbm>>) dst(%dma_wait3A_172 : memref<80xi32, #tpu.memory_space<vmem>>)
      %dma_wait3A_174 = arith.constant 0 : i32
      %dma_wait3A_175 = arith.constant 1 : i32
      %dma_wait3A_176 = arith.constant 0 : i32
      %dma_wait3A_177 = tpu.memref_slice %arg7[%dma_wait3A_174, %dma_wait3A_175, %dma_wait3A_176] : memref<4x2x80xi32, #tpu.memory_space<vmem>> -> memref<1x1x80xi32, #tpu.memory_space<vmem>>
      %dma_wait3A_178 = tpu.memref_squeeze %dma_wait3A_177 : memref<1x1x80xi32, #tpu.memory_space<vmem>> -> memref<80xi32, #tpu.memory_space<vmem>>
      %dma_wait3A_179 = tpu.memref_slice %arg4[%mul3A_164] : memref<320000xi32, #tpu.memory_space<hbm>> -> memref<80xi32, #tpu.memory_space<hbm>>
      %dma_wait3A_180 = arith.constant 0 : i32
      %dma_wait3A_181 = tpu.memref_slice %arg7[%dma_wait3A_174, %dma_wait3A_175, %dma_wait3A_180] : memref<4x2x80xi32, #tpu.memory_space<vmem>> -> memref<1x1x80xi32, #tpu.memory_space<vmem>>
      %dma_wait3A_182 = tpu.memref_squeeze %dma_wait3A_181 : memref<1x1x80xi32, #tpu.memory_space<vmem>> -> memref<80xi32, #tpu.memory_space<vmem>>
      %dma_wait3A_183 = tpu.memref_slice %arg4[%mul3A_164] : memref<320000xi32, #tpu.memory_space<hbm>> -> memref<80xi32, #tpu.memory_space<hbm>>
      tpu.wait_dma2 semaphore(%arg10 : memref<!tpu.dma_semaphore, #tpu.memory_space<semaphore_mem>>) src(%dma_wait3A_183 : memref<80xi32, #tpu.memory_space<hbm>>) dst(%dma_wait3A_182 : memref<80xi32, #tpu.memory_space<vmem>>)
      %dma_start3A_184 = arith.constant 0 : i32
      %dma_start3A_185 = arith.constant 0 : i32
      %dma_start3A_186 = arith.constant 0 : i32
      %dma_start3A_187 = arith.constant 0 : i32
      %dma_start3A_188 = arith.constant 0 : i32
      %dma_start3A_189 = tpu.memref_slice %arg8[%dma_start3A_186, %dma_start3A_187, %dma_start3A_188] : memref<4x80x128xf32, #tpu.memory_space<vmem>> -> memref<1x80x128xf32, #tpu.memory_space<vmem>>
      %dma_start3A_190 = tpu.memref_squeeze %dma_start3A_189 : memref<1x80x128xf32, #tpu.memory_space<vmem>> -> memref<80x128xf32, #tpu.memory_space<vmem>>
      %dma_start3A_191 = arith.constant 0 : i32
      %dma_start3A_192 = tpu.memref_slice %arg7[%dma_start3A_184, %dma_start3A_185, %dma_start3A_191] : memref<4x2x80xi32, #tpu.memory_space<vmem>> -> memref<1x1x80xi32, #tpu.memory_space<vmem>>
      %dma_start3A_193 = tpu.memref_squeeze %dma_start3A_192 : memref<1x1x80xi32, #tpu.memory_space<vmem>> -> memref<80xi32, #tpu.memory_space<vmem>>
      %dma_start3A_194 = arith.constant 0 : i32
      %dma_start3A_195 = arith.constant 0 : i32
      %dma_start3A_196 = tpu.memref_slice %arg2[%dma_start3A_194, %dma_start3A_195] : memref<10000x128xf32, #tpu.memory_space<hbm>> -> memref<10000x128xf32, #tpu.memory_space<hbm>>
      tpu.enqueue_indirect_dma source(%dma_start3A_196 : memref<10000x128xf32, #tpu.memory_space<hbm>>) target(%dma_start3A_190 : memref<80x128xf32, #tpu.memory_space<vmem>>) offsets(%dma_start3A_193 : memref<80xi32, #tpu.memory_space<vmem>>) semaphore(%arg14 : memref<!tpu.dma_semaphore, #tpu.memory_space<semaphore_mem>>)
      %add3A_197 = arith.constant 1 : i32
      %add3A_198 = arith.addi %add3A_65, %add3A_197 : i32
      %mul3A_199 = arith.constant 80 : i32
      %mul3A_200 = arith.muli %add3A_198, %mul3A_199 : i32
      %dma_wait3A_201 = arith.constant 1 : i32
      %dma_wait3A_202 = arith.constant 0 : i32
      %dma_wait3A_203 = arith.constant 0 : i32
      %dma_wait3A_204 = tpu.memref_slice %arg7[%dma_wait3A_201, %dma_wait3A_202, %dma_wait3A_203] : memref<4x2x80xi32, #tpu.memory_space<vmem>> -> memref<1x1x80xi32, #tpu.memory_space<vmem>>
      %dma_wait3A_205 = tpu.memref_squeeze %dma_wait3A_204 : memref<1x1x80xi32, #tpu.memory_space<vmem>> -> memref<80xi32, #tpu.memory_space<vmem>>
      %dma_wait3A_206 = tpu.memref_slice %arg3[%mul3A_200] : memref<320000xi32, #tpu.memory_space<hbm>> -> memref<80xi32, #tpu.memory_space<hbm>>
      %dma_wait3A_207 = arith.constant 0 : i32
      %dma_wait3A_208 = tpu.memref_slice %arg7[%dma_wait3A_201, %dma_wait3A_202, %dma_wait3A_207] : memref<4x2x80xi32, #tpu.memory_space<vmem>> -> memref<1x1x80xi32, #tpu.memory_space<vmem>>
      %dma_wait3A_209 = tpu.memref_squeeze %dma_wait3A_208 : memref<1x1x80xi32, #tpu.memory_space<vmem>> -> memref<80xi32, #tpu.memory_space<vmem>>
      %dma_wait3A_210 = tpu.memref_slice %arg3[%mul3A_200] : memref<320000xi32, #tpu.memory_space<hbm>> -> memref<80xi32, #tpu.memory_space<hbm>>
      tpu.wait_dma2 semaphore(%arg11 : memref<!tpu.dma_semaphore, #tpu.memory_space<semaphore_mem>>) src(%dma_wait3A_210 : memref<80xi32, #tpu.memory_space<hbm>>) dst(%dma_wait3A_209 : memref<80xi32, #tpu.memory_space<vmem>>)
      %dma_wait3A_211 = arith.constant 1 : i32
      %dma_wait3A_212 = arith.constant 1 : i32
      %dma_wait3A_213 = arith.constant 0 : i32
      %dma_wait3A_214 = tpu.memref_slice %arg7[%dma_wait3A_211, %dma_wait3A_212, %dma_wait3A_213] : memref<4x2x80xi32, #tpu.memory_space<vmem>> -> memref<1x1x80xi32, #tpu.memory_space<vmem>>
      %dma_wait3A_215 = tpu.memref_squeeze %dma_wait3A_214 : memref<1x1x80xi32, #tpu.memory_space<vmem>> -> memref<80xi32, #tpu.memory_space<vmem>>
      %dma_wait3A_216 = tpu.memref_slice %arg4[%mul3A_200] : memref<320000xi32, #tpu.memory_space<hbm>> -> memref<80xi32, #tpu.memory_space<hbm>>
      %dma_wait3A_217 = arith.constant 0 : i32
      %dma_wait3A_218 = tpu.memref_slice %arg7[%dma_wait3A_211, %dma_wait3A_212, %dma_wait3A_217] : memref<4x2x80xi32, #tpu.memory_space<vmem>> -> memref<1x1x80xi32, #tpu.memory_space<vmem>>
      %dma_wait3A_219 = tpu.memref_squeeze %dma_wait3A_218 : memref<1x1x80xi32, #tpu.memory_space<vmem>> -> memref<80xi32, #tpu.memory_space<vmem>>
      %dma_wait3A_220 = tpu.memref_slice %arg4[%mul3A_200] : memref<320000xi32, #tpu.memory_space<hbm>> -> memref<80xi32, #tpu.memory_space<hbm>>
      tpu.wait_dma2 semaphore(%arg11 : memref<!tpu.dma_semaphore, #tpu.memory_space<semaphore_mem>>) src(%dma_wait3A_220 : memref<80xi32, #tpu.memory_space<hbm>>) dst(%dma_wait3A_219 : memref<80xi32, #tpu.memory_space<vmem>>)
      %dma_start3A_221 = arith.constant 1 : i32
      %dma_start3A_222 = arith.constant 0 : i32
      %dma_start3A_223 = arith.constant 1 : i32
      %dma_start3A_224 = arith.constant 0 : i32
      %dma_start3A_225 = arith.constant 0 : i32
      %dma_start3A_226 = tpu.memref_slice %arg8[%dma_start3A_223, %dma_start3A_224, %dma_start3A_225] : memref<4x80x128xf32, #tpu.memory_space<vmem>> -> memref<1x80x128xf32, #tpu.memory_space<vmem>>
      %dma_start3A_227 = tpu.memref_squeeze %dma_start3A_226 : memref<1x80x128xf32, #tpu.memory_space<vmem>> -> memref<80x128xf32, #tpu.memory_space<vmem>>
      %dma_start3A_228 = arith.constant 0 : i32
      %dma_start3A_229 = tpu.memref_slice %arg7[%dma_start3A_221, %dma_start3A_222, %dma_start3A_228] : memref<4x2x80xi32, #tpu.memory_space<vmem>> -> memref<1x1x80xi32, #tpu.memory_space<vmem>>
      %dma_start3A_230 = tpu.memref_squeeze %dma_start3A_229 : memref<1x1x80xi32, #tpu.memory_space<vmem>> -> memref<80xi32, #tpu.memory_space<vmem>>
      %dma_start3A_231 = arith.constant 0 : i32
      %dma_start3A_232 = arith.constant 0 : i32
      %dma_start3A_233 = tpu.memref_slice %arg2[%dma_start3A_231, %dma_start3A_232] : memref<10000x128xf32, #tpu.memory_space<hbm>> -> memref<10000x128xf32, #tpu.memory_space<hbm>>
      tpu.enqueue_indirect_dma source(%dma_start3A_233 : memref<10000x128xf32, #tpu.memory_space<hbm>>) target(%dma_start3A_227 : memref<80x128xf32, #tpu.memory_space<vmem>>) offsets(%dma_start3A_230 : memref<80xi32, #tpu.memory_space<vmem>>) semaphore(%arg15 : memref<!tpu.dma_semaphore, #tpu.memory_space<semaphore_mem>>)
      %add3A_234 = arith.constant 2 : i32
      %add3A_235 = arith.addi %add3A_65, %add3A_234 : i32
      %mul3A_236 = arith.constant 80 : i32
      %mul3A_237 = arith.muli %add3A_235, %mul3A_236 : i32
      %dma_wait3A_238 = arith.constant 2 : i32
      %dma_wait3A_239 = arith.constant 0 : i32
      %dma_wait3A_240 = arith.constant 0 : i32
      %dma_wait3A_241 = tpu.memref_slice %arg7[%dma_wait3A_238, %dma_wait3A_239, %dma_wait3A_240] : memref<4x2x80xi32, #tpu.memory_space<vmem>> -> memref<1x1x80xi32, #tpu.memory_space<vmem>>
      %dma_wait3A_242 = tpu.memref_squeeze %dma_wait3A_241 : memref<1x1x80xi32, #tpu.memory_space<vmem>> -> memref<80xi32, #tpu.memory_space<vmem>>
      %dma_wait3A_243 = tpu.memref_slice %arg3[%mul3A_237] : memref<320000xi32, #tpu.memory_space<hbm>> -> memref<80xi32, #tpu.memory_space<hbm>>
      %dma_wait3A_244 = arith.constant 0 : i32
      %dma_wait3A_245 = tpu.memref_slice %arg7[%dma_wait3A_238, %dma_wait3A_239, %dma_wait3A_244] : memref<4x2x80xi32, #tpu.memory_space<vmem>> -> memref<1x1x80xi32, #tpu.memory_space<vmem>>
      %dma_wait3A_246 = tpu.memref_squeeze %dma_wait3A_245 : memref<1x1x80xi32, #tpu.memory_space<vmem>> -> memref<80xi32, #tpu.memory_space<vmem>>
      %dma_wait3A_247 = tpu.memref_slice %arg3[%mul3A_237] : memref<320000xi32, #tpu.memory_space<hbm>> -> memref<80xi32, #tpu.memory_space<hbm>>
      tpu.wait_dma2 semaphore(%arg12 : memref<!tpu.dma_semaphore, #tpu.memory_space<semaphore_mem>>) src(%dma_wait3A_247 : memref<80xi32, #tpu.memory_space<hbm>>) dst(%dma_wait3A_246 : memref<80xi32, #tpu.memory_space<vmem>>)
      %dma_wait3A_248 = arith.constant 2 : i32
      %dma_wait3A_249 = arith.constant 1 : i32
      %dma_wait3A_250 = arith.constant 0 : i32
      %dma_wait3A_251 = tpu.memref_slice %arg7[%dma_wait3A_248, %dma_wait3A_249, %dma_wait3A_250] : memref<4x2x80xi32, #tpu.memory_space<vmem>> -> memref<1x1x80xi32, #tpu.memory_space<vmem>>
      %dma_wait3A_252 = tpu.memref_squeeze %dma_wait3A_251 : memref<1x1x80xi32, #tpu.memory_space<vmem>> -> memref<80xi32, #tpu.memory_space<vmem>>
      %dma_wait3A_253 = tpu.memref_slice %arg4[%mul3A_237] : memref<320000xi32, #tpu.memory_space<hbm>> -> memref<80xi32, #tpu.memory_space<hbm>>
      %dma_wait3A_254 = arith.constant 0 : i32
      %dma_wait3A_255 = tpu.memref_slice %arg7[%dma_wait3A_248, %dma_wait3A_249, %dma_wait3A_254] : memref<4x2x80xi32, #tpu.memory_space<vmem>> -> memref<1x1x80xi32, #tpu.memory_space<vmem>>
      %dma_wait3A_256 = tpu.memref_squeeze %dma_wait3A_255 : memref<1x1x80xi32, #tpu.memory_space<vmem>> -> memref<80xi32, #tpu.memory_space<vmem>>
      %dma_wait3A_257 = tpu.memref_slice %arg4[%mul3A_237] : memref<320000xi32, #tpu.memory_space<hbm>> -> memref<80xi32, #tpu.memory_space<hbm>>
      tpu.wait_dma2 semaphore(%arg12 : memref<!tpu.dma_semaphore, #tpu.memory_space<semaphore_mem>>) src(%dma_wait3A_257 : memref<80xi32, #tpu.memory_space<hbm>>) dst(%dma_wait3A_256 : memref<80xi32, #tpu.memory_space<vmem>>)
      %dma_start3A_258 = arith.constant 2 : i32
      %dma_start3A_259 = arith.constant 0 : i32
      %dma_start3A_260 = arith.constant 2 : i32
      %dma_start3A_261 = arith.constant 0 : i32
      %dma_start3A_262 = arith.constant 0 : i32
      %dma_start3A_263 = tpu.memref_slice %arg8[%dma_start3A_260, %dma_start3A_261, %dma_start3A_262] : memref<4x80x128xf32, #tpu.memory_space<vmem>> -> memref<1x80x128xf32, #tpu.memory_space<vmem>>
      %dma_start3A_264 = tpu.memref_squeeze %dma_start3A_263 : memref<1x80x128xf32, #tpu.memory_space<vmem>> -> memref<80x128xf32, #tpu.memory_space<vmem>>
      %dma_start3A_265 = arith.constant 0 : i32
      %dma_start3A_266 = tpu.memref_slice %arg7[%dma_start3A_258, %dma_start3A_259, %dma_start3A_265] : memref<4x2x80xi32, #tpu.memory_space<vmem>> -> memref<1x1x80xi32, #tpu.memory_space<vmem>>
      %dma_start3A_267 = tpu.memref_squeeze %dma_start3A_266 : memref<1x1x80xi32, #tpu.memory_space<vmem>> -> memref<80xi32, #tpu.memory_space<vmem>>
      %dma_start3A_268 = arith.constant 0 : i32
      %dma_start3A_269 = arith.constant 0 : i32
      %dma_start3A_270 = tpu.memref_slice %arg2[%dma_start3A_268, %dma_start3A_269] : memref<10000x128xf32, #tpu.memory_space<hbm>> -> memref<10000x128xf32, #tpu.memory_space<hbm>>
      tpu.enqueue_indirect_dma source(%dma_start3A_270 : memref<10000x128xf32, #tpu.memory_space<hbm>>) target(%dma_start3A_264 : memref<80x128xf32, #tpu.memory_space<vmem>>) offsets(%dma_start3A_267 : memref<80xi32, #tpu.memory_space<vmem>>) semaphore(%arg16 : memref<!tpu.dma_semaphore, #tpu.memory_space<semaphore_mem>>)
      %add3A_271 = arith.constant 3 : i32
      %add3A_272 = arith.addi %add3A_65, %add3A_271 : i32
      %mul3A_273 = arith.constant 80 : i32
      %mul3A_274 = arith.muli %add3A_272, %mul3A_273 : i32
      %dma_wait3A_275 = arith.constant 3 : i32
      %dma_wait3A_276 = arith.constant 0 : i32
      %dma_wait3A_277 = arith.constant 0 : i32
      %dma_wait3A_278 = tpu.memref_slice %arg7[%dma_wait3A_275, %dma_wait3A_276, %dma_wait3A_277] : memref<4x2x80xi32, #tpu.memory_space<vmem>> -> memref<1x1x80xi32, #tpu.memory_space<vmem>>
      %dma_wait3A_279 = tpu.memref_squeeze %dma_wait3A_278 : memref<1x1x80xi32, #tpu.memory_space<vmem>> -> memref<80xi32, #tpu.memory_space<vmem>>
      %dma_wait3A_280 = tpu.memref_slice %arg3[%mul3A_274] : memref<320000xi32, #tpu.memory_space<hbm>> -> memref<80xi32, #tpu.memory_space<hbm>>
      %dma_wait3A_281 = arith.constant 0 : i32
      %dma_wait3A_282 = tpu.memref_slice %arg7[%dma_wait3A_275, %dma_wait3A_276, %dma_wait3A_281] : memref<4x2x80xi32, #tpu.memory_space<vmem>> -> memref<1x1x80xi32, #tpu.memory_space<vmem>>
      %dma_wait3A_283 = tpu.memref_squeeze %dma_wait3A_282 : memref<1x1x80xi32, #tpu.memory_space<vmem>> -> memref<80xi32, #tpu.memory_space<vmem>>
      %dma_wait3A_284 = tpu.memref_slice %arg3[%mul3A_274] : memref<320000xi32, #tpu.memory_space<hbm>> -> memref<80xi32, #tpu.memory_space<hbm>>
      tpu.wait_dma2 semaphore(%arg13 : memref<!tpu.dma_semaphore, #tpu.memory_space<semaphore_mem>>) src(%dma_wait3A_284 : memref<80xi32, #tpu.memory_space<hbm>>) dst(%dma_wait3A_283 : memref<80xi32, #tpu.memory_space<vmem>>)
      %dma_wait3A_285 = arith.constant 3 : i32
      %dma_wait3A_286 = arith.constant 1 : i32
      %dma_wait3A_287 = arith.constant 0 : i32
      %dma_wait3A_288 = tpu.memref_slice %arg7[%dma_wait3A_285, %dma_wait3A_286, %dma_wait3A_287] : memref<4x2x80xi32, #tpu.memory_space<vmem>> -> memref<1x1x80xi32, #tpu.memory_space<vmem>>
      %dma_wait3A_289 = tpu.memref_squeeze %dma_wait3A_288 : memref<1x1x80xi32, #tpu.memory_space<vmem>> -> memref<80xi32, #tpu.memory_space<vmem>>
      %dma_wait3A_290 = tpu.memref_slice %arg4[%mul3A_274] : memref<320000xi32, #tpu.memory_space<hbm>> -> memref<80xi32, #tpu.memory_space<hbm>>
      %dma_wait3A_291 = arith.constant 0 : i32
      %dma_wait3A_292 = tpu.memref_slice %arg7[%dma_wait3A_285, %dma_wait3A_286, %dma_wait3A_291] : memref<4x2x80xi32, #tpu.memory_space<vmem>> -> memref<1x1x80xi32, #tpu.memory_space<vmem>>
      %dma_wait3A_293 = tpu.memref_squeeze %dma_wait3A_292 : memref<1x1x80xi32, #tpu.memory_space<vmem>> -> memref<80xi32, #tpu.memory_space<vmem>>
      %dma_wait3A_294 = tpu.memref_slice %arg4[%mul3A_274] : memref<320000xi32, #tpu.memory_space<hbm>> -> memref<80xi32, #tpu.memory_space<hbm>>
      tpu.wait_dma2 semaphore(%arg13 : memref<!tpu.dma_semaphore, #tpu.memory_space<semaphore_mem>>) src(%dma_wait3A_294 : memref<80xi32, #tpu.memory_space<hbm>>) dst(%dma_wait3A_293 : memref<80xi32, #tpu.memory_space<vmem>>)
      %dma_start3A_295 = arith.constant 3 : i32
      %dma_start3A_296 = arith.constant 0 : i32
      %dma_start3A_297 = arith.constant 3 : i32
      %dma_start3A_298 = arith.constant 0 : i32
      %dma_start3A_299 = arith.constant 0 : i32
      %dma_start3A_300 = tpu.memref_slice %arg8[%dma_start3A_297, %dma_start3A_298, %dma_start3A_299] : memref<4x80x128xf32, #tpu.memory_space<vmem>> -> memref<1x80x128xf32, #tpu.memory_space<vmem>>
      %dma_start3A_301 = tpu.memref_squeeze %dma_start3A_300 : memref<1x80x128xf32, #tpu.memory_space<vmem>> -> memref<80x128xf32, #tpu.memory_space<vmem>>
      %dma_start3A_302 = arith.constant 0 : i32
      %dma_start3A_303 = tpu.memref_slice %arg7[%dma_start3A_295, %dma_start3A_296, %dma_start3A_302] : memref<4x2x80xi32, #tpu.memory_space<vmem>> -> memref<1x1x80xi32, #tpu.memory_space<vmem>>
      %dma_start3A_304 = tpu.memref_squeeze %dma_start3A_303 : memref<1x1x80xi32, #tpu.memory_space<vmem>> -> memref<80xi32, #tpu.memory_space<vmem>>
      %dma_start3A_305 = arith.constant 0 : i32
      %dma_start3A_306 = arith.constant 0 : i32
      %dma_start3A_307 = tpu.memref_slice %arg2[%dma_start3A_305, %dma_start3A_306] : memref<10000x128xf32, #tpu.memory_space<hbm>> -> memref<10000x128xf32, #tpu.memory_space<hbm>>
      tpu.enqueue_indirect_dma source(%dma_start3A_307 : memref<10000x128xf32, #tpu.memory_space<hbm>>) target(%dma_start3A_301 : memref<80x128xf32, #tpu.memory_space<vmem>>) offsets(%dma_start3A_304 : memref<80xi32, #tpu.memory_space<vmem>>) semaphore(%arg17 : memref<!tpu.dma_semaphore, #tpu.memory_space<semaphore_mem>>)
      %scan3A_308 = arith.constant 0 : i32
      %scan3A_309 = arith.constant 0 : i32
      %scan3A_310 = arith.constant 12 : i32
      %scan3A_311 = arith.addi %scan3A_309, %scan3A_310 : i32
      %scan3A_312 = arith.constant 1 : i32
      scf.for %scan3A_670 = %scan3A_309 to %scan3A_311 step %scan3A_312  : i32 {
        %dma_wait3A_671 = arith.constant 0 : i32
        %dma_wait3A_672 = arith.constant 0 : i32
        %dma_wait3A_673 = arith.constant 0 : i32
        %dma_wait3A_674 = arith.constant 0 : i32
        %dma_wait3A_675 = arith.constant 0 : i32
        %dma_wait3A_676 = tpu.memref_slice %arg8[%dma_wait3A_673, %dma_wait3A_674, %dma_wait3A_675] : memref<4x80x128xf32, #tpu.memory_space<vmem>> -> memref<1x80x128xf32, #tpu.memory_space<vmem>>
        %dma_wait3A_677 = tpu.memref_squeeze %dma_wait3A_676 : memref<1x80x128xf32, #tpu.memory_space<vmem>> -> memref<80x128xf32, #tpu.memory_space<vmem>>
        %dma_wait3A_678 = arith.constant 0 : i32
        %dma_wait3A_679 = tpu.memref_slice %arg7[%dma_wait3A_671, %dma_wait3A_672, %dma_wait3A_678] : memref<4x2x80xi32, #tpu.memory_space<vmem>> -> memref<1x1x80xi32, #tpu.memory_space<vmem>>
        %dma_wait3A_680 = tpu.memref_squeeze %dma_wait3A_679 : memref<1x1x80xi32, #tpu.memory_space<vmem>> -> memref<80xi32, #tpu.memory_space<vmem>>
        %dma_wait3A_681 = arith.constant 0 : i32
        %dma_wait3A_682 = arith.constant 0 : i32
        %dma_wait3A_683 = tpu.memref_slice %arg2[%dma_wait3A_681, %dma_wait3A_682] : memref<10000x128xf32, #tpu.memory_space<hbm>> -> memref<10000x128xf32, #tpu.memory_space<hbm>>
        tpu.wait_indirect_dma semaphore(%arg14 : memref<!tpu.dma_semaphore, #tpu.memory_space<semaphore_mem>>) src(%dma_wait3A_683 : memref<10000x128xf32, #tpu.memory_space<hbm>>) dst(%dma_wait3A_677 : memref<80x128xf32, #tpu.memory_space<vmem>>)
        %dma_start3A_684 = arith.constant 0 : i32
        %dma_start3A_685 = arith.constant 0 : i32
        %dma_start3A_686 = arith.constant 1 : i32
        %dma_start3A_687 = arith.constant 0 : i32
        %dma_start3A_688 = arith.constant 0 : i32
        %dma_start3A_689 = tpu.memref_slice %arg8[%dma_start3A_684, %dma_start3A_687, %dma_start3A_688] : memref<4x80x128xf32, #tpu.memory_space<vmem>> -> memref<1x80x128xf32, #tpu.memory_space<vmem>>
        %dma_start3A_690 = tpu.memref_squeeze %dma_start3A_689 : memref<1x80x128xf32, #tpu.memory_space<vmem>> -> memref<80x128xf32, #tpu.memory_space<vmem>>
        %dma_start3A_691 = arith.constant 0 : i32
        %dma_start3A_692 = tpu.memref_slice %arg7[%dma_start3A_685, %dma_start3A_686, %dma_start3A_691] : memref<4x2x80xi32, #tpu.memory_space<vmem>> -> memref<1x1x80xi32, #tpu.memory_space<vmem>>
        %dma_start3A_693 = tpu.memref_squeeze %dma_start3A_692 : memref<1x1x80xi32, #tpu.memory_space<vmem>> -> memref<80xi32, #tpu.memory_space<vmem>>
        %dma_start3A_694 = arith.constant 0 : i32
        %dma_start3A_695 = arith.constant 0 : i32
        %dma_start3A_696 = tpu.memref_slice %arg9[%dma_start3A_694, %dma_start3A_695] : memref<10240x128xf32, #tpu.memory_space<vmem_shared>> -> memref<10240x128xf32, #tpu.memory_space<vmem_shared>>
        tpu.enqueue_indirect_dma source(%dma_start3A_690 : memref<80x128xf32, #tpu.memory_space<vmem>>) target(%dma_start3A_696 : memref<10240x128xf32, #tpu.memory_space<vmem_shared>>) offsets(%dma_start3A_693 : memref<80xi32, #tpu.memory_space<vmem>>) semaphore(%arg18 : memref<!tpu.dma_semaphore, #tpu.memory_space<semaphore_mem>>) {add = true}
        %dma_wait3A_697 = arith.constant 1 : i32
        %dma_wait3A_698 = arith.constant 0 : i32
        %dma_wait3A_699 = arith.constant 1 : i32
        %dma_wait3A_700 = arith.constant 0 : i32
        %dma_wait3A_701 = arith.constant 0 : i32
        %dma_wait3A_702 = tpu.memref_slice %arg8[%dma_wait3A_699, %dma_wait3A_700, %dma_wait3A_701] : memref<4x80x128xf32, #tpu.memory_space<vmem>> -> memref<1x80x128xf32, #tpu.memory_space<vmem>>
        %dma_wait3A_703 = tpu.memref_squeeze %dma_wait3A_702 : memref<1x80x128xf32, #tpu.memory_space<vmem>> -> memref<80x128xf32, #tpu.memory_space<vmem>>
        %dma_wait3A_704 = arith.constant 0 : i32
        %dma_wait3A_705 = tpu.memref_slice %arg7[%dma_wait3A_697, %dma_wait3A_698, %dma_wait3A_704] : memref<4x2x80xi32, #tpu.memory_space<vmem>> -> memref<1x1x80xi32, #tpu.memory_space<vmem>>
        %dma_wait3A_706 = tpu.memref_squeeze %dma_wait3A_705 : memref<1x1x80xi32, #tpu.memory_space<vmem>> -> memref<80xi32, #tpu.memory_space<vmem>>
        %dma_wait3A_707 = arith.constant 0 : i32
        %dma_wait3A_708 = arith.constant 0 : i32
        %dma_wait3A_709 = tpu.memref_slice %arg2[%dma_wait3A_707, %dma_wait3A_708] : memref<10000x128xf32, #tpu.memory_space<hbm>> -> memref<10000x128xf32, #tpu.memory_space<hbm>>
        tpu.wait_indirect_dma semaphore(%arg15 : memref<!tpu.dma_semaphore, #tpu.memory_space<semaphore_mem>>) src(%dma_wait3A_709 : memref<10000x128xf32, #tpu.memory_space<hbm>>) dst(%dma_wait3A_703 : memref<80x128xf32, #tpu.memory_space<vmem>>)
        %dma_wait3A_710 = arith.constant 0 : i32
        %dma_wait3A_711 = arith.constant 0 : i32
        %dma_wait3A_712 = arith.constant 1 : i32
        %dma_wait3A_713 = arith.constant 0 : i32
        %dma_wait3A_714 = arith.constant 0 : i32
        %dma_wait3A_715 = tpu.memref_slice %arg8[%dma_wait3A_710, %dma_wait3A_713, %dma_wait3A_714] : memref<4x80x128xf32, #tpu.memory_space<vmem>> -> memref<1x80x128xf32, #tpu.memory_space<vmem>>
        %dma_wait3A_716 = tpu.memref_squeeze %dma_wait3A_715 : memref<1x80x128xf32, #tpu.memory_space<vmem>> -> memref<80x128xf32, #tpu.memory_space<vmem>>
        %dma_wait3A_717 = arith.constant 0 : i32
        %dma_wait3A_718 = tpu.memref_slice %arg7[%dma_wait3A_711, %dma_wait3A_712, %dma_wait3A_717] : memref<4x2x80xi32, #tpu.memory_space<vmem>> -> memref<1x1x80xi32, #tpu.memory_space<vmem>>
        %dma_wait3A_719 = tpu.memref_squeeze %dma_wait3A_718 : memref<1x1x80xi32, #tpu.memory_space<vmem>> -> memref<80xi32, #tpu.memory_space<vmem>>
        %dma_wait3A_720 = arith.constant 0 : i32
        %dma_wait3A_721 = arith.constant 0 : i32
        %dma_wait3A_722 = tpu.memref_slice %arg9[%dma_wait3A_720, %dma_wait3A_721] : memref<10240x128xf32, #tpu.memory_space<vmem_shared>> -> memref<10240x128xf32, #tpu.memory_space<vmem_shared>>
        tpu.wait_indirect_dma semaphore(%arg18 : memref<!tpu.dma_semaphore, #tpu.memory_space<semaphore_mem>>) src(%dma_wait3A_716 : memref<80x128xf32, #tpu.memory_space<vmem>>) dst(%dma_wait3A_722 : memref<10240x128xf32, #tpu.memory_space<vmem_shared>>)
        %add3A_723 = arith.constant 1 : i32
        %add3A_724 = arith.addi %scan3A_670, %add3A_723 : i32
        %mul3A_725 = arith.constant 4 : i32
        %mul3A_726 = arith.muli %add3A_724, %mul3A_725 : i32
        %add3A_727 = arith.constant 1 : i32
        %add3A_728 = arith.addi %mul3A_726, %add3A_727 : i32
        %sub3A = arith.constant 1 : i32
        %sub3A_729 = arith.subi %add3A_728, %sub3A : i32
        %add3A_730 = arith.addi %add3A_65, %sub3A_729 : i32
        %mul3A_731 = arith.constant 80 : i32
        %mul3A_732 = arith.muli %add3A_730, %mul3A_731 : i32
        %dma_start3A_733 = arith.constant 0 : i32
        %dma_start3A_734 = arith.constant 0 : i32
        %dma_start3A_735 = arith.constant 0 : i32
        %dma_start3A_736 = tpu.memref_slice %arg7[%dma_start3A_733, %dma_start3A_734, %dma_start3A_735] : memref<4x2x80xi32, #tpu.memory_space<vmem>> -> memref<1x1x80xi32, #tpu.memory_space<vmem>>
        %dma_start3A_737 = tpu.memref_squeeze %dma_start3A_736 : memref<1x1x80xi32, #tpu.memory_space<vmem>> -> memref<80xi32, #tpu.memory_space<vmem>>
        %dma_start3A_738 = tpu.memref_slice %arg3[%mul3A_732] : memref<320000xi32, #tpu.memory_space<hbm>> -> memref<80xi32, #tpu.memory_space<hbm>>
        %dma_start3A_739 = arith.constant 0 : i32
        %dma_start3A_740 = tpu.memref_slice %arg7[%dma_start3A_733, %dma_start3A_734, %dma_start3A_739] : memref<4x2x80xi32, #tpu.memory_space<vmem>> -> memref<1x1x80xi32, #tpu.memory_space<vmem>>
        %dma_start3A_741 = tpu.memref_squeeze %dma_start3A_740 : memref<1x1x80xi32, #tpu.memory_space<vmem>> -> memref<80xi32, #tpu.memory_space<vmem>>
        %dma_start3A_742 = tpu.memref_slice %arg3[%mul3A_732] : memref<320000xi32, #tpu.memory_space<hbm>> -> memref<80xi32, #tpu.memory_space<hbm>>
        tpu.enqueue_dma source(%dma_start3A_742 : memref<80xi32, #tpu.memory_space<hbm>>) target(%dma_start3A_741 : memref<80xi32, #tpu.memory_space<vmem>>) target_semaphore(%arg10 : memref<!tpu.dma_semaphore, #tpu.memory_space<semaphore_mem>>)
        %dma_start3A_743 = arith.constant 0 : i32
        %dma_start3A_744 = arith.constant 1 : i32
        %dma_start3A_745 = arith.constant 0 : i32
        %dma_start3A_746 = tpu.memref_slice %arg7[%dma_start3A_743, %dma_start3A_744, %dma_start3A_745] : memref<4x2x80xi32, #tpu.memory_space<vmem>> -> memref<1x1x80xi32, #tpu.memory_space<vmem>>
        %dma_start3A_747 = tpu.memref_squeeze %dma_start3A_746 : memref<1x1x80xi32, #tpu.memory_space<vmem>> -> memref<80xi32, #tpu.memory_space<vmem>>
        %dma_start3A_748 = tpu.memref_slice %arg4[%mul3A_732] : memref<320000xi32, #tpu.memory_space<hbm>> -> memref<80xi32, #tpu.memory_space<hbm>>
        %dma_start3A_749 = arith.constant 0 : i32
        %dma_start3A_750 = tpu.memref_slice %arg7[%dma_start3A_743, %dma_start3A_744, %dma_start3A_749] : memref<4x2x80xi32, #tpu.memory_space<vmem>> -> memref<1x1x80xi32, #tpu.memory_space<vmem>>
        %dma_start3A_751 = tpu.memref_squeeze %dma_start3A_750 : memref<1x1x80xi32, #tpu.memory_space<vmem>> -> memref<80xi32, #tpu.memory_space<vmem>>
        %dma_start3A_752 = tpu.memref_slice %arg4[%mul3A_732] : memref<320000xi32, #tpu.memory_space<hbm>> -> memref<80xi32, #tpu.memory_space<hbm>>
        tpu.enqueue_dma source(%dma_start3A_752 : memref<80xi32, #tpu.memory_space<hbm>>) target(%dma_start3A_751 : memref<80xi32, #tpu.memory_space<vmem>>) target_semaphore(%arg10 : memref<!tpu.dma_semaphore, #tpu.memory_space<semaphore_mem>>)
        %dma_start3A_753 = arith.constant 1 : i32
        %dma_start3A_754 = arith.constant 1 : i32
        %dma_start3A_755 = arith.constant 1 : i32
        %dma_start3A_756 = arith.constant 0 : i32
        %dma_start3A_757 = arith.constant 0 : i32
        %dma_start3A_758 = tpu.memref_slice %arg8[%dma_start3A_753, %dma_start3A_756, %dma_start3A_757] : memref<4x80x128xf32, #tpu.memory_space<vmem>> -> memref<1x80x128xf32, #tpu.memory_space<vmem>>
        %dma_start3A_759 = tpu.memref_squeeze %dma_start3A_758 : memref<1x80x128xf32, #tpu.memory_space<vmem>> -> memref<80x128xf32, #tpu.memory_space<vmem>>
        %dma_start3A_760 = arith.constant 0 : i32
        %dma_start3A_761 = tpu.memref_slice %arg7[%dma_start3A_754, %dma_start3A_755, %dma_start3A_760] : memref<4x2x80xi32, #tpu.memory_space<vmem>> -> memref<1x1x80xi32, #tpu.memory_space<vmem>>
        %dma_start3A_762 = tpu.memref_squeeze %dma_start3A_761 : memref<1x1x80xi32, #tpu.memory_space<vmem>> -> memref<80xi32, #tpu.memory_space<vmem>>
        %dma_start3A_763 = arith.constant 0 : i32
        %dma_start3A_764 = arith.constant 0 : i32
        %dma_start3A_765 = tpu.memref_slice %arg9[%dma_start3A_763, %dma_start3A_764] : memref<10240x128xf32, #tpu.memory_space<vmem_shared>> -> memref<10240x128xf32, #tpu.memory_space<vmem_shared>>
        tpu.enqueue_indirect_dma source(%dma_start3A_759 : memref<80x128xf32, #tpu.memory_space<vmem>>) target(%dma_start3A_765 : memref<10240x128xf32, #tpu.memory_space<vmem_shared>>) offsets(%dma_start3A_762 : memref<80xi32, #tpu.memory_space<vmem>>) semaphore(%arg19 : memref<!tpu.dma_semaphore, #tpu.memory_space<semaphore_mem>>) {add = true}
        %dma_wait3A_766 = arith.constant 2 : i32
        %dma_wait3A_767 = arith.constant 0 : i32
        %dma_wait3A_768 = arith.constant 2 : i32
        %dma_wait3A_769 = arith.constant 0 : i32
        %dma_wait3A_770 = arith.constant 0 : i32
        %dma_wait3A_771 = tpu.memref_slice %arg8[%dma_wait3A_768, %dma_wait3A_769, %dma_wait3A_770] : memref<4x80x128xf32, #tpu.memory_space<vmem>> -> memref<1x80x128xf32, #tpu.memory_space<vmem>>
        %dma_wait3A_772 = tpu.memref_squeeze %dma_wait3A_771 : memref<1x80x128xf32, #tpu.memory_space<vmem>> -> memref<80x128xf32, #tpu.memory_space<vmem>>
        %dma_wait3A_773 = arith.constant 0 : i32
        %dma_wait3A_774 = tpu.memref_slice %arg7[%dma_wait3A_766, %dma_wait3A_767, %dma_wait3A_773] : memref<4x2x80xi32, #tpu.memory_space<vmem>> -> memref<1x1x80xi32, #tpu.memory_space<vmem>>
        %dma_wait3A_775 = tpu.memref_squeeze %dma_wait3A_774 : memref<1x1x80xi32, #tpu.memory_space<vmem>> -> memref<80xi32, #tpu.memory_space<vmem>>
        %dma_wait3A_776 = arith.constant 0 : i32
        %dma_wait3A_777 = arith.constant 0 : i32
        %dma_wait3A_778 = tpu.memref_slice %arg2[%dma_wait3A_776, %dma_wait3A_777] : memref<10000x128xf32, #tpu.memory_space<hbm>> -> memref<10000x128xf32, #tpu.memory_space<hbm>>
        tpu.wait_indirect_dma semaphore(%arg16 : memref<!tpu.dma_semaphore, #tpu.memory_space<semaphore_mem>>) src(%dma_wait3A_778 : memref<10000x128xf32, #tpu.memory_space<hbm>>) dst(%dma_wait3A_772 : memref<80x128xf32, #tpu.memory_space<vmem>>)
        %dma_wait3A_779 = arith.constant 1 : i32
        %dma_wait3A_780 = arith.constant 1 : i32
        %dma_wait3A_781 = arith.constant 1 : i32
        %dma_wait3A_782 = arith.constant 0 : i32
        %dma_wait3A_783 = arith.constant 0 : i32
        %dma_wait3A_784 = tpu.memref_slice %arg8[%dma_wait3A_779, %dma_wait3A_782, %dma_wait3A_783] : memref<4x80x128xf32, #tpu.memory_space<vmem>> -> memref<1x80x128xf32, #tpu.memory_space<vmem>>
        %dma_wait3A_785 = tpu.memref_squeeze %dma_wait3A_784 : memref<1x80x128xf32, #tpu.memory_space<vmem>> -> memref<80x128xf32, #tpu.memory_space<vmem>>
        %dma_wait3A_786 = arith.constant 0 : i32
        %dma_wait3A_787 = tpu.memref_slice %arg7[%dma_wait3A_780, %dma_wait3A_781, %dma_wait3A_786] : memref<4x2x80xi32, #tpu.memory_space<vmem>> -> memref<1x1x80xi32, #tpu.memory_space<vmem>>
        %dma_wait3A_788 = tpu.memref_squeeze %dma_wait3A_787 : memref<1x1x80xi32, #tpu.memory_space<vmem>> -> memref<80xi32, #tpu.memory_space<vmem>>
        %dma_wait3A_789 = arith.constant 0 : i32
        %dma_wait3A_790 = arith.constant 0 : i32
        %dma_wait3A_791 = tpu.memref_slice %arg9[%dma_wait3A_789, %dma_wait3A_790] : memref<10240x128xf32, #tpu.memory_space<vmem_shared>> -> memref<10240x128xf32, #tpu.memory_space<vmem_shared>>
        tpu.wait_indirect_dma semaphore(%arg19 : memref<!tpu.dma_semaphore, #tpu.memory_space<semaphore_mem>>) src(%dma_wait3A_785 : memref<80x128xf32, #tpu.memory_space<vmem>>) dst(%dma_wait3A_791 : memref<10240x128xf32, #tpu.memory_space<vmem_shared>>)
        %add3A_792 = arith.constant 1 : i32
        %add3A_793 = arith.addi %scan3A_670, %add3A_792 : i32
        %mul3A_794 = arith.constant 4 : i32
        %mul3A_795 = arith.muli %add3A_793, %mul3A_794 : i32
        %add3A_796 = arith.constant 2 : i32
        %add3A_797 = arith.addi %mul3A_795, %add3A_796 : i32
        %sub3A_798 = arith.constant 1 : i32
        %sub3A_799 = arith.subi %add3A_797, %sub3A_798 : i32
        %add3A_800 = arith.addi %add3A_65, %sub3A_799 : i32
        %mul3A_801 = arith.constant 80 : i32
        %mul3A_802 = arith.muli %add3A_800, %mul3A_801 : i32
        %dma_start3A_803 = arith.constant 1 : i32
        %dma_start3A_804 = arith.constant 0 : i32
        %dma_start3A_805 = arith.constant 0 : i32
        %dma_start3A_806 = tpu.memref_slice %arg7[%dma_start3A_803, %dma_start3A_804, %dma_start3A_805] : memref<4x2x80xi32, #tpu.memory_space<vmem>> -> memref<1x1x80xi32, #tpu.memory_space<vmem>>
        %dma_start3A_807 = tpu.memref_squeeze %dma_start3A_806 : memref<1x1x80xi32, #tpu.memory_space<vmem>> -> memref<80xi32, #tpu.memory_space<vmem>>
        %dma_start3A_808 = tpu.memref_slice %arg3[%mul3A_802] : memref<320000xi32, #tpu.memory_space<hbm>> -> memref<80xi32, #tpu.memory_space<hbm>>
        %dma_start3A_809 = arith.constant 0 : i32
        %dma_start3A_810 = tpu.memref_slice %arg7[%dma_start3A_803, %dma_start3A_804, %dma_start3A_809] : memref<4x2x80xi32, #tpu.memory_space<vmem>> -> memref<1x1x80xi32, #tpu.memory_space<vmem>>
        %dma_start3A_811 = tpu.memref_squeeze %dma_start3A_810 : memref<1x1x80xi32, #tpu.memory_space<vmem>> -> memref<80xi32, #tpu.memory_space<vmem>>
        %dma_start3A_812 = tpu.memref_slice %arg3[%mul3A_802] : memref<320000xi32, #tpu.memory_space<hbm>> -> memref<80xi32, #tpu.memory_space<hbm>>
        tpu.enqueue_dma source(%dma_start3A_812 : memref<80xi32, #tpu.memory_space<hbm>>) target(%dma_start3A_811 : memref<80xi32, #tpu.memory_space<vmem>>) target_semaphore(%arg11 : memref<!tpu.dma_semaphore, #tpu.memory_space<semaphore_mem>>)
        %dma_start3A_813 = arith.constant 1 : i32
        %dma_start3A_814 = arith.constant 1 : i32
        %dma_start3A_815 = arith.constant 0 : i32
        %dma_start3A_816 = tpu.memref_slice %arg7[%dma_start3A_813, %dma_start3A_814, %dma_start3A_815] : memref<4x2x80xi32, #tpu.memory_space<vmem>> -> memref<1x1x80xi32, #tpu.memory_space<vmem>>
        %dma_start3A_817 = tpu.memref_squeeze %dma_start3A_816 : memref<1x1x80xi32, #tpu.memory_space<vmem>> -> memref<80xi32, #tpu.memory_space<vmem>>
        %dma_start3A_818 = tpu.memref_slice %arg4[%mul3A_802] : memref<320000xi32, #tpu.memory_space<hbm>> -> memref<80xi32, #tpu.memory_space<hbm>>
        %dma_start3A_819 = arith.constant 0 : i32
        %dma_start3A_820 = tpu.memref_slice %arg7[%dma_start3A_813, %dma_start3A_814, %dma_start3A_819] : memref<4x2x80xi32, #tpu.memory_space<vmem>> -> memref<1x1x80xi32, #tpu.memory_space<vmem>>
        %dma_start3A_821 = tpu.memref_squeeze %dma_start3A_820 : memref<1x1x80xi32, #tpu.memory_space<vmem>> -> memref<80xi32, #tpu.memory_space<vmem>>
        %dma_start3A_822 = tpu.memref_slice %arg4[%mul3A_802] : memref<320000xi32, #tpu.memory_space<hbm>> -> memref<80xi32, #tpu.memory_space<hbm>>
        tpu.enqueue_dma source(%dma_start3A_822 : memref<80xi32, #tpu.memory_space<hbm>>) target(%dma_start3A_821 : memref<80xi32, #tpu.memory_space<vmem>>) target_semaphore(%arg11 : memref<!tpu.dma_semaphore, #tpu.memory_space<semaphore_mem>>)
        %dma_start3A_823 = arith.constant 2 : i32
        %dma_start3A_824 = arith.constant 2 : i32
        %dma_start3A_825 = arith.constant 1 : i32
        %dma_start3A_826 = arith.constant 0 : i32
        %dma_start3A_827 = arith.constant 0 : i32
        %dma_start3A_828 = tpu.memref_slice %arg8[%dma_start3A_823, %dma_start3A_826, %dma_start3A_827] : memref<4x80x128xf32, #tpu.memory_space<vmem>> -> memref<1x80x128xf32, #tpu.memory_space<vmem>>
        %dma_start3A_829 = tpu.memref_squeeze %dma_start3A_828 : memref<1x80x128xf32, #tpu.memory_space<vmem>> -> memref<80x128xf32, #tpu.memory_space<vmem>>
        %dma_start3A_830 = arith.constant 0 : i32
        %dma_start3A_831 = tpu.memref_slice %arg7[%dma_start3A_824, %dma_start3A_825, %dma_start3A_830] : memref<4x2x80xi32, #tpu.memory_space<vmem>> -> memref<1x1x80xi32, #tpu.memory_space<vmem>>
        %dma_start3A_832 = tpu.memref_squeeze %dma_start3A_831 : memref<1x1x80xi32, #tpu.memory_space<vmem>> -> memref<80xi32, #tpu.memory_space<vmem>>
        %dma_start3A_833 = arith.constant 0 : i32
        %dma_start3A_834 = arith.constant 0 : i32
        %dma_start3A_835 = tpu.memref_slice %arg9[%dma_start3A_833, %dma_start3A_834] : memref<10240x128xf32, #tpu.memory_space<vmem_shared>> -> memref<10240x128xf32, #tpu.memory_space<vmem_shared>>
        tpu.enqueue_indirect_dma source(%dma_start3A_829 : memref<80x128xf32, #tpu.memory_space<vmem>>) target(%dma_start3A_835 : memref<10240x128xf32, #tpu.memory_space<vmem_shared>>) offsets(%dma_start3A_832 : memref<80xi32, #tpu.memory_space<vmem>>) semaphore(%arg20 : memref<!tpu.dma_semaphore, #tpu.memory_space<semaphore_mem>>) {add = true}
        %dma_wait3A_836 = arith.constant 3 : i32
        %dma_wait3A_837 = arith.constant 0 : i32
        %dma_wait3A_838 = arith.constant 3 : i32
        %dma_wait3A_839 = arith.constant 0 : i32
        %dma_wait3A_840 = arith.constant 0 : i32
        %dma_wait3A_841 = tpu.memref_slice %arg8[%dma_wait3A_838, %dma_wait3A_839, %dma_wait3A_840] : memref<4x80x128xf32, #tpu.memory_space<vmem>> -> memref<1x80x128xf32, #tpu.memory_space<vmem>>
        %dma_wait3A_842 = tpu.memref_squeeze %dma_wait3A_841 : memref<1x80x128xf32, #tpu.memory_space<vmem>> -> memref<80x128xf32, #tpu.memory_space<vmem>>
        %dma_wait3A_843 = arith.constant 0 : i32
        %dma_wait3A_844 = tpu.memref_slice %arg7[%dma_wait3A_836, %dma_wait3A_837, %dma_wait3A_843] : memref<4x2x80xi32, #tpu.memory_space<vmem>> -> memref<1x1x80xi32, #tpu.memory_space<vmem>>
        %dma_wait3A_845 = tpu.memref_squeeze %dma_wait3A_844 : memref<1x1x80xi32, #tpu.memory_space<vmem>> -> memref<80xi32, #tpu.memory_space<vmem>>
        %dma_wait3A_846 = arith.constant 0 : i32
        %dma_wait3A_847 = arith.constant 0 : i32
        %dma_wait3A_848 = tpu.memref_slice %arg2[%dma_wait3A_846, %dma_wait3A_847] : memref<10000x128xf32, #tpu.memory_space<hbm>> -> memref<10000x128xf32, #tpu.memory_space<hbm>>
        tpu.wait_indirect_dma semaphore(%arg17 : memref<!tpu.dma_semaphore, #tpu.memory_space<semaphore_mem>>) src(%dma_wait3A_848 : memref<10000x128xf32, #tpu.memory_space<hbm>>) dst(%dma_wait3A_842 : memref<80x128xf32, #tpu.memory_space<vmem>>)
        %dma_wait3A_849 = arith.constant 2 : i32
        %dma_wait3A_850 = arith.constant 2 : i32
        %dma_wait3A_851 = arith.constant 1 : i32
        %dma_wait3A_852 = arith.constant 0 : i32
        %dma_wait3A_853 = arith.constant 0 : i32
        %dma_wait3A_854 = tpu.memref_slice %arg8[%dma_wait3A_849, %dma_wait3A_852, %dma_wait3A_853] : memref<4x80x128xf32, #tpu.memory_space<vmem>> -> memref<1x80x128xf32, #tpu.memory_space<vmem>>
        %dma_wait3A_855 = tpu.memref_squeeze %dma_wait3A_854 : memref<1x80x128xf32, #tpu.memory_space<vmem>> -> memref<80x128xf32, #tpu.memory_space<vmem>>
        %dma_wait3A_856 = arith.constant 0 : i32
        %dma_wait3A_857 = tpu.memref_slice %arg7[%dma_wait3A_850, %dma_wait3A_851, %dma_wait3A_856] : memref<4x2x80xi32, #tpu.memory_space<vmem>> -> memref<1x1x80xi32, #tpu.memory_space<vmem>>
        %dma_wait3A_858 = tpu.memref_squeeze %dma_wait3A_857 : memref<1x1x80xi32, #tpu.memory_space<vmem>> -> memref<80xi32, #tpu.memory_space<vmem>>
        %dma_wait3A_859 = arith.constant 0 : i32
        %dma_wait3A_860 = arith.constant 0 : i32
        %dma_wait3A_861 = tpu.memref_slice %arg9[%dma_wait3A_859, %dma_wait3A_860] : memref<10240x128xf32, #tpu.memory_space<vmem_shared>> -> memref<10240x128xf32, #tpu.memory_space<vmem_shared>>
        tpu.wait_indirect_dma semaphore(%arg20 : memref<!tpu.dma_semaphore, #tpu.memory_space<semaphore_mem>>) src(%dma_wait3A_855 : memref<80x128xf32, #tpu.memory_space<vmem>>) dst(%dma_wait3A_861 : memref<10240x128xf32, #tpu.memory_space<vmem_shared>>)
        %add3A_862 = arith.constant 1 : i32
        %add3A_863 = arith.addi %scan3A_670, %add3A_862 : i32
        %mul3A_864 = arith.constant 4 : i32
        %mul3A_865 = arith.muli %add3A_863, %mul3A_864 : i32
        %add3A_866 = arith.constant 3 : i32
        %add3A_867 = arith.addi %mul3A_865, %add3A_866 : i32
        %sub3A_868 = arith.constant 1 : i32
        %sub3A_869 = arith.subi %add3A_867, %sub3A_868 : i32
        %add3A_870 = arith.addi %add3A_65, %sub3A_869 : i32
        %mul3A_871 = arith.constant 80 : i32
        %mul3A_872 = arith.muli %add3A_870, %mul3A_871 : i32
        %dma_start3A_873 = arith.constant 2 : i32
        %dma_start3A_874 = arith.constant 0 : i32
        %dma_start3A_875 = arith.constant 0 : i32
        %dma_start3A_876 = tpu.memref_slice %arg7[%dma_start3A_873, %dma_start3A_874, %dma_start3A_875] : memref<4x2x80xi32, #tpu.memory_space<vmem>> -> memref<1x1x80xi32, #tpu.memory_space<vmem>>
        %dma_start3A_877 = tpu.memref_squeeze %dma_start3A_876 : memref<1x1x80xi32, #tpu.memory_space<vmem>> -> memref<80xi32, #tpu.memory_space<vmem>>
        %dma_start3A_878 = tpu.memref_slice %arg3[%mul3A_872] : memref<320000xi32, #tpu.memory_space<hbm>> -> memref<80xi32, #tpu.memory_space<hbm>>
        %dma_start3A_879 = arith.constant 0 : i32
        %dma_start3A_880 = tpu.memref_slice %arg7[%dma_start3A_873, %dma_start3A_874, %dma_start3A_879] : memref<4x2x80xi32, #tpu.memory_space<vmem>> -> memref<1x1x80xi32, #tpu.memory_space<vmem>>
        %dma_start3A_881 = tpu.memref_squeeze %dma_start3A_880 : memref<1x1x80xi32, #tpu.memory_space<vmem>> -> memref<80xi32, #tpu.memory_space<vmem>>
        %dma_start3A_882 = tpu.memref_slice %arg3[%mul3A_872] : memref<320000xi32, #tpu.memory_space<hbm>> -> memref<80xi32, #tpu.memory_space<hbm>>
        tpu.enqueue_dma source(%dma_start3A_882 : memref<80xi32, #tpu.memory_space<hbm>>) target(%dma_start3A_881 : memref<80xi32, #tpu.memory_space<vmem>>) target_semaphore(%arg12 : memref<!tpu.dma_semaphore, #tpu.memory_space<semaphore_mem>>)
        %dma_start3A_883 = arith.constant 2 : i32
        %dma_start3A_884 = arith.constant 1 : i32
        %dma_start3A_885 = arith.constant 0 : i32
        %dma_start3A_886 = tpu.memref_slice %arg7[%dma_start3A_883, %dma_start3A_884, %dma_start3A_885] : memref<4x2x80xi32, #tpu.memory_space<vmem>> -> memref<1x1x80xi32, #tpu.memory_space<vmem>>
        %dma_start3A_887 = tpu.memref_squeeze %dma_start3A_886 : memref<1x1x80xi32, #tpu.memory_space<vmem>> -> memref<80xi32, #tpu.memory_space<vmem>>
        %dma_start3A_888 = tpu.memref_slice %arg4[%mul3A_872] : memref<320000xi32, #tpu.memory_space<hbm>> -> memref<80xi32, #tpu.memory_space<hbm>>
        %dma_start3A_889 = arith.constant 0 : i32
        %dma_start3A_890 = tpu.memref_slice %arg7[%dma_start3A_883, %dma_start3A_884, %dma_start3A_889] : memref<4x2x80xi32, #tpu.memory_space<vmem>> -> memref<1x1x80xi32, #tpu.memory_space<vmem>>
        %dma_start3A_891 = tpu.memref_squeeze %dma_start3A_890 : memref<1x1x80xi32, #tpu.memory_space<vmem>> -> memref<80xi32, #tpu.memory_space<vmem>>
        %dma_start3A_892 = tpu.memref_slice %arg4[%mul3A_872] : memref<320000xi32, #tpu.memory_space<hbm>> -> memref<80xi32, #tpu.memory_space<hbm>>
        tpu.enqueue_dma source(%dma_start3A_892 : memref<80xi32, #tpu.memory_space<hbm>>) target(%dma_start3A_891 : memref<80xi32, #tpu.memory_space<vmem>>) target_semaphore(%arg12 : memref<!tpu.dma_semaphore, #tpu.memory_space<semaphore_mem>>)
        %dma_start3A_893 = arith.constant 3 : i32
        %dma_start3A_894 = arith.constant 3 : i32
        %dma_start3A_895 = arith.constant 1 : i32
        %dma_start3A_896 = arith.constant 0 : i32
        %dma_start3A_897 = arith.constant 0 : i32
        %dma_start3A_898 = tpu.memref_slice %arg8[%dma_start3A_893, %dma_start3A_896, %dma_start3A_897] : memref<4x80x128xf32, #tpu.memory_space<vmem>> -> memref<1x80x128xf32, #tpu.memory_space<vmem>>
        %dma_start3A_899 = tpu.memref_squeeze %dma_start3A_898 : memref<1x80x128xf32, #tpu.memory_space<vmem>> -> memref<80x128xf32, #tpu.memory_space<vmem>>
        %dma_start3A_900 = arith.constant 0 : i32
        %dma_start3A_901 = tpu.memref_slice %arg7[%dma_start3A_894, %dma_start3A_895, %dma_start3A_900] : memref<4x2x80xi32, #tpu.memory_space<vmem>> -> memref<1x1x80xi32, #tpu.memory_space<vmem>>
        %dma_start3A_902 = tpu.memref_squeeze %dma_start3A_901 : memref<1x1x80xi32, #tpu.memory_space<vmem>> -> memref<80xi32, #tpu.memory_space<vmem>>
        %dma_start3A_903 = arith.constant 0 : i32
        %dma_start3A_904 = arith.constant 0 : i32
        %dma_start3A_905 = tpu.memref_slice %arg9[%dma_start3A_903, %dma_start3A_904] : memref<10240x128xf32, #tpu.memory_space<vmem_shared>> -> memref<10240x128xf32, #tpu.memory_space<vmem_shared>>
        tpu.enqueue_indirect_dma source(%dma_start3A_899 : memref<80x128xf32, #tpu.memory_space<vmem>>) target(%dma_start3A_905 : memref<10240x128xf32, #tpu.memory_space<vmem_shared>>) offsets(%dma_start3A_902 : memref<80xi32, #tpu.memory_space<vmem>>) semaphore(%arg21 : memref<!tpu.dma_semaphore, #tpu.memory_space<semaphore_mem>>) {add = true}
        %dma_wait3A_906 = arith.constant 3 : i32
        %dma_wait3A_907 = arith.constant 3 : i32
        %dma_wait3A_908 = arith.constant 1 : i32
        %dma_wait3A_909 = arith.constant 0 : i32
        %dma_wait3A_910 = arith.constant 0 : i32
        %dma_wait3A_911 = tpu.memref_slice %arg8[%dma_wait3A_906, %dma_wait3A_909, %dma_wait3A_910] : memref<4x80x128xf32, #tpu.memory_space<vmem>> -> memref<1x80x128xf32, #tpu.memory_space<vmem>>
        %dma_wait3A_912 = tpu.memref_squeeze %dma_wait3A_911 : memref<1x80x128xf32, #tpu.memory_space<vmem>> -> memref<80x128xf32, #tpu.memory_space<vmem>>
        %dma_wait3A_913 = arith.constant 0 : i32
        %dma_wait3A_914 = tpu.memref_slice %arg7[%dma_wait3A_907, %dma_wait3A_908, %dma_wait3A_913] : memref<4x2x80xi32, #tpu.memory_space<vmem>> -> memref<1x1x80xi32, #tpu.memory_space<vmem>>
        %dma_wait3A_915 = tpu.memref_squeeze %dma_wait3A_914 : memref<1x1x80xi32, #tpu.memory_space<vmem>> -> memref<80xi32, #tpu.memory_space<vmem>>
        %dma_wait3A_916 = arith.constant 0 : i32
        %dma_wait3A_917 = arith.constant 0 : i32
        %dma_wait3A_918 = tpu.memref_slice %arg9[%dma_wait3A_916, %dma_wait3A_917] : memref<10240x128xf32, #tpu.memory_space<vmem_shared>> -> memref<10240x128xf32, #tpu.memory_space<vmem_shared>>
        tpu.wait_indirect_dma semaphore(%arg21 : memref<!tpu.dma_semaphore, #tpu.memory_space<semaphore_mem>>) src(%dma_wait3A_912 : memref<80x128xf32, #tpu.memory_space<vmem>>) dst(%dma_wait3A_918 : memref<10240x128xf32, #tpu.memory_space<vmem_shared>>)
        %add3A_919 = arith.constant 1 : i32
        %add3A_920 = arith.addi %scan3A_670, %add3A_919 : i32
        %mul3A_921 = arith.constant 4 : i32
        %mul3A_922 = arith.muli %add3A_920, %mul3A_921 : i32
        %add3A_923 = arith.constant 4 : i32
        %add3A_924 = arith.addi %mul3A_922, %add3A_923 : i32
        %sub3A_925 = arith.constant 1 : i32
        %sub3A_926 = arith.subi %add3A_924, %sub3A_925 : i32
        %add3A_927 = arith.addi %add3A_65, %sub3A_926 : i32
        %mul3A_928 = arith.constant 80 : i32
        %mul3A_929 = arith.muli %add3A_927, %mul3A_928 : i32
        %dma_start3A_930 = arith.constant 3 : i32
        %dma_start3A_931 = arith.constant 0 : i32
        %dma_start3A_932 = arith.constant 0 : i32
        %dma_start3A_933 = tpu.memref_slice %arg7[%dma_start3A_930, %dma_start3A_931, %dma_start3A_932] : memref<4x2x80xi32, #tpu.memory_space<vmem>> -> memref<1x1x80xi32, #tpu.memory_space<vmem>>
        %dma_start3A_934 = tpu.memref_squeeze %dma_start3A_933 : memref<1x1x80xi32, #tpu.memory_space<vmem>> -> memref<80xi32, #tpu.memory_space<vmem>>
        %dma_start3A_935 = tpu.memref_slice %arg3[%mul3A_929] : memref<320000xi32, #tpu.memory_space<hbm>> -> memref<80xi32, #tpu.memory_space<hbm>>
        %dma_start3A_936 = arith.constant 0 : i32
        %dma_start3A_937 = tpu.memref_slice %arg7[%dma_start3A_930, %dma_start3A_931, %dma_start3A_936] : memref<4x2x80xi32, #tpu.memory_space<vmem>> -> memref<1x1x80xi32, #tpu.memory_space<vmem>>
        %dma_start3A_938 = tpu.memref_squeeze %dma_start3A_937 : memref<1x1x80xi32, #tpu.memory_space<vmem>> -> memref<80xi32, #tpu.memory_space<vmem>>
        %dma_start3A_939 = tpu.memref_slice %arg3[%mul3A_929] : memref<320000xi32, #tpu.memory_space<hbm>> -> memref<80xi32, #tpu.memory_space<hbm>>
        tpu.enqueue_dma source(%dma_start3A_939 : memref<80xi32, #tpu.memory_space<hbm>>) target(%dma_start3A_938 : memref<80xi32, #tpu.memory_space<vmem>>) target_semaphore(%arg13 : memref<!tpu.dma_semaphore, #tpu.memory_space<semaphore_mem>>)
        %dma_start3A_940 = arith.constant 3 : i32
        %dma_start3A_941 = arith.constant 1 : i32
        %dma_start3A_942 = arith.constant 0 : i32
        %dma_start3A_943 = tpu.memref_slice %arg7[%dma_start3A_940, %dma_start3A_941, %dma_start3A_942] : memref<4x2x80xi32, #tpu.memory_space<vmem>> -> memref<1x1x80xi32, #tpu.memory_space<vmem>>
        %dma_start3A_944 = tpu.memref_squeeze %dma_start3A_943 : memref<1x1x80xi32, #tpu.memory_space<vmem>> -> memref<80xi32, #tpu.memory_space<vmem>>
        %dma_start3A_945 = tpu.memref_slice %arg4[%mul3A_929] : memref<320000xi32, #tpu.memory_space<hbm>> -> memref<80xi32, #tpu.memory_space<hbm>>
        %dma_start3A_946 = arith.constant 0 : i32
        %dma_start3A_947 = tpu.memref_slice %arg7[%dma_start3A_940, %dma_start3A_941, %dma_start3A_946] : memref<4x2x80xi32, #tpu.memory_space<vmem>> -> memref<1x1x80xi32, #tpu.memory_space<vmem>>
        %dma_start3A_948 = tpu.memref_squeeze %dma_start3A_947 : memref<1x1x80xi32, #tpu.memory_space<vmem>> -> memref<80xi32, #tpu.memory_space<vmem>>
        %dma_start3A_949 = tpu.memref_slice %arg4[%mul3A_929] : memref<320000xi32, #tpu.memory_space<hbm>> -> memref<80xi32, #tpu.memory_space<hbm>>
        tpu.enqueue_dma source(%dma_start3A_949 : memref<80xi32, #tpu.memory_space<hbm>>) target(%dma_start3A_948 : memref<80xi32, #tpu.memory_space<vmem>>) target_semaphore(%arg13 : memref<!tpu.dma_semaphore, #tpu.memory_space<semaphore_mem>>)
        %add3A_950 = arith.constant 1 : i32
        %add3A_951 = arith.addi %scan3A_670, %add3A_950 : i32
        %mul3A_952 = arith.constant 4 : i32
        %mul3A_953 = arith.muli %add3A_951, %mul3A_952 : i32
        %add3A_954 = arith.constant 0 : i32
        %add3A_955 = arith.addi %mul3A_953, %add3A_954 : i32
        %add3A_956 = arith.addi %add3A_65, %add3A_955 : i32
        %mul3A_957 = arith.constant 80 : i32
        %mul3A_958 = arith.muli %add3A_956, %mul3A_957 : i32
        %dma_wait3A_959 = arith.constant 0 : i32
        %dma_wait3A_960 = arith.constant 0 : i32
        %dma_wait3A_961 = arith.constant 0 : i32
        %dma_wait3A_962 = tpu.memref_slice %arg7[%dma_wait3A_959, %dma_wait3A_960, %dma_wait3A_961] : memref<4x2x80xi32, #tpu.memory_space<vmem>> -> memref<1x1x80xi32, #tpu.memory_space<vmem>>
        %dma_wait3A_963 = tpu.memref_squeeze %dma_wait3A_962 : memref<1x1x80xi32, #tpu.memory_space<vmem>> -> memref<80xi32, #tpu.memory_space<vmem>>
        %dma_wait3A_964 = tpu.memref_slice %arg3[%mul3A_958] : memref<320000xi32, #tpu.memory_space<hbm>> -> memref<80xi32, #tpu.memory_space<hbm>>
        %dma_wait3A_965 = arith.constant 0 : i32
        %dma_wait3A_966 = tpu.memref_slice %arg7[%dma_wait3A_959, %dma_wait3A_960, %dma_wait3A_965] : memref<4x2x80xi32, #tpu.memory_space<vmem>> -> memref<1x1x80xi32, #tpu.memory_space<vmem>>
        %dma_wait3A_967 = tpu.memref_squeeze %dma_wait3A_966 : memref<1x1x80xi32, #tpu.memory_space<vmem>> -> memref<80xi32, #tpu.memory_space<vmem>>
        %dma_wait3A_968 = tpu.memref_slice %arg3[%mul3A_958] : memref<320000xi32, #tpu.memory_space<hbm>> -> memref<80xi32, #tpu.memory_space<hbm>>
        tpu.wait_dma2 semaphore(%arg10 : memref<!tpu.dma_semaphore, #tpu.memory_space<semaphore_mem>>) src(%dma_wait3A_968 : memref<80xi32, #tpu.memory_space<hbm>>) dst(%dma_wait3A_967 : memref<80xi32, #tpu.memory_space<vmem>>)
        %dma_wait3A_969 = arith.constant 0 : i32
        %dma_wait3A_970 = arith.constant 1 : i32
        %dma_wait3A_971 = arith.constant 0 : i32
        %dma_wait3A_972 = tpu.memref_slice %arg7[%dma_wait3A_969, %dma_wait3A_970, %dma_wait3A_971] : memref<4x2x80xi32, #tpu.memory_space<vmem>> -> memref<1x1x80xi32, #tpu.memory_space<vmem>>
        %dma_wait3A_973 = tpu.memref_squeeze %dma_wait3A_972 : memref<1x1x80xi32, #tpu.memory_space<vmem>> -> memref<80xi32, #tpu.memory_space<vmem>>
        %dma_wait3A_974 = tpu.memref_slice %arg4[%mul3A_958] : memref<320000xi32, #tpu.memory_space<hbm>> -> memref<80xi32, #tpu.memory_space<hbm>>
        %dma_wait3A_975 = arith.constant 0 : i32
        %dma_wait3A_976 = tpu.memref_slice %arg7[%dma_wait3A_969, %dma_wait3A_970, %dma_wait3A_975] : memref<4x2x80xi32, #tpu.memory_space<vmem>> -> memref<1x1x80xi32, #tpu.memory_space<vmem>>
        %dma_wait3A_977 = tpu.memref_squeeze %dma_wait3A_976 : memref<1x1x80xi32, #tpu.memory_space<vmem>> -> memref<80xi32, #tpu.memory_space<vmem>>
        %dma_wait3A_978 = tpu.memref_slice %arg4[%mul3A_958] : memref<320000xi32, #tpu.memory_space<hbm>> -> memref<80xi32, #tpu.memory_space<hbm>>
        tpu.wait_dma2 semaphore(%arg10 : memref<!tpu.dma_semaphore, #tpu.memory_space<semaphore_mem>>) src(%dma_wait3A_978 : memref<80xi32, #tpu.memory_space<hbm>>) dst(%dma_wait3A_977 : memref<80xi32, #tpu.memory_space<vmem>>)
        %dma_start3A_979 = arith.constant 0 : i32
        %dma_start3A_980 = arith.constant 0 : i32
        %dma_start3A_981 = arith.constant 0 : i32
        %dma_start3A_982 = arith.constant 0 : i32
        %dma_start3A_983 = arith.constant 0 : i32
        %dma_start3A_984 = tpu.memref_slice %arg8[%dma_start3A_981, %dma_start3A_982, %dma_start3A_983] : memref<4x80x128xf32, #tpu.memory_space<vmem>> -> memref<1x80x128xf32, #tpu.memory_space<vmem>>
        %dma_start3A_985 = tpu.memref_squeeze %dma_start3A_984 : memref<1x80x128xf32, #tpu.memory_space<vmem>> -> memref<80x128xf32, #tpu.memory_space<vmem>>
        %dma_start3A_986 = arith.constant 0 : i32
        %dma_start3A_987 = tpu.memref_slice %arg7[%dma_start3A_979, %dma_start3A_980, %dma_start3A_986] : memref<4x2x80xi32, #tpu.memory_space<vmem>> -> memref<1x1x80xi32, #tpu.memory_space<vmem>>
        %dma_start3A_988 = tpu.memref_squeeze %dma_start3A_987 : memref<1x1x80xi32, #tpu.memory_space<vmem>> -> memref<80xi32, #tpu.memory_space<vmem>>
        %dma_start3A_989 = arith.constant 0 : i32
        %dma_start3A_990 = arith.constant 0 : i32
        %dma_start3A_991 = tpu.memref_slice %arg2[%dma_start3A_989, %dma_start3A_990] : memref<10000x128xf32, #tpu.memory_space<hbm>> -> memref<10000x128xf32, #tpu.memory_space<hbm>>
        tpu.enqueue_indirect_dma source(%dma_start3A_991 : memref<10000x128xf32, #tpu.memory_space<hbm>>) target(%dma_start3A_985 : memref<80x128xf32, #tpu.memory_space<vmem>>) offsets(%dma_start3A_988 : memref<80xi32, #tpu.memory_space<vmem>>) semaphore(%arg14 : memref<!tpu.dma_semaphore, #tpu.memory_space<semaphore_mem>>)
        %add3A_992 = arith.constant 1 : i32
        %add3A_993 = arith.addi %scan3A_670, %add3A_992 : i32
        %mul3A_994 = arith.constant 4 : i32
        %mul3A_995 = arith.muli %add3A_993, %mul3A_994 : i32
        %add3A_996 = arith.constant 1 : i32
        %add3A_997 = arith.addi %mul3A_995, %add3A_996 : i32
        %add3A_998 = arith.addi %add3A_65, %add3A_997 : i32
        %mul3A_999 = arith.constant 80 : i32
        %mul3A_1000 = arith.muli %add3A_998, %mul3A_999 : i32
        %dma_wait3A_1001 = arith.constant 1 : i32
        %dma_wait3A_1002 = arith.constant 0 : i32
        %dma_wait3A_1003 = arith.constant 0 : i32
        %dma_wait3A_1004 = tpu.memref_slice %arg7[%dma_wait3A_1001, %dma_wait3A_1002, %dma_wait3A_1003] : memref<4x2x80xi32, #tpu.memory_space<vmem>> -> memref<1x1x80xi32, #tpu.memory_space<vmem>>
        %dma_wait3A_1005 = tpu.memref_squeeze %dma_wait3A_1004 : memref<1x1x80xi32, #tpu.memory_space<vmem>> -> memref<80xi32, #tpu.memory_space<vmem>>
        %dma_wait3A_1006 = tpu.memref_slice %arg3[%mul3A_1000] : memref<320000xi32, #tpu.memory_space<hbm>> -> memref<80xi32, #tpu.memory_space<hbm>>
        %dma_wait3A_1007 = arith.constant 0 : i32
        %dma_wait3A_1008 = tpu.memref_slice %arg7[%dma_wait3A_1001, %dma_wait3A_1002, %dma_wait3A_1007] : memref<4x2x80xi32, #tpu.memory_space<vmem>> -> memref<1x1x80xi32, #tpu.memory_space<vmem>>
        %dma_wait3A_1009 = tpu.memref_squeeze %dma_wait3A_1008 : memref<1x1x80xi32, #tpu.memory_space<vmem>> -> memref<80xi32, #tpu.memory_space<vmem>>
        %dma_wait3A_1010 = tpu.memref_slice %arg3[%mul3A_1000] : memref<320000xi32, #tpu.memory_space<hbm>> -> memref<80xi32, #tpu.memory_space<hbm>>
        tpu.wait_dma2 semaphore(%arg11 : memref<!tpu.dma_semaphore, #tpu.memory_space<semaphore_mem>>) src(%dma_wait3A_1010 : memref<80xi32, #tpu.memory_space<hbm>>) dst(%dma_wait3A_1009 : memref<80xi32, #tpu.memory_space<vmem>>)
        %dma_wait3A_1011 = arith.constant 1 : i32
        %dma_wait3A_1012 = arith.constant 1 : i32
        %dma_wait3A_1013 = arith.constant 0 : i32
        %dma_wait3A_1014 = tpu.memref_slice %arg7[%dma_wait3A_1011, %dma_wait3A_1012, %dma_wait3A_1013] : memref<4x2x80xi32, #tpu.memory_space<vmem>> -> memref<1x1x80xi32, #tpu.memory_space<vmem>>
        %dma_wait3A_1015 = tpu.memref_squeeze %dma_wait3A_1014 : memref<1x1x80xi32, #tpu.memory_space<vmem>> -> memref<80xi32, #tpu.memory_space<vmem>>
        %dma_wait3A_1016 = tpu.memref_slice %arg4[%mul3A_1000] : memref<320000xi32, #tpu.memory_space<hbm>> -> memref<80xi32, #tpu.memory_space<hbm>>
        %dma_wait3A_1017 = arith.constant 0 : i32
        %dma_wait3A_1018 = tpu.memref_slice %arg7[%dma_wait3A_1011, %dma_wait3A_1012, %dma_wait3A_1017] : memref<4x2x80xi32, #tpu.memory_space<vmem>> -> memref<1x1x80xi32, #tpu.memory_space<vmem>>
        %dma_wait3A_1019 = tpu.memref_squeeze %dma_wait3A_1018 : memref<1x1x80xi32, #tpu.memory_space<vmem>> -> memref<80xi32, #tpu.memory_space<vmem>>
        %dma_wait3A_1020 = tpu.memref_slice %arg4[%mul3A_1000] : memref<320000xi32, #tpu.memory_space<hbm>> -> memref<80xi32, #tpu.memory_space<hbm>>
        tpu.wait_dma2 semaphore(%arg11 : memref<!tpu.dma_semaphore, #tpu.memory_space<semaphore_mem>>) src(%dma_wait3A_1020 : memref<80xi32, #tpu.memory_space<hbm>>) dst(%dma_wait3A_1019 : memref<80xi32, #tpu.memory_space<vmem>>)
        %dma_start3A_1021 = arith.constant 1 : i32
        %dma_start3A_1022 = arith.constant 0 : i32
        %dma_start3A_1023 = arith.constant 1 : i32
        %dma_start3A_1024 = arith.constant 0 : i32
        %dma_start3A_1025 = arith.constant 0 : i32
        %dma_start3A_1026 = tpu.memref_slice %arg8[%dma_start3A_1023, %dma_start3A_1024, %dma_start3A_1025] : memref<4x80x128xf32, #tpu.memory_space<vmem>> -> memref<1x80x128xf32, #tpu.memory_space<vmem>>
        %dma_start3A_1027 = tpu.memref_squeeze %dma_start3A_1026 : memref<1x80x128xf32, #tpu.memory_space<vmem>> -> memref<80x128xf32, #tpu.memory_space<vmem>>
        %dma_start3A_1028 = arith.constant 0 : i32
        %dma_start3A_1029 = tpu.memref_slice %arg7[%dma_start3A_1021, %dma_start3A_1022, %dma_start3A_1028] : memref<4x2x80xi32, #tpu.memory_space<vmem>> -> memref<1x1x80xi32, #tpu.memory_space<vmem>>
        %dma_start3A_1030 = tpu.memref_squeeze %dma_start3A_1029 : memref<1x1x80xi32, #tpu.memory_space<vmem>> -> memref<80xi32, #tpu.memory_space<vmem>>
        %dma_start3A_1031 = arith.constant 0 : i32
        %dma_start3A_1032 = arith.constant 0 : i32
        %dma_start3A_1033 = tpu.memref_slice %arg2[%dma_start3A_1031, %dma_start3A_1032] : memref<10000x128xf32, #tpu.memory_space<hbm>> -> memref<10000x128xf32, #tpu.memory_space<hbm>>
        tpu.enqueue_indirect_dma source(%dma_start3A_1033 : memref<10000x128xf32, #tpu.memory_space<hbm>>) target(%dma_start3A_1027 : memref<80x128xf32, #tpu.memory_space<vmem>>) offsets(%dma_start3A_1030 : memref<80xi32, #tpu.memory_space<vmem>>) semaphore(%arg15 : memref<!tpu.dma_semaphore, #tpu.memory_space<semaphore_mem>>)
        %add3A_1034 = arith.constant 1 : i32
        %add3A_1035 = arith.addi %scan3A_670, %add3A_1034 : i32
        %mul3A_1036 = arith.constant 4 : i32
        %mul3A_1037 = arith.muli %add3A_1035, %mul3A_1036 : i32
        %add3A_1038 = arith.constant 2 : i32
        %add3A_1039 = arith.addi %mul3A_1037, %add3A_1038 : i32
        %add3A_1040 = arith.addi %add3A_65, %add3A_1039 : i32
        %mul3A_1041 = arith.constant 80 : i32
        %mul3A_1042 = arith.muli %add3A_1040, %mul3A_1041 : i32
        %dma_wait3A_1043 = arith.constant 2 : i32
        %dma_wait3A_1044 = arith.constant 0 : i32
        %dma_wait3A_1045 = arith.constant 0 : i32
        %dma_wait3A_1046 = tpu.memref_slice %arg7[%dma_wait3A_1043, %dma_wait3A_1044, %dma_wait3A_1045] : memref<4x2x80xi32, #tpu.memory_space<vmem>> -> memref<1x1x80xi32, #tpu.memory_space<vmem>>
        %dma_wait3A_1047 = tpu.memref_squeeze %dma_wait3A_1046 : memref<1x1x80xi32, #tpu.memory_space<vmem>> -> memref<80xi32, #tpu.memory_space<vmem>>
        %dma_wait3A_1048 = tpu.memref_slice %arg3[%mul3A_1042] : memref<320000xi32, #tpu.memory_space<hbm>> -> memref<80xi32, #tpu.memory_space<hbm>>
        %dma_wait3A_1049 = arith.constant 0 : i32
        %dma_wait3A_1050 = tpu.memref_slice %arg7[%dma_wait3A_1043, %dma_wait3A_1044, %dma_wait3A_1049] : memref<4x2x80xi32, #tpu.memory_space<vmem>> -> memref<1x1x80xi32, #tpu.memory_space<vmem>>
        %dma_wait3A_1051 = tpu.memref_squeeze %dma_wait3A_1050 : memref<1x1x80xi32, #tpu.memory_space<vmem>> -> memref<80xi32, #tpu.memory_space<vmem>>
        %dma_wait3A_1052 = tpu.memref_slice %arg3[%mul3A_1042] : memref<320000xi32, #tpu.memory_space<hbm>> -> memref<80xi32, #tpu.memory_space<hbm>>
        tpu.wait_dma2 semaphore(%arg12 : memref<!tpu.dma_semaphore, #tpu.memory_space<semaphore_mem>>) src(%dma_wait3A_1052 : memref<80xi32, #tpu.memory_space<hbm>>) dst(%dma_wait3A_1051 : memref<80xi32, #tpu.memory_space<vmem>>)
        %dma_wait3A_1053 = arith.constant 2 : i32
        %dma_wait3A_1054 = arith.constant 1 : i32
        %dma_wait3A_1055 = arith.constant 0 : i32
        %dma_wait3A_1056 = tpu.memref_slice %arg7[%dma_wait3A_1053, %dma_wait3A_1054, %dma_wait3A_1055] : memref<4x2x80xi32, #tpu.memory_space<vmem>> -> memref<1x1x80xi32, #tpu.memory_space<vmem>>
        %dma_wait3A_1057 = tpu.memref_squeeze %dma_wait3A_1056 : memref<1x1x80xi32, #tpu.memory_space<vmem>> -> memref<80xi32, #tpu.memory_space<vmem>>
        %dma_wait3A_1058 = tpu.memref_slice %arg4[%mul3A_1042] : memref<320000xi32, #tpu.memory_space<hbm>> -> memref<80xi32, #tpu.memory_space<hbm>>
        %dma_wait3A_1059 = arith.constant 0 : i32
        %dma_wait3A_1060 = tpu.memref_slice %arg7[%dma_wait3A_1053, %dma_wait3A_1054, %dma_wait3A_1059] : memref<4x2x80xi32, #tpu.memory_space<vmem>> -> memref<1x1x80xi32, #tpu.memory_space<vmem>>
        %dma_wait3A_1061 = tpu.memref_squeeze %dma_wait3A_1060 : memref<1x1x80xi32, #tpu.memory_space<vmem>> -> memref<80xi32, #tpu.memory_space<vmem>>
        %dma_wait3A_1062 = tpu.memref_slice %arg4[%mul3A_1042] : memref<320000xi32, #tpu.memory_space<hbm>> -> memref<80xi32, #tpu.memory_space<hbm>>
        tpu.wait_dma2 semaphore(%arg12 : memref<!tpu.dma_semaphore, #tpu.memory_space<semaphore_mem>>) src(%dma_wait3A_1062 : memref<80xi32, #tpu.memory_space<hbm>>) dst(%dma_wait3A_1061 : memref<80xi32, #tpu.memory_space<vmem>>)
        %dma_start3A_1063 = arith.constant 2 : i32
        %dma_start3A_1064 = arith.constant 0 : i32
        %dma_start3A_1065 = arith.constant 2 : i32
        %dma_start3A_1066 = arith.constant 0 : i32
        %dma_start3A_1067 = arith.constant 0 : i32
        %dma_start3A_1068 = tpu.memref_slice %arg8[%dma_start3A_1065, %dma_start3A_1066, %dma_start3A_1067] : memref<4x80x128xf32, #tpu.memory_space<vmem>> -> memref<1x80x128xf32, #tpu.memory_space<vmem>>
        %dma_start3A_1069 = tpu.memref_squeeze %dma_start3A_1068 : memref<1x80x128xf32, #tpu.memory_space<vmem>> -> memref<80x128xf32, #tpu.memory_space<vmem>>
        %dma_start3A_1070 = arith.constant 0 : i32
        %dma_start3A_1071 = tpu.memref_slice %arg7[%dma_start3A_1063, %dma_start3A_1064, %dma_start3A_1070] : memref<4x2x80xi32, #tpu.memory_space<vmem>> -> memref<1x1x80xi32, #tpu.memory_space<vmem>>
        %dma_start3A_1072 = tpu.memref_squeeze %dma_start3A_1071 : memref<1x1x80xi32, #tpu.memory_space<vmem>> -> memref<80xi32, #tpu.memory_space<vmem>>
        %dma_start3A_1073 = arith.constant 0 : i32
        %dma_start3A_1074 = arith.constant 0 : i32
        %dma_start3A_1075 = tpu.memref_slice %arg2[%dma_start3A_1073, %dma_start3A_1074] : memref<10000x128xf32, #tpu.memory_space<hbm>> -> memref<10000x128xf32, #tpu.memory_space<hbm>>
        tpu.enqueue_indirect_dma source(%dma_start3A_1075 : memref<10000x128xf32, #tpu.memory_space<hbm>>) target(%dma_start3A_1069 : memref<80x128xf32, #tpu.memory_space<vmem>>) offsets(%dma_start3A_1072 : memref<80xi32, #tpu.memory_space<vmem>>) semaphore(%arg16 : memref<!tpu.dma_semaphore, #tpu.memory_space<semaphore_mem>>)
        %add3A_1076 = arith.constant 1 : i32
        %add3A_1077 = arith.addi %scan3A_670, %add3A_1076 : i32
        %mul3A_1078 = arith.constant 4 : i32
        %mul3A_1079 = arith.muli %add3A_1077, %mul3A_1078 : i32
        %add3A_1080 = arith.constant 3 : i32
        %add3A_1081 = arith.addi %mul3A_1079, %add3A_1080 : i32
        %add3A_1082 = arith.addi %add3A_65, %add3A_1081 : i32
        %mul3A_1083 = arith.constant 80 : i32
        %mul3A_1084 = arith.muli %add3A_1082, %mul3A_1083 : i32
        %dma_wait3A_1085 = arith.constant 3 : i32
        %dma_wait3A_1086 = arith.constant 0 : i32
        %dma_wait3A_1087 = arith.constant 0 : i32
        %dma_wait3A_1088 = tpu.memref_slice %arg7[%dma_wait3A_1085, %dma_wait3A_1086, %dma_wait3A_1087] : memref<4x2x80xi32, #tpu.memory_space<vmem>> -> memref<1x1x80xi32, #tpu.memory_space<vmem>>
        %dma_wait3A_1089 = tpu.memref_squeeze %dma_wait3A_1088 : memref<1x1x80xi32, #tpu.memory_space<vmem>> -> memref<80xi32, #tpu.memory_space<vmem>>
        %dma_wait3A_1090 = tpu.memref_slice %arg3[%mul3A_1084] : memref<320000xi32, #tpu.memory_space<hbm>> -> memref<80xi32, #tpu.memory_space<hbm>>
        %dma_wait3A_1091 = arith.constant 0 : i32
        %dma_wait3A_1092 = tpu.memref_slice %arg7[%dma_wait3A_1085, %dma_wait3A_1086, %dma_wait3A_1091] : memref<4x2x80xi32, #tpu.memory_space<vmem>> -> memref<1x1x80xi32, #tpu.memory_space<vmem>>
        %dma_wait3A_1093 = tpu.memref_squeeze %dma_wait3A_1092 : memref<1x1x80xi32, #tpu.memory_space<vmem>> -> memref<80xi32, #tpu.memory_space<vmem>>
        %dma_wait3A_1094 = tpu.memref_slice %arg3[%mul3A_1084] : memref<320000xi32, #tpu.memory_space<hbm>> -> memref<80xi32, #tpu.memory_space<hbm>>
        tpu.wait_dma2 semaphore(%arg13 : memref<!tpu.dma_semaphore, #tpu.memory_space<semaphore_mem>>) src(%dma_wait3A_1094 : memref<80xi32, #tpu.memory_space<hbm>>) dst(%dma_wait3A_1093 : memref<80xi32, #tpu.memory_space<vmem>>)
        %dma_wait3A_1095 = arith.constant 3 : i32
        %dma_wait3A_1096 = arith.constant 1 : i32
        %dma_wait3A_1097 = arith.constant 0 : i32
        %dma_wait3A_1098 = tpu.memref_slice %arg7[%dma_wait3A_1095, %dma_wait3A_1096, %dma_wait3A_1097] : memref<4x2x80xi32, #tpu.memory_space<vmem>> -> memref<1x1x80xi32, #tpu.memory_space<vmem>>
        %dma_wait3A_1099 = tpu.memref_squeeze %dma_wait3A_1098 : memref<1x1x80xi32, #tpu.memory_space<vmem>> -> memref<80xi32, #tpu.memory_space<vmem>>
        %dma_wait3A_1100 = tpu.memref_slice %arg4[%mul3A_1084] : memref<320000xi32, #tpu.memory_space<hbm>> -> memref<80xi32, #tpu.memory_space<hbm>>
        %dma_wait3A_1101 = arith.constant 0 : i32
        %dma_wait3A_1102 = tpu.memref_slice %arg7[%dma_wait3A_1095, %dma_wait3A_1096, %dma_wait3A_1101] : memref<4x2x80xi32, #tpu.memory_space<vmem>> -> memref<1x1x80xi32, #tpu.memory_space<vmem>>
        %dma_wait3A_1103 = tpu.memref_squeeze %dma_wait3A_1102 : memref<1x1x80xi32, #tpu.memory_space<vmem>> -> memref<80xi32, #tpu.memory_space<vmem>>
        %dma_wait3A_1104 = tpu.memref_slice %arg4[%mul3A_1084] : memref<320000xi32, #tpu.memory_space<hbm>> -> memref<80xi32, #tpu.memory_space<hbm>>
        tpu.wait_dma2 semaphore(%arg13 : memref<!tpu.dma_semaphore, #tpu.memory_space<semaphore_mem>>) src(%dma_wait3A_1104 : memref<80xi32, #tpu.memory_space<hbm>>) dst(%dma_wait3A_1103 : memref<80xi32, #tpu.memory_space<vmem>>)
        %dma_start3A_1105 = arith.constant 3 : i32
        %dma_start3A_1106 = arith.constant 0 : i32
        %dma_start3A_1107 = arith.constant 3 : i32
        %dma_start3A_1108 = arith.constant 0 : i32
        %dma_start3A_1109 = arith.constant 0 : i32
        %dma_start3A_1110 = tpu.memref_slice %arg8[%dma_start3A_1107, %dma_start3A_1108, %dma_start3A_1109] : memref<4x80x128xf32, #tpu.memory_space<vmem>> -> memref<1x80x128xf32, #tpu.memory_space<vmem>>
        %dma_start3A_1111 = tpu.memref_squeeze %dma_start3A_1110 : memref<1x80x128xf32, #tpu.memory_space<vmem>> -> memref<80x128xf32, #tpu.memory_space<vmem>>
        %dma_start3A_1112 = arith.constant 0 : i32
        %dma_start3A_1113 = tpu.memref_slice %arg7[%dma_start3A_1105, %dma_start3A_1106, %dma_start3A_1112] : memref<4x2x80xi32, #tpu.memory_space<vmem>> -> memref<1x1x80xi32, #tpu.memory_space<vmem>>
        %dma_start3A_1114 = tpu.memref_squeeze %dma_start3A_1113 : memref<1x1x80xi32, #tpu.memory_space<vmem>> -> memref<80xi32, #tpu.memory_space<vmem>>
        %dma_start3A_1115 = arith.constant 0 : i32
        %dma_start3A_1116 = arith.constant 0 : i32
        %dma_start3A_1117 = tpu.memref_slice %arg2[%dma_start3A_1115, %dma_start3A_1116] : memref<10000x128xf32, #tpu.memory_space<hbm>> -> memref<10000x128xf32, #tpu.memory_space<hbm>>
        tpu.enqueue_indirect_dma source(%dma_start3A_1117 : memref<10000x128xf32, #tpu.memory_space<hbm>>) target(%dma_start3A_1111 : memref<80x128xf32, #tpu.memory_space<vmem>>) offsets(%dma_start3A_1114 : memref<80xi32, #tpu.memory_space<vmem>>) semaphore(%arg17 : memref<!tpu.dma_semaphore, #tpu.memory_space<semaphore_mem>>)
      }
      %scan3A_313 = arith.constant 12 : i32
      %dma_wait3A_314 = arith.constant 0 : i32
      %dma_wait3A_315 = arith.constant 0 : i32
      %dma_wait3A_316 = arith.constant 0 : i32
      %dma_wait3A_317 = arith.constant 0 : i32
      %dma_wait3A_318 = arith.constant 0 : i32
      %dma_wait3A_319 = tpu.memref_slice %arg8[%dma_wait3A_316, %dma_wait3A_317, %dma_wait3A_318] : memref<4x80x128xf32, #tpu.memory_space<vmem>> -> memref<1x80x128xf32, #tpu.memory_space<vmem>>
      %dma_wait3A_320 = tpu.memref_squeeze %dma_wait3A_319 : memref<1x80x128xf32, #tpu.memory_space<vmem>> -> memref<80x128xf32, #tpu.memory_space<vmem>>
      %dma_wait3A_321 = arith.constant 0 : i32
      %dma_wait3A_322 = tpu.memref_slice %arg7[%dma_wait3A_314, %dma_wait3A_315, %dma_wait3A_321] : memref<4x2x80xi32, #tpu.memory_space<vmem>> -> memref<1x1x80xi32, #tpu.memory_space<vmem>>
      %dma_wait3A_323 = tpu.memref_squeeze %dma_wait3A_322 : memref<1x1x80xi32, #tpu.memory_space<vmem>> -> memref<80xi32, #tpu.memory_space<vmem>>
      %dma_wait3A_324 = arith.constant 0 : i32
      %dma_wait3A_325 = arith.constant 0 : i32
      %dma_wait3A_326 = tpu.memref_slice %arg2[%dma_wait3A_324, %dma_wait3A_325] : memref<10000x128xf32, #tpu.memory_space<hbm>> -> memref<10000x128xf32, #tpu.memory_space<hbm>>
      tpu.wait_indirect_dma semaphore(%arg14 : memref<!tpu.dma_semaphore, #tpu.memory_space<semaphore_mem>>) src(%dma_wait3A_326 : memref<10000x128xf32, #tpu.memory_space<hbm>>) dst(%dma_wait3A_320 : memref<80x128xf32, #tpu.memory_space<vmem>>)
      %dma_start3A_327 = arith.constant 0 : i32
      %dma_start3A_328 = arith.constant 0 : i32
      %dma_start3A_329 = arith.constant 1 : i32
      %dma_start3A_330 = arith.constant 0 : i32
      %dma_start3A_331 = arith.constant 0 : i32
      %dma_start3A_332 = tpu.memref_slice %arg8[%dma_start3A_327, %dma_start3A_330, %dma_start3A_331] : memref<4x80x128xf32, #tpu.memory_space<vmem>> -> memref<1x80x128xf32, #tpu.memory_space<vmem>>
      %dma_start3A_333 = tpu.memref_squeeze %dma_start3A_332 : memref<1x80x128xf32, #tpu.memory_space<vmem>> -> memref<80x128xf32, #tpu.memory_space<vmem>>
      %dma_start3A_334 = arith.constant 0 : i32
      %dma_start3A_335 = tpu.memref_slice %arg7[%dma_start3A_328, %dma_start3A_329, %dma_start3A_334] : memref<4x2x80xi32, #tpu.memory_space<vmem>> -> memref<1x1x80xi32, #tpu.memory_space<vmem>>
      %dma_start3A_336 = tpu.memref_squeeze %dma_start3A_335 : memref<1x1x80xi32, #tpu.memory_space<vmem>> -> memref<80xi32, #tpu.memory_space<vmem>>
      %dma_start3A_337 = arith.constant 0 : i32
      %dma_start3A_338 = arith.constant 0 : i32
      %dma_start3A_339 = tpu.memref_slice %arg9[%dma_start3A_337, %dma_start3A_338] : memref<10240x128xf32, #tpu.memory_space<vmem_shared>> -> memref<10240x128xf32, #tpu.memory_space<vmem_shared>>
      tpu.enqueue_indirect_dma source(%dma_start3A_333 : memref<80x128xf32, #tpu.memory_space<vmem>>) target(%dma_start3A_339 : memref<10240x128xf32, #tpu.memory_space<vmem_shared>>) offsets(%dma_start3A_336 : memref<80xi32, #tpu.memory_space<vmem>>) semaphore(%arg18 : memref<!tpu.dma_semaphore, #tpu.memory_space<semaphore_mem>>) {add = true}
      %dma_wait3A_340 = arith.constant 1 : i32
      %dma_wait3A_341 = arith.constant 0 : i32
      %dma_wait3A_342 = arith.constant 1 : i32
      %dma_wait3A_343 = arith.constant 0 : i32
      %dma_wait3A_344 = arith.constant 0 : i32
      %dma_wait3A_345 = tpu.memref_slice %arg8[%dma_wait3A_342, %dma_wait3A_343, %dma_wait3A_344] : memref<4x80x128xf32, #tpu.memory_space<vmem>> -> memref<1x80x128xf32, #tpu.memory_space<vmem>>
      %dma_wait3A_346 = tpu.memref_squeeze %dma_wait3A_345 : memref<1x80x128xf32, #tpu.memory_space<vmem>> -> memref<80x128xf32, #tpu.memory_space<vmem>>
      %dma_wait3A_347 = arith.constant 0 : i32
      %dma_wait3A_348 = tpu.memref_slice %arg7[%dma_wait3A_340, %dma_wait3A_341, %dma_wait3A_347] : memref<4x2x80xi32, #tpu.memory_space<vmem>> -> memref<1x1x80xi32, #tpu.memory_space<vmem>>
      %dma_wait3A_349 = tpu.memref_squeeze %dma_wait3A_348 : memref<1x1x80xi32, #tpu.memory_space<vmem>> -> memref<80xi32, #tpu.memory_space<vmem>>
      %dma_wait3A_350 = arith.constant 0 : i32
      %dma_wait3A_351 = arith.constant 0 : i32
      %dma_wait3A_352 = tpu.memref_slice %arg2[%dma_wait3A_350, %dma_wait3A_351] : memref<10000x128xf32, #tpu.memory_space<hbm>> -> memref<10000x128xf32, #tpu.memory_space<hbm>>
      tpu.wait_indirect_dma semaphore(%arg15 : memref<!tpu.dma_semaphore, #tpu.memory_space<semaphore_mem>>) src(%dma_wait3A_352 : memref<10000x128xf32, #tpu.memory_space<hbm>>) dst(%dma_wait3A_346 : memref<80x128xf32, #tpu.memory_space<vmem>>)
      %dma_wait3A_353 = arith.constant 0 : i32
      %dma_wait3A_354 = arith.constant 0 : i32
      %dma_wait3A_355 = arith.constant 1 : i32
      %dma_wait3A_356 = arith.constant 0 : i32
      %dma_wait3A_357 = arith.constant 0 : i32
      %dma_wait3A_358 = tpu.memref_slice %arg8[%dma_wait3A_353, %dma_wait3A_356, %dma_wait3A_357] : memref<4x80x128xf32, #tpu.memory_space<vmem>> -> memref<1x80x128xf32, #tpu.memory_space<vmem>>
      %dma_wait3A_359 = tpu.memref_squeeze %dma_wait3A_358 : memref<1x80x128xf32, #tpu.memory_space<vmem>> -> memref<80x128xf32, #tpu.memory_space<vmem>>
      %dma_wait3A_360 = arith.constant 0 : i32
      %dma_wait3A_361 = tpu.memref_slice %arg7[%dma_wait3A_354, %dma_wait3A_355, %dma_wait3A_360] : memref<4x2x80xi32, #tpu.memory_space<vmem>> -> memref<1x1x80xi32, #tpu.memory_space<vmem>>
      %dma_wait3A_362 = tpu.memref_squeeze %dma_wait3A_361 : memref<1x1x80xi32, #tpu.memory_space<vmem>> -> memref<80xi32, #tpu.memory_space<vmem>>
      %dma_wait3A_363 = arith.constant 0 : i32
      %dma_wait3A_364 = arith.constant 0 : i32
      %dma_wait3A_365 = tpu.memref_slice %arg9[%dma_wait3A_363, %dma_wait3A_364] : memref<10240x128xf32, #tpu.memory_space<vmem_shared>> -> memref<10240x128xf32, #tpu.memory_space<vmem_shared>>
      tpu.wait_indirect_dma semaphore(%arg18 : memref<!tpu.dma_semaphore, #tpu.memory_space<semaphore_mem>>) src(%dma_wait3A_359 : memref<80x128xf32, #tpu.memory_space<vmem>>) dst(%dma_wait3A_365 : memref<10240x128xf32, #tpu.memory_space<vmem_shared>>)
      %dma_start3A_366 = arith.constant 1 : i32
      %dma_start3A_367 = arith.constant 1 : i32
      %dma_start3A_368 = arith.constant 1 : i32
      %dma_start3A_369 = arith.constant 0 : i32
      %dma_start3A_370 = arith.constant 0 : i32
      %dma_start3A_371 = tpu.memref_slice %arg8[%dma_start3A_366, %dma_start3A_369, %dma_start3A_370] : memref<4x80x128xf32, #tpu.memory_space<vmem>> -> memref<1x80x128xf32, #tpu.memory_space<vmem>>
      %dma_start3A_372 = tpu.memref_squeeze %dma_start3A_371 : memref<1x80x128xf32, #tpu.memory_space<vmem>> -> memref<80x128xf32, #tpu.memory_space<vmem>>
      %dma_start3A_373 = arith.constant 0 : i32
      %dma_start3A_374 = tpu.memref_slice %arg7[%dma_start3A_367, %dma_start3A_368, %dma_start3A_373] : memref<4x2x80xi32, #tpu.memory_space<vmem>> -> memref<1x1x80xi32, #tpu.memory_space<vmem>>
      %dma_start3A_375 = tpu.memref_squeeze %dma_start3A_374 : memref<1x1x80xi32, #tpu.memory_space<vmem>> -> memref<80xi32, #tpu.memory_space<vmem>>
      %dma_start3A_376 = arith.constant 0 : i32
      %dma_start3A_377 = arith.constant 0 : i32
      %dma_start3A_378 = tpu.memref_slice %arg9[%dma_start3A_376, %dma_start3A_377] : memref<10240x128xf32, #tpu.memory_space<vmem_shared>> -> memref<10240x128xf32, #tpu.memory_space<vmem_shared>>
      tpu.enqueue_indirect_dma source(%dma_start3A_372 : memref<80x128xf32, #tpu.memory_space<vmem>>) target(%dma_start3A_378 : memref<10240x128xf32, #tpu.memory_space<vmem_shared>>) offsets(%dma_start3A_375 : memref<80xi32, #tpu.memory_space<vmem>>) semaphore(%arg19 : memref<!tpu.dma_semaphore, #tpu.memory_space<semaphore_mem>>) {add = true}
      %dma_wait3A_379 = arith.constant 2 : i32
      %dma_wait3A_380 = arith.constant 0 : i32
      %dma_wait3A_381 = arith.constant 2 : i32
      %dma_wait3A_382 = arith.constant 0 : i32
      %dma_wait3A_383 = arith.constant 0 : i32
      %dma_wait3A_384 = tpu.memref_slice %arg8[%dma_wait3A_381, %dma_wait3A_382, %dma_wait3A_383] : memref<4x80x128xf32, #tpu.memory_space<vmem>> -> memref<1x80x128xf32, #tpu.memory_space<vmem>>
      %dma_wait3A_385 = tpu.memref_squeeze %dma_wait3A_384 : memref<1x80x128xf32, #tpu.memory_space<vmem>> -> memref<80x128xf32, #tpu.memory_space<vmem>>
      %dma_wait3A_386 = arith.constant 0 : i32
      %dma_wait3A_387 = tpu.memref_slice %arg7[%dma_wait3A_379, %dma_wait3A_380, %dma_wait3A_386] : memref<4x2x80xi32, #tpu.memory_space<vmem>> -> memref<1x1x80xi32, #tpu.memory_space<vmem>>
      %dma_wait3A_388 = tpu.memref_squeeze %dma_wait3A_387 : memref<1x1x80xi32, #tpu.memory_space<vmem>> -> memref<80xi32, #tpu.memory_space<vmem>>
      %dma_wait3A_389 = arith.constant 0 : i32
      %dma_wait3A_390 = arith.constant 0 : i32
      %dma_wait3A_391 = tpu.memref_slice %arg2[%dma_wait3A_389, %dma_wait3A_390] : memref<10000x128xf32, #tpu.memory_space<hbm>> -> memref<10000x128xf32, #tpu.memory_space<hbm>>
      tpu.wait_indirect_dma semaphore(%arg16 : memref<!tpu.dma_semaphore, #tpu.memory_space<semaphore_mem>>) src(%dma_wait3A_391 : memref<10000x128xf32, #tpu.memory_space<hbm>>) dst(%dma_wait3A_385 : memref<80x128xf32, #tpu.memory_space<vmem>>)
      %dma_wait3A_392 = arith.constant 1 : i32
      %dma_wait3A_393 = arith.constant 1 : i32
      %dma_wait3A_394 = arith.constant 1 : i32
      %dma_wait3A_395 = arith.constant 0 : i32
      %dma_wait3A_396 = arith.constant 0 : i32
      %dma_wait3A_397 = tpu.memref_slice %arg8[%dma_wait3A_392, %dma_wait3A_395, %dma_wait3A_396] : memref<4x80x128xf32, #tpu.memory_space<vmem>> -> memref<1x80x128xf32, #tpu.memory_space<vmem>>
      %dma_wait3A_398 = tpu.memref_squeeze %dma_wait3A_397 : memref<1x80x128xf32, #tpu.memory_space<vmem>> -> memref<80x128xf32, #tpu.memory_space<vmem>>
      %dma_wait3A_399 = arith.constant 0 : i32
      %dma_wait3A_400 = tpu.memref_slice %arg7[%dma_wait3A_393, %dma_wait3A_394, %dma_wait3A_399] : memref<4x2x80xi32, #tpu.memory_space<vmem>> -> memref<1x1x80xi32, #tpu.memory_space<vmem>>
      %dma_wait3A_401 = tpu.memref_squeeze %dma_wait3A_400 : memref<1x1x80xi32, #tpu.memory_space<vmem>> -> memref<80xi32, #tpu.memory_space<vmem>>
      %dma_wait3A_402 = arith.constant 0 : i32
      %dma_wait3A_403 = arith.constant 0 : i32
      %dma_wait3A_404 = tpu.memref_slice %arg9[%dma_wait3A_402, %dma_wait3A_403] : memref<10240x128xf32, #tpu.memory_space<vmem_shared>> -> memref<10240x128xf32, #tpu.memory_space<vmem_shared>>
      tpu.wait_indirect_dma semaphore(%arg19 : memref<!tpu.dma_semaphore, #tpu.memory_space<semaphore_mem>>) src(%dma_wait3A_398 : memref<80x128xf32, #tpu.memory_space<vmem>>) dst(%dma_wait3A_404 : memref<10240x128xf32, #tpu.memory_space<vmem_shared>>)
      %dma_start3A_405 = arith.constant 2 : i32
      %dma_start3A_406 = arith.constant 2 : i32
      %dma_start3A_407 = arith.constant 1 : i32
      %dma_start3A_408 = arith.constant 0 : i32
      %dma_start3A_409 = arith.constant 0 : i32
      %dma_start3A_410 = tpu.memref_slice %arg8[%dma_start3A_405, %dma_start3A_408, %dma_start3A_409] : memref<4x80x128xf32, #tpu.memory_space<vmem>> -> memref<1x80x128xf32, #tpu.memory_space<vmem>>
      %dma_start3A_411 = tpu.memref_squeeze %dma_start3A_410 : memref<1x80x128xf32, #tpu.memory_space<vmem>> -> memref<80x128xf32, #tpu.memory_space<vmem>>
      %dma_start3A_412 = arith.constant 0 : i32
      %dma_start3A_413 = tpu.memref_slice %arg7[%dma_start3A_406, %dma_start3A_407, %dma_start3A_412] : memref<4x2x80xi32, #tpu.memory_space<vmem>> -> memref<1x1x80xi32, #tpu.memory_space<vmem>>
      %dma_start3A_414 = tpu.memref_squeeze %dma_start3A_413 : memref<1x1x80xi32, #tpu.memory_space<vmem>> -> memref<80xi32, #tpu.memory_space<vmem>>
      %dma_start3A_415 = arith.constant 0 : i32
      %dma_start3A_416 = arith.constant 0 : i32
      %dma_start3A_417 = tpu.memref_slice %arg9[%dma_start3A_415, %dma_start3A_416] : memref<10240x128xf32, #tpu.memory_space<vmem_shared>> -> memref<10240x128xf32, #tpu.memory_space<vmem_shared>>
      tpu.enqueue_indirect_dma source(%dma_start3A_411 : memref<80x128xf32, #tpu.memory_space<vmem>>) target(%dma_start3A_417 : memref<10240x128xf32, #tpu.memory_space<vmem_shared>>) offsets(%dma_start3A_414 : memref<80xi32, #tpu.memory_space<vmem>>) semaphore(%arg20 : memref<!tpu.dma_semaphore, #tpu.memory_space<semaphore_mem>>) {add = true}
      %dma_wait3A_418 = arith.constant 3 : i32
      %dma_wait3A_419 = arith.constant 0 : i32
      %dma_wait3A_420 = arith.constant 3 : i32
      %dma_wait3A_421 = arith.constant 0 : i32
      %dma_wait3A_422 = arith.constant 0 : i32
      %dma_wait3A_423 = tpu.memref_slice %arg8[%dma_wait3A_420, %dma_wait3A_421, %dma_wait3A_422] : memref<4x80x128xf32, #tpu.memory_space<vmem>> -> memref<1x80x128xf32, #tpu.memory_space<vmem>>
      %dma_wait3A_424 = tpu.memref_squeeze %dma_wait3A_423 : memref<1x80x128xf32, #tpu.memory_space<vmem>> -> memref<80x128xf32, #tpu.memory_space<vmem>>
      %dma_wait3A_425 = arith.constant 0 : i32
      %dma_wait3A_426 = tpu.memref_slice %arg7[%dma_wait3A_418, %dma_wait3A_419, %dma_wait3A_425] : memref<4x2x80xi32, #tpu.memory_space<vmem>> -> memref<1x1x80xi32, #tpu.memory_space<vmem>>
      %dma_wait3A_427 = tpu.memref_squeeze %dma_wait3A_426 : memref<1x1x80xi32, #tpu.memory_space<vmem>> -> memref<80xi32, #tpu.memory_space<vmem>>
      %dma_wait3A_428 = arith.constant 0 : i32
      %dma_wait3A_429 = arith.constant 0 : i32
      %dma_wait3A_430 = tpu.memref_slice %arg2[%dma_wait3A_428, %dma_wait3A_429] : memref<10000x128xf32, #tpu.memory_space<hbm>> -> memref<10000x128xf32, #tpu.memory_space<hbm>>
      tpu.wait_indirect_dma semaphore(%arg17 : memref<!tpu.dma_semaphore, #tpu.memory_space<semaphore_mem>>) src(%dma_wait3A_430 : memref<10000x128xf32, #tpu.memory_space<hbm>>) dst(%dma_wait3A_424 : memref<80x128xf32, #tpu.memory_space<vmem>>)
      %dma_wait3A_431 = arith.constant 2 : i32
      %dma_wait3A_432 = arith.constant 2 : i32
      %dma_wait3A_433 = arith.constant 1 : i32
      %dma_wait3A_434 = arith.constant 0 : i32
      %dma_wait3A_435 = arith.constant 0 : i32
      %dma_wait3A_436 = tpu.memref_slice %arg8[%dma_wait3A_431, %dma_wait3A_434, %dma_wait3A_435] : memref<4x80x128xf32, #tpu.memory_space<vmem>> -> memref<1x80x128xf32, #tpu.memory_space<vmem>>
      %dma_wait3A_437 = tpu.memref_squeeze %dma_wait3A_436 : memref<1x80x128xf32, #tpu.memory_space<vmem>> -> memref<80x128xf32, #tpu.memory_space<vmem>>
      %dma_wait3A_438 = arith.constant 0 : i32
      %dma_wait3A_439 = tpu.memref_slice %arg7[%dma_wait3A_432, %dma_wait3A_433, %dma_wait3A_438] : memref<4x2x80xi32, #tpu.memory_space<vmem>> -> memref<1x1x80xi32, #tpu.memory_space<vmem>>
      %dma_wait3A_440 = tpu.memref_squeeze %dma_wait3A_439 : memref<1x1x80xi32, #tpu.memory_space<vmem>> -> memref<80xi32, #tpu.memory_space<vmem>>
      %dma_wait3A_441 = arith.constant 0 : i32
      %dma_wait3A_442 = arith.constant 0 : i32
      %dma_wait3A_443 = tpu.memref_slice %arg9[%dma_wait3A_441, %dma_wait3A_442] : memref<10240x128xf32, #tpu.memory_space<vmem_shared>> -> memref<10240x128xf32, #tpu.memory_space<vmem_shared>>
      tpu.wait_indirect_dma semaphore(%arg20 : memref<!tpu.dma_semaphore, #tpu.memory_space<semaphore_mem>>) src(%dma_wait3A_437 : memref<80x128xf32, #tpu.memory_space<vmem>>) dst(%dma_wait3A_443 : memref<10240x128xf32, #tpu.memory_space<vmem_shared>>)
      %dma_start3A_444 = arith.constant 3 : i32
      %dma_start3A_445 = arith.constant 3 : i32
      %dma_start3A_446 = arith.constant 1 : i32
      %dma_start3A_447 = arith.constant 0 : i32
      %dma_start3A_448 = arith.constant 0 : i32
      %dma_start3A_449 = tpu.memref_slice %arg8[%dma_start3A_444, %dma_start3A_447, %dma_start3A_448] : memref<4x80x128xf32, #tpu.memory_space<vmem>> -> memref<1x80x128xf32, #tpu.memory_space<vmem>>
      %dma_start3A_450 = tpu.memref_squeeze %dma_start3A_449 : memref<1x80x128xf32, #tpu.memory_space<vmem>> -> memref<80x128xf32, #tpu.memory_space<vmem>>
      %dma_start3A_451 = arith.constant 0 : i32
      %dma_start3A_452 = tpu.memref_slice %arg7[%dma_start3A_445, %dma_start3A_446, %dma_start3A_451] : memref<4x2x80xi32, #tpu.memory_space<vmem>> -> memref<1x1x80xi32, #tpu.memory_space<vmem>>
      %dma_start3A_453 = tpu.memref_squeeze %dma_start3A_452 : memref<1x1x80xi32, #tpu.memory_space<vmem>> -> memref<80xi32, #tpu.memory_space<vmem>>
      %dma_start3A_454 = arith.constant 0 : i32
      %dma_start3A_455 = arith.constant 0 : i32
      %dma_start3A_456 = tpu.memref_slice %arg9[%dma_start3A_454, %dma_start3A_455] : memref<10240x128xf32, #tpu.memory_space<vmem_shared>> -> memref<10240x128xf32, #tpu.memory_space<vmem_shared>>
      tpu.enqueue_indirect_dma source(%dma_start3A_450 : memref<80x128xf32, #tpu.memory_space<vmem>>) target(%dma_start3A_456 : memref<10240x128xf32, #tpu.memory_space<vmem_shared>>) offsets(%dma_start3A_453 : memref<80xi32, #tpu.memory_space<vmem>>) semaphore(%arg21 : memref<!tpu.dma_semaphore, #tpu.memory_space<semaphore_mem>>) {add = true}
      %dma_wait3A_457 = arith.constant 3 : i32
      %dma_wait3A_458 = arith.constant 3 : i32
      %dma_wait3A_459 = arith.constant 1 : i32
      %dma_wait3A_460 = arith.constant 0 : i32
      %dma_wait3A_461 = arith.constant 0 : i32
      %dma_wait3A_462 = tpu.memref_slice %arg8[%dma_wait3A_457, %dma_wait3A_460, %dma_wait3A_461] : memref<4x80x128xf32, #tpu.memory_space<vmem>> -> memref<1x80x128xf32, #tpu.memory_space<vmem>>
      %dma_wait3A_463 = tpu.memref_squeeze %dma_wait3A_462 : memref<1x80x128xf32, #tpu.memory_space<vmem>> -> memref<80x128xf32, #tpu.memory_space<vmem>>
      %dma_wait3A_464 = arith.constant 0 : i32
      %dma_wait3A_465 = tpu.memref_slice %arg7[%dma_wait3A_458, %dma_wait3A_459, %dma_wait3A_464] : memref<4x2x80xi32, #tpu.memory_space<vmem>> -> memref<1x1x80xi32, #tpu.memory_space<vmem>>
      %dma_wait3A_466 = tpu.memref_squeeze %dma_wait3A_465 : memref<1x1x80xi32, #tpu.memory_space<vmem>> -> memref<80xi32, #tpu.memory_space<vmem>>
      %dma_wait3A_467 = arith.constant 0 : i32
      %dma_wait3A_468 = arith.constant 0 : i32
      %dma_wait3A_469 = tpu.memref_slice %arg9[%dma_wait3A_467, %dma_wait3A_468] : memref<10240x128xf32, #tpu.memory_space<vmem_shared>> -> memref<10240x128xf32, #tpu.memory_space<vmem_shared>>
      tpu.wait_indirect_dma semaphore(%arg21 : memref<!tpu.dma_semaphore, #tpu.memory_space<semaphore_mem>>) src(%dma_wait3A_463 : memref<80x128xf32, #tpu.memory_space<vmem>>) dst(%dma_wait3A_469 : memref<10240x128xf32, #tpu.memory_space<vmem_shared>>)
      %add3A_470 = arith.constant 52 : i32
      %add3A_471 = arith.addi %add3A_65, %add3A_470 : i32
      %mul3A_472 = arith.constant 80 : i32
      %mul3A_473 = arith.muli %add3A_471, %mul3A_472 : i32
      %dma_start3A_474 = arith.constant 0 : i32
      %dma_start3A_475 = arith.constant 0 : i32
      %dma_start3A_476 = arith.constant 0 : i32
      %dma_start3A_477 = tpu.memref_slice %arg7[%dma_start3A_474, %dma_start3A_475, %dma_start3A_476] : memref<4x2x80xi32, #tpu.memory_space<vmem>> -> memref<1x1x80xi32, #tpu.memory_space<vmem>>
      %dma_start3A_478 = tpu.memref_squeeze %dma_start3A_477 : memref<1x1x80xi32, #tpu.memory_space<vmem>> -> memref<80xi32, #tpu.memory_space<vmem>>
      %dma_start3A_479 = tpu.memref_slice %arg3[%mul3A_473] : memref<320000xi32, #tpu.memory_space<hbm>> -> memref<80xi32, #tpu.memory_space<hbm>>
      %dma_start3A_480 = arith.constant 0 : i32
      %dma_start3A_481 = tpu.memref_slice %arg7[%dma_start3A_474, %dma_start3A_475, %dma_start3A_480] : memref<4x2x80xi32, #tpu.memory_space<vmem>> -> memref<1x1x80xi32, #tpu.memory_space<vmem>>
      %dma_start3A_482 = tpu.memref_squeeze %dma_start3A_481 : memref<1x1x80xi32, #tpu.memory_space<vmem>> -> memref<80xi32, #tpu.memory_space<vmem>>
      %dma_start3A_483 = tpu.memref_slice %arg3[%mul3A_473] : memref<320000xi32, #tpu.memory_space<hbm>> -> memref<80xi32, #tpu.memory_space<hbm>>
      tpu.enqueue_dma source(%dma_start3A_483 : memref<80xi32, #tpu.memory_space<hbm>>) target(%dma_start3A_482 : memref<80xi32, #tpu.memory_space<vmem>>) target_semaphore(%arg10 : memref<!tpu.dma_semaphore, #tpu.memory_space<semaphore_mem>>)
      %dma_start3A_484 = arith.constant 0 : i32
      %dma_start3A_485 = arith.constant 1 : i32
      %dma_start3A_486 = arith.constant 0 : i32
      %dma_start3A_487 = tpu.memref_slice %arg7[%dma_start3A_484, %dma_start3A_485, %dma_start3A_486] : memref<4x2x80xi32, #tpu.memory_space<vmem>> -> memref<1x1x80xi32, #tpu.memory_space<vmem>>
      %dma_start3A_488 = tpu.memref_squeeze %dma_start3A_487 : memref<1x1x80xi32, #tpu.memory_space<vmem>> -> memref<80xi32, #tpu.memory_space<vmem>>
      %dma_start3A_489 = tpu.memref_slice %arg4[%mul3A_473] : memref<320000xi32, #tpu.memory_space<hbm>> -> memref<80xi32, #tpu.memory_space<hbm>>
      %dma_start3A_490 = arith.constant 0 : i32
      %dma_start3A_491 = tpu.memref_slice %arg7[%dma_start3A_484, %dma_start3A_485, %dma_start3A_490] : memref<4x2x80xi32, #tpu.memory_space<vmem>> -> memref<1x1x80xi32, #tpu.memory_space<vmem>>
      %dma_start3A_492 = tpu.memref_squeeze %dma_start3A_491 : memref<1x1x80xi32, #tpu.memory_space<vmem>> -> memref<80xi32, #tpu.memory_space<vmem>>
      %dma_start3A_493 = tpu.memref_slice %arg4[%mul3A_473] : memref<320000xi32, #tpu.memory_space<hbm>> -> memref<80xi32, #tpu.memory_space<hbm>>
      tpu.enqueue_dma source(%dma_start3A_493 : memref<80xi32, #tpu.memory_space<hbm>>) target(%dma_start3A_492 : memref<80xi32, #tpu.memory_space<vmem>>) target_semaphore(%arg10 : memref<!tpu.dma_semaphore, #tpu.memory_space<semaphore_mem>>)
      %add3A_494 = arith.constant 52 : i32
      %add3A_495 = arith.addi %add3A_65, %add3A_494 : i32
      %mul3A_496 = arith.constant 80 : i32
      %mul3A_497 = arith.muli %add3A_495, %mul3A_496 : i32
      %dma_wait3A_498 = arith.constant 0 : i32
      %dma_wait3A_499 = arith.constant 0 : i32
      %dma_wait3A_500 = arith.constant 0 : i32
      %dma_wait3A_501 = tpu.memref_slice %arg7[%dma_wait3A_498, %dma_wait3A_499, %dma_wait3A_500] : memref<4x2x80xi32, #tpu.memory_space<vmem>> -> memref<1x1x80xi32, #tpu.memory_space<vmem>>
      %dma_wait3A_502 = tpu.memref_squeeze %dma_wait3A_501 : memref<1x1x80xi32, #tpu.memory_space<vmem>> -> memref<80xi32, #tpu.memory_space<vmem>>
      %dma_wait3A_503 = tpu.memref_slice %arg3[%mul3A_497] : memref<320000xi32, #tpu.memory_space<hbm>> -> memref<80xi32, #tpu.memory_space<hbm>>
      %dma_wait3A_504 = arith.constant 0 : i32
      %dma_wait3A_505 = tpu.memref_slice %arg7[%dma_wait3A_498, %dma_wait3A_499, %dma_wait3A_504] : memref<4x2x80xi32, #tpu.memory_space<vmem>> -> memref<1x1x80xi32, #tpu.memory_space<vmem>>
      %dma_wait3A_506 = tpu.memref_squeeze %dma_wait3A_505 : memref<1x1x80xi32, #tpu.memory_space<vmem>> -> memref<80xi32, #tpu.memory_space<vmem>>
      %dma_wait3A_507 = tpu.memref_slice %arg3[%mul3A_497] : memref<320000xi32, #tpu.memory_space<hbm>> -> memref<80xi32, #tpu.memory_space<hbm>>
      tpu.wait_dma2 semaphore(%arg10 : memref<!tpu.dma_semaphore, #tpu.memory_space<semaphore_mem>>) src(%dma_wait3A_507 : memref<80xi32, #tpu.memory_space<hbm>>) dst(%dma_wait3A_506 : memref<80xi32, #tpu.memory_space<vmem>>)
      %dma_wait3A_508 = arith.constant 0 : i32
      %dma_wait3A_509 = arith.constant 1 : i32
      %dma_wait3A_510 = arith.constant 0 : i32
      %dma_wait3A_511 = tpu.memref_slice %arg7[%dma_wait3A_508, %dma_wait3A_509, %dma_wait3A_510] : memref<4x2x80xi32, #tpu.memory_space<vmem>> -> memref<1x1x80xi32, #tpu.memory_space<vmem>>
      %dma_wait3A_512 = tpu.memref_squeeze %dma_wait3A_511 : memref<1x1x80xi32, #tpu.memory_space<vmem>> -> memref<80xi32, #tpu.memory_space<vmem>>
      %dma_wait3A_513 = tpu.memref_slice %arg4[%mul3A_497] : memref<320000xi32, #tpu.memory_space<hbm>> -> memref<80xi32, #tpu.memory_space<hbm>>
      %dma_wait3A_514 = arith.constant 0 : i32
      %dma_wait3A_515 = tpu.memref_slice %arg7[%dma_wait3A_508, %dma_wait3A_509, %dma_wait3A_514] : memref<4x2x80xi32, #tpu.memory_space<vmem>> -> memref<1x1x80xi32, #tpu.memory_space<vmem>>
      %dma_wait3A_516 = tpu.memref_squeeze %dma_wait3A_515 : memref<1x1x80xi32, #tpu.memory_space<vmem>> -> memref<80xi32, #tpu.memory_space<vmem>>
      %dma_wait3A_517 = tpu.memref_slice %arg4[%mul3A_497] : memref<320000xi32, #tpu.memory_space<hbm>> -> memref<80xi32, #tpu.memory_space<hbm>>
      tpu.wait_dma2 semaphore(%arg10 : memref<!tpu.dma_semaphore, #tpu.memory_space<semaphore_mem>>) src(%dma_wait3A_517 : memref<80xi32, #tpu.memory_space<hbm>>) dst(%dma_wait3A_516 : memref<80xi32, #tpu.memory_space<vmem>>)
      %dma_start3A_518 = arith.constant 0 : i32
      %dma_start3A_519 = arith.constant 0 : i32
      %dma_start3A_520 = arith.constant 0 : i32
      %dma_start3A_521 = arith.constant 0 : i32
      %dma_start3A_522 = arith.constant 0 : i32
      %dma_start3A_523 = tpu.memref_slice %arg8[%dma_start3A_520, %dma_start3A_521, %dma_start3A_522] : memref<4x80x128xf32, #tpu.memory_space<vmem>> -> memref<1x80x128xf32, #tpu.memory_space<vmem>>
      %dma_start3A_524 = tpu.memref_squeeze %dma_start3A_523 : memref<1x80x128xf32, #tpu.memory_space<vmem>> -> memref<80x128xf32, #tpu.memory_space<vmem>>
      %dma_start3A_525 = arith.constant 0 : i32
      %dma_start3A_526 = tpu.memref_slice %arg7[%dma_start3A_518, %dma_start3A_519, %dma_start3A_525] : memref<4x2x80xi32, #tpu.memory_space<vmem>> -> memref<1x1x80xi32, #tpu.memory_space<vmem>>
      %dma_start3A_527 = tpu.memref_squeeze %dma_start3A_526 : memref<1x1x80xi32, #tpu.memory_space<vmem>> -> memref<80xi32, #tpu.memory_space<vmem>>
      %dma_start3A_528 = arith.constant 0 : i32
      %dma_start3A_529 = arith.constant 0 : i32
      %dma_start3A_530 = tpu.memref_slice %arg2[%dma_start3A_528, %dma_start3A_529] : memref<10000x128xf32, #tpu.memory_space<hbm>> -> memref<10000x128xf32, #tpu.memory_space<hbm>>
      tpu.enqueue_indirect_dma source(%dma_start3A_530 : memref<10000x128xf32, #tpu.memory_space<hbm>>) target(%dma_start3A_524 : memref<80x128xf32, #tpu.memory_space<vmem>>) offsets(%dma_start3A_527 : memref<80xi32, #tpu.memory_space<vmem>>) semaphore(%arg14 : memref<!tpu.dma_semaphore, #tpu.memory_space<semaphore_mem>>)
      %dma_wait3A_531 = arith.constant 0 : i32
      %dma_wait3A_532 = arith.constant 0 : i32
      %dma_wait3A_533 = arith.constant 0 : i32
      %dma_wait3A_534 = arith.constant 0 : i32
      %dma_wait3A_535 = arith.constant 0 : i32
      %dma_wait3A_536 = tpu.memref_slice %arg8[%dma_wait3A_533, %dma_wait3A_534, %dma_wait3A_535] : memref<4x80x128xf32, #tpu.memory_space<vmem>> -> memref<1x80x128xf32, #tpu.memory_space<vmem>>
      %dma_wait3A_537 = tpu.memref_squeeze %dma_wait3A_536 : memref<1x80x128xf32, #tpu.memory_space<vmem>> -> memref<80x128xf32, #tpu.memory_space<vmem>>
      %dma_wait3A_538 = arith.constant 0 : i32
      %dma_wait3A_539 = tpu.memref_slice %arg7[%dma_wait3A_531, %dma_wait3A_532, %dma_wait3A_538] : memref<4x2x80xi32, #tpu.memory_space<vmem>> -> memref<1x1x80xi32, #tpu.memory_space<vmem>>
      %dma_wait3A_540 = tpu.memref_squeeze %dma_wait3A_539 : memref<1x1x80xi32, #tpu.memory_space<vmem>> -> memref<80xi32, #tpu.memory_space<vmem>>
      %dma_wait3A_541 = arith.constant 0 : i32
      %dma_wait3A_542 = arith.constant 0 : i32
      %dma_wait3A_543 = tpu.memref_slice %arg2[%dma_wait3A_541, %dma_wait3A_542] : memref<10000x128xf32, #tpu.memory_space<hbm>> -> memref<10000x128xf32, #tpu.memory_space<hbm>>
      tpu.wait_indirect_dma semaphore(%arg14 : memref<!tpu.dma_semaphore, #tpu.memory_space<semaphore_mem>>) src(%dma_wait3A_543 : memref<10000x128xf32, #tpu.memory_space<hbm>>) dst(%dma_wait3A_537 : memref<80x128xf32, #tpu.memory_space<vmem>>)
      %dma_start3A_544 = arith.constant 0 : i32
      %dma_start3A_545 = arith.constant 0 : i32
      %dma_start3A_546 = arith.constant 1 : i32
      %dma_start3A_547 = arith.constant 0 : i32
      %dma_start3A_548 = arith.constant 0 : i32
      %dma_start3A_549 = tpu.memref_slice %arg8[%dma_start3A_544, %dma_start3A_547, %dma_start3A_548] : memref<4x80x128xf32, #tpu.memory_space<vmem>> -> memref<1x80x128xf32, #tpu.memory_space<vmem>>
      %dma_start3A_550 = tpu.memref_squeeze %dma_start3A_549 : memref<1x80x128xf32, #tpu.memory_space<vmem>> -> memref<80x128xf32, #tpu.memory_space<vmem>>
      %dma_start3A_551 = arith.constant 0 : i32
      %dma_start3A_552 = tpu.memref_slice %arg7[%dma_start3A_545, %dma_start3A_546, %dma_start3A_551] : memref<4x2x80xi32, #tpu.memory_space<vmem>> -> memref<1x1x80xi32, #tpu.memory_space<vmem>>
      %dma_start3A_553 = tpu.memref_squeeze %dma_start3A_552 : memref<1x1x80xi32, #tpu.memory_space<vmem>> -> memref<80xi32, #tpu.memory_space<vmem>>
      %dma_start3A_554 = arith.constant 0 : i32
      %dma_start3A_555 = arith.constant 0 : i32
      %dma_start3A_556 = tpu.memref_slice %arg9[%dma_start3A_554, %dma_start3A_555] : memref<10240x128xf32, #tpu.memory_space<vmem_shared>> -> memref<10240x128xf32, #tpu.memory_space<vmem_shared>>
      tpu.enqueue_indirect_dma source(%dma_start3A_550 : memref<80x128xf32, #tpu.memory_space<vmem>>) target(%dma_start3A_556 : memref<10240x128xf32, #tpu.memory_space<vmem_shared>>) offsets(%dma_start3A_553 : memref<80xi32, #tpu.memory_space<vmem>>) semaphore(%arg18 : memref<!tpu.dma_semaphore, #tpu.memory_space<semaphore_mem>>) {add = true}
      %dma_wait3A_557 = arith.constant 0 : i32
      %dma_wait3A_558 = arith.constant 0 : i32
      %dma_wait3A_559 = arith.constant 1 : i32
      %dma_wait3A_560 = arith.constant 0 : i32
      %dma_wait3A_561 = arith.constant 0 : i32
      %dma_wait3A_562 = tpu.memref_slice %arg8[%dma_wait3A_557, %dma_wait3A_560, %dma_wait3A_561] : memref<4x80x128xf32, #tpu.memory_space<vmem>> -> memref<1x80x128xf32, #tpu.memory_space<vmem>>
      %dma_wait3A_563 = tpu.memref_squeeze %dma_wait3A_562 : memref<1x80x128xf32, #tpu.memory_space<vmem>> -> memref<80x128xf32, #tpu.memory_space<vmem>>
      %dma_wait3A_564 = arith.constant 0 : i32
      %dma_wait3A_565 = tpu.memref_slice %arg7[%dma_wait3A_558, %dma_wait3A_559, %dma_wait3A_564] : memref<4x2x80xi32, #tpu.memory_space<vmem>> -> memref<1x1x80xi32, #tpu.memory_space<vmem>>
      %dma_wait3A_566 = tpu.memref_squeeze %dma_wait3A_565 : memref<1x1x80xi32, #tpu.memory_space<vmem>> -> memref<80xi32, #tpu.memory_space<vmem>>
      %dma_wait3A_567 = arith.constant 0 : i32
      %dma_wait3A_568 = arith.constant 0 : i32
      %dma_wait3A_569 = tpu.memref_slice %arg9[%dma_wait3A_567, %dma_wait3A_568] : memref<10240x128xf32, #tpu.memory_space<vmem_shared>> -> memref<10240x128xf32, #tpu.memory_space<vmem_shared>>
      tpu.wait_indirect_dma semaphore(%arg18 : memref<!tpu.dma_semaphore, #tpu.memory_space<semaphore_mem>>) src(%dma_wait3A_563 : memref<80x128xf32, #tpu.memory_space<vmem>>) dst(%dma_wait3A_569 : memref<10240x128xf32, #tpu.memory_space<vmem_shared>>)
      %add3A_570 = arith.constant 53 : i32
      %add3A_571 = arith.addi %add3A_65, %add3A_570 : i32
      %mul3A_572 = arith.constant 80 : i32
      %mul3A_573 = arith.muli %add3A_571, %mul3A_572 : i32
      %dma_start3A_574 = arith.constant 1 : i32
      %dma_start3A_575 = arith.constant 0 : i32
      %dma_start3A_576 = arith.constant 0 : i32
      %dma_start3A_577 = tpu.memref_slice %arg7[%dma_start3A_574, %dma_start3A_575, %dma_start3A_576] : memref<4x2x80xi32, #tpu.memory_space<vmem>> -> memref<1x1x80xi32, #tpu.memory_space<vmem>>
      %dma_start3A_578 = tpu.memref_squeeze %dma_start3A_577 : memref<1x1x80xi32, #tpu.memory_space<vmem>> -> memref<80xi32, #tpu.memory_space<vmem>>
      %dma_start3A_579 = tpu.memref_slice %arg3[%mul3A_573] : memref<320000xi32, #tpu.memory_space<hbm>> -> memref<80xi32, #tpu.memory_space<hbm>>
      %dma_start3A_580 = arith.constant 0 : i32
      %dma_start3A_581 = tpu.memref_slice %arg7[%dma_start3A_574, %dma_start3A_575, %dma_start3A_580] : memref<4x2x80xi32, #tpu.memory_space<vmem>> -> memref<1x1x80xi32, #tpu.memory_space<vmem>>
      %dma_start3A_582 = tpu.memref_squeeze %dma_start3A_581 : memref<1x1x80xi32, #tpu.memory_space<vmem>> -> memref<80xi32, #tpu.memory_space<vmem>>
      %dma_start3A_583 = tpu.memref_slice %arg3[%mul3A_573] : memref<320000xi32, #tpu.memory_space<hbm>> -> memref<80xi32, #tpu.memory_space<hbm>>
      tpu.enqueue_dma source(%dma_start3A_583 : memref<80xi32, #tpu.memory_space<hbm>>) target(%dma_start3A_582 : memref<80xi32, #tpu.memory_space<vmem>>) target_semaphore(%arg11 : memref<!tpu.dma_semaphore, #tpu.memory_space<semaphore_mem>>)
      %dma_start3A_584 = arith.constant 1 : i32
      %dma_start3A_585 = arith.constant 1 : i32
      %dma_start3A_586 = arith.constant 0 : i32
      %dma_start3A_587 = tpu.memref_slice %arg7[%dma_start3A_584, %dma_start3A_585, %dma_start3A_586] : memref<4x2x80xi32, #tpu.memory_space<vmem>> -> memref<1x1x80xi32, #tpu.memory_space<vmem>>
      %dma_start3A_588 = tpu.memref_squeeze %dma_start3A_587 : memref<1x1x80xi32, #tpu.memory_space<vmem>> -> memref<80xi32, #tpu.memory_space<vmem>>
      %dma_start3A_589 = tpu.memref_slice %arg4[%mul3A_573] : memref<320000xi32, #tpu.memory_space<hbm>> -> memref<80xi32, #tpu.memory_space<hbm>>
      %dma_start3A_590 = arith.constant 0 : i32
      %dma_start3A_591 = tpu.memref_slice %arg7[%dma_start3A_584, %dma_start3A_585, %dma_start3A_590] : memref<4x2x80xi32, #tpu.memory_space<vmem>> -> memref<1x1x80xi32, #tpu.memory_space<vmem>>
      %dma_start3A_592 = tpu.memref_squeeze %dma_start3A_591 : memref<1x1x80xi32, #tpu.memory_space<vmem>> -> memref<80xi32, #tpu.memory_space<vmem>>
      %dma_start3A_593 = tpu.memref_slice %arg4[%mul3A_573] : memref<320000xi32, #tpu.memory_space<hbm>> -> memref<80xi32, #tpu.memory_space<hbm>>
      tpu.enqueue_dma source(%dma_start3A_593 : memref<80xi32, #tpu.memory_space<hbm>>) target(%dma_start3A_592 : memref<80xi32, #tpu.memory_space<vmem>>) target_semaphore(%arg11 : memref<!tpu.dma_semaphore, #tpu.memory_space<semaphore_mem>>)
      %add3A_594 = arith.constant 53 : i32
      %add3A_595 = arith.addi %add3A_65, %add3A_594 : i32
      %mul3A_596 = arith.constant 80 : i32
      %mul3A_597 = arith.muli %add3A_595, %mul3A_596 : i32
      %dma_wait3A_598 = arith.constant 1 : i32
      %dma_wait3A_599 = arith.constant 0 : i32
      %dma_wait3A_600 = arith.constant 0 : i32
      %dma_wait3A_601 = tpu.memref_slice %arg7[%dma_wait3A_598, %dma_wait3A_599, %dma_wait3A_600] : memref<4x2x80xi32, #tpu.memory_space<vmem>> -> memref<1x1x80xi32, #tpu.memory_space<vmem>>
      %dma_wait3A_602 = tpu.memref_squeeze %dma_wait3A_601 : memref<1x1x80xi32, #tpu.memory_space<vmem>> -> memref<80xi32, #tpu.memory_space<vmem>>
      %dma_wait3A_603 = tpu.memref_slice %arg3[%mul3A_597] : memref<320000xi32, #tpu.memory_space<hbm>> -> memref<80xi32, #tpu.memory_space<hbm>>
      %dma_wait3A_604 = arith.constant 0 : i32
      %dma_wait3A_605 = tpu.memref_slice %arg7[%dma_wait3A_598, %dma_wait3A_599, %dma_wait3A_604] : memref<4x2x80xi32, #tpu.memory_space<vmem>> -> memref<1x1x80xi32, #tpu.memory_space<vmem>>
      %dma_wait3A_606 = tpu.memref_squeeze %dma_wait3A_605 : memref<1x1x80xi32, #tpu.memory_space<vmem>> -> memref<80xi32, #tpu.memory_space<vmem>>
      %dma_wait3A_607 = tpu.memref_slice %arg3[%mul3A_597] : memref<320000xi32, #tpu.memory_space<hbm>> -> memref<80xi32, #tpu.memory_space<hbm>>
      tpu.wait_dma2 semaphore(%arg11 : memref<!tpu.dma_semaphore, #tpu.memory_space<semaphore_mem>>) src(%dma_wait3A_607 : memref<80xi32, #tpu.memory_space<hbm>>) dst(%dma_wait3A_606 : memref<80xi32, #tpu.memory_space<vmem>>)
      %dma_wait3A_608 = arith.constant 1 : i32
      %dma_wait3A_609 = arith.constant 1 : i32
      %dma_wait3A_610 = arith.constant 0 : i32
      %dma_wait3A_611 = tpu.memref_slice %arg7[%dma_wait3A_608, %dma_wait3A_609, %dma_wait3A_610] : memref<4x2x80xi32, #tpu.memory_space<vmem>> -> memref<1x1x80xi32, #tpu.memory_space<vmem>>
      %dma_wait3A_612 = tpu.memref_squeeze %dma_wait3A_611 : memref<1x1x80xi32, #tpu.memory_space<vmem>> -> memref<80xi32, #tpu.memory_space<vmem>>
      %dma_wait3A_613 = tpu.memref_slice %arg4[%mul3A_597] : memref<320000xi32, #tpu.memory_space<hbm>> -> memref<80xi32, #tpu.memory_space<hbm>>
      %dma_wait3A_614 = arith.constant 0 : i32
      %dma_wait3A_615 = tpu.memref_slice %arg7[%dma_wait3A_608, %dma_wait3A_609, %dma_wait3A_614] : memref<4x2x80xi32, #tpu.memory_space<vmem>> -> memref<1x1x80xi32, #tpu.memory_space<vmem>>
      %dma_wait3A_616 = tpu.memref_squeeze %dma_wait3A_615 : memref<1x1x80xi32, #tpu.memory_space<vmem>> -> memref<80xi32, #tpu.memory_space<vmem>>
      %dma_wait3A_617 = tpu.memref_slice %arg4[%mul3A_597] : memref<320000xi32, #tpu.memory_space<hbm>> -> memref<80xi32, #tpu.memory_space<hbm>>
      tpu.wait_dma2 semaphore(%arg11 : memref<!tpu.dma_semaphore, #tpu.memory_space<semaphore_mem>>) src(%dma_wait3A_617 : memref<80xi32, #tpu.memory_space<hbm>>) dst(%dma_wait3A_616 : memref<80xi32, #tpu.memory_space<vmem>>)
      %dma_start3A_618 = arith.constant 1 : i32
      %dma_start3A_619 = arith.constant 0 : i32
      %dma_start3A_620 = arith.constant 1 : i32
      %dma_start3A_621 = arith.constant 0 : i32
      %dma_start3A_622 = arith.constant 0 : i32
      %dma_start3A_623 = tpu.memref_slice %arg8[%dma_start3A_620, %dma_start3A_621, %dma_start3A_622] : memref<4x80x128xf32, #tpu.memory_space<vmem>> -> memref<1x80x128xf32, #tpu.memory_space<vmem>>
      %dma_start3A_624 = tpu.memref_squeeze %dma_start3A_623 : memref<1x80x128xf32, #tpu.memory_space<vmem>> -> memref<80x128xf32, #tpu.memory_space<vmem>>
      %dma_start3A_625 = arith.constant 0 : i32
      %dma_start3A_626 = tpu.memref_slice %arg7[%dma_start3A_618, %dma_start3A_619, %dma_start3A_625] : memref<4x2x80xi32, #tpu.memory_space<vmem>> -> memref<1x1x80xi32, #tpu.memory_space<vmem>>
      %dma_start3A_627 = tpu.memref_squeeze %dma_start3A_626 : memref<1x1x80xi32, #tpu.memory_space<vmem>> -> memref<80xi32, #tpu.memory_space<vmem>>
      %dma_start3A_628 = arith.constant 0 : i32
      %dma_start3A_629 = arith.constant 0 : i32
      %dma_start3A_630 = tpu.memref_slice %arg2[%dma_start3A_628, %dma_start3A_629] : memref<10000x128xf32, #tpu.memory_space<hbm>> -> memref<10000x128xf32, #tpu.memory_space<hbm>>
      tpu.enqueue_indirect_dma source(%dma_start3A_630 : memref<10000x128xf32, #tpu.memory_space<hbm>>) target(%dma_start3A_624 : memref<80x128xf32, #tpu.memory_space<vmem>>) offsets(%dma_start3A_627 : memref<80xi32, #tpu.memory_space<vmem>>) semaphore(%arg15 : memref<!tpu.dma_semaphore, #tpu.memory_space<semaphore_mem>>)
      %dma_wait3A_631 = arith.constant 1 : i32
      %dma_wait3A_632 = arith.constant 0 : i32
      %dma_wait3A_633 = arith.constant 1 : i32
      %dma_wait3A_634 = arith.constant 0 : i32
      %dma_wait3A_635 = arith.constant 0 : i32
      %dma_wait3A_636 = tpu.memref_slice %arg8[%dma_wait3A_633, %dma_wait3A_634, %dma_wait3A_635] : memref<4x80x128xf32, #tpu.memory_space<vmem>> -> memref<1x80x128xf32, #tpu.memory_space<vmem>>
      %dma_wait3A_637 = tpu.memref_squeeze %dma_wait3A_636 : memref<1x80x128xf32, #tpu.memory_space<vmem>> -> memref<80x128xf32, #tpu.memory_space<vmem>>
      %dma_wait3A_638 = arith.constant 0 : i32
      %dma_wait3A_639 = tpu.memref_slice %arg7[%dma_wait3A_631, %dma_wait3A_632, %dma_wait3A_638] : memref<4x2x80xi32, #tpu.memory_space<vmem>> -> memref<1x1x80xi32, #tpu.memory_space<vmem>>
      %dma_wait3A_640 = tpu.memref_squeeze %dma_wait3A_639 : memref<1x1x80xi32, #tpu.memory_space<vmem>> -> memref<80xi32, #tpu.memory_space<vmem>>
      %dma_wait3A_641 = arith.constant 0 : i32
      %dma_wait3A_642 = arith.constant 0 : i32
      %dma_wait3A_643 = tpu.memref_slice %arg2[%dma_wait3A_641, %dma_wait3A_642] : memref<10000x128xf32, #tpu.memory_space<hbm>> -> memref<10000x128xf32, #tpu.memory_space<hbm>>
      tpu.wait_indirect_dma semaphore(%arg15 : memref<!tpu.dma_semaphore, #tpu.memory_space<semaphore_mem>>) src(%dma_wait3A_643 : memref<10000x128xf32, #tpu.memory_space<hbm>>) dst(%dma_wait3A_637 : memref<80x128xf32, #tpu.memory_space<vmem>>)
      %dma_start3A_644 = arith.constant 1 : i32
      %dma_start3A_645 = arith.constant 1 : i32
      %dma_start3A_646 = arith.constant 1 : i32
      %dma_start3A_647 = arith.constant 0 : i32
      %dma_start3A_648 = arith.constant 0 : i32
      %dma_start3A_649 = tpu.memref_slice %arg8[%dma_start3A_644, %dma_start3A_647, %dma_start3A_648] : memref<4x80x128xf32, #tpu.memory_space<vmem>> -> memref<1x80x128xf32, #tpu.memory_space<vmem>>
      %dma_start3A_650 = tpu.memref_squeeze %dma_start3A_649 : memref<1x80x128xf32, #tpu.memory_space<vmem>> -> memref<80x128xf32, #tpu.memory_space<vmem>>
      %dma_start3A_651 = arith.constant 0 : i32
      %dma_start3A_652 = tpu.memref_slice %arg7[%dma_start3A_645, %dma_start3A_646, %dma_start3A_651] : memref<4x2x80xi32, #tpu.memory_space<vmem>> -> memref<1x1x80xi32, #tpu.memory_space<vmem>>
      %dma_start3A_653 = tpu.memref_squeeze %dma_start3A_652 : memref<1x1x80xi32, #tpu.memory_space<vmem>> -> memref<80xi32, #tpu.memory_space<vmem>>
      %dma_start3A_654 = arith.constant 0 : i32
      %dma_start3A_655 = arith.constant 0 : i32
      %dma_start3A_656 = tpu.memref_slice %arg9[%dma_start3A_654, %dma_start3A_655] : memref<10240x128xf32, #tpu.memory_space<vmem_shared>> -> memref<10240x128xf32, #tpu.memory_space<vmem_shared>>
      tpu.enqueue_indirect_dma source(%dma_start3A_650 : memref<80x128xf32, #tpu.memory_space<vmem>>) target(%dma_start3A_656 : memref<10240x128xf32, #tpu.memory_space<vmem_shared>>) offsets(%dma_start3A_653 : memref<80xi32, #tpu.memory_space<vmem>>) semaphore(%arg19 : memref<!tpu.dma_semaphore, #tpu.memory_space<semaphore_mem>>) {add = true}
      %dma_wait3A_657 = arith.constant 1 : i32
      %dma_wait3A_658 = arith.constant 1 : i32
      %dma_wait3A_659 = arith.constant 1 : i32
      %dma_wait3A_660 = arith.constant 0 : i32
      %dma_wait3A_661 = arith.constant 0 : i32
      %dma_wait3A_662 = tpu.memref_slice %arg8[%dma_wait3A_657, %dma_wait3A_660, %dma_wait3A_661] : memref<4x80x128xf32, #tpu.memory_space<vmem>> -> memref<1x80x128xf32, #tpu.memory_space<vmem>>
      %dma_wait3A_663 = tpu.memref_squeeze %dma_wait3A_662 : memref<1x80x128xf32, #tpu.memory_space<vmem>> -> memref<80x128xf32, #tpu.memory_space<vmem>>
      %dma_wait3A_664 = arith.constant 0 : i32
      %dma_wait3A_665 = tpu.memref_slice %arg7[%dma_wait3A_658, %dma_wait3A_659, %dma_wait3A_664] : memref<4x2x80xi32, #tpu.memory_space<vmem>> -> memref<1x1x80xi32, #tpu.memory_space<vmem>>
      %dma_wait3A_666 = tpu.memref_squeeze %dma_wait3A_665 : memref<1x1x80xi32, #tpu.memory_space<vmem>> -> memref<80xi32, #tpu.memory_space<vmem>>
      %dma_wait3A_667 = arith.constant 0 : i32
      %dma_wait3A_668 = arith.constant 0 : i32
      %dma_wait3A_669 = tpu.memref_slice %arg9[%dma_wait3A_667, %dma_wait3A_668] : memref<10240x128xf32, #tpu.memory_space<vmem_shared>> -> memref<10240x128xf32, #tpu.memory_space<vmem_shared>>
      tpu.wait_indirect_dma semaphore(%arg19 : memref<!tpu.dma_semaphore, #tpu.memory_space<semaphore_mem>>) src(%dma_wait3A_663 : memref<80x128xf32, #tpu.memory_space<vmem>>) dst(%dma_wait3A_669 : memref<10240x128xf32, #tpu.memory_space<vmem_shared>>)
    } else {
    }
    %barrier3A_49 = arith.constant 0 : index
    tpu.barrier barrier_id(%barrier3A_49)
    %mul3A_50 = arith.constant 640 : i32
    %mul3A_51 = arith.muli %arg1, %mul3A_50 : i32
    %eq3A_52 = arith.constant 0 : i32
    %eq3A_53 = arith.cmpi eq, %arg0, %eq3A_52 : i32
    %convert_element_type3A_54 = arith.extui %eq3A_53 : i1 to i32
    %cond3A_55 = arith.constant 0 : i32
    %cond3A_56 = arith.cmpi ne, %convert_element_type3A_54, %cond3A_55 : i32
    scf.if %cond3A_56 {
      "tpu.region"() ({
        %run_scoped3A_62 = tpu.sem_alloc : memref<!tpu.dma_semaphore, #tpu.memory_space<semaphore_mem>>
        %dma_start3A = arith.constant 0 : i32
        %dma_start3A_63 = tpu.memref_slice %arg5[%mul3A_51, %dma_start3A] : memref<10240x128xf32, #tpu.memory_space<hbm>> -> memref<640x128xf32, #tpu.memory_space<hbm>>
        %dma_start3A_64 = arith.constant 0 : i32
        %dma_start3A_65 = tpu.memref_slice %arg9[%mul3A_51, %dma_start3A_64] : memref<10240x128xf32, #tpu.memory_space<vmem_shared>> -> memref<640x128xf32, #tpu.memory_space<vmem_shared>>
        tpu.enqueue_dma source(%dma_start3A_65 : memref<640x128xf32, #tpu.memory_space<vmem_shared>>) target(%dma_start3A_63 : memref<640x128xf32, #tpu.memory_space<hbm>>) target_semaphore(%run_scoped3A_62 : memref<!tpu.dma_semaphore, #tpu.memory_space<semaphore_mem>>)
        %dma_wait3A = arith.constant 0 : i32
        %dma_wait3A_66 = tpu.memref_slice %arg5[%mul3A_51, %dma_wait3A] : memref<10240x128xf32, #tpu.memory_space<hbm>> -> memref<640x128xf32, #tpu.memory_space<hbm>>
        %dma_wait3A_67 = arith.constant 0 : i32
        %dma_wait3A_68 = tpu.memref_slice %arg9[%mul3A_51, %dma_wait3A_67] : memref<10240x128xf32, #tpu.memory_space<vmem_shared>> -> memref<640x128xf32, #tpu.memory_space<vmem_shared>>
        tpu.wait_dma2 semaphore(%run_scoped3A_62 : memref<!tpu.dma_semaphore, #tpu.memory_space<semaphore_mem>>) src(%dma_wait3A_68 : memref<640x128xf32, #tpu.memory_space<vmem_shared>>) dst(%dma_wait3A_66 : memref<640x128xf32, #tpu.memory_space<hbm>>)
        tpu.yield
      }) : () -> ()
    } else {
    }
    %eq3A_57 = arith.constant 1 : i32
    %eq3A_58 = arith.cmpi eq, %arg0, %eq3A_57 : i32
    %convert_element_type3A_59 = arith.extui %eq3A_58 : i1 to i32
    %cond3A_60 = arith.constant 0 : i32
    %cond3A_61 = arith.cmpi ne, %convert_element_type3A_59, %cond3A_60 : i32
    scf.if %cond3A_61 {
      "tpu.region"() ({
        %run_scoped3A_62 = tpu.sem_alloc : memref<!tpu.dma_semaphore, #tpu.memory_space<semaphore_mem>>
        %dma_start3A = arith.constant 0 : i32
        %dma_start3A_63 = tpu.memref_slice %arg6[%mul3A_51, %dma_start3A] : memref<10240x128xf32, #tpu.memory_space<hbm>> -> memref<640x128xf32, #tpu.memory_space<hbm>>
        %dma_start3A_64 = arith.constant 0 : i32
        %dma_start3A_65 = tpu.memref_slice %arg9[%mul3A_51, %dma_start3A_64] : memref<10240x128xf32, #tpu.memory_space<vmem_shared>> -> memref<640x128xf32, #tpu.memory_space<vmem_shared>>
        tpu.enqueue_dma source(%dma_start3A_65 : memref<640x128xf32, #tpu.memory_space<vmem_shared>>) target(%dma_start3A_63 : memref<640x128xf32, #tpu.memory_space<hbm>>) target_semaphore(%run_scoped3A_62 : memref<!tpu.dma_semaphore, #tpu.memory_space<semaphore_mem>>)
        %dma_wait3A = arith.constant 0 : i32
        %dma_wait3A_66 = tpu.memref_slice %arg6[%mul3A_51, %dma_wait3A] : memref<10240x128xf32, #tpu.memory_space<hbm>> -> memref<640x128xf32, #tpu.memory_space<hbm>>
        %dma_wait3A_67 = arith.constant 0 : i32
        %dma_wait3A_68 = tpu.memref_slice %arg9[%mul3A_51, %dma_wait3A_67] : memref<10240x128xf32, #tpu.memory_space<vmem_shared>> -> memref<640x128xf32, #tpu.memory_space<vmem_shared>>
        tpu.wait_dma2 semaphore(%run_scoped3A_62 : memref<!tpu.dma_semaphore, #tpu.memory_space<semaphore_mem>>) src(%dma_wait3A_68 : memref<640x128xf32, #tpu.memory_space<vmem_shared>>) dst(%dma_wait3A_66 : memref<640x128xf32, #tpu.memory_space<hbm>>)
        tpu.yield
      }) : () -> ()
    } else {
    }
    return
  }
}

#map = affine_map<(d0, d1) -> (0)>
module attributes {stable_mosaic.version = 14 : i64} {
  func.func @_deg_sc(%arg0: i32, %arg1: i32, %arg2: memref<320000xi32, #tpu.memory_space<hbm>>, %arg3: memref<10240xf32, #tpu.memory_space<hbm>>, %arg4: memref<10240xf32, #tpu.memory_space<hbm>>, %arg5: memref<4x80xi32, #tpu.memory_space<vmem>>, %arg6: memref<80xf32, #tpu.memory_space<vmem>>, %arg7: memref<128xf32, #tpu.memory_space<vmem>>, %arg8: memref<10240xf32, #tpu.memory_space<vmem_shared>>, %arg9: memref<!tpu.dma_semaphore, #tpu.memory_space<semaphore_mem>>, %arg10: memref<!tpu.dma_semaphore, #tpu.memory_space<semaphore_mem>>, %arg11: memref<!tpu.dma_semaphore, #tpu.memory_space<semaphore_mem>>, %arg12: memref<!tpu.dma_semaphore, #tpu.memory_space<semaphore_mem>>) attributes {dimension_semantics = [#tpu.dimension_semantics<core_parallel>, #tpu.dimension_semantics<subcore_parallel>], iteration_bounds = array<i64: 2, 16>, scalar_prefetch = 0 : i64, scratch_operands = 8 : i64, tpu.core_type = #tpu.core_type<sc_vector_subcore>, window_params = [{transform_indices = #map}, {transform_indices = #map}, {transform_indices = #map}]} {
    %mul3A = arith.constant 16 : i32
    %mul3A_0 = arith.muli %arg0, %mul3A : i32
    %add3A = arith.addi %mul3A_0, %arg1 : i32
    %mul3A_1 = arith.constant 10000 : i32
    %mul3A_2 = arith.muli %add3A, %mul3A_1 : i32
    %add3A_3 = arith.constant 0 : i32
    %add3A_4 = arith.addi %mul3A_2, %add3A_3 : i32
    %dma_start3A = arith.constant 0 : i32
    %dma_start3A_5 = arith.constant 0 : i32
    %dma_start3A_6 = tpu.memref_slice %arg5[%dma_start3A, %dma_start3A_5] : memref<4x80xi32, #tpu.memory_space<vmem>> -> memref<1x80xi32, #tpu.memory_space<vmem>>
    %dma_start3A_7 = tpu.memref_squeeze %dma_start3A_6 : memref<1x80xi32, #tpu.memory_space<vmem>> -> memref<80xi32, #tpu.memory_space<vmem>>
    %dma_start3A_8 = tpu.memref_slice %arg2[%add3A_4] : memref<320000xi32, #tpu.memory_space<hbm>> -> memref<80xi32, #tpu.memory_space<hbm>>
    %dma_start3A_9 = arith.constant 0 : i32
    %dma_start3A_10 = tpu.memref_slice %arg5[%dma_start3A, %dma_start3A_9] : memref<4x80xi32, #tpu.memory_space<vmem>> -> memref<1x80xi32, #tpu.memory_space<vmem>>
    %dma_start3A_11 = tpu.memref_squeeze %dma_start3A_10 : memref<1x80xi32, #tpu.memory_space<vmem>> -> memref<80xi32, #tpu.memory_space<vmem>>
    %dma_start3A_12 = tpu.memref_slice %arg2[%add3A_4] : memref<320000xi32, #tpu.memory_space<hbm>> -> memref<80xi32, #tpu.memory_space<hbm>>
    tpu.enqueue_dma source(%dma_start3A_12 : memref<80xi32, #tpu.memory_space<hbm>>) target(%dma_start3A_11 : memref<80xi32, #tpu.memory_space<vmem>>) target_semaphore(%arg9 : memref<!tpu.dma_semaphore, #tpu.memory_space<semaphore_mem>>)
    %add3A_13 = arith.constant 80 : i32
    %add3A_14 = arith.addi %mul3A_2, %add3A_13 : i32
    %dma_start3A_15 = arith.constant 1 : i32
    %dma_start3A_16 = arith.constant 0 : i32
    %dma_start3A_17 = tpu.memref_slice %arg5[%dma_start3A_15, %dma_start3A_16] : memref<4x80xi32, #tpu.memory_space<vmem>> -> memref<1x80xi32, #tpu.memory_space<vmem>>
    %dma_start3A_18 = tpu.memref_squeeze %dma_start3A_17 : memref<1x80xi32, #tpu.memory_space<vmem>> -> memref<80xi32, #tpu.memory_space<vmem>>
    %dma_start3A_19 = tpu.memref_slice %arg2[%add3A_14] : memref<320000xi32, #tpu.memory_space<hbm>> -> memref<80xi32, #tpu.memory_space<hbm>>
    %dma_start3A_20 = arith.constant 0 : i32
    %dma_start3A_21 = tpu.memref_slice %arg5[%dma_start3A_15, %dma_start3A_20] : memref<4x80xi32, #tpu.memory_space<vmem>> -> memref<1x80xi32, #tpu.memory_space<vmem>>
    %dma_start3A_22 = tpu.memref_squeeze %dma_start3A_21 : memref<1x80xi32, #tpu.memory_space<vmem>> -> memref<80xi32, #tpu.memory_space<vmem>>
    %dma_start3A_23 = tpu.memref_slice %arg2[%add3A_14] : memref<320000xi32, #tpu.memory_space<hbm>> -> memref<80xi32, #tpu.memory_space<hbm>>
    tpu.enqueue_dma source(%dma_start3A_23 : memref<80xi32, #tpu.memory_space<hbm>>) target(%dma_start3A_22 : memref<80xi32, #tpu.memory_space<vmem>>) target_semaphore(%arg10 : memref<!tpu.dma_semaphore, #tpu.memory_space<semaphore_mem>>)
    %add3A_24 = arith.constant 160 : i32
    %add3A_25 = arith.addi %mul3A_2, %add3A_24 : i32
    %dma_start3A_26 = arith.constant 2 : i32
    %dma_start3A_27 = arith.constant 0 : i32
    %dma_start3A_28 = tpu.memref_slice %arg5[%dma_start3A_26, %dma_start3A_27] : memref<4x80xi32, #tpu.memory_space<vmem>> -> memref<1x80xi32, #tpu.memory_space<vmem>>
    %dma_start3A_29 = tpu.memref_squeeze %dma_start3A_28 : memref<1x80xi32, #tpu.memory_space<vmem>> -> memref<80xi32, #tpu.memory_space<vmem>>
    %dma_start3A_30 = tpu.memref_slice %arg2[%add3A_25] : memref<320000xi32, #tpu.memory_space<hbm>> -> memref<80xi32, #tpu.memory_space<hbm>>
    %dma_start3A_31 = arith.constant 0 : i32
    %dma_start3A_32 = tpu.memref_slice %arg5[%dma_start3A_26, %dma_start3A_31] : memref<4x80xi32, #tpu.memory_space<vmem>> -> memref<1x80xi32, #tpu.memory_space<vmem>>
    %dma_start3A_33 = tpu.memref_squeeze %dma_start3A_32 : memref<1x80xi32, #tpu.memory_space<vmem>> -> memref<80xi32, #tpu.memory_space<vmem>>
    %dma_start3A_34 = tpu.memref_slice %arg2[%add3A_25] : memref<320000xi32, #tpu.memory_space<hbm>> -> memref<80xi32, #tpu.memory_space<hbm>>
    tpu.enqueue_dma source(%dma_start3A_34 : memref<80xi32, #tpu.memory_space<hbm>>) target(%dma_start3A_33 : memref<80xi32, #tpu.memory_space<vmem>>) target_semaphore(%arg11 : memref<!tpu.dma_semaphore, #tpu.memory_space<semaphore_mem>>)
    %add3A_35 = arith.constant 240 : i32
    %add3A_36 = arith.addi %mul3A_2, %add3A_35 : i32
    %dma_start3A_37 = arith.constant 3 : i32
    %dma_start3A_38 = arith.constant 0 : i32
    %dma_start3A_39 = tpu.memref_slice %arg5[%dma_start3A_37, %dma_start3A_38] : memref<4x80xi32, #tpu.memory_space<vmem>> -> memref<1x80xi32, #tpu.memory_space<vmem>>
    %dma_start3A_40 = tpu.memref_squeeze %dma_start3A_39 : memref<1x80xi32, #tpu.memory_space<vmem>> -> memref<80xi32, #tpu.memory_space<vmem>>
    %dma_start3A_41 = tpu.memref_slice %arg2[%add3A_36] : memref<320000xi32, #tpu.memory_space<hbm>> -> memref<80xi32, #tpu.memory_space<hbm>>
    %dma_start3A_42 = arith.constant 0 : i32
    %dma_start3A_43 = tpu.memref_slice %arg5[%dma_start3A_37, %dma_start3A_42] : memref<4x80xi32, #tpu.memory_space<vmem>> -> memref<1x80xi32, #tpu.memory_space<vmem>>
    %dma_start3A_44 = tpu.memref_squeeze %dma_start3A_43 : memref<1x80xi32, #tpu.memory_space<vmem>> -> memref<80xi32, #tpu.memory_space<vmem>>
    %dma_start3A_45 = tpu.memref_slice %arg2[%add3A_36] : memref<320000xi32, #tpu.memory_space<hbm>> -> memref<80xi32, #tpu.memory_space<hbm>>
    tpu.enqueue_dma source(%dma_start3A_45 : memref<80xi32, #tpu.memory_space<hbm>>) target(%dma_start3A_44 : memref<80xi32, #tpu.memory_space<vmem>>) target_semaphore(%arg12 : memref<!tpu.dma_semaphore, #tpu.memory_space<semaphore_mem>>)
    %broadcast_in_dim3A = arith.constant 1.000000e+00 : f32
    %broadcast_in_dim3A_46 = vector.broadcast %broadcast_in_dim3A : f32 to vector<16xf32>
    %swap3A = arith.constant 0 : index
    %swap3A_47 = tpu.vector_load %arg6[%swap3A] {strides = array<i32>} : memref<80xf32, #tpu.memory_space<vmem>>, vector<16xf32>,
    %swap3A_48 = vector.shape_cast %swap3A_47 : vector<16xf32> to vector<16xf32>
    %swap3A_49 = vector.shape_cast %broadcast_in_dim3A_46 : vector<16xf32> to vector<16xf32>
    tpu.vector_store %arg6[%swap3A], %swap3A_49 {strides = array<i32>} : memref<80xf32, #tpu.memory_space<vmem>>, vector<16xf32>,
    %broadcast_in_dim3A_50 = arith.constant 1.000000e+00 : f32
    %broadcast_in_dim3A_51 = vector.broadcast %broadcast_in_dim3A_50 : f32 to vector<16xf32>
    %swap3A_52 = arith.constant 16 : index
    %swap3A_53 = tpu.vector_load %arg6[%swap3A_52] {strides = array<i32>} : memref<80xf32, #tpu.memory_space<vmem>>, vector<16xf32>,
    %swap3A_54 = vector.shape_cast %swap3A_53 : vector<16xf32> to vector<16xf32>
    %swap3A_55 = vector.shape_cast %broadcast_in_dim3A_51 : vector<16xf32> to vector<16xf32>
    tpu.vector_store %arg6[%swap3A_52], %swap3A_55 {strides = array<i32>} : memref<80xf32, #tpu.memory_space<vmem>>, vector<16xf32>,
    %broadcast_in_dim3A_56 = arith.constant 1.000000e+00 : f32
    %broadcast_in_dim3A_57 = vector.broadcast %broadcast_in_dim3A_56 : f32 to vector<16xf32>
    %swap3A_58 = arith.constant 32 : index
    %swap3A_59 = tpu.vector_load %arg6[%swap3A_58] {strides = array<i32>} : memref<80xf32, #tpu.memory_space<vmem>>, vector<16xf32>,
    %swap3A_60 = vector.shape_cast %swap3A_59 : vector<16xf32> to vector<16xf32>
    %swap3A_61 = vector.shape_cast %broadcast_in_dim3A_57 : vector<16xf32> to vector<16xf32>
    tpu.vector_store %arg6[%swap3A_58], %swap3A_61 {strides = array<i32>} : memref<80xf32, #tpu.memory_space<vmem>>, vector<16xf32>,
    %broadcast_in_dim3A_62 = arith.constant 1.000000e+00 : f32
    %broadcast_in_dim3A_63 = vector.broadcast %broadcast_in_dim3A_62 : f32 to vector<16xf32>
    %swap3A_64 = arith.constant 48 : index
    %swap3A_65 = tpu.vector_load %arg6[%swap3A_64] {strides = array<i32>} : memref<80xf32, #tpu.memory_space<vmem>>, vector<16xf32>,
    %swap3A_66 = vector.shape_cast %swap3A_65 : vector<16xf32> to vector<16xf32>
    %swap3A_67 = vector.shape_cast %broadcast_in_dim3A_63 : vector<16xf32> to vector<16xf32>
    tpu.vector_store %arg6[%swap3A_64], %swap3A_67 {strides = array<i32>} : memref<80xf32, #tpu.memory_space<vmem>>, vector<16xf32>,
    %broadcast_in_dim3A_68 = arith.constant 1.000000e+00 : f32
    %broadcast_in_dim3A_69 = vector.broadcast %broadcast_in_dim3A_68 : f32 to vector<16xf32>
    %swap3A_70 = arith.constant 64 : index
    %swap3A_71 = tpu.vector_load %arg6[%swap3A_70] {strides = array<i32>} : memref<80xf32, #tpu.memory_space<vmem>>, vector<16xf32>,
    %swap3A_72 = vector.shape_cast %swap3A_71 : vector<16xf32> to vector<16xf32>
    %swap3A_73 = vector.shape_cast %broadcast_in_dim3A_69 : vector<16xf32> to vector<16xf32>
    tpu.vector_store %arg6[%swap3A_70], %swap3A_73 {strides = array<i32>} : memref<80xf32, #tpu.memory_space<vmem>>, vector<16xf32>,
    %broadcast_in_dim3A_74 = arith.constant 0.000000e+00 : f32
    %broadcast_in_dim3A_75 = vector.broadcast %broadcast_in_dim3A_74 : f32 to vector<16xf32>
    %swap3A_76 = arith.constant 0 : index
    %swap3A_77 = tpu.vector_load %arg7[%swap3A_76] {strides = array<i32>} : memref<128xf32, #tpu.memory_space<vmem>>, vector<16xf32>,
    %swap3A_78 = vector.shape_cast %swap3A_77 : vector<16xf32> to vector<16xf32>
    %swap3A_79 = vector.shape_cast %broadcast_in_dim3A_75 : vector<16xf32> to vector<16xf32>
    tpu.vector_store %arg7[%swap3A_76], %swap3A_79 {strides = array<i32>} : memref<128xf32, #tpu.memory_space<vmem>>, vector<16xf32>,
    %broadcast_in_dim3A_80 = arith.constant 0.000000e+00 : f32
    %broadcast_in_dim3A_81 = vector.broadcast %broadcast_in_dim3A_80 : f32 to vector<16xf32>
    %swap3A_82 = arith.constant 16 : index
    %swap3A_83 = tpu.vector_load %arg7[%swap3A_82] {strides = array<i32>} : memref<128xf32, #tpu.memory_space<vmem>>, vector<16xf32>,
    %swap3A_84 = vector.shape_cast %swap3A_83 : vector<16xf32> to vector<16xf32>
    %swap3A_85 = vector.shape_cast %broadcast_in_dim3A_81 : vector<16xf32> to vector<16xf32>
    tpu.vector_store %arg7[%swap3A_82], %swap3A_85 {strides = array<i32>} : memref<128xf32, #tpu.memory_space<vmem>>, vector<16xf32>,
    %broadcast_in_dim3A_86 = arith.constant 0.000000e+00 : f32
    %broadcast_in_dim3A_87 = vector.broadcast %broadcast_in_dim3A_86 : f32 to vector<16xf32>
    %swap3A_88 = arith.constant 32 : index
    %swap3A_89 = tpu.vector_load %arg7[%swap3A_88] {strides = array<i32>} : memref<128xf32, #tpu.memory_space<vmem>>, vector<16xf32>,
    %swap3A_90 = vector.shape_cast %swap3A_89 : vector<16xf32> to vector<16xf32>
    %swap3A_91 = vector.shape_cast %broadcast_in_dim3A_87 : vector<16xf32> to vector<16xf32>
    tpu.vector_store %arg7[%swap3A_88], %swap3A_91 {strides = array<i32>} : memref<128xf32, #tpu.memory_space<vmem>>, vector<16xf32>,
    %broadcast_in_dim3A_92 = arith.constant 0.000000e+00 : f32
    %broadcast_in_dim3A_93 = vector.broadcast %broadcast_in_dim3A_92 : f32 to vector<16xf32>
    %swap3A_94 = arith.constant 48 : index
    %swap3A_95 = tpu.vector_load %arg7[%swap3A_94] {strides = array<i32>} : memref<128xf32, #tpu.memory_space<vmem>>, vector<16xf32>,
    %swap3A_96 = vector.shape_cast %swap3A_95 : vector<16xf32> to vector<16xf32>
    %swap3A_97 = vector.shape_cast %broadcast_in_dim3A_93 : vector<16xf32> to vector<16xf32>
    tpu.vector_store %arg7[%swap3A_94], %swap3A_97 {strides = array<i32>} : memref<128xf32, #tpu.memory_space<vmem>>, vector<16xf32>,
    %broadcast_in_dim3A_98 = arith.constant 0.000000e+00 : f32
    %broadcast_in_dim3A_99 = vector.broadcast %broadcast_in_dim3A_98 : f32 to vector<16xf32>
    %swap3A_100 = arith.constant 64 : index
    %swap3A_101 = tpu.vector_load %arg7[%swap3A_100] {strides = array<i32>} : memref<128xf32, #tpu.memory_space<vmem>>, vector<16xf32>,
    %swap3A_102 = vector.shape_cast %swap3A_101 : vector<16xf32> to vector<16xf32>
    %swap3A_103 = vector.shape_cast %broadcast_in_dim3A_99 : vector<16xf32> to vector<16xf32>
    tpu.vector_store %arg7[%swap3A_100], %swap3A_103 {strides = array<i32>} : memref<128xf32, #tpu.memory_space<vmem>>, vector<16xf32>,
    %broadcast_in_dim3A_104 = arith.constant 0.000000e+00 : f32
    %broadcast_in_dim3A_105 = vector.broadcast %broadcast_in_dim3A_104 : f32 to vector<16xf32>
    %swap3A_106 = arith.constant 80 : index
    %swap3A_107 = tpu.vector_load %arg7[%swap3A_106] {strides = array<i32>} : memref<128xf32, #tpu.memory_space<vmem>>, vector<16xf32>,
    %swap3A_108 = vector.shape_cast %swap3A_107 : vector<16xf32> to vector<16xf32>
    %swap3A_109 = vector.shape_cast %broadcast_in_dim3A_105 : vector<16xf32> to vector<16xf32>
    tpu.vector_store %arg7[%swap3A_106], %swap3A_109 {strides = array<i32>} : memref<128xf32, #tpu.memory_space<vmem>>, vector<16xf32>,
    %broadcast_in_dim3A_110 = arith.constant 0.000000e+00 : f32
    %broadcast_in_dim3A_111 = vector.broadcast %broadcast_in_dim3A_110 : f32 to vector<16xf32>
    %swap3A_112 = arith.constant 96 : index
    %swap3A_113 = tpu.vector_load %arg7[%swap3A_112] {strides = array<i32>} : memref<128xf32, #tpu.memory_space<vmem>>, vector<16xf32>,
    %swap3A_114 = vector.shape_cast %swap3A_113 : vector<16xf32> to vector<16xf32>
    %swap3A_115 = vector.shape_cast %broadcast_in_dim3A_111 : vector<16xf32> to vector<16xf32>
    tpu.vector_store %arg7[%swap3A_112], %swap3A_115 {strides = array<i32>} : memref<128xf32, #tpu.memory_space<vmem>>, vector<16xf32>,
    %broadcast_in_dim3A_116 = arith.constant 0.000000e+00 : f32
    %broadcast_in_dim3A_117 = vector.broadcast %broadcast_in_dim3A_116 : f32 to vector<16xf32>
    %swap3A_118 = arith.constant 112 : index
    %swap3A_119 = tpu.vector_load %arg7[%swap3A_118] {strides = array<i32>} : memref<128xf32, #tpu.memory_space<vmem>>, vector<16xf32>,
    %swap3A_120 = vector.shape_cast %swap3A_119 : vector<16xf32> to vector<16xf32>
    %swap3A_121 = vector.shape_cast %broadcast_in_dim3A_117 : vector<16xf32> to vector<16xf32>
    tpu.vector_store %arg7[%swap3A_118], %swap3A_121 {strides = array<i32>} : memref<128xf32, #tpu.memory_space<vmem>>, vector<16xf32>,
    %mul3A_122 = arith.constant 640 : i32
    %mul3A_123 = arith.muli %arg1, %mul3A_122 : i32
    %add3A_124 = arith.constant 0 : i32
    %add3A_125 = arith.addi %mul3A_123, %add3A_124 : i32
    "tpu.region"() ({
      %run_scoped3A_226 = tpu.sem_alloc : memref<!tpu.dma_semaphore, #tpu.memory_space<semaphore_mem>>
      %dma_start3A_227 = tpu.memref_slice %arg8[%add3A_125] : memref<10240xf32, #tpu.memory_space<vmem_shared>> -> memref<128xf32, #tpu.memory_space<vmem_shared>>
      %dma_start3A_228 = tpu.memref_slice %arg8[%add3A_125] : memref<10240xf32, #tpu.memory_space<vmem_shared>> -> memref<128xf32, #tpu.memory_space<vmem_shared>>
      tpu.enqueue_dma source(%arg7 : memref<128xf32, #tpu.memory_space<vmem>>) target(%dma_start3A_228 : memref<128xf32, #tpu.memory_space<vmem_shared>>) target_semaphore(%run_scoped3A_226 : memref<!tpu.dma_semaphore, #tpu.memory_space<semaphore_mem>>)
      %dma_wait3A_229 = tpu.memref_slice %arg8[%add3A_125] : memref<10240xf32, #tpu.memory_space<vmem_shared>> -> memref<128xf32, #tpu.memory_space<vmem_shared>>
      %dma_wait3A_230 = tpu.memref_slice %arg8[%add3A_125] : memref<10240xf32, #tpu.memory_space<vmem_shared>> -> memref<128xf32, #tpu.memory_space<vmem_shared>>
      tpu.wait_dma2 semaphore(%run_scoped3A_226 : memref<!tpu.dma_semaphore, #tpu.memory_space<semaphore_mem>>) src(%arg7 : memref<128xf32, #tpu.memory_space<vmem>>) dst(%dma_wait3A_230 : memref<128xf32, #tpu.memory_space<vmem_shared>>)
      tpu.yield
    }) : () -> ()
    %mul3A_126 = arith.constant 640 : i32
    %mul3A_127 = arith.muli %arg1, %mul3A_126 : i32
    %add3A_128 = arith.constant 128 : i32
    %add3A_129 = arith.addi %mul3A_127, %add3A_128 : i32
    "tpu.region"() ({
      %run_scoped3A_226 = tpu.sem_alloc : memref<!tpu.dma_semaphore, #tpu.memory_space<semaphore_mem>>
      %dma_start3A_227 = tpu.memref_slice %arg8[%add3A_129] : memref<10240xf32, #tpu.memory_space<vmem_shared>> -> memref<128xf32, #tpu.memory_space<vmem_shared>>
      %dma_start3A_228 = tpu.memref_slice %arg8[%add3A_129] : memref<10240xf32, #tpu.memory_space<vmem_shared>> -> memref<128xf32, #tpu.memory_space<vmem_shared>>
      tpu.enqueue_dma source(%arg7 : memref<128xf32, #tpu.memory_space<vmem>>) target(%dma_start3A_228 : memref<128xf32, #tpu.memory_space<vmem_shared>>) target_semaphore(%run_scoped3A_226 : memref<!tpu.dma_semaphore, #tpu.memory_space<semaphore_mem>>)
      %dma_wait3A_229 = tpu.memref_slice %arg8[%add3A_129] : memref<10240xf32, #tpu.memory_space<vmem_shared>> -> memref<128xf32, #tpu.memory_space<vmem_shared>>
      %dma_wait3A_230 = tpu.memref_slice %arg8[%add3A_129] : memref<10240xf32, #tpu.memory_space<vmem_shared>> -> memref<128xf32, #tpu.memory_space<vmem_shared>>
      tpu.wait_dma2 semaphore(%run_scoped3A_226 : memref<!tpu.dma_semaphore, #tpu.memory_space<semaphore_mem>>) src(%arg7 : memref<128xf32, #tpu.memory_space<vmem>>) dst(%dma_wait3A_230 : memref<128xf32, #tpu.memory_space<vmem_shared>>)
      tpu.yield
    }) : () -> ()
    %mul3A_130 = arith.constant 640 : i32
    %mul3A_131 = arith.muli %arg1, %mul3A_130 : i32
    %add3A_132 = arith.constant 256 : i32
    %add3A_133 = arith.addi %mul3A_131, %add3A_132 : i32
    "tpu.region"() ({
      %run_scoped3A_226 = tpu.sem_alloc : memref<!tpu.dma_semaphore, #tpu.memory_space<semaphore_mem>>
      %dma_start3A_227 = tpu.memref_slice %arg8[%add3A_133] : memref<10240xf32, #tpu.memory_space<vmem_shared>> -> memref<128xf32, #tpu.memory_space<vmem_shared>>
      %dma_start3A_228 = tpu.memref_slice %arg8[%add3A_133] : memref<10240xf32, #tpu.memory_space<vmem_shared>> -> memref<128xf32, #tpu.memory_space<vmem_shared>>
      tpu.enqueue_dma source(%arg7 : memref<128xf32, #tpu.memory_space<vmem>>) target(%dma_start3A_228 : memref<128xf32, #tpu.memory_space<vmem_shared>>) target_semaphore(%run_scoped3A_226 : memref<!tpu.dma_semaphore, #tpu.memory_space<semaphore_mem>>)
      %dma_wait3A_229 = tpu.memref_slice %arg8[%add3A_133] : memref<10240xf32, #tpu.memory_space<vmem_shared>> -> memref<128xf32, #tpu.memory_space<vmem_shared>>
      %dma_wait3A_230 = tpu.memref_slice %arg8[%add3A_133] : memref<10240xf32, #tpu.memory_space<vmem_shared>> -> memref<128xf32, #tpu.memory_space<vmem_shared>>
      tpu.wait_dma2 semaphore(%run_scoped3A_226 : memref<!tpu.dma_semaphore, #tpu.memory_space<semaphore_mem>>) src(%arg7 : memref<128xf32, #tpu.memory_space<vmem>>) dst(%dma_wait3A_230 : memref<128xf32, #tpu.memory_space<vmem_shared>>)
      tpu.yield
    }) : () -> ()
    %mul3A_134 = arith.constant 640 : i32
    %mul3A_135 = arith.muli %arg1, %mul3A_134 : i32
    %add3A_136 = arith.constant 384 : i32
    %add3A_137 = arith.addi %mul3A_135, %add3A_136 : i32
    "tpu.region"() ({
      %run_scoped3A_226 = tpu.sem_alloc : memref<!tpu.dma_semaphore, #tpu.memory_space<semaphore_mem>>
      %dma_start3A_227 = tpu.memref_slice %arg8[%add3A_137] : memref<10240xf32, #tpu.memory_space<vmem_shared>> -> memref<128xf32, #tpu.memory_space<vmem_shared>>
      %dma_start3A_228 = tpu.memref_slice %arg8[%add3A_137] : memref<10240xf32, #tpu.memory_space<vmem_shared>> -> memref<128xf32, #tpu.memory_space<vmem_shared>>
      tpu.enqueue_dma source(%arg7 : memref<128xf32, #tpu.memory_space<vmem>>) target(%dma_start3A_228 : memref<128xf32, #tpu.memory_space<vmem_shared>>) target_semaphore(%run_scoped3A_226 : memref<!tpu.dma_semaphore, #tpu.memory_space<semaphore_mem>>)
      %dma_wait3A_229 = tpu.memref_slice %arg8[%add3A_137] : memref<10240xf32, #tpu.memory_space<vmem_shared>> -> memref<128xf32, #tpu.memory_space<vmem_shared>>
      %dma_wait3A_230 = tpu.memref_slice %arg8[%add3A_137] : memref<10240xf32, #tpu.memory_space<vmem_shared>> -> memref<128xf32, #tpu.memory_space<vmem_shared>>
      tpu.wait_dma2 semaphore(%run_scoped3A_226 : memref<!tpu.dma_semaphore, #tpu.memory_space<semaphore_mem>>) src(%arg7 : memref<128xf32, #tpu.memory_space<vmem>>) dst(%dma_wait3A_230 : memref<128xf32, #tpu.memory_space<vmem_shared>>)
      tpu.yield
    }) : () -> ()
    %mul3A_138 = arith.constant 640 : i32
    %mul3A_139 = arith.muli %arg1, %mul3A_138 : i32
    %add3A_140 = arith.constant 512 : i32
    %add3A_141 = arith.addi %mul3A_139, %add3A_140 : i32
    "tpu.region"() ({
      %run_scoped3A_226 = tpu.sem_alloc : memref<!tpu.dma_semaphore, #tpu.memory_space<semaphore_mem>>
      %dma_start3A_227 = tpu.memref_slice %arg8[%add3A_141] : memref<10240xf32, #tpu.memory_space<vmem_shared>> -> memref<128xf32, #tpu.memory_space<vmem_shared>>
      %dma_start3A_228 = tpu.memref_slice %arg8[%add3A_141] : memref<10240xf32, #tpu.memory_space<vmem_shared>> -> memref<128xf32, #tpu.memory_space<vmem_shared>>
      tpu.enqueue_dma source(%arg7 : memref<128xf32, #tpu.memory_space<vmem>>) target(%dma_start3A_228 : memref<128xf32, #tpu.memory_space<vmem_shared>>) target_semaphore(%run_scoped3A_226 : memref<!tpu.dma_semaphore, #tpu.memory_space<semaphore_mem>>)
      %dma_wait3A_229 = tpu.memref_slice %arg8[%add3A_141] : memref<10240xf32, #tpu.memory_space<vmem_shared>> -> memref<128xf32, #tpu.memory_space<vmem_shared>>
      %dma_wait3A_230 = tpu.memref_slice %arg8[%add3A_141] : memref<10240xf32, #tpu.memory_space<vmem_shared>> -> memref<128xf32, #tpu.memory_space<vmem_shared>>
      tpu.wait_dma2 semaphore(%run_scoped3A_226 : memref<!tpu.dma_semaphore, #tpu.memory_space<semaphore_mem>>) src(%arg7 : memref<128xf32, #tpu.memory_space<vmem>>) dst(%dma_wait3A_230 : memref<128xf32, #tpu.memory_space<vmem_shared>>)
      tpu.yield
    }) : () -> ()
    %barrier3A = arith.constant 0 : index
    tpu.barrier barrier_id(%barrier3A)
    %scan3A = arith.constant 0 : i32
    %scan3A_142 = arith.constant 0 : i32
    %scan3A_143 = arith.constant 30 : i32
    %scan3A_144 = arith.addi %scan3A_142, %scan3A_143 : i32
    %scan3A_145 = arith.constant 1 : i32
    scf.for %scan3A_226 = %scan3A_142 to %scan3A_144 step %scan3A_145  : i32 {
      %mul3A_227 = arith.constant 4 : i32
      %mul3A_228 = arith.muli %scan3A_226, %mul3A_227 : i32
      %add3A_229 = arith.constant 0 : i32
      %add3A_230 = arith.addi %mul3A_228, %add3A_229 : i32
      %mul3A_231 = arith.constant 80 : i32
      %mul3A_232 = arith.muli %add3A_230, %mul3A_231 : i32
      %add3A_233 = arith.addi %mul3A_2, %mul3A_232 : i32
      %dma_wait3A_234 = arith.constant 0 : i32
      %dma_wait3A_235 = arith.constant 0 : i32
      %dma_wait3A_236 = tpu.memref_slice %arg5[%dma_wait3A_234, %dma_wait3A_235] : memref<4x80xi32, #tpu.memory_space<vmem>> -> memref<1x80xi32, #tpu.memory_space<vmem>>
      %dma_wait3A_237 = tpu.memref_squeeze %dma_wait3A_236 : memref<1x80xi32, #tpu.memory_space<vmem>> -> memref<80xi32, #tpu.memory_space<vmem>>
      %dma_wait3A_238 = tpu.memref_slice %arg2[%add3A_233] : memref<320000xi32, #tpu.memory_space<hbm>> -> memref<80xi32, #tpu.memory_space<hbm>>
      %dma_wait3A_239 = arith.constant 0 : i32
      %dma_wait3A_240 = tpu.memref_slice %arg5[%dma_wait3A_234, %dma_wait3A_239] : memref<4x80xi32, #tpu.memory_space<vmem>> -> memref<1x80xi32, #tpu.memory_space<vmem>>
      %dma_wait3A_241 = tpu.memref_squeeze %dma_wait3A_240 : memref<1x80xi32, #tpu.memory_space<vmem>> -> memref<80xi32, #tpu.memory_space<vmem>>
      %dma_wait3A_242 = tpu.memref_slice %arg2[%add3A_233] : memref<320000xi32, #tpu.memory_space<hbm>> -> memref<80xi32, #tpu.memory_space<hbm>>
      tpu.wait_dma2 semaphore(%arg9 : memref<!tpu.dma_semaphore, #tpu.memory_space<semaphore_mem>>) src(%dma_wait3A_242 : memref<80xi32, #tpu.memory_space<hbm>>) dst(%dma_wait3A_241 : memref<80xi32, #tpu.memory_space<vmem>>)
      %run_scoped3A_243 = arith.constant 0 : i32
      "tpu.region"() ({
        %run_scoped3A_351 = tpu.sem_alloc : memref<!tpu.dma_semaphore, #tpu.memory_space<semaphore_mem>>
        %dma_start3A_352 = arith.constant 0 : i32
        %dma_start3A_353 = tpu.memref_slice %arg5[%run_scoped3A_243, %dma_start3A_352] : memref<4x80xi32, #tpu.memory_space<vmem>> -> memref<1x80xi32, #tpu.memory_space<vmem>>
        %dma_start3A_354 = tpu.memref_squeeze %dma_start3A_353 : memref<1x80xi32, #tpu.memory_space<vmem>> -> memref<80xi32, #tpu.memory_space<vmem>>
        %dma_start3A_355 = arith.constant 0 : i32
        %dma_start3A_356 = tpu.memref_slice %arg8[%dma_start3A_355] : memref<10240xf32, #tpu.memory_space<vmem_shared>> -> memref<10240xf32, #tpu.memory_space<vmem_shared>>
        tpu.enqueue_indirect_dma source(%arg6 : memref<80xf32, #tpu.memory_space<vmem>>) target(%dma_start3A_356 : memref<10240xf32, #tpu.memory_space<vmem_shared>>) offsets(%dma_start3A_354 : memref<80xi32, #tpu.memory_space<vmem>>) semaphore(%run_scoped3A_351 : memref<!tpu.dma_semaphore, #tpu.memory_space<semaphore_mem>>) {add = true}
        %dma_wait3A_357 = arith.constant 0 : i32
        %dma_wait3A_358 = tpu.memref_slice %arg5[%run_scoped3A_243, %dma_wait3A_357] : memref<4x80xi32, #tpu.memory_space<vmem>> -> memref<1x80xi32, #tpu.memory_space<vmem>>
        %dma_wait3A_359 = tpu.memref_squeeze %dma_wait3A_358 : memref<1x80xi32, #tpu.memory_space<vmem>> -> memref<80xi32, #tpu.memory_space<vmem>>
        %dma_wait3A_360 = arith.constant 0 : i32
        %dma_wait3A_361 = tpu.memref_slice %arg8[%dma_wait3A_360] : memref<10240xf32, #tpu.memory_space<vmem_shared>> -> memref<10240xf32, #tpu.memory_space<vmem_shared>>
        tpu.wait_indirect_dma semaphore(%run_scoped3A_351 : memref<!tpu.dma_semaphore, #tpu.memory_space<semaphore_mem>>) src(%arg6 : memref<80xf32, #tpu.memory_space<vmem>>) dst(%dma_wait3A_361 : memref<10240xf32, #tpu.memory_space<vmem_shared>>)
        tpu.yield
      }) : () -> ()
      %add3A_244 = arith.constant 4 : i32
      %add3A_245 = arith.addi %add3A_230, %add3A_244 : i32
      %mul3A_246 = arith.constant 80 : i32
      %mul3A_247 = arith.muli %add3A_245, %mul3A_246 : i32
      %add3A_248 = arith.addi %mul3A_2, %mul3A_247 : i32
      %dma_start3A_249 = arith.constant 0 : i32
      %dma_start3A_250 = arith.constant 0 : i32
      %dma_start3A_251 = tpu.memref_slice %arg5[%dma_start3A_249, %dma_start3A_250] : memref<4x80xi32, #tpu.memory_space<vmem>> -> memref<1x80xi32, #tpu.memory_space<vmem>>
      %dma_start3A_252 = tpu.memref_squeeze %dma_start3A_251 : memref<1x80xi32, #tpu.memory_space<vmem>> -> memref<80xi32, #tpu.memory_space<vmem>>
      %dma_start3A_253 = tpu.memref_slice %arg2[%add3A_248] : memref<320000xi32, #tpu.memory_space<hbm>> -> memref<80xi32, #tpu.memory_space<hbm>>
      %dma_start3A_254 = arith.constant 0 : i32
      %dma_start3A_255 = tpu.memref_slice %arg5[%dma_start3A_249, %dma_start3A_254] : memref<4x80xi32, #tpu.memory_space<vmem>> -> memref<1x80xi32, #tpu.memory_space<vmem>>
      %dma_start3A_256 = tpu.memref_squeeze %dma_start3A_255 : memref<1x80xi32, #tpu.memory_space<vmem>> -> memref<80xi32, #tpu.memory_space<vmem>>
      %dma_start3A_257 = tpu.memref_slice %arg2[%add3A_248] : memref<320000xi32, #tpu.memory_space<hbm>> -> memref<80xi32, #tpu.memory_space<hbm>>
      tpu.enqueue_dma source(%dma_start3A_257 : memref<80xi32, #tpu.memory_space<hbm>>) target(%dma_start3A_256 : memref<80xi32, #tpu.memory_space<vmem>>) target_semaphore(%arg9 : memref<!tpu.dma_semaphore, #tpu.memory_space<semaphore_mem>>)
      %mul3A_258 = arith.constant 4 : i32
      %mul3A_259 = arith.muli %scan3A_226, %mul3A_258 : i32
      %add3A_260 = arith.constant 1 : i32
      %add3A_261 = arith.addi %mul3A_259, %add3A_260 : i32
      %mul3A_262 = arith.constant 80 : i32
      %mul3A_263 = arith.muli %add3A_261, %mul3A_262 : i32
      %add3A_264 = arith.addi %mul3A_2, %mul3A_263 : i32
      %dma_wait3A_265 = arith.constant 1 : i32
      %dma_wait3A_266 = arith.constant 0 : i32
      %dma_wait3A_267 = tpu.memref_slice %arg5[%dma_wait3A_265, %dma_wait3A_266] : memref<4x80xi32, #tpu.memory_space<vmem>> -> memref<1x80xi32, #tpu.memory_space<vmem>>
      %dma_wait3A_268 = tpu.memref_squeeze %dma_wait3A_267 : memref<1x80xi32, #tpu.memory_space<vmem>> -> memref<80xi32, #tpu.memory_space<vmem>>
      %dma_wait3A_269 = tpu.memref_slice %arg2[%add3A_264] : memref<320000xi32, #tpu.memory_space<hbm>> -> memref<80xi32, #tpu.memory_space<hbm>>
      %dma_wait3A_270 = arith.constant 0 : i32
      %dma_wait3A_271 = tpu.memref_slice %arg5[%dma_wait3A_265, %dma_wait3A_270] : memref<4x80xi32, #tpu.memory_space<vmem>> -> memref<1x80xi32, #tpu.memory_space<vmem>>
      %dma_wait3A_272 = tpu.memref_squeeze %dma_wait3A_271 : memref<1x80xi32, #tpu.memory_space<vmem>> -> memref<80xi32, #tpu.memory_space<vmem>>
      %dma_wait3A_273 = tpu.memref_slice %arg2[%add3A_264] : memref<320000xi32, #tpu.memory_space<hbm>> -> memref<80xi32, #tpu.memory_space<hbm>>
      tpu.wait_dma2 semaphore(%arg10 : memref<!tpu.dma_semaphore, #tpu.memory_space<semaphore_mem>>) src(%dma_wait3A_273 : memref<80xi32, #tpu.memory_space<hbm>>) dst(%dma_wait3A_272 : memref<80xi32, #tpu.memory_space<vmem>>)
      %run_scoped3A_274 = arith.constant 1 : i32
      "tpu.region"() ({
        %run_scoped3A_351 = tpu.sem_alloc : memref<!tpu.dma_semaphore, #tpu.memory_space<semaphore_mem>>
        %dma_start3A_352 = arith.constant 0 : i32
        %dma_start3A_353 = tpu.memref_slice %arg5[%run_scoped3A_274, %dma_start3A_352] : memref<4x80xi32, #tpu.memory_space<vmem>> -> memref<1x80xi32, #tpu.memory_space<vmem>>
        %dma_start3A_354 = tpu.memref_squeeze %dma_start3A_353 : memref<1x80xi32, #tpu.memory_space<vmem>> -> memref<80xi32, #tpu.memory_space<vmem>>
        %dma_start3A_355 = arith.constant 0 : i32
        %dma_start3A_356 = tpu.memref_slice %arg8[%dma_start3A_355] : memref<10240xf32, #tpu.memory_space<vmem_shared>> -> memref<10240xf32, #tpu.memory_space<vmem_shared>>
        tpu.enqueue_indirect_dma source(%arg6 : memref<80xf32, #tpu.memory_space<vmem>>) target(%dma_start3A_356 : memref<10240xf32, #tpu.memory_space<vmem_shared>>) offsets(%dma_start3A_354 : memref<80xi32, #tpu.memory_space<vmem>>) semaphore(%run_scoped3A_351 : memref<!tpu.dma_semaphore, #tpu.memory_space<semaphore_mem>>) {add = true}
        %dma_wait3A_357 = arith.constant 0 : i32
        %dma_wait3A_358 = tpu.memref_slice %arg5[%run_scoped3A_274, %dma_wait3A_357] : memref<4x80xi32, #tpu.memory_space<vmem>> -> memref<1x80xi32, #tpu.memory_space<vmem>>
        %dma_wait3A_359 = tpu.memref_squeeze %dma_wait3A_358 : memref<1x80xi32, #tpu.memory_space<vmem>> -> memref<80xi32, #tpu.memory_space<vmem>>
        %dma_wait3A_360 = arith.constant 0 : i32
        %dma_wait3A_361 = tpu.memref_slice %arg8[%dma_wait3A_360] : memref<10240xf32, #tpu.memory_space<vmem_shared>> -> memref<10240xf32, #tpu.memory_space<vmem_shared>>
        tpu.wait_indirect_dma semaphore(%run_scoped3A_351 : memref<!tpu.dma_semaphore, #tpu.memory_space<semaphore_mem>>) src(%arg6 : memref<80xf32, #tpu.memory_space<vmem>>) dst(%dma_wait3A_361 : memref<10240xf32, #tpu.memory_space<vmem_shared>>)
        tpu.yield
      }) : () -> ()
      %add3A_275 = arith.constant 4 : i32
      %add3A_276 = arith.addi %add3A_261, %add3A_275 : i32
      %mul3A_277 = arith.constant 80 : i32
      %mul3A_278 = arith.muli %add3A_276, %mul3A_277 : i32
      %add3A_279 = arith.addi %mul3A_2, %mul3A_278 : i32
      %dma_start3A_280 = arith.constant 1 : i32
      %dma_start3A_281 = arith.constant 0 : i32
      %dma_start3A_282 = tpu.memref_slice %arg5[%dma_start3A_280, %dma_start3A_281] : memref<4x80xi32, #tpu.memory_space<vmem>> -> memref<1x80xi32, #tpu.memory_space<vmem>>
      %dma_start3A_283 = tpu.memref_squeeze %dma_start3A_282 : memref<1x80xi32, #tpu.memory_space<vmem>> -> memref<80xi32, #tpu.memory_space<vmem>>
      %dma_start3A_284 = tpu.memref_slice %arg2[%add3A_279] : memref<320000xi32, #tpu.memory_space<hbm>> -> memref<80xi32, #tpu.memory_space<hbm>>
      %dma_start3A_285 = arith.constant 0 : i32
      %dma_start3A_286 = tpu.memref_slice %arg5[%dma_start3A_280, %dma_start3A_285] : memref<4x80xi32, #tpu.memory_space<vmem>> -> memref<1x80xi32, #tpu.memory_space<vmem>>
      %dma_start3A_287 = tpu.memref_squeeze %dma_start3A_286 : memref<1x80xi32, #tpu.memory_space<vmem>> -> memref<80xi32, #tpu.memory_space<vmem>>
      %dma_start3A_288 = tpu.memref_slice %arg2[%add3A_279] : memref<320000xi32, #tpu.memory_space<hbm>> -> memref<80xi32, #tpu.memory_space<hbm>>
      tpu.enqueue_dma source(%dma_start3A_288 : memref<80xi32, #tpu.memory_space<hbm>>) target(%dma_start3A_287 : memref<80xi32, #tpu.memory_space<vmem>>) target_semaphore(%arg10 : memref<!tpu.dma_semaphore, #tpu.memory_space<semaphore_mem>>)
      %mul3A_289 = arith.constant 4 : i32
      %mul3A_290 = arith.muli %scan3A_226, %mul3A_289 : i32
      %add3A_291 = arith.constant 2 : i32
      %add3A_292 = arith.addi %mul3A_290, %add3A_291 : i32
      %mul3A_293 = arith.constant 80 : i32
      %mul3A_294 = arith.muli %add3A_292, %mul3A_293 : i32
      %add3A_295 = arith.addi %mul3A_2, %mul3A_294 : i32
      %dma_wait3A_296 = arith.constant 2 : i32
      %dma_wait3A_297 = arith.constant 0 : i32
      %dma_wait3A_298 = tpu.memref_slice %arg5[%dma_wait3A_296, %dma_wait3A_297] : memref<4x80xi32, #tpu.memory_space<vmem>> -> memref<1x80xi32, #tpu.memory_space<vmem>>
      %dma_wait3A_299 = tpu.memref_squeeze %dma_wait3A_298 : memref<1x80xi32, #tpu.memory_space<vmem>> -> memref<80xi32, #tpu.memory_space<vmem>>
      %dma_wait3A_300 = tpu.memref_slice %arg2[%add3A_295] : memref<320000xi32, #tpu.memory_space<hbm>> -> memref<80xi32, #tpu.memory_space<hbm>>
      %dma_wait3A_301 = arith.constant 0 : i32
      %dma_wait3A_302 = tpu.memref_slice %arg5[%dma_wait3A_296, %dma_wait3A_301] : memref<4x80xi32, #tpu.memory_space<vmem>> -> memref<1x80xi32, #tpu.memory_space<vmem>>
      %dma_wait3A_303 = tpu.memref_squeeze %dma_wait3A_302 : memref<1x80xi32, #tpu.memory_space<vmem>> -> memref<80xi32, #tpu.memory_space<vmem>>
      %dma_wait3A_304 = tpu.memref_slice %arg2[%add3A_295] : memref<320000xi32, #tpu.memory_space<hbm>> -> memref<80xi32, #tpu.memory_space<hbm>>
      tpu.wait_dma2 semaphore(%arg11 : memref<!tpu.dma_semaphore, #tpu.memory_space<semaphore_mem>>) src(%dma_wait3A_304 : memref<80xi32, #tpu.memory_space<hbm>>) dst(%dma_wait3A_303 : memref<80xi32, #tpu.memory_space<vmem>>)
      %run_scoped3A_305 = arith.constant 2 : i32
      "tpu.region"() ({
        %run_scoped3A_351 = tpu.sem_alloc : memref<!tpu.dma_semaphore, #tpu.memory_space<semaphore_mem>>
        %dma_start3A_352 = arith.constant 0 : i32
        %dma_start3A_353 = tpu.memref_slice %arg5[%run_scoped3A_305, %dma_start3A_352] : memref<4x80xi32, #tpu.memory_space<vmem>> -> memref<1x80xi32, #tpu.memory_space<vmem>>
        %dma_start3A_354 = tpu.memref_squeeze %dma_start3A_353 : memref<1x80xi32, #tpu.memory_space<vmem>> -> memref<80xi32, #tpu.memory_space<vmem>>
        %dma_start3A_355 = arith.constant 0 : i32
        %dma_start3A_356 = tpu.memref_slice %arg8[%dma_start3A_355] : memref<10240xf32, #tpu.memory_space<vmem_shared>> -> memref<10240xf32, #tpu.memory_space<vmem_shared>>
        tpu.enqueue_indirect_dma source(%arg6 : memref<80xf32, #tpu.memory_space<vmem>>) target(%dma_start3A_356 : memref<10240xf32, #tpu.memory_space<vmem_shared>>) offsets(%dma_start3A_354 : memref<80xi32, #tpu.memory_space<vmem>>) semaphore(%run_scoped3A_351 : memref<!tpu.dma_semaphore, #tpu.memory_space<semaphore_mem>>) {add = true}
        %dma_wait3A_357 = arith.constant 0 : i32
        %dma_wait3A_358 = tpu.memref_slice %arg5[%run_scoped3A_305, %dma_wait3A_357] : memref<4x80xi32, #tpu.memory_space<vmem>> -> memref<1x80xi32, #tpu.memory_space<vmem>>
        %dma_wait3A_359 = tpu.memref_squeeze %dma_wait3A_358 : memref<1x80xi32, #tpu.memory_space<vmem>> -> memref<80xi32, #tpu.memory_space<vmem>>
        %dma_wait3A_360 = arith.constant 0 : i32
        %dma_wait3A_361 = tpu.memref_slice %arg8[%dma_wait3A_360] : memref<10240xf32, #tpu.memory_space<vmem_shared>> -> memref<10240xf32, #tpu.memory_space<vmem_shared>>
        tpu.wait_indirect_dma semaphore(%run_scoped3A_351 : memref<!tpu.dma_semaphore, #tpu.memory_space<semaphore_mem>>) src(%arg6 : memref<80xf32, #tpu.memory_space<vmem>>) dst(%dma_wait3A_361 : memref<10240xf32, #tpu.memory_space<vmem_shared>>)
        tpu.yield
      }) : () -> ()
      %add3A_306 = arith.constant 4 : i32
      %add3A_307 = arith.addi %add3A_292, %add3A_306 : i32
      %mul3A_308 = arith.constant 80 : i32
      %mul3A_309 = arith.muli %add3A_307, %mul3A_308 : i32
      %add3A_310 = arith.addi %mul3A_2, %mul3A_309 : i32
      %dma_start3A_311 = arith.constant 2 : i32
      %dma_start3A_312 = arith.constant 0 : i32
      %dma_start3A_313 = tpu.memref_slice %arg5[%dma_start3A_311, %dma_start3A_312] : memref<4x80xi32, #tpu.memory_space<vmem>> -> memref<1x80xi32, #tpu.memory_space<vmem>>
      %dma_start3A_314 = tpu.memref_squeeze %dma_start3A_313 : memref<1x80xi32, #tpu.memory_space<vmem>> -> memref<80xi32, #tpu.memory_space<vmem>>
      %dma_start3A_315 = tpu.memref_slice %arg2[%add3A_310] : memref<320000xi32, #tpu.memory_space<hbm>> -> memref<80xi32, #tpu.memory_space<hbm>>
      %dma_start3A_316 = arith.constant 0 : i32
      %dma_start3A_317 = tpu.memref_slice %arg5[%dma_start3A_311, %dma_start3A_316] : memref<4x80xi32, #tpu.memory_space<vmem>> -> memref<1x80xi32, #tpu.memory_space<vmem>>
      %dma_start3A_318 = tpu.memref_squeeze %dma_start3A_317 : memref<1x80xi32, #tpu.memory_space<vmem>> -> memref<80xi32, #tpu.memory_space<vmem>>
      %dma_start3A_319 = tpu.memref_slice %arg2[%add3A_310] : memref<320000xi32, #tpu.memory_space<hbm>> -> memref<80xi32, #tpu.memory_space<hbm>>
      tpu.enqueue_dma source(%dma_start3A_319 : memref<80xi32, #tpu.memory_space<hbm>>) target(%dma_start3A_318 : memref<80xi32, #tpu.memory_space<vmem>>) target_semaphore(%arg11 : memref<!tpu.dma_semaphore, #tpu.memory_space<semaphore_mem>>)
      %mul3A_320 = arith.constant 4 : i32
      %mul3A_321 = arith.muli %scan3A_226, %mul3A_320 : i32
      %add3A_322 = arith.constant 3 : i32
      %add3A_323 = arith.addi %mul3A_321, %add3A_322 : i32
      %mul3A_324 = arith.constant 80 : i32
      %mul3A_325 = arith.muli %add3A_323, %mul3A_324 : i32
      %add3A_326 = arith.addi %mul3A_2, %mul3A_325 : i32
      %dma_wait3A_327 = arith.constant 3 : i32
      %dma_wait3A_328 = arith.constant 0 : i32
      %dma_wait3A_329 = tpu.memref_slice %arg5[%dma_wait3A_327, %dma_wait3A_328] : memref<4x80xi32, #tpu.memory_space<vmem>> -> memref<1x80xi32, #tpu.memory_space<vmem>>
      %dma_wait3A_330 = tpu.memref_squeeze %dma_wait3A_329 : memref<1x80xi32, #tpu.memory_space<vmem>> -> memref<80xi32, #tpu.memory_space<vmem>>
      %dma_wait3A_331 = tpu.memref_slice %arg2[%add3A_326] : memref<320000xi32, #tpu.memory_space<hbm>> -> memref<80xi32, #tpu.memory_space<hbm>>
      %dma_wait3A_332 = arith.constant 0 : i32
      %dma_wait3A_333 = tpu.memref_slice %arg5[%dma_wait3A_327, %dma_wait3A_332] : memref<4x80xi32, #tpu.memory_space<vmem>> -> memref<1x80xi32, #tpu.memory_space<vmem>>
      %dma_wait3A_334 = tpu.memref_squeeze %dma_wait3A_333 : memref<1x80xi32, #tpu.memory_space<vmem>> -> memref<80xi32, #tpu.memory_space<vmem>>
      %dma_wait3A_335 = tpu.memref_slice %arg2[%add3A_326] : memref<320000xi32, #tpu.memory_space<hbm>> -> memref<80xi32, #tpu.memory_space<hbm>>
      tpu.wait_dma2 semaphore(%arg12 : memref<!tpu.dma_semaphore, #tpu.memory_space<semaphore_mem>>) src(%dma_wait3A_335 : memref<80xi32, #tpu.memory_space<hbm>>) dst(%dma_wait3A_334 : memref<80xi32, #tpu.memory_space<vmem>>)
      %run_scoped3A_336 = arith.constant 3 : i32
      "tpu.region"() ({
        %run_scoped3A_351 = tpu.sem_alloc : memref<!tpu.dma_semaphore, #tpu.memory_space<semaphore_mem>>
        %dma_start3A_352 = arith.constant 0 : i32
        %dma_start3A_353 = tpu.memref_slice %arg5[%run_scoped3A_336, %dma_start3A_352] : memref<4x80xi32, #tpu.memory_space<vmem>> -> memref<1x80xi32, #tpu.memory_space<vmem>>
        %dma_start3A_354 = tpu.memref_squeeze %dma_start3A_353 : memref<1x80xi32, #tpu.memory_space<vmem>> -> memref<80xi32, #tpu.memory_space<vmem>>
        %dma_start3A_355 = arith.constant 0 : i32
        %dma_start3A_356 = tpu.memref_slice %arg8[%dma_start3A_355] : memref<10240xf32, #tpu.memory_space<vmem_shared>> -> memref<10240xf32, #tpu.memory_space<vmem_shared>>
        tpu.enqueue_indirect_dma source(%arg6 : memref<80xf32, #tpu.memory_space<vmem>>) target(%dma_start3A_356 : memref<10240xf32, #tpu.memory_space<vmem_shared>>) offsets(%dma_start3A_354 : memref<80xi32, #tpu.memory_space<vmem>>) semaphore(%run_scoped3A_351 : memref<!tpu.dma_semaphore, #tpu.memory_space<semaphore_mem>>) {add = true}
        %dma_wait3A_357 = arith.constant 0 : i32
        %dma_wait3A_358 = tpu.memref_slice %arg5[%run_scoped3A_336, %dma_wait3A_357] : memref<4x80xi32, #tpu.memory_space<vmem>> -> memref<1x80xi32, #tpu.memory_space<vmem>>
        %dma_wait3A_359 = tpu.memref_squeeze %dma_wait3A_358 : memref<1x80xi32, #tpu.memory_space<vmem>> -> memref<80xi32, #tpu.memory_space<vmem>>
        %dma_wait3A_360 = arith.constant 0 : i32
        %dma_wait3A_361 = tpu.memref_slice %arg8[%dma_wait3A_360] : memref<10240xf32, #tpu.memory_space<vmem_shared>> -> memref<10240xf32, #tpu.memory_space<vmem_shared>>
        tpu.wait_indirect_dma semaphore(%run_scoped3A_351 : memref<!tpu.dma_semaphore, #tpu.memory_space<semaphore_mem>>) src(%arg6 : memref<80xf32, #tpu.memory_space<vmem>>) dst(%dma_wait3A_361 : memref<10240xf32, #tpu.memory_space<vmem_shared>>)
        tpu.yield
      }) : () -> ()
      %add3A_337 = arith.constant 4 : i32
      %add3A_338 = arith.addi %add3A_323, %add3A_337 : i32
      %mul3A_339 = arith.constant 80 : i32
      %mul3A_340 = arith.muli %add3A_338, %mul3A_339 : i32
      %add3A_341 = arith.addi %mul3A_2, %mul3A_340 : i32
      %dma_start3A_342 = arith.constant 3 : i32
      %dma_start3A_343 = arith.constant 0 : i32
      %dma_start3A_344 = tpu.memref_slice %arg5[%dma_start3A_342, %dma_start3A_343] : memref<4x80xi32, #tpu.memory_space<vmem>> -> memref<1x80xi32, #tpu.memory_space<vmem>>
      %dma_start3A_345 = tpu.memref_squeeze %dma_start3A_344 : memref<1x80xi32, #tpu.memory_space<vmem>> -> memref<80xi32, #tpu.memory_space<vmem>>
      %dma_start3A_346 = tpu.memref_slice %arg2[%add3A_341] : memref<320000xi32, #tpu.memory_space<hbm>> -> memref<80xi32, #tpu.memory_space<hbm>>
      %dma_start3A_347 = arith.constant 0 : i32
      %dma_start3A_348 = tpu.memref_slice %arg5[%dma_start3A_342, %dma_start3A_347] : memref<4x80xi32, #tpu.memory_space<vmem>> -> memref<1x80xi32, #tpu.memory_space<vmem>>
      %dma_start3A_349 = tpu.memref_squeeze %dma_start3A_348 : memref<1x80xi32, #tpu.memory_space<vmem>> -> memref<80xi32, #tpu.memory_space<vmem>>
      %dma_start3A_350 = tpu.memref_slice %arg2[%add3A_341] : memref<320000xi32, #tpu.memory_space<hbm>> -> memref<80xi32, #tpu.memory_space<hbm>>
      tpu.enqueue_dma source(%dma_start3A_350 : memref<80xi32, #tpu.memory_space<hbm>>) target(%dma_start3A_349 : memref<80xi32, #tpu.memory_space<vmem>>) target_semaphore(%arg12 : memref<!tpu.dma_semaphore, #tpu.memory_space<semaphore_mem>>)
    }
    %scan3A_146 = arith.constant 30 : i32
    %add3A_147 = arith.constant 9600 : i32
    %add3A_148 = arith.addi %mul3A_2, %add3A_147 : i32
    %dma_wait3A = arith.constant 0 : i32
    %dma_wait3A_149 = arith.constant 0 : i32
    %dma_wait3A_150 = tpu.memref_slice %arg5[%dma_wait3A, %dma_wait3A_149] : memref<4x80xi32, #tpu.memory_space<vmem>> -> memref<1x80xi32, #tpu.memory_space<vmem>>
    %dma_wait3A_151 = tpu.memref_squeeze %dma_wait3A_150 : memref<1x80xi32, #tpu.memory_space<vmem>> -> memref<80xi32, #tpu.memory_space<vmem>>
    %dma_wait3A_152 = tpu.memref_slice %arg2[%add3A_148] : memref<320000xi32, #tpu.memory_space<hbm>> -> memref<80xi32, #tpu.memory_space<hbm>>
    %dma_wait3A_153 = arith.constant 0 : i32
    %dma_wait3A_154 = tpu.memref_slice %arg5[%dma_wait3A, %dma_wait3A_153] : memref<4x80xi32, #tpu.memory_space<vmem>> -> memref<1x80xi32, #tpu.memory_space<vmem>>
    %dma_wait3A_155 = tpu.memref_squeeze %dma_wait3A_154 : memref<1x80xi32, #tpu.memory_space<vmem>> -> memref<80xi32, #tpu.memory_space<vmem>>
    %dma_wait3A_156 = tpu.memref_slice %arg2[%add3A_148] : memref<320000xi32, #tpu.memory_space<hbm>> -> memref<80xi32, #tpu.memory_space<hbm>>
    tpu.wait_dma2 semaphore(%arg9 : memref<!tpu.dma_semaphore, #tpu.memory_space<semaphore_mem>>) src(%dma_wait3A_156 : memref<80xi32, #tpu.memory_space<hbm>>) dst(%dma_wait3A_155 : memref<80xi32, #tpu.memory_space<vmem>>)
    %run_scoped3A = arith.constant 0 : i32
    "tpu.region"() ({
      %run_scoped3A_226 = tpu.sem_alloc : memref<!tpu.dma_semaphore, #tpu.memory_space<semaphore_mem>>
      %dma_start3A_227 = arith.constant 0 : i32
      %dma_start3A_228 = tpu.memref_slice %arg5[%run_scoped3A, %dma_start3A_227] : memref<4x80xi32, #tpu.memory_space<vmem>> -> memref<1x80xi32, #tpu.memory_space<vmem>>
      %dma_start3A_229 = tpu.memref_squeeze %dma_start3A_228 : memref<1x80xi32, #tpu.memory_space<vmem>> -> memref<80xi32, #tpu.memory_space<vmem>>
      %dma_start3A_230 = arith.constant 0 : i32
      %dma_start3A_231 = tpu.memref_slice %arg8[%dma_start3A_230] : memref<10240xf32, #tpu.memory_space<vmem_shared>> -> memref<10240xf32, #tpu.memory_space<vmem_shared>>
      tpu.enqueue_indirect_dma source(%arg6 : memref<80xf32, #tpu.memory_space<vmem>>) target(%dma_start3A_231 : memref<10240xf32, #tpu.memory_space<vmem_shared>>) offsets(%dma_start3A_229 : memref<80xi32, #tpu.memory_space<vmem>>) semaphore(%run_scoped3A_226 : memref<!tpu.dma_semaphore, #tpu.memory_space<semaphore_mem>>) {add = true}
      %dma_wait3A_232 = arith.constant 0 : i32
      %dma_wait3A_233 = tpu.memref_slice %arg5[%run_scoped3A, %dma_wait3A_232] : memref<4x80xi32, #tpu.memory_space<vmem>> -> memref<1x80xi32, #tpu.memory_space<vmem>>
      %dma_wait3A_234 = tpu.memref_squeeze %dma_wait3A_233 : memref<1x80xi32, #tpu.memory_space<vmem>> -> memref<80xi32, #tpu.memory_space<vmem>>
      %dma_wait3A_235 = arith.constant 0 : i32
      %dma_wait3A_236 = tpu.memref_slice %arg8[%dma_wait3A_235] : memref<10240xf32, #tpu.memory_space<vmem_shared>> -> memref<10240xf32, #tpu.memory_space<vmem_shared>>
      tpu.wait_indirect_dma semaphore(%run_scoped3A_226 : memref<!tpu.dma_semaphore, #tpu.memory_space<semaphore_mem>>) src(%arg6 : memref<80xf32, #tpu.memory_space<vmem>>) dst(%dma_wait3A_236 : memref<10240xf32, #tpu.memory_space<vmem_shared>>)
      tpu.yield
    }) : () -> ()
    %add3A_157 = arith.constant 9680 : i32
    %add3A_158 = arith.addi %mul3A_2, %add3A_157 : i32
    %dma_wait3A_159 = arith.constant 1 : i32
    %dma_wait3A_160 = arith.constant 0 : i32
    %dma_wait3A_161 = tpu.memref_slice %arg5[%dma_wait3A_159, %dma_wait3A_160] : memref<4x80xi32, #tpu.memory_space<vmem>> -> memref<1x80xi32, #tpu.memory_space<vmem>>
    %dma_wait3A_162 = tpu.memref_squeeze %dma_wait3A_161 : memref<1x80xi32, #tpu.memory_space<vmem>> -> memref<80xi32, #tpu.memory_space<vmem>>
    %dma_wait3A_163 = tpu.memref_slice %arg2[%add3A_158] : memref<320000xi32, #tpu.memory_space<hbm>> -> memref<80xi32, #tpu.memory_space<hbm>>
    %dma_wait3A_164 = arith.constant 0 : i32
    %dma_wait3A_165 = tpu.memref_slice %arg5[%dma_wait3A_159, %dma_wait3A_164] : memref<4x80xi32, #tpu.memory_space<vmem>> -> memref<1x80xi32, #tpu.memory_space<vmem>>
    %dma_wait3A_166 = tpu.memref_squeeze %dma_wait3A_165 : memref<1x80xi32, #tpu.memory_space<vmem>> -> memref<80xi32, #tpu.memory_space<vmem>>
    %dma_wait3A_167 = tpu.memref_slice %arg2[%add3A_158] : memref<320000xi32, #tpu.memory_space<hbm>> -> memref<80xi32, #tpu.memory_space<hbm>>
    tpu.wait_dma2 semaphore(%arg10 : memref<!tpu.dma_semaphore, #tpu.memory_space<semaphore_mem>>) src(%dma_wait3A_167 : memref<80xi32, #tpu.memory_space<hbm>>) dst(%dma_wait3A_166 : memref<80xi32, #tpu.memory_space<vmem>>)
    %run_scoped3A_168 = arith.constant 1 : i32
    "tpu.region"() ({
      %run_scoped3A_226 = tpu.sem_alloc : memref<!tpu.dma_semaphore, #tpu.memory_space<semaphore_mem>>
      %dma_start3A_227 = arith.constant 0 : i32
      %dma_start3A_228 = tpu.memref_slice %arg5[%run_scoped3A_168, %dma_start3A_227] : memref<4x80xi32, #tpu.memory_space<vmem>> -> memref<1x80xi32, #tpu.memory_space<vmem>>
      %dma_start3A_229 = tpu.memref_squeeze %dma_start3A_228 : memref<1x80xi32, #tpu.memory_space<vmem>> -> memref<80xi32, #tpu.memory_space<vmem>>
      %dma_start3A_230 = arith.constant 0 : i32
      %dma_start3A_231 = tpu.memref_slice %arg8[%dma_start3A_230] : memref<10240xf32, #tpu.memory_space<vmem_shared>> -> memref<10240xf32, #tpu.memory_space<vmem_shared>>
      tpu.enqueue_indirect_dma source(%arg6 : memref<80xf32, #tpu.memory_space<vmem>>) target(%dma_start3A_231 : memref<10240xf32, #tpu.memory_space<vmem_shared>>) offsets(%dma_start3A_229 : memref<80xi32, #tpu.memory_space<vmem>>) semaphore(%run_scoped3A_226 : memref<!tpu.dma_semaphore, #tpu.memory_space<semaphore_mem>>) {add = true}
      %dma_wait3A_232 = arith.constant 0 : i32
      %dma_wait3A_233 = tpu.memref_slice %arg5[%run_scoped3A_168, %dma_wait3A_232] : memref<4x80xi32, #tpu.memory_space<vmem>> -> memref<1x80xi32, #tpu.memory_space<vmem>>
      %dma_wait3A_234 = tpu.memref_squeeze %dma_wait3A_233 : memref<1x80xi32, #tpu.memory_space<vmem>> -> memref<80xi32, #tpu.memory_space<vmem>>
      %dma_wait3A_235 = arith.constant 0 : i32
      %dma_wait3A_236 = tpu.memref_slice %arg8[%dma_wait3A_235] : memref<10240xf32, #tpu.memory_space<vmem_shared>> -> memref<10240xf32, #tpu.memory_space<vmem_shared>>
      tpu.wait_indirect_dma semaphore(%run_scoped3A_226 : memref<!tpu.dma_semaphore, #tpu.memory_space<semaphore_mem>>) src(%arg6 : memref<80xf32, #tpu.memory_space<vmem>>) dst(%dma_wait3A_236 : memref<10240xf32, #tpu.memory_space<vmem_shared>>)
      tpu.yield
    }) : () -> ()
    %add3A_169 = arith.constant 9760 : i32
    %add3A_170 = arith.addi %mul3A_2, %add3A_169 : i32
    %dma_wait3A_171 = arith.constant 2 : i32
    %dma_wait3A_172 = arith.constant 0 : i32
    %dma_wait3A_173 = tpu.memref_slice %arg5[%dma_wait3A_171, %dma_wait3A_172] : memref<4x80xi32, #tpu.memory_space<vmem>> -> memref<1x80xi32, #tpu.memory_space<vmem>>
    %dma_wait3A_174 = tpu.memref_squeeze %dma_wait3A_173 : memref<1x80xi32, #tpu.memory_space<vmem>> -> memref<80xi32, #tpu.memory_space<vmem>>
    %dma_wait3A_175 = tpu.memref_slice %arg2[%add3A_170] : memref<320000xi32, #tpu.memory_space<hbm>> -> memref<80xi32, #tpu.memory_space<hbm>>
    %dma_wait3A_176 = arith.constant 0 : i32
    %dma_wait3A_177 = tpu.memref_slice %arg5[%dma_wait3A_171, %dma_wait3A_176] : memref<4x80xi32, #tpu.memory_space<vmem>> -> memref<1x80xi32, #tpu.memory_space<vmem>>
    %dma_wait3A_178 = tpu.memref_squeeze %dma_wait3A_177 : memref<1x80xi32, #tpu.memory_space<vmem>> -> memref<80xi32, #tpu.memory_space<vmem>>
    %dma_wait3A_179 = tpu.memref_slice %arg2[%add3A_170] : memref<320000xi32, #tpu.memory_space<hbm>> -> memref<80xi32, #tpu.memory_space<hbm>>
    tpu.wait_dma2 semaphore(%arg11 : memref<!tpu.dma_semaphore, #tpu.memory_space<semaphore_mem>>) src(%dma_wait3A_179 : memref<80xi32, #tpu.memory_space<hbm>>) dst(%dma_wait3A_178 : memref<80xi32, #tpu.memory_space<vmem>>)
    %run_scoped3A_180 = arith.constant 2 : i32
    "tpu.region"() ({
      %run_scoped3A_226 = tpu.sem_alloc : memref<!tpu.dma_semaphore, #tpu.memory_space<semaphore_mem>>
      %dma_start3A_227 = arith.constant 0 : i32
      %dma_start3A_228 = tpu.memref_slice %arg5[%run_scoped3A_180, %dma_start3A_227] : memref<4x80xi32, #tpu.memory_space<vmem>> -> memref<1x80xi32, #tpu.memory_space<vmem>>
      %dma_start3A_229 = tpu.memref_squeeze %dma_start3A_228 : memref<1x80xi32, #tpu.memory_space<vmem>> -> memref<80xi32, #tpu.memory_space<vmem>>
      %dma_start3A_230 = arith.constant 0 : i32
      %dma_start3A_231 = tpu.memref_slice %arg8[%dma_start3A_230] : memref<10240xf32, #tpu.memory_space<vmem_shared>> -> memref<10240xf32, #tpu.memory_space<vmem_shared>>
      tpu.enqueue_indirect_dma source(%arg6 : memref<80xf32, #tpu.memory_space<vmem>>) target(%dma_start3A_231 : memref<10240xf32, #tpu.memory_space<vmem_shared>>) offsets(%dma_start3A_229 : memref<80xi32, #tpu.memory_space<vmem>>) semaphore(%run_scoped3A_226 : memref<!tpu.dma_semaphore, #tpu.memory_space<semaphore_mem>>) {add = true}
      %dma_wait3A_232 = arith.constant 0 : i32
      %dma_wait3A_233 = tpu.memref_slice %arg5[%run_scoped3A_180, %dma_wait3A_232] : memref<4x80xi32, #tpu.memory_space<vmem>> -> memref<1x80xi32, #tpu.memory_space<vmem>>
      %dma_wait3A_234 = tpu.memref_squeeze %dma_wait3A_233 : memref<1x80xi32, #tpu.memory_space<vmem>> -> memref<80xi32, #tpu.memory_space<vmem>>
      %dma_wait3A_235 = arith.constant 0 : i32
      %dma_wait3A_236 = tpu.memref_slice %arg8[%dma_wait3A_235] : memref<10240xf32, #tpu.memory_space<vmem_shared>> -> memref<10240xf32, #tpu.memory_space<vmem_shared>>
      tpu.wait_indirect_dma semaphore(%run_scoped3A_226 : memref<!tpu.dma_semaphore, #tpu.memory_space<semaphore_mem>>) src(%arg6 : memref<80xf32, #tpu.memory_space<vmem>>) dst(%dma_wait3A_236 : memref<10240xf32, #tpu.memory_space<vmem_shared>>)
      tpu.yield
    }) : () -> ()
    %add3A_181 = arith.constant 9840 : i32
    %add3A_182 = arith.addi %mul3A_2, %add3A_181 : i32
    %dma_wait3A_183 = arith.constant 3 : i32
    %dma_wait3A_184 = arith.constant 0 : i32
    %dma_wait3A_185 = tpu.memref_slice %arg5[%dma_wait3A_183, %dma_wait3A_184] : memref<4x80xi32, #tpu.memory_space<vmem>> -> memref<1x80xi32, #tpu.memory_space<vmem>>
    %dma_wait3A_186 = tpu.memref_squeeze %dma_wait3A_185 : memref<1x80xi32, #tpu.memory_space<vmem>> -> memref<80xi32, #tpu.memory_space<vmem>>
    %dma_wait3A_187 = tpu.memref_slice %arg2[%add3A_182] : memref<320000xi32, #tpu.memory_space<hbm>> -> memref<80xi32, #tpu.memory_space<hbm>>
    %dma_wait3A_188 = arith.constant 0 : i32
    %dma_wait3A_189 = tpu.memref_slice %arg5[%dma_wait3A_183, %dma_wait3A_188] : memref<4x80xi32, #tpu.memory_space<vmem>> -> memref<1x80xi32, #tpu.memory_space<vmem>>
    %dma_wait3A_190 = tpu.memref_squeeze %dma_wait3A_189 : memref<1x80xi32, #tpu.memory_space<vmem>> -> memref<80xi32, #tpu.memory_space<vmem>>
    %dma_wait3A_191 = tpu.memref_slice %arg2[%add3A_182] : memref<320000xi32, #tpu.memory_space<hbm>> -> memref<80xi32, #tpu.memory_space<hbm>>
    tpu.wait_dma2 semaphore(%arg12 : memref<!tpu.dma_semaphore, #tpu.memory_space<semaphore_mem>>) src(%dma_wait3A_191 : memref<80xi32, #tpu.memory_space<hbm>>) dst(%dma_wait3A_190 : memref<80xi32, #tpu.memory_space<vmem>>)
    %run_scoped3A_192 = arith.constant 3 : i32
    "tpu.region"() ({
      %run_scoped3A_226 = tpu.sem_alloc : memref<!tpu.dma_semaphore, #tpu.memory_space<semaphore_mem>>
      %dma_start3A_227 = arith.constant 0 : i32
      %dma_start3A_228 = tpu.memref_slice %arg5[%run_scoped3A_192, %dma_start3A_227] : memref<4x80xi32, #tpu.memory_space<vmem>> -> memref<1x80xi32, #tpu.memory_space<vmem>>
      %dma_start3A_229 = tpu.memref_squeeze %dma_start3A_228 : memref<1x80xi32, #tpu.memory_space<vmem>> -> memref<80xi32, #tpu.memory_space<vmem>>
      %dma_start3A_230 = arith.constant 0 : i32
      %dma_start3A_231 = tpu.memref_slice %arg8[%dma_start3A_230] : memref<10240xf32, #tpu.memory_space<vmem_shared>> -> memref<10240xf32, #tpu.memory_space<vmem_shared>>
      tpu.enqueue_indirect_dma source(%arg6 : memref<80xf32, #tpu.memory_space<vmem>>) target(%dma_start3A_231 : memref<10240xf32, #tpu.memory_space<vmem_shared>>) offsets(%dma_start3A_229 : memref<80xi32, #tpu.memory_space<vmem>>) semaphore(%run_scoped3A_226 : memref<!tpu.dma_semaphore, #tpu.memory_space<semaphore_mem>>) {add = true}
      %dma_wait3A_232 = arith.constant 0 : i32
      %dma_wait3A_233 = tpu.memref_slice %arg5[%run_scoped3A_192, %dma_wait3A_232] : memref<4x80xi32, #tpu.memory_space<vmem>> -> memref<1x80xi32, #tpu.memory_space<vmem>>
      %dma_wait3A_234 = tpu.memref_squeeze %dma_wait3A_233 : memref<1x80xi32, #tpu.memory_space<vmem>> -> memref<80xi32, #tpu.memory_space<vmem>>
      %dma_wait3A_235 = arith.constant 0 : i32
      %dma_wait3A_236 = tpu.memref_slice %arg8[%dma_wait3A_235] : memref<10240xf32, #tpu.memory_space<vmem_shared>> -> memref<10240xf32, #tpu.memory_space<vmem_shared>>
      tpu.wait_indirect_dma semaphore(%run_scoped3A_226 : memref<!tpu.dma_semaphore, #tpu.memory_space<semaphore_mem>>) src(%arg6 : memref<80xf32, #tpu.memory_space<vmem>>) dst(%dma_wait3A_236 : memref<10240xf32, #tpu.memory_space<vmem_shared>>)
      tpu.yield
    }) : () -> ()
    %add3A_193 = arith.constant 9920 : i32
    %add3A_194 = arith.addi %mul3A_2, %add3A_193 : i32
    %dma_start3A_195 = arith.constant 0 : i32
    %dma_start3A_196 = arith.constant 0 : i32
    %dma_start3A_197 = tpu.memref_slice %arg5[%dma_start3A_195, %dma_start3A_196] : memref<4x80xi32, #tpu.memory_space<vmem>> -> memref<1x80xi32, #tpu.memory_space<vmem>>
    %dma_start3A_198 = tpu.memref_squeeze %dma_start3A_197 : memref<1x80xi32, #tpu.memory_space<vmem>> -> memref<80xi32, #tpu.memory_space<vmem>>
    %dma_start3A_199 = tpu.memref_slice %arg2[%add3A_194] : memref<320000xi32, #tpu.memory_space<hbm>> -> memref<80xi32, #tpu.memory_space<hbm>>
    %dma_start3A_200 = arith.constant 0 : i32
    %dma_start3A_201 = tpu.memref_slice %arg5[%dma_start3A_195, %dma_start3A_200] : memref<4x80xi32, #tpu.memory_space<vmem>> -> memref<1x80xi32, #tpu.memory_space<vmem>>
    %dma_start3A_202 = tpu.memref_squeeze %dma_start3A_201 : memref<1x80xi32, #tpu.memory_space<vmem>> -> memref<80xi32, #tpu.memory_space<vmem>>
    %dma_start3A_203 = tpu.memref_slice %arg2[%add3A_194] : memref<320000xi32, #tpu.memory_space<hbm>> -> memref<80xi32, #tpu.memory_space<hbm>>
    tpu.enqueue_dma source(%dma_start3A_203 : memref<80xi32, #tpu.memory_space<hbm>>) target(%dma_start3A_202 : memref<80xi32, #tpu.memory_space<vmem>>) target_semaphore(%arg9 : memref<!tpu.dma_semaphore, #tpu.memory_space<semaphore_mem>>)
    %add3A_204 = arith.constant 9920 : i32
    %add3A_205 = arith.addi %mul3A_2, %add3A_204 : i32
    %dma_wait3A_206 = arith.constant 0 : i32
    %dma_wait3A_207 = arith.constant 0 : i32
    %dma_wait3A_208 = tpu.memref_slice %arg5[%dma_wait3A_206, %dma_wait3A_207] : memref<4x80xi32, #tpu.memory_space<vmem>> -> memref<1x80xi32, #tpu.memory_space<vmem>>
    %dma_wait3A_209 = tpu.memref_squeeze %dma_wait3A_208 : memref<1x80xi32, #tpu.memory_space<vmem>> -> memref<80xi32, #tpu.memory_space<vmem>>
    %dma_wait3A_210 = tpu.memref_slice %arg2[%add3A_205] : memref<320000xi32, #tpu.memory_space<hbm>> -> memref<80xi32, #tpu.memory_space<hbm>>
    %dma_wait3A_211 = arith.constant 0 : i32
    %dma_wait3A_212 = tpu.memref_slice %arg5[%dma_wait3A_206, %dma_wait3A_211] : memref<4x80xi32, #tpu.memory_space<vmem>> -> memref<1x80xi32, #tpu.memory_space<vmem>>
    %dma_wait3A_213 = tpu.memref_squeeze %dma_wait3A_212 : memref<1x80xi32, #tpu.memory_space<vmem>> -> memref<80xi32, #tpu.memory_space<vmem>>
    %dma_wait3A_214 = tpu.memref_slice %arg2[%add3A_205] : memref<320000xi32, #tpu.memory_space<hbm>> -> memref<80xi32, #tpu.memory_space<hbm>>
    tpu.wait_dma2 semaphore(%arg9 : memref<!tpu.dma_semaphore, #tpu.memory_space<semaphore_mem>>) src(%dma_wait3A_214 : memref<80xi32, #tpu.memory_space<hbm>>) dst(%dma_wait3A_213 : memref<80xi32, #tpu.memory_space<vmem>>)
    %run_scoped3A_215 = arith.constant 0 : i32
    "tpu.region"() ({
      %run_scoped3A_226 = tpu.sem_alloc : memref<!tpu.dma_semaphore, #tpu.memory_space<semaphore_mem>>
      %dma_start3A_227 = arith.constant 0 : i32
      %dma_start3A_228 = tpu.memref_slice %arg5[%run_scoped3A_215, %dma_start3A_227] : memref<4x80xi32, #tpu.memory_space<vmem>> -> memref<1x80xi32, #tpu.memory_space<vmem>>
      %dma_start3A_229 = tpu.memref_squeeze %dma_start3A_228 : memref<1x80xi32, #tpu.memory_space<vmem>> -> memref<80xi32, #tpu.memory_space<vmem>>
      %dma_start3A_230 = arith.constant 0 : i32
      %dma_start3A_231 = tpu.memref_slice %arg8[%dma_start3A_230] : memref<10240xf32, #tpu.memory_space<vmem_shared>> -> memref<10240xf32, #tpu.memory_space<vmem_shared>>
      tpu.enqueue_indirect_dma source(%arg6 : memref<80xf32, #tpu.memory_space<vmem>>) target(%dma_start3A_231 : memref<10240xf32, #tpu.memory_space<vmem_shared>>) offsets(%dma_start3A_229 : memref<80xi32, #tpu.memory_space<vmem>>) semaphore(%run_scoped3A_226 : memref<!tpu.dma_semaphore, #tpu.memory_space<semaphore_mem>>) {add = true}
      %dma_wait3A_232 = arith.constant 0 : i32
      %dma_wait3A_233 = tpu.memref_slice %arg5[%run_scoped3A_215, %dma_wait3A_232] : memref<4x80xi32, #tpu.memory_space<vmem>> -> memref<1x80xi32, #tpu.memory_space<vmem>>
      %dma_wait3A_234 = tpu.memref_squeeze %dma_wait3A_233 : memref<1x80xi32, #tpu.memory_space<vmem>> -> memref<80xi32, #tpu.memory_space<vmem>>
      %dma_wait3A_235 = arith.constant 0 : i32
      %dma_wait3A_236 = tpu.memref_slice %arg8[%dma_wait3A_235] : memref<10240xf32, #tpu.memory_space<vmem_shared>> -> memref<10240xf32, #tpu.memory_space<vmem_shared>>
      tpu.wait_indirect_dma semaphore(%run_scoped3A_226 : memref<!tpu.dma_semaphore, #tpu.memory_space<semaphore_mem>>) src(%arg6 : memref<80xf32, #tpu.memory_space<vmem>>) dst(%dma_wait3A_236 : memref<10240xf32, #tpu.memory_space<vmem_shared>>)
      tpu.yield
    }) : () -> ()
    %barrier3A_216 = arith.constant 0 : index
    tpu.barrier barrier_id(%barrier3A_216)
    %mul3A_217 = arith.constant 640 : i32
    %mul3A_218 = arith.muli %arg1, %mul3A_217 : i32
    %eq3A = arith.constant 0 : i32
    %eq3A_219 = arith.cmpi eq, %arg0, %eq3A : i32
    %convert_element_type3A = arith.extui %eq3A_219 : i1 to i32
    %cond3A = arith.constant 0 : i32
    %cond3A_220 = arith.cmpi ne, %convert_element_type3A, %cond3A : i32
    scf.if %cond3A_220 {
      "tpu.region"() ({
        %run_scoped3A_226 = tpu.sem_alloc : memref<!tpu.dma_semaphore, #tpu.memory_space<semaphore_mem>>
        %dma_start3A_227 = tpu.memref_slice %arg3[%mul3A_218] : memref<10240xf32, #tpu.memory_space<hbm>> -> memref<640xf32, #tpu.memory_space<hbm>>
        %dma_start3A_228 = tpu.memref_slice %arg8[%mul3A_218] : memref<10240xf32, #tpu.memory_space<vmem_shared>> -> memref<640xf32, #tpu.memory_space<vmem_shared>>
        tpu.enqueue_dma source(%dma_start3A_228 : memref<640xf32, #tpu.memory_space<vmem_shared>>) target(%dma_start3A_227 : memref<640xf32, #tpu.memory_space<hbm>>) target_semaphore(%run_scoped3A_226 : memref<!tpu.dma_semaphore, #tpu.memory_space<semaphore_mem>>)
        %dma_wait3A_229 = tpu.memref_slice %arg3[%mul3A_218] : memref<10240xf32, #tpu.memory_space<hbm>> -> memref<640xf32, #tpu.memory_space<hbm>>
        %dma_wait3A_230 = tpu.memref_slice %arg8[%mul3A_218] : memref<10240xf32, #tpu.memory_space<vmem_shared>> -> memref<640xf32, #tpu.memory_space<vmem_shared>>
        tpu.wait_dma2 semaphore(%run_scoped3A_226 : memref<!tpu.dma_semaphore, #tpu.memory_space<semaphore_mem>>) src(%dma_wait3A_230 : memref<640xf32, #tpu.memory_space<vmem_shared>>) dst(%dma_wait3A_229 : memref<640xf32, #tpu.memory_space<hbm>>)
        tpu.yield
      }) : () -> ()
    } else {
    }
    %eq3A_221 = arith.constant 1 : i32
    %eq3A_222 = arith.cmpi eq, %arg0, %eq3A_221 : i32
    %convert_element_type3A_223 = arith.extui %eq3A_222 : i1 to i32
    %cond3A_224 = arith.constant 0 : i32
    %cond3A_225 = arith.cmpi ne, %convert_element_type3A_223, %cond3A_224 : i32
    scf.if %cond3A_225 {
      "tpu.region"() ({
        %run_scoped3A_226 = tpu.sem_alloc : memref<!tpu.dma_semaphore, #tpu.memory_space<semaphore_mem>>
        %dma_start3A_227 = tpu.memref_slice %arg4[%mul3A_218] : memref<10240xf32, #tpu.memory_space<hbm>> -> memref<640xf32, #tpu.memory_space<hbm>>
        %dma_start3A_228 = tpu.memref_slice %arg8[%mul3A_218] : memref<10240xf32, #tpu.memory_space<vmem_shared>> -> memref<640xf32, #tpu.memory_space<vmem_shared>>
        tpu.enqueue_dma source(%dma_start3A_228 : memref<640xf32, #tpu.memory_space<vmem_shared>>) target(%dma_start3A_227 : memref<640xf32, #tpu.memory_space<hbm>>) target_semaphore(%run_scoped3A_226 : memref<!tpu.dma_semaphore, #tpu.memory_space<semaphore_mem>>)
        %dma_wait3A_229 = tpu.memref_slice %arg4[%mul3A_218] : memref<10240xf32, #tpu.memory_space<hbm>> -> memref<640xf32, #tpu.memory_space<hbm>>
        %dma_wait3A_230 = tpu.memref_slice %arg8[%mul3A_218] : memref<10240xf32, #tpu.memory_space<vmem_shared>> -> memref<640xf32, #tpu.memory_space<vmem_shared>>
        tpu.wait_dma2 semaphore(%run_scoped3A_226 : memref<!tpu.dma_semaphore, #tpu.memory_space<semaphore_mem>>) src(%dma_wait3A_230 : memref<640xf32, #tpu.memory_space<vmem_shared>>) dst(%dma_wait3A_229 : memref<640xf32, #tpu.memory_space<hbm>>)
        tpu.yield
      }) : () -> ()
    } else {
    }
    return
  }
}

module attributes {stable_mosaic.version = 14 : i64} {
  func.func @_matmul_body(%arg0: i32, %arg1: memref<5000x128xf32, #tpu.memory_space<vmem>>, %arg2: memref<128x128xf32, #tpu.memory_space<vmem>>, %arg3: memref<5000x128xf32, #tpu.memory_space<vmem>>) attributes {dimension_semantics = [#tpu.dimension_semantics<arbitrary>], iteration_bounds = array<i64: 2>, scalar_prefetch = 0 : i64, scratch_operands = 0 : i64, tpu.core_type = #tpu.core_type<tc>, window_params = [{transform_indices = @transform_0, window_bounds = array<i64: 5000, 128>}, {pipeline_mode = #tpu.pipeline_mode<synchronous>, transform_indices = @transform_1, window_bounds = array<i64: 128, 128>}, {transform_indices = @transform_2, window_bounds = array<i64: 5000, 128>}]} {
    %get3A = arith.constant 0 : index
    %get3A_0 = arith.constant 0 : index
    %get3A_1 = vector.load %arg1[%get3A, %get3A_0] : memref<5000x128xf32, #tpu.memory_space<vmem>>, vector<5000x128xf32>
    %get3A_2 = arith.constant 0 : index
    %get3A_3 = arith.constant 0 : index
    %get3A_4 = vector.load %arg2[%get3A_2, %get3A_3] : memref<128x128xf32, #tpu.memory_space<vmem>>, vector<128x128xf32>
    %dot_general3A = arith.constant dense<0.000000e+00> : vector<5000x128xf32>
    %dot_general3A_5 = tpu.matmul %get3A_1, %get3A_4, %dot_general3A {dimension_numbers = #tpu.dot_dimension_numbers<[1], [0], [0], [1], [0, 0, 1, 1], [], []>, transpose_lhs_hint = false} : vector<5000x128xf32>, vector<128x128xf32>, vector<5000x128xf32> -> vector<5000x128xf32>
    %swap3A = arith.constant 0 : index
    %swap3A_6 = arith.constant 0 : index
    %swap3A_7 = vector.load %arg3[%swap3A, %swap3A_6] : memref<5000x128xf32, #tpu.memory_space<vmem>>, vector<5000x128xf32>
    tpu.vector_store %arg3[%swap3A, %swap3A_6], %dot_general3A_5 {strides = array<i32>} : memref<5000x128xf32, #tpu.memory_space<vmem>>, vector<5000x128xf32>,
    return
  }
  func.func @transform_0(%arg0: i32) -> (i32, i32) {
    %c0_i32 = arith.constant 0 : i32
    %c0_i32_0 = arith.constant 0 : i32
    return %arg0, %c0_i32 : i32, i32
  }
  func.func @transform_1(%arg0: i32) -> (i32, i32) {
    %c0_i32 = arith.constant 0 : i32
    %c0_i32_0 = arith.constant 0 : i32
    %c0_i32_1 = arith.constant 0 : i32
    return %c0_i32, %c0_i32_0 : i32, i32
  }
  func.func @transform_2(%arg0: i32) -> (i32, i32) {
    %c0_i32 = arith.constant 0 : i32
    %c0_i32_0 = arith.constant 0 : i32
    return %arg0, %c0_i32 : i32, i32
  }
}

module attributes {stable_mosaic.version = 14 : i64} {
  func.func @_scale_body(%arg0: i32, %arg1: memref<5000x128xf32, #tpu.memory_space<vmem>>, %arg2: memref<5000x1xf32, #tpu.memory_space<vmem>>, %arg3: memref<5000x1xf32, #tpu.memory_space<vmem>>, %arg4: memref<5000x128xf32, #tpu.memory_space<vmem>>) attributes {dimension_semantics = [#tpu.dimension_semantics<arbitrary>], iteration_bounds = array<i64: 2>, scalar_prefetch = 0 : i64, scratch_operands = 0 : i64, tpu.core_type = #tpu.core_type<tc>, window_params = [{transform_indices = @transform_0, window_bounds = array<i64: 5000, 128>}, {transform_indices = @transform_1, window_bounds = array<i64: 5000, 1>}, {transform_indices = @transform_2, window_bounds = array<i64: 5000, 1>}, {transform_indices = @transform_3, window_bounds = array<i64: 5000, 128>}]} {
    %get3A = arith.constant 0 : index
    %get3A_0 = arith.constant 0 : index
    %get3A_1 = vector.load %arg2[%get3A, %get3A_0] : memref<5000x1xf32, #tpu.memory_space<vmem>>, vector<5000x1xf32>
    %get3A_2 = arith.constant 0 : index
    %get3A_3 = arith.constant 0 : index
    %get3A_4 = vector.load %arg3[%get3A_2, %get3A_3] : memref<5000x1xf32, #tpu.memory_space<vmem>>, vector<5000x1xf32>
    %add3A = arith.addf %get3A_1, %get3A_4 : vector<5000x1xf32>
    %add3A_5 = arith.constant 1.000000e+00 : f32
    %add3A_6 = vector.broadcast %add3A_5 : f32 to vector<5000x1xf32>
    %add3A_7 = arith.addf %add3A, %add3A_6 : vector<5000x1xf32>
    %rsqrt3A = math.rsqrt %add3A_7 : vector<5000x1xf32>
    %get3A_8 = arith.constant 0 : index
    %get3A_9 = arith.constant 0 : index
    %get3A_10 = vector.load %arg1[%get3A_8, %get3A_9] : memref<5000x128xf32, #tpu.memory_space<vmem>>, vector<5000x128xf32>
    %mul3A = vector.broadcast %rsqrt3A : vector<5000x1xf32> to vector<5000x128xf32>
    %mul3A_11 = arith.mulf %get3A_10, %mul3A : vector<5000x128xf32>
    %swap3A = arith.constant 0 : index
    %swap3A_12 = arith.constant 0 : index
    %swap3A_13 = vector.load %arg4[%swap3A, %swap3A_12] : memref<5000x128xf32, #tpu.memory_space<vmem>>, vector<5000x128xf32>
    tpu.vector_store %arg4[%swap3A, %swap3A_12], %mul3A_11 {strides = array<i32>} : memref<5000x128xf32, #tpu.memory_space<vmem>>, vector<5000x128xf32>,
    return
  }
  func.func @transform_0(%arg0: i32) -> (i32, i32) {
    %c0_i32 = arith.constant 0 : i32
    %c0_i32_0 = arith.constant 0 : i32
    return %arg0, %c0_i32 : i32, i32
  }
  func.func @transform_1(%arg0: i32) -> (i32, i32) {
    %c0_i32 = arith.constant 0 : i32
    %c0_i32_0 = arith.constant 0 : i32
    return %arg0, %c0_i32 : i32, i32
  }
  func.func @transform_2(%arg0: i32) -> (i32, i32) {
    %c0_i32 = arith.constant 0 : i32
    %c0_i32_0 = arith.constant 0 : i32
    return %arg0, %c0_i32 : i32, i32
  }
  func.func @transform_3(%arg0: i32) -> (i32, i32) {
    %c0_i32 = arith.constant 0 : i32
    %c0_i32_0 = arith.constant 0 : i32
    return %arg0, %c0_i32 : i32, i32
  }
}

module attributes {stable_mosaic.version = 14 : i64} {
  func.func @_combine_body(%arg0: i32, %arg1: memref<5000x128xf32, #tpu.memory_space<vmem>>, %arg2: memref<5000x128xf32, #tpu.memory_space<vmem>>, %arg3: memref<5000x128xf32, #tpu.memory_space<vmem>>, %arg4: memref<5000x1xf32, #tpu.memory_space<vmem>>, %arg5: memref<5000x1xf32, #tpu.memory_space<vmem>>, %arg6: memref<1x128xf32, #tpu.memory_space<vmem>>, %arg7: memref<128x128xf32, #tpu.memory_space<vmem>>, %arg8: memref<1x128xf32, #tpu.memory_space<vmem>>, %arg9: memref<5000x128xf32, #tpu.memory_space<vmem>>) attributes {dimension_semantics = [#tpu.dimension_semantics<arbitrary>], iteration_bounds = array<i64: 2>, scalar_prefetch = 0 : i64, scratch_operands = 0 : i64, tpu.core_type = #tpu.core_type<tc>, window_params = [{transform_indices = @transform_0, window_bounds = array<i64: 5000, 128>}, {transform_indices = @transform_1, window_bounds = array<i64: 5000, 128>}, {transform_indices = @transform_2, window_bounds = array<i64: 5000, 128>}, {transform_indices = @transform_3, window_bounds = array<i64: 5000, 1>}, {transform_indices = @transform_4, window_bounds = array<i64: 5000, 1>}, {pipeline_mode = #tpu.pipeline_mode<synchronous>, transform_indices = @transform_5, window_bounds = array<i64: 1, 128>}, {pipeline_mode = #tpu.pipeline_mode<synchronous>, transform_indices = @transform_6, window_bounds = array<i64: 128, 128>}, {pipeline_mode = #tpu.pipeline_mode<synchronous>, transform_indices = @transform_7, window_bounds = array<i64: 1, 128>}, {transform_indices = @transform_8, window_bounds = array<i64: 5000, 128>}]} {
    %get3A = arith.constant 0 : index
    %get3A_0 = arith.constant 0 : index
    %get3A_1 = vector.load %arg4[%get3A, %get3A_0] : memref<5000x1xf32, #tpu.memory_space<vmem>>, vector<5000x1xf32>
    %get3A_2 = arith.constant 0 : index
    %get3A_3 = arith.constant 0 : index
    %get3A_4 = vector.load %arg5[%get3A_2, %get3A_3] : memref<5000x1xf32, #tpu.memory_space<vmem>>, vector<5000x1xf32>
    %add3A = arith.addf %get3A_1, %get3A_4 : vector<5000x1xf32>
    %add3A_5 = arith.constant 1.000000e+00 : f32
    %add3A_6 = vector.broadcast %add3A_5 : f32 to vector<5000x1xf32>
    %add3A_7 = arith.addf %add3A, %add3A_6 : vector<5000x1xf32>
    %rsqrt3A = math.rsqrt %add3A_7 : vector<5000x1xf32>
    %get3A_8 = arith.constant 0 : index
    %get3A_9 = arith.constant 0 : index
    %get3A_10 = vector.load %arg1[%get3A_8, %get3A_9] : memref<5000x128xf32, #tpu.memory_space<vmem>>, vector<5000x128xf32>
    %get3A_11 = arith.constant 0 : index
    %get3A_12 = arith.constant 0 : index
    %get3A_13 = vector.load %arg2[%get3A_11, %get3A_12] : memref<5000x128xf32, #tpu.memory_space<vmem>>, vector<5000x128xf32>
    %add3A_14 = arith.addf %get3A_10, %get3A_13 : vector<5000x128xf32>
    %get3A_15 = arith.constant 0 : index
    %get3A_16 = arith.constant 0 : index
    %get3A_17 = vector.load %arg3[%get3A_15, %get3A_16] : memref<5000x128xf32, #tpu.memory_space<vmem>>, vector<5000x128xf32>
    %add3A_18 = arith.addf %add3A_14, %get3A_17 : vector<5000x128xf32>
    %mul3A = vector.broadcast %rsqrt3A : vector<5000x1xf32> to vector<5000x128xf32>
    %mul3A_19 = arith.mulf %add3A_18, %mul3A : vector<5000x128xf32>
    %get3A_20 = arith.constant 0 : index
    %get3A_21 = arith.constant 0 : index
    %get3A_22 = vector.load %arg6[%get3A_20, %get3A_21] : memref<1x128xf32, #tpu.memory_space<vmem>>, vector<1x128xf32>
    %add3A_23 = vector.broadcast %get3A_22 : vector<1x128xf32> to vector<5000x128xf32>
    %add3A_24 = arith.addf %mul3A_19, %add3A_23 : vector<5000x128xf32>
    %max3A = arith.constant 0.000000e+00 : f32
    %max3A_25 = vector.broadcast %max3A : f32 to vector<5000x128xf32>
    %max3A_26 = arith.maximumf %add3A_24, %max3A_25 : vector<5000x128xf32>
    %get3A_27 = arith.constant 0 : index
    %get3A_28 = arith.constant 0 : index
    %get3A_29 = vector.load %arg7[%get3A_27, %get3A_28] : memref<128x128xf32, #tpu.memory_space<vmem>>, vector<128x128xf32>
    %dot_general3A = arith.constant dense<0.000000e+00> : vector<5000x128xf32>
    %dot_general3A_30 = tpu.matmul %max3A_26, %get3A_29, %dot_general3A {dimension_numbers = #tpu.dot_dimension_numbers<[1], [0], [0], [1], [0, 0, 1, 1], [], []>, transpose_lhs_hint = false} : vector<5000x128xf32>, vector<128x128xf32>, vector<5000x128xf32> -> vector<5000x128xf32>
    %get3A_31 = arith.constant 0 : index
    %get3A_32 = arith.constant 0 : index
    %get3A_33 = vector.load %arg8[%get3A_31, %get3A_32] : memref<1x128xf32, #tpu.memory_space<vmem>>, vector<1x128xf32>
    %add3A_34 = vector.broadcast %get3A_33 : vector<1x128xf32> to vector<5000x128xf32>
    %add3A_35 = arith.addf %dot_general3A_30, %add3A_34 : vector<5000x128xf32>
    %swap3A = arith.constant 0 : index
    %swap3A_36 = arith.constant 0 : index
    %swap3A_37 = vector.load %arg9[%swap3A, %swap3A_36] : memref<5000x128xf32, #tpu.memory_space<vmem>>, vector<5000x128xf32>
    tpu.vector_store %arg9[%swap3A, %swap3A_36], %add3A_35 {strides = array<i32>} : memref<5000x128xf32, #tpu.memory_space<vmem>>, vector<5000x128xf32>,
    return
  }
  func.func @transform_0(%arg0: i32) -> (i32, i32) {
    %c0_i32 = arith.constant 0 : i32
    %c0_i32_0 = arith.constant 0 : i32
    return %arg0, %c0_i32 : i32, i32
  }
  func.func @transform_1(%arg0: i32) -> (i32, i32) {
    %c0_i32 = arith.constant 0 : i32
    %c0_i32_0 = arith.constant 0 : i32
    return %arg0, %c0_i32 : i32, i32
  }
  func.func @transform_2(%arg0: i32) -> (i32, i32) {
    %c0_i32 = arith.constant 0 : i32
    %c0_i32_0 = arith.constant 0 : i32
    return %arg0, %c0_i32 : i32, i32
  }
  func.func @transform_3(%arg0: i32) -> (i32, i32) {
    %c0_i32 = arith.constant 0 : i32
    %c0_i32_0 = arith.constant 0 : i32
    return %arg0, %c0_i32 : i32, i32
  }
  func.func @transform_4(%arg0: i32) -> (i32, i32) {
    %c0_i32 = arith.constant 0 : i32
    %c0_i32_0 = arith.constant 0 : i32
    return %arg0, %c0_i32 : i32, i32
  }
  func.func @transform_5(%arg0: i32) -> (i32, i32) {
    %c0_i32 = arith.constant 0 : i32
    %c0_i32_0 = arith.constant 0 : i32
    %c0_i32_1 = arith.constant 0 : i32
    return %c0_i32, %c0_i32_0 : i32, i32
  }
  func.func @transform_6(%arg0: i32) -> (i32, i32) {
    %c0_i32 = arith.constant 0 : i32
    %c0_i32_0 = arith.constant 0 : i32
    %c0_i32_1 = arith.constant 0 : i32
    return %c0_i32, %c0_i32_0 : i32, i32
  }
  func.func @transform_7(%arg0: i32) -> (i32, i32) {
    %c0_i32 = arith.constant 0 : i32
    %c0_i32_0 = arith.constant 0 : i32
    %c0_i32_1 = arith.constant 0 : i32
    return %c0_i32, %c0_i32_0 : i32, i32
  }
  func.func @transform_8(%arg0: i32) -> (i32, i32) {
    %c0_i32 = arith.constant 0 : i32
    %c0_i32_0 = arith.constant 0 : i32
    return %arg0, %c0_i32 : i32, i32
  }
}

</mosaic_0001>

<sc_bundles>
// kernel: kernel.10.cloned.1.call-start
scs
__scs_entry_jumppad:
0x0: {  	(pc) =	sbr.rel $0x88, $3  }
0x1: {  	(tag) =	ssettag $0x0;
	lr =	simm.s32 $0x1  }
0x2: {  	[smem:$0x3F9B] =	sst lr;
	_ =	strace $0xD0000000  }
0x3: {  	_ = 	snop  }
0x4: {  	_ = 	snop  }
0x5: {  	_ = 	snop  }
0x6: {  	_ = 	snop  }
0x7: {  	_ = 	snop  }
__scs_overlays_trampoline_lowered:
0x8: {  	[smem:$0x3FAA] =	sst s0  }
0x9: {  	[smem:$0x3FAB] =	sst s1  }
0xa: {  	[smem:$0x3FAC] =	sst s2  }
0xb: {  	[smem:$0x3FAD] =	sst s3  }
0xc: {  	[smem:$0x3FAE] =	sst s4  }
0xd: {  	[smem:$0x3FAF] =	sst s5  }
0xe: {  	[smem:$0x3FB0] =	sst s6  }
0xf: {  	[smem:$0x3FB1] =	sst s7  }
0x10: {  	[smem:$0x3FB2] =	sst s8  }
0x11: {  	[smem:$0x3FB3] =	sst s9;
	s0 =	simm.s32 @!p0 $0x0  }
0x12: {  	s1 =	sld [smem:$0x3F99];
	s0 =	simm.s32 @p0 $0x1  }
0x13: {  	[smem:$0x3FB4] =	sst s0;
	s0 =	simm.s32 @!p1 $0x0  }
0x14: {  	s2 =	sld [smem:$0x3F98];
	s0 =	simm.s32 @p1 $0x1  }
0x15: {  	[smem:$0x3FB5] =	sst s0;
	s0 =	simm.s32 @!p2 $0x0  }
0x16: {  	s3 =	sld [smem:$0x3FDB];
	s0 =	simm.s32 @p2 $0x1  }
0x17: {  	s4 =	simm.s32 $0x1BF5;
	[smem:$0x3FB7] =	sst s0  }
0x18: {  	s0 =	sld [smem:$0x3F9A];
	_ =	swait.ge [sflag:s4], $0x0  }
0x19: {  	s7 =	sld [smem:$0x3F9B]  }
0x1a: {  	s8 =	sadd.s32 $0xFFFFE003, lr  }
0x1b: {  	s9 =	sadd.s32 $0xFFFFFEF7, lr;
	s5 =	simm.s32 $0xFFFFFFFF;
	p2 =	slt.u32 s8, $0xFFFFF086  }
0x1c: {  	p1 =	slt.u32 s9, $0xF7A;
	s5 =	simm.s32 @!p2 $0x0  }
0x1d: {  	s5 =	simm.s32 @p1 $0x1;
	p0 =	seq.s32 s7, s2  }
0x1e: {  	s7 =	smul.u32 @!p0 $0xF7A, s2;
	p2 =	seq.s32 @!p0 s5, $0x0  }
0x1f: {  	s9 =	smul.u32 $0xF7A, s1;
	s8 =	simm.s32 @!p0 $0x1BF5;
	p2 =	por !p2, p0  }
0x20: {  	[sflag:s8] =	ssyncset.s32 @!p0 $0xFFFFF086;
	s6 =	sadd.s32 @!p0 s3, s7;
	s7 =	simm.s32 @!p0 $0x108  }
0x21: {  	s3 =	sadd.s32 s3, s9;
	s6 =	sadd.s32 @!p0 $0x88, s6;
	s7 =	simm.s32 @p2 $0x1082  }
0x22: {  	[simem:s7], [sflag:s8] =	dma.local @!p0 [hbm:s6], $0xF7A  }
0x23: {  	s9 =	sor.u32 $0xD0000000, s2;
	s6 =	simm.s32 $0x108;
	_ =	swait.ge @!p0 [sflag:s8], $0x0  }
0x24: {  	s3 =	sadd.s32 $0x88, s3;
	s6 =	simm.s32 @!p1 $0x1082;
	[sflag:s4] =	ssyncset.s32 $0xFFFFF086  }
0x25: {  	[simem:s6], [sflag:s4] =	dma.local [hbm:s3], $0xF7A  }
0x26: {  	[smem:$0x3F9B] =	sst s1;
	(tag) =	ssettag s2;
	_ =	strace s9  }
0x27: {  	s1 =	sld [smem:$0x3FAB]  }
0x28: {  	s2 =	sld [smem:$0x3FAC]  }
0x29: {  	s4 =	sld [smem:$0x3FAE]  }
0x2a: {  	p0 =	seq.s32 s5, $0x0;
	s5 =	sld [smem:$0x3FAF]  }
0x2b: {  	s6 =	sld [smem:$0x3FB0]  }
0x2c: {  	s7 =	sld [smem:$0x3FB1]  }
0x2d: {  	s3 =	simm.s32 $0x108;
	s8 =	sld [smem:$0x3FB2]  }
0x2e: {  	s3 =	simm.s32 @!p0 $0x1082;
	s9 =	sld [smem:$0x3FB3]  }
0x2f: {  	lr =	sadd.s32 s0, s3;
	s0 =	sld [smem:$0x3FAA]  }
0x30: {  	s3 =	sld [smem:$0x3FAD]  }
0x31: {  	[smem:$0x3FB6] =	sst s10  }
0x32: {  	s10 =	sld [smem:$0x3FB4];
	_ =	sdelay $0x3  }
0x33: {  	p0 =	seq.s32 s10, $0x1;
	s10 =	sld [smem:$0x3FB6];
	_ =	sdelay $0x3  }
0x34: {  	[smem:$0x3FB6] =	sst s10  }
0x35: {  	s10 =	sld [smem:$0x3FB5];
	_ =	sdelay $0x3  }
0x36: {  	p1 =	seq.s32 s10, $0x1;
	s10 =	sld [smem:$0x3FB6];
	_ =	sdelay $0x3  }
0x37: {  	[smem:$0x3FB6] =	sst s10  }
0x38: {  	s10 =	sld [smem:$0x3FB7]  }
0x39: {  	_ = 	snop;
	(pc) =	sbr.ind lr, $3  }
0x3a: {  	_ = 	snop  }
0x3b: {  	_ = 	snop  }
0x3c: {  	p2 =	seq.s32 s10, $0x1;
	s10 =	sld [smem:$0x3FB6]  }
0x3d: {  	_ =	shalt  }
0x3e: {  	_ =	shalt  }
0x3f: {  	_ =	shalt  }
0x40: {  	_ =	shalt  }
0x41: {  	_ =	shalt  }
0x42: {  	_ =	shalt  }
0x43: {  	_ =	shalt  }
0x44: {  	_ =	shalt  }
0x45: {  	_ =	shalt  }
0x46: {  	_ =	shalt  }
0x47: {  	_ =	shalt  }
0x48: {  	_ =	shalt  }
0x49: {  	_ =	shalt  }
0x4a: {  	_ =	shalt  }
0x4b: {  	_ =	shalt  }
0x4c: {  	_ =	shalt  }
0x4d: {  	_ =	shalt  }
0x4e: {  	_ =	shalt  }
0x4f: {  	_ =	shalt  }
0x50: {  	_ =	shalt  }
0x51: {  	_ =	shalt  }
0x52: {  	_ =	shalt  }
0x53: {  	_ =	shalt  }
0x54: {  	_ =	shalt  }
0x55: {  	_ =	shalt  }
0x56: {  	_ =	shalt  }
0x57: {  	_ =	shalt  }
0x58: {  	_ =	shalt  }
0x59: {  	_ =	shalt  }
0x5a: {  	_ =	shalt  }
0x5b: {  	_ =	shalt  }
0x5c: {  	_ =	shalt  }
0x5d: {  	_ =	shalt  }
0x5e: {  	_ =	shalt  }
0x5f: {  	_ =	shalt  }
0x60: {  	_ =	shalt  }
0x61: {  	_ =	shalt  }
0x62: {  	_ =	shalt  }
0x63: {  	_ =	shalt  }
0x64: {  	_ =	shalt  }
0x65: {  	_ =	shalt  }
0x66: {  	_ =	shalt  }
0x67: {  	_ =	shalt  }
0x68: {  	_ =	shalt  }
0x69: {  	_ =	shalt  }
0x6a: {  	_ =	shalt  }
0x6b: {  	_ =	shalt  }
0x6c: {  	_ =	shalt  }
0x6d: {  	_ =	shalt  }
0x6e: {  	_ =	shalt  }
0x6f: {  	_ =	shalt  }
0x70: {  	_ =	shalt  }
0x71: {  	_ =	shalt  }
0x72: {  	_ =	shalt  }
0x73: {  	_ =	shalt  }
0x74: {  	_ =	shalt  }
0x75: {  	_ =	shalt  }
0x76: {  	_ =	shalt  }
0x77: {  	_ =	shalt  }
0x78: {  	_ =	shalt  }
0x79: {  	_ =	shalt  }
0x7a: {  	_ =	shalt  }
0x7b: {  	_ =	shalt  }
0x7c: {  	_ =	shalt  }
0x7d: {  	_ =	shalt  }
0x7e: {  	_ =	shalt  }
0x7f: {  	_ =	shalt  }
0x80: {  	_ =	shalt  }
0x81: {  	_ =	shalt  }
0x82: {  	_ =	shalt  }
0x83: {  	_ =	shalt  }
0x84: {  	_ =	shalt  }
0x85: {  	_ =	shalt  }
0x86: {  	_ =	shalt  }
0x87: {  	_ =	shalt  }
.Lfunc_end0:
.L_simem_size_0:
called_computation.1_lowered:
.L_overlay_start_0:
0x88: {  	s2 =	sld [smem:$0x3FD9]  }
0x89: {  	s3 =	sld [smem:$0x3FFE];
	_ =	sdelay $0x1  }
0x8a: {  	s1 =	srdreg.scid  }
0x8b: {  	s0 =	sand.u32 $0x1, s1  }
0x8c: {  	s17 =	sshll.u32 s0, $0xA;
	s2 =	sadd.s32 s3, s2  }
0x8d: {  	s2 =	sadd.s32 s2, s17  }
0x8e: {  	[smem:$0x3FC2] =	sst s2  }
0x8f: {  	_ = 	snop  }
0x90: {  	s2 =	sld [smem:$0x3FD0];
	(tm) =	ssettm $0x1  }
0x91: {  	s18 =	sld [smem:$0x3FFB];
	_ =	sdelay $0x3  }
0x92: {  	_ =	strace s18  }
0x93: {  	s3 =	sld [smem:$0x3FFC];
	_ =	sdelay $0x3  }
0x94: {  	_ =	strace s3  }
0x95: {  	s3 =	sld [smem:$0x3FFD];
	_ =	sdelay $0x3  }
0x96: {  	_ =	strace s3  }
0x97: {  	_ =	strace $0x8FFFFFFF  }
0x98: {  	s19 =	sld [smem:$0x3FDB];
	_ =	sdelay $0x1  }
0x99: {  	s4 =	simm.s32 $_scs_section_size  }
0x9a: {  	s5 =	simm.s32 $_size__tile_overlayer_lowered;
	s6 =	simm.s32 $_tile_overlayer_lowered  }
0x9b: {  	s22 =	simm.s32 $0x1BFF;
	s21 =	sshll.u32 s6, $0x1;
	s3 =	sadd.s32 s4, s19  }
0x9c: {  	s7 =	simm.s32 $0x0;
	s20 =	sshll.u32 s5, $0x1;
	s5 =	sadd.s32 s21, s3  }
0x9d: {  	[timem:s7], [sflag:s22] =	dma.local [hbm:s5], s20  }
0x9e: {  	_ =	swait.ge [sflag:s22], s20  }
0x9f: {  	s4 =	ssub.s32 $0x0, s20;
	[sflag:s22] =	ssyncset.done $0x0  }
0xa0: {  	[sflag:s22] =	ssyncadd.s32 s4;
	_ =	sdelay $0x1  }
0xa1: {  	s23 =	simm.s32 $0x1B8B  }
0xa2: {  	_ =	swait.ge [sflag:s23], $0x1  }
0xa3: {  	[sflag:s23] =	ssyncset.done $0x0  }
0xa4: {  	s25 =	simm.s32 $0x1B8E;
	s24 =	sld [smem:$0x3FFE];
	[sflag:s23] =	ssyncadd.s32 $0xFFFFFFFF  }
0xa5: {  	s26 =	simm.s32 $execute0_lowered;
	[smem:$0x3FD2] =	sst s25  }
0xa6: {  	s5 =	sshll.u32 s26, $0x1;
	_ =	strace $0x80000049;
	[dreg:$0x1] =	wrdreg $0xFFFFFFFF  }
0xa7: {  	s28 =	simm.s32 $_size_execute0_lowered;
	s3 =	sadd.s32 s3, s5;
	[dreg:$0x0] =	wrdreg $0x0  }
0xa8: {  	s5 =	sshll.u32 s28, $0x1;
	[dreg:$0x2] =	wrdreg s3  }
0xa9: {  	[dreg:$0x3] =	wrdreg s5  }
0xaa: {  	[dreg:$0x4] =	wrdreg $0xC0  }
0xab: {  	_ =	task [dreg:s7], $0x5FFFF  }
0xac: {  	[dreg:$0x1] =	wrdreg $0xFFFFFFFF  }
0xad: {  	[dreg:$0x0] =	wrdreg $0x60  }
0xae: {  	[dreg:$0x2] =	wrdreg s2  }
0xaf: {  	[dreg:$0x3] =	wrdreg s24  }
0xb0: {  	[dreg:$0x4] =	wrdreg $0xA4000  }
0xb1: {  	[dreg:$0x5] =	wrdreg $0x9  }
0xb2: {  	_ =	task.clear_ibuf [dreg:s7], $0x6FFFF;
	_ =	strace $0x90000049  }
0xb3: {  	s29 =	simm.s32 $0x9;
	_ =	strace $0x8000004B  }
0xb4: {  	_ =	swait.ge [sflag:s29], $0x1  }
0xb5: {  	[sflag:s29] =	ssyncadd.s32 $0xFFFFFFFF  }
0xb6: {  	_ =	strace $0x9000004B  }
0xb7: {  	_ =	sfence  }
0xb8: {  	s30 =	sld [smem:$0x0];
	_ =	sdelay $0x2  }
0xb9: {  	s31 =	sshll.u32 s1, $0xD;
	s1 =	sshrl.u32 s1, $0x2  }
0xba: {  	s3 =	sand.u32 $0x4000, s31;
	s1 =	sadd.s32 s1, s30  }
0xbb: {  	s0 =	sor.u32 s3, s0;
	s1 =	sshll.u32 s1, $0x11  }
0xbc: {  	s0 =	sor.u32 s1, s0  }
0xbd: {  	s0 =	sadd.s32 $0x8F2B, s0  }
0xbe: {  	[sflag:s0] =	ssyncadd.remote.s32 $0x1  }
0xbf: {  	_ =	sfence.sel $0xFFFF  }
0xc0: {  	[dreg:$0x0] =	wrdreg $0xFFFFFFFF;
	(pc) =	sbr.abs _section_cstart, $3  }
0xc1: {  	[dreg:$0x1] =	wrdreg $0xFFFFFFFF  }
0xc2: {  	_ =	task.clear_ibuf [dreg:s7], $0x2FFFF;
	_ =	strace $0x9FFFFFFF  }
0xc3: {  	(tm) =	ssettm $0x7FFFFFFF  }
tec
execute0_lowered:
.L_overlay_start_1:
0x0: {  	(tag) =	ssettag $0x1  }
0x1: {  	s1 =	rddreg [dreg:$0x0]  }
0x2: {  	s0 =	rddreg [dreg:$0x1]  }
0x3: {  	s2 =	rddreg [dreg:$0x2]  }
0x4: {  	s4 =	simm.s32 $0x0;
	s3 =	srdreg.scid;
	s13 =	stileid.u32  }
0x5: {  	[smem:$0x7FF] =	sst s4;
	s3 =	sand.u32 $0x1, s3;
	s5 =	smul.u32 $0x21C, s13  }
0x6: {  	s6 =	sadd.s32 $0x1E00, s0;
	s8 =	smul.u32 $0x10E0, s13;
	s9 =	sadd.s32 $0xBC00, s0  }
0x7: {  	_ =	strace $0x8000004A;
	s7 =	ssub.s32 $0x2, s3;
	s11 =	sadd.s32 $0x7A80, s5  }
0x8: {  	s10 =	sshrl.u32 s7, $0x1;
	s8 =	sshrl.u32 s8, $0x3;
	s21 =	sadd.s32 s6, s11  }
0x9: {  	s22 =	sadd.s32 s9, s11;
	s23 =	sadd.s32 $0x7A8A, s8;
	[dreg:$0x7] =	wrdreg s21  }
0xa: {  	s7 =	ssub.s32 s7, s10;
	[dreg:$0x8] =	wrdreg s22;
	s12 =	sadd.s32 s6, s23  }
0xb: {  	s24 =	sadd.s32 $0x7A94, s8;
	s10 =	sadd.s32 s9, s23;
	[dreg:$0x9] =	wrdreg s12  }
0xc: {  	s25 =	sadd.s32 s6, s24;
	[dreg:$0xa] =	wrdreg s10  }
0xd: {  	s11 =	sadd.s32 $0x7A9E, s8;
	s26 =	sadd.s32 s9, s24;
	[dreg:$0xb] =	wrdreg s25  }
0xe: {  	s14 =	sadd.s32 $0x7C88, s8;
	s15 =	sadd.s32 s6, s11;
	[dreg:$0xc] =	wrdreg s26  }
0xf: {  	s16 =	sadd.s32 s6, s14;
	[dreg:$0xd] =	wrdreg s15  }
0x10: {  	s8 =	sadd.s32 $0x7C92, s8;
	s17 =	sadd.s32 s9, s14;
	[dreg:$0xf] =	wrdreg s16  }
0x11: {  	s28 =	simm.s32 $0x5400;
	s19 =	sadd.s32 s6, s8;
	[dreg:$0x10] =	wrdreg s17  }
0x12: {  	s29 =	simm.s32 $0x7C00;
	s8 =	sadd.s32 s9, s8;
	[dreg:$0x11] =	wrdreg s19  }
0x13: {  	s20 =	smul.u32 $0x7A8, s13;
	s21 =	sadd.s32 s5, s6;
	[dreg:$0x12] =	wrdreg s8  }
0x14: {  	s18 =	smul.u32 $0x3D40, s13;
	s5 =	sadd.s32 s5, s9;
	[dreg:$0x4] =	wrdreg s21  }
0x15: {  	s30 =	simm.s32 $0x5;
	s14 =	sadd.s32 s6, s20;
	[dreg:$0x5] =	wrdreg s5  }
0x16: {  	s22 =	sshrl.u32 s18, $0x3;
	s18 =	sadd.s32 s9, s20;
	[dreg:$0x6] =	wrdreg s14  }
0x17: {  	s31 =	simm.s32 $0x6;
	s10 =	sadd.s32 s9, s11;
	[dreg:$0x13] =	wrdreg s18  }
0x18: {  	p0 =	sne.s32 s3, $0x0;
	s15 =	sadd.s32 $0x3DA00, s0;
	[dreg:$0xe] =	wrdreg s10  }
0x19: {  	s3 =	simm.s32 $0x4;
	s0 =	sadd.s32 $0x65A00, s0;
	[dreg:$0x1b] =	wrdreg s15  }
0x1a: {  	s24 =	sadd.s32 $0x14, s22;
	s16 =	smax.u32 s7, $0x1;
	[dreg:$0x1c] =	wrdreg s0  }
0x1b: {  	s10 =	sadd.s32 $0xA, s22;
	s26 =	sadd.s32 s6, s24;
	[dreg:$0x1d] =	wrdreg s16  }
0x1c: {  	s8 =	sadd.s32 $0x1E, s22;
	s23 =	sadd.s32 s6, s10;
	[dreg:$0x16] =	wrdreg s26  }
0x1d: {  	s25 =	smul.u32 $0x50000, s13;
	s10 =	sadd.s32 s9, s10;
	[dreg:$0x14] =	wrdreg s23  }
0x1e: {  	s5 =	simm.s32 $0x7;
	s6 =	sadd.s32 s6, s8;
	[dreg:$0x15] =	wrdreg s10  }
0x1f: {  	s26 =	smul.u32 $0x2800, s13;
	s10 =	sadd.s32 s9, s24;
	[dreg:$0x18] =	wrdreg s6  }
0x20: {  	s7 =	simm.s32 $0x8;
	s12 =	sshrl.u32 s25, $0x2;
	[dreg:$0x17] =	wrdreg s10  }
0x21: {  	s15 =	simm.s32 $0x200;
	s25 =	sadd.s32 s12, s2;
	[smem:$0x7FD] =	sst s26  }
0x22: {  	s16 =	simm.s32 $0x280;
	s10 =	sadd.s32 s9, s8;
	[dreg:$0x1a] =	wrdreg s25  }
0x23: {  	s0 =	simm.s32 $0x9;
	s17 =	sadd.s32 $0x2800, s25;
	[dreg:$0x19] =	wrdreg s10  }
0x24: {  	s13 =	simm.s32 $0x400;
	s19 =	sadd.s32 $0x5000, s25;
	[dreg:$0x1e] =	wrdreg s17  }
0x25: {  	s12 =	simm.s32 $0xD;
	s20 =	sadd.s32 $0x7800, s25;
	[dreg:$0x1f] =	wrdreg s19  }
0x26: {  	s6 =	simm.s32 $0xA;
	s21 =	sadd.s32 $0xA000, s25;
	[smem:$0x7F8] =	sst s20  }
0x27: {  	s22 =	sadd.s32 $0xC800, s25;
	s23 =	sadd.s32 $0xF000, s25;
	[smem:$0x7F9] =	sst s21  }
.Ltmp0:
0x28: {  	s24 =	sadd.s32 $0x11800, s25;
	[smem:$0x7FA] =	sst s22;
	(pc) =	sbr.rel .LBB2_1-.Ltmp0, $4  }
0x29: {  	s26 =	simm.s32 $0x3;
	s8 =	simm.s32 $0xB;
	[smem:$0x7FB] =	sst s23  }
0x2a: {  	s9 =	simm.s32 $0xC;
	[smem:$0x7FC] =	sst s24;
	s19 =	simm.s32 $0x300  }
0x2b: {  	s20 =	simm.s32 $0x380;
	s21 =	simm.s32 $0x1;
	s22 =	simm.s32 $0x50  }
0x2c: {  	v0 =	vimm.f32 $0.0e+00;
	s23 =	simm.s32 $0x2;
	s24 =	simm.s32 $0x2C00;
	s10 =	simm.s32 $0x0  }
.LBB2_9:
0x2d: {  	[sflag:s3] =	ssyncadd.s32 $0xFFFFFFB0  }
0x2e: {  	[tilespmem:s29], [sflag:$0x8] =	stream.indirect.gather [hbm4b:s1+s22], $0x80, s19, s22, $0xb8;
	[tilespmem:$0x1E400] =	vst v63  }
0x2f: {  	_ =	swait.ge [sflag:s30], $0x2800  }
0x30: {  	[sflag:s30] =	ssyncset.done $0x0  }
0x31: {  	[sflag:s30] =	ssyncadd.s32 $0xFFFFD800  }
0x32: {  	[spmem:s2] =	stream.indirect.scatter.add.f32 [tilespmem:s13], [sflag:$0x9], $0x80, s12, s22, $0xb8;
	[tilespmem:$0x1E400] =	vst v63  }
0x33: {  	_ =	swait.ge [sflag:s31], $0x2800  }
0x34: {  	[sflag:s31] =	ssyncset.done $0x0  }
0x35: {  	[sflag:s31] =	ssyncadd.s32 $0xFFFFD800  }
0x36: {  	_ =	swait.ge [sflag:s0], $0x2800  }
0x37: {  	[sflag:s0] =	ssyncset.done $0x0  }
0x38: {  	[sflag:s0] =	ssyncadd.s32 $0xFFFFD800  }
0x39: {  	[spmem:s2] =	stream.indirect.scatter.add.f32 [tilespmem:s24], [sflag:$0xA], $0x80, s14, s22, $0xb8;
	[tilespmem:$0x1E400] =	vst v63  }
0x3a: {  	_ =	swait.ge [sflag:s5], $0x2800  }
0x3b: {  	[sflag:s5] =	ssyncset.done $0x0  }
0x3c: {  	s11 =	simm.s32 $0xA;
	[sflag:s5] =	ssyncadd.s32 $0xFFFFD800  }
0x3d: {  	_ =	swait.ge [sflag:s11], $0x2800  }
0x3e: {  	[sflag:s11] =	ssyncset.done $0x0  }
0x3f: {  	[sflag:s11] =	ssyncadd.s32 $0xFFFFD800  }
0x40: {  	[spmem:s2] =	stream.indirect.scatter.add.f32 [tilespmem:s28], [sflag:$0xB], $0x80, s16, s22, $0xb8;
	[tilespmem:$0x1E400] =	vst v63  }
0x41: {  	_ =	swait.ge [sflag:s7], $0x2800  }
0x42: {  	[sflag:s7] =	ssyncset.done $0x0  }
0x43: {  	[sflag:s7] =	ssyncadd.s32 $0xFFFFD800  }
0x44: {  	_ =	swait.ge [sflag:s8], $0x2800  }
0x45: {  	[sflag:s8] =	ssyncset.done $0x0  }
0x46: {  	[sflag:s8] =	ssyncadd.s32 $0xFFFFD800  }
0x47: {  	[spmem:s2] =	stream.indirect.scatter.add.f32 [tilespmem:s29], [sflag:$0xC], $0x80, s20, s22, $0xb8;
	[tilespmem:$0x1E400] =	vst v63  }
0x48: {  	_ =	swait.ge [sflag:s9], $0x2800  }
0x49: {  	[sflag:s9] =	ssyncset.done $0x0  }
0x4a: {  	s18 =	rddreg [dreg:$0xf];
	[sflag:s9] =	ssyncadd.s32 $0xFFFFD800  }
0x4b: {  	[tilespmem:s4], [sflag:$0x1] =	stream.linear.gather [hbm4b:s18+s4], $0x50, $0x38;
	[tilespmem:$0x1E400] =	vst v63  }
0x4c: {  	s13 =	simm.s32 $0x80;
	s25 =	rddreg [dreg:$0x10]  }
0x4d: {  	[tilespmem:s13], [sflag:$0x1] =	stream.linear.gather [hbm4b:s25+s4], $0x50, $0x38;
	[tilespmem:$0x1E400] =	vst v63  }
0x4e: {  	_ =	swait.ge [sflag:s21], $0x50  }
0x4f: {  	[sflag:s21] =	ssyncset.done $0x0  }
0x50: {  	[sflag:s21] =	ssyncadd.s32 $0xFFFFFFB0  }
0x51: {  	_ =	swait.ge [sflag:s21], $0x50  }
0x52: {  	[sflag:s21] =	ssyncset.done $0x0  }
0x53: {  	s17 =	simm.s32 $0x400;
	[sflag:s21] =	ssyncadd.s32 $0xFFFFFFB0  }
0x54: {  	[tilespmem:s17], [sflag:$0x5] =	stream.indirect.gather [hbm4b:s1+s22], $0x80, s4, s22, $0xb8;
	[tilespmem:$0x1E400] =	vst v63  }
0x55: {  	_ =	swait.ge [sflag:s30], $0x2800  }
0x56: {  	[sflag:s30] =	ssyncset.done $0x0  }
0x57: {  	[sflag:s30] =	ssyncadd.s32 $0xFFFFD800  }
0x58: {  	[spmem:s2] =	stream.indirect.scatter.add.f32 [tilespmem:s17], [sflag:$0x9], $0x80, s13, s22, $0xb8;
	[tilespmem:$0x1E400] =	vst v63  }
0x59: {  	_ =	swait.ge [sflag:s0], $0x2800  }
0x5a: {  	[sflag:s0] =	ssyncset.done $0x0  }
0x5b: {  	s18 =	rddreg [dreg:$0x11];
	[sflag:s0] =	ssyncadd.s32 $0xFFFFD800  }
0x5c: {  	[tilespmem:s10], [sflag:$0x2] =	stream.linear.gather [hbm4b:s18+s4], $0x50, $0x38;
	[tilespmem:$0x1E400] =	vst v63  }
0x5d: {  	s25 =	rddreg [dreg:$0x12]  }
0x5e: {  	[tilespmem:s14], [sflag:$0x2] =	stream.linear.gather [hbm4b:s25+s4], $0x50, $0x38;
	[tilespmem:$0x1E400] =	vst v63  }
0x5f: {  	_ =	swait.ge [sflag:s23], $0x50  }
0x60: {  	[sflag:s23] =	ssyncset.done $0x0  }
0x61: {  	[sflag:s23] =	ssyncadd.s32 $0xFFFFFFB0  }
0x62: {  	_ =	swait.ge [sflag:s23], $0x50  }
0x63: {  	[sflag:s23] =	ssyncset.done $0x0  }
0x64: {  	[sflag:s23] =	ssyncadd.s32 $0xFFFFFFB0  }
0x65: {  	[tilespmem:s24], [sflag:$0x6] =	stream.indirect.gather [hbm4b:s1+s22], $0x80, s10, s22, $0xb8;
	[tilespmem:$0x1E400] =	vst v63  }
0x66: {  	_ =	swait.ge [sflag:s31], $0x2800  }
0x67: {  	s17 =	rddreg [dreg:$0x1c]  }
0x68: {  	[sflag:s31] =	ssyncset.done $0x0;
	s18 =	rddreg [dreg:$0x13]  }
0x69: {  	s13 =	simm.s32 $0x400;
	s10 =	sld [smem:$0x7F7];
	[sflag:s31] =	ssyncadd.s32 $0xFFFFD800  }
0x6a: {  	[spmem:s2] =	stream.indirect.scatter.add.f32 [tilespmem:s24], [sflag:$0xA], $0x80, s14, s22, $0xb8;
	[tilespmem:$0x1E400] =	vst v63  }
.LBB2_10:
0x6b: {  	_ =	swait.ge [sflag:s11], $0x2800  }
0x6c: {  	[sflag:s11] =	ssyncset.done $0x0  }
0x6d: {  	s12 =	sld [smem:$0x7FD];
	[sflag:s11] =	ssyncadd.s32 $0xFFFFD800  }
0x6e: {  	s25 =	stileid.u32;
	[bflag:$0x0] =	sbarrier.arrive $0xFFFF  }
0x6f: {  	s11 =	sshll.u32 s25, $0x6;
	s25 =	rddreg [dreg:$0x1a]  }
0x70: {  	s11 =	sor.u32 $0x1C0D, s11;
	s12 =	sadd.s32 s17, s12;
	s14 =	sshrl.u32 s25, $0x3  }
0x71: {  	[hbm:s12], [sflag:s11] =	dma.local [spmem:s14], $0x2800  }
0x72: {  	s12 =	simm.s32 $0xD  }
0x73: {  	_ =	swait.ge [sflag:s12], $0x2800  }
0x74: {  	s10 =	sadd.s32 $0x1, s10;
	s17 =	rddreg [dreg:$0x1d]  }
0x75: {  	p1 =	sne.s32 s10, s17  }
.Ltmp1:
0x76: {  	_ = 	snop;
	(pc) =	sbr.rel @!p1 .LBB2_11-.Ltmp1, $3  }
0x77: {  	_ =	sdelay $0x1  }
0x78: {  	[sflag:s12] =	ssyncset.done $0x0  }
0x79: {  	s14 =	rddreg [dreg:$0x6];
	[sflag:s12] =	ssyncadd.s32 $0xFFFFD800  }
.LBB2_1:
0x7a: {  	s11 =	simm.s32 $0x0;
	s17 =	simm.s32 $0x200  }
.LBB2_2:
0x7b: {  	p1 =	sne.s32 s17, $0x9E00;
	[tilespmem:s11+$0x470] =	vst v0  }
0x7c: {  	[tilespmem:s11+$0x400] =	vst v0  }
0x7d: {  	[tilespmem:s11+$0x410] =	vst v0  }
.Ltmp2:
0x7e: {  	[tilespmem:s11+$0x420] =	vst v0;
	(pc) =	sbr.rel @p1 .LBB2_2-.Ltmp2, $4  }
0x7f: {  	[tilespmem:s11+$0x430] =	vst v0  }
0x80: {  	[tilespmem:s11+$0x440] =	vst v0  }
0x81: {  	[tilespmem:s11+$0x450] =	vst v0  }
0x82: {  	[tilespmem:s11+$0x460] =	vst v0;
	s11 =	sshra.s32 s17, $0x2;
	s17 =	sadd.s32 $0x200, s17  }
0x83: {  	[tilespmem:s11+$0x470] =	vst v0  }
0x84: {  	[tilespmem:s11+$0x400] =	vst v0  }
0x85: {  	[tilespmem:s11+$0x410] =	vst v0  }
0x86: {  	[tilespmem:s11+$0x420] =	vst v0  }
0x87: {  	[tilespmem:s11+$0x430] =	vst v0  }
0x88: {  	[tilespmem:s11+$0x440] =	vst v0  }
0x89: {  	[tilespmem:s11+$0x450] =	vst v0  }
0x8a: {  	[smem:$0x7F7] =	sst s10;
	[tilespmem:s11+$0x460] =	vst v0  }
0x8b: {  	[spmem:s25] =	stream.linear.scatter [tilespmem:s13], [sflag:$0xD], $0x2800, $0x38;
	[tilespmem:$0x1E400] =	vst v63  }
0x8c: {  	_ =	swait.ge [sflag:s12], $0x2800  }
0x8d: {  	[sflag:s12] =	ssyncset.done $0x0  }
0x8e: {  	s25 =	rddreg [dreg:$0x1e];
	[sflag:s12] =	ssyncadd.s32 $0xFFFFD800  }
0x8f: {  	[spmem:s25] =	stream.linear.scatter [tilespmem:s13], [sflag:$0xD], $0x2800, $0x38;
	[tilespmem:$0x1E400] =	vst v63  }
0x90: {  	_ =	swait.ge [sflag:s12], $0x2800  }
0x91: {  	[sflag:s12] =	ssyncset.done $0x0  }
0x92: {  	s10 =	rddreg [dreg:$0x1f];
	[sflag:s12] =	ssyncadd.s32 $0xFFFFD800  }
0x93: {  	[spmem:s10] =	stream.linear.scatter [tilespmem:s13], [sflag:$0xD], $0x2800, $0x38;
	[tilespmem:$0x1E400] =	vst v63  }
0x94: {  	_ =	swait.ge [sflag:s12], $0x2800  }
0x95: {  	s17 =	sld [smem:$0x7F8]  }
0x96: {  	[sflag:s12] =	ssyncset.done $0x0  }
0x97: {  	[sflag:s12] =	ssyncadd.s32 $0xFFFFD800  }
0x98: {  	[spmem:s17] =	stream.linear.scatter [tilespmem:s13], [sflag:$0xD], $0x2800, $0x38;
	[tilespmem:$0x1E400] =	vst v63  }
0x99: {  	_ =	swait.ge [sflag:s12], $0x2800  }
0x9a: {  	s25 =	sld [smem:$0x7F9]  }
0x9b: {  	[sflag:s12] =	ssyncset.done $0x0  }
0x9c: {  	[sflag:s12] =	ssyncadd.s32 $0xFFFFD800  }
0x9d: {  	[spmem:s25] =	stream.linear.scatter [tilespmem:s13], [sflag:$0xD], $0x2800, $0x38;
	[tilespmem:$0x1E400] =	vst v63  }
0x9e: {  	_ =	swait.ge [sflag:s12], $0x2800  }
0x9f: {  	s10 =	sld [smem:$0x7FA]  }
0xa0: {  	[sflag:s12] =	ssyncset.done $0x0  }
0xa1: {  	[sflag:s12] =	ssyncadd.s32 $0xFFFFD800  }
0xa2: {  	[spmem:s10] =	stream.linear.scatter [tilespmem:s13], [sflag:$0xD], $0x2800, $0x38;
	[tilespmem:$0x1E400] =	vst v63  }
0xa3: {  	_ =	swait.ge [sflag:s12], $0x2800  }
0xa4: {  	s17 =	sld [smem:$0x7FB]  }
0xa5: {  	[sflag:s12] =	ssyncset.done $0x0  }
0xa6: {  	[sflag:s12] =	ssyncadd.s32 $0xFFFFD800  }
0xa7: {  	[spmem:s17] =	stream.linear.scatter [tilespmem:s13], [sflag:$0xD], $0x2800, $0x38;
	[tilespmem:$0x1E400] =	vst v63  }
0xa8: {  	_ =	swait.ge [sflag:s12], $0x2800  }
0xa9: {  	s25 =	sld [smem:$0x7FC]  }
0xaa: {  	[sflag:s12] =	ssyncset.done $0x0  }
0xab: {  	[sflag:s12] =	ssyncadd.s32 $0xFFFFD800  }
0xac: {  	[spmem:s25] =	stream.linear.scatter [tilespmem:s13], [sflag:$0xD], $0x2800, $0x38;
	[tilespmem:$0x1E400] =	vst v63  }
.Ltmp3:
0xad: {  	_ =	swait.ge [sflag:s12], $0x2800;
	(pc) =	sbr.rel @p0 .LBB2_7-.Ltmp3, $4  }
0xae: {  	[sflag:s12] =	ssyncset.done $0x0  }
0xaf: {  	[sflag:s12] =	ssyncadd.s32 $0xFFFFD800  }
0xb0: {  	[bflag:$0x0] =	sbarrier.arrive $0xFFFF  }
0xb1: {  	s11 =	simm.s32 $0x0  }
0xb2: {  	[tilespmem:s11], [sflag:$0x1] =	stream.linear.gather [hbm4b:s14+s11], $0x50, $0x38;
	[tilespmem:$0x1E400] =	vst v63  }
0xb3: {  	s13 =	simm.s32 $0x80  }
0xb4: {  	[tilespmem:s13], [sflag:$0x1] =	stream.linear.gather [hbm4b:s18+s11], $0x50, $0x38;
	[tilespmem:$0x1E400] =	vst v63  }
0xb5: {  	s12 =	rddreg [dreg:$0x14];
	s20 =	simm.s32 $0x100  }
0xb6: {  	[tilespmem:s20], [sflag:$0x2] =	stream.linear.gather [hbm4b:s12+s11], $0x50, $0x38;
	[tilespmem:$0x1E400] =	vst v63  }
0xb7: {  	s25 =	rddreg [dreg:$0x15];
	s10 =	simm.s32 $0x180  }
0xb8: {  	[tilespmem:s10], [sflag:$0x2] =	stream.linear.gather [hbm4b:s25+s11], $0x50, $0x38;
	[tilespmem:$0x1E400] =	vst v63  }
0xb9: {  	s15 =	simm.s32 $0x200;
	s25 =	rddreg [dreg:$0x16]  }
0xba: {  	[tilespmem:s15], [sflag:$0x3] =	stream.linear.gather [hbm4b:s25+s11], $0x50, $0x38;
	[tilespmem:$0x1E400] =	vst v63  }
0xbb: {  	s29 =	simm.s32 $0x280;
	s25 =	rddreg [dreg:$0x17]  }
0xbc: {  	[tilespmem:s29], [sflag:$0x3] =	stream.linear.gather [hbm4b:s25+s11], $0x50, $0x38;
	[tilespmem:$0x1E400] =	vst v63  }
0xbd: {  	s30 =	simm.s32 $0x300;
	s25 =	rddreg [dreg:$0x18]  }
0xbe: {  	[tilespmem:s30], [sflag:$0x4] =	stream.linear.gather [hbm4b:s25+s11], $0x50, $0x38;
	[tilespmem:$0x1E400] =	vst v63  }
0xbf: {  	s24 =	simm.s32 $0x380;
	s25 =	rddreg [dreg:$0x19]  }
0xc0: {  	[tilespmem:s24], [sflag:$0x4] =	stream.linear.gather [hbm4b:s25+s11], $0x50, $0x38;
	[tilespmem:$0x1E400] =	vst v63  }
0xc1: {  	_ =	swait.ge [sflag:s21], $0x50  }
0xc2: {  	[sflag:s21] =	ssyncset.done $0x0  }
0xc3: {  	[sflag:s21] =	ssyncadd.s32 $0xFFFFFFB0  }
0xc4: {  	_ =	swait.ge [sflag:s21], $0x50  }
0xc5: {  	[sflag:s21] =	ssyncset.done $0x0  }
0xc6: {  	s12 =	simm.s32 $0x400;
	[sflag:s21] =	ssyncadd.s32 $0xFFFFFFB0  }
0xc7: {  	[tilespmem:s12], [sflag:$0x5] =	stream.indirect.gather [hbm4b:s1+s22], $0x80, s11, s22, $0xb8;
	[tilespmem:$0x1E400] =	vst v63  }
0xc8: {  	_ =	swait.ge [sflag:s23], $0x50  }
0xc9: {  	[sflag:s23] =	ssyncset.done $0x0  }
0xca: {  	[sflag:s23] =	ssyncadd.s32 $0xFFFFFFB0  }
0xcb: {  	_ =	swait.ge [sflag:s23], $0x50  }
0xcc: {  	[sflag:s23] =	ssyncset.done $0x0  }
0xcd: {  	s28 =	simm.s32 $0x2C00;
	[sflag:s23] =	ssyncadd.s32 $0xFFFFFFB0  }
0xce: {  	[tilespmem:s28], [sflag:$0x6] =	stream.indirect.gather [hbm4b:s1+s22], $0x80, s20, s22, $0xb8;
	[tilespmem:$0x1E400] =	vst v63  }
0xcf: {  	_ =	swait.ge [sflag:s26], $0x50  }
0xd0: {  	[sflag:s26] =	ssyncset.done $0x0  }
0xd1: {  	[sflag:s26] =	ssyncadd.s32 $0xFFFFFFB0  }
0xd2: {  	_ =	swait.ge [sflag:s26], $0x50  }
0xd3: {  	[sflag:s26] =	ssyncset.done $0x0  }
0xd4: {  	s19 =	simm.s32 $0x5400;
	[sflag:s26] =	ssyncadd.s32 $0xFFFFFFB0  }
0xd5: {  	[tilespmem:s19], [sflag:$0x7] =	stream.indirect.gather [hbm4b:s1+s22], $0x80, s15, s22, $0xb8;
	[tilespmem:$0x1E400] =	vst v63  }
0xd6: {  	_ =	swait.ge [sflag:s3], $0x50  }
0xd7: {  	[sflag:s3] =	ssyncset.done $0x0  }
0xd8: {  	[sflag:s3] =	ssyncadd.s32 $0xFFFFFFB0  }
0xd9: {  	_ =	swait.ge [sflag:s3], $0x50  }
0xda: {  	[sflag:s3] =	ssyncset.done $0x0  }
0xdb: {  	s17 =	simm.s32 $0x7C00;
	s31 =	simm.s32 $0x5;
	[sflag:s3] =	ssyncadd.s32 $0xFFFFFFB0  }
0xdc: {  	[tilespmem:s17], [sflag:$0x8] =	stream.indirect.gather [hbm4b:s1+s22], $0x80, s30, s22, $0xb8;
	[tilespmem:$0x1E400] =	vst v63  }
0xdd: {  	_ =	swait.ge [sflag:s31], $0x2800  }
0xde: {  	[sflag:s31] =	ssyncset.done $0x0  }
0xdf: {  	s0 =	simm.s32 $0x6;
	[sflag:s31] =	ssyncadd.s32 $0xFFFFD800  }
0xe0: {  	[spmem:s2] =	stream.indirect.scatter.add.f32 [tilespmem:s12], [sflag:$0x9], $0x80, s13, s22, $0xb8;
	[tilespmem:$0x1E400] =	vst v63  }
0xe1: {  	_ =	swait.ge [sflag:s0], $0x2800  }
0xe2: {  	[sflag:s0] =	ssyncset.done $0x0  }
0xe3: {  	s5 =	simm.s32 $0x9;
	[sflag:s0] =	ssyncadd.s32 $0xFFFFD800  }
0xe4: {  	s16 =	smov.u32 s14;
	_ =	swait.ge [sflag:s5], $0x2800  }
0xe5: {  	s11 =	sadd.s32 $0x0, s16;
	[sflag:s5] =	ssyncset.done $0x0  }
0xe6: {  	s25 =	sadd.s32 $0x0, s18;
	s16 =	sadd.s32 $0x28, s11;
	[sflag:s5] =	ssyncadd.s32 $0xFFFFD800  }
0xe7: {  	[tilespmem:s4], [sflag:$0x1] =	stream.linear.gather [hbm4b:s16+s4], $0x50, $0x38;
	[tilespmem:$0x1E400] =	vst v63  }
0xe8: {  	s16 =	sadd.s32 $0x28, s25  }
0xe9: {  	[tilespmem:s13], [sflag:$0x1] =	stream.linear.gather [hbm4b:s16+s4], $0x50, $0x38;
	[tilespmem:$0x1E400] =	vst v63  }
0xea: {  	s6 =	simm.s32 $0x7  }
0xeb: {  	[spmem:s2] =	stream.indirect.scatter.add.f32 [tilespmem:s28], [sflag:$0xA], $0x80, s10, s22, $0xb8;
	[tilespmem:$0x1E400] =	vst v63  }
0xec: {  	_ =	swait.ge [sflag:s6], $0x2800  }
0xed: {  	[sflag:s6] =	ssyncset.done $0x0  }
0xee: {  	s7 =	simm.s32 $0xA;
	[sflag:s6] =	ssyncadd.s32 $0xFFFFD800  }
0xef: {  	_ =	swait.ge [sflag:s7], $0x2800  }
0xf0: {  	[sflag:s7] =	ssyncset.done $0x0  }
0xf1: {  	s13 =	sadd.s32 $0x32, s11;
	[sflag:s7] =	ssyncadd.s32 $0xFFFFD800  }
0xf2: {  	[tilespmem:s20], [sflag:$0x2] =	stream.linear.gather [hbm4b:s13+s4], $0x50, $0x38;
	[tilespmem:$0x1E400] =	vst v63  }
0xf3: {  	s16 =	sadd.s32 $0x32, s25  }
0xf4: {  	[tilespmem:s10], [sflag:$0x2] =	stream.linear.gather [hbm4b:s16+s4], $0x50, $0x38;
	[tilespmem:$0x1E400] =	vst v63  }
0xf5: {  	s8 =	simm.s32 $0x8  }
0xf6: {  	[spmem:s2] =	stream.indirect.scatter.add.f32 [tilespmem:s19], [sflag:$0xB], $0x80, s29, s22, $0xb8;
	[tilespmem:$0x1E400] =	vst v63  }
0xf7: {  	_ =	swait.ge [sflag:s8], $0x2800  }
0xf8: {  	[sflag:s8] =	ssyncset.done $0x0  }
0xf9: {  	s9 =	simm.s32 $0xB;
	[sflag:s8] =	ssyncadd.s32 $0xFFFFD800  }
0xfa: {  	_ =	swait.ge [sflag:s9], $0x2800  }
0xfb: {  	[sflag:s9] =	ssyncset.done $0x0  }
0xfc: {  	s13 =	sadd.s32 $0x3C, s11;
	[sflag:s9] =	ssyncadd.s32 $0xFFFFD800  }
0xfd: {  	[tilespmem:s15], [sflag:$0x3] =	stream.linear.gather [hbm4b:s13+s4], $0x50, $0x38;
	[tilespmem:$0x1E400] =	vst v63  }
0xfe: {  	s16 =	sadd.s32 $0x3C, s25  }
0xff: {  	[tilespmem:s29], [sflag:$0x3] =	stream.linear.gather [hbm4b:s16+s4], $0x50, $0x38;
	[tilespmem:$0x1E400] =	vst v63  }
0x100: {  	s14 =	simm.s32 $0xC;
	s29 =	simm.s32 $0x7C00  }
0x101: {  	[spmem:s2] =	stream.indirect.scatter.add.f32 [tilespmem:s29], [sflag:$0xC], $0x80, s24, s22, $0xb8;
	[tilespmem:$0x1E400] =	vst v63  }
0x102: {  	_ =	swait.ge [sflag:s14], $0x2800  }
0x103: {  	[sflag:s14] =	ssyncset.done $0x0  }
0x104: {  	s11 =	sadd.s32 $0x46, s11;
	[sflag:s14] =	ssyncadd.s32 $0xFFFFD800  }
0x105: {  	[tilespmem:s30], [sflag:$0x4] =	stream.linear.gather [hbm4b:s11+s4], $0x50, $0x38;
	[tilespmem:$0x1E400] =	vst v63  }
0x106: {  	s30 =	sadd.s32 $0x46, s25  }
0x107: {  	[tilespmem:s24], [sflag:$0x4] =	stream.linear.gather [hbm4b:s30+s4], $0x50, $0x38;
	[tilespmem:$0x1E400] =	vst v63  }
0x108: {  	_ =	swait.ge [sflag:s21], $0x50  }
0x109: {  	[sflag:s21] =	ssyncset.done $0x0  }
0x10a: {  	[sflag:s21] =	ssyncadd.s32 $0xFFFFFFB0  }
0x10b: {  	_ =	swait.ge [sflag:s21], $0x50  }
0x10c: {  	[sflag:s21] =	ssyncset.done $0x0  }
0x10d: {  	[sflag:s21] =	ssyncadd.s32 $0xFFFFFFB0  }
0x10e: {  	[tilespmem:s12], [sflag:$0x5] =	stream.indirect.gather [hbm4b:s1+s22], $0x80, s4, s22, $0xb8;
	[tilespmem:$0x1E400] =	vst v63  }
0x10f: {  	_ =	swait.ge [sflag:s23], $0x50  }
0x110: {  	[sflag:s23] =	ssyncset.done $0x0  }
0x111: {  	[sflag:s23] =	ssyncadd.s32 $0xFFFFFFB0  }
0x112: {  	_ =	swait.ge [sflag:s23], $0x50  }
0x113: {  	[sflag:s23] =	ssyncset.done $0x0  }
0x114: {  	[sflag:s23] =	ssyncadd.s32 $0xFFFFFFB0  }
0x115: {  	[tilespmem:s28], [sflag:$0x6] =	stream.indirect.gather [hbm4b:s1+s22], $0x80, s20, s22, $0xb8;
	[tilespmem:$0x1E400] =	vst v63  }
0x116: {  	_ =	swait.ge [sflag:s26], $0x50  }
0x117: {  	[sflag:s26] =	ssyncset.done $0x0  }
0x118: {  	[sflag:s26] =	ssyncadd.s32 $0xFFFFFFB0  }
0x119: {  	_ =	swait.ge [sflag:s26], $0x50  }
0x11a: {  	[sflag:s26] =	ssyncset.done $0x0  }
0x11b: {  	[sflag:s26] =	ssyncadd.s32 $0xFFFFFFB0  }
0x11c: {  	[tilespmem:s19], [sflag:$0x7] =	stream.indirect.gather [hbm4b:s1+s22], $0x80, s15, s22, $0xb8;
	[tilespmem:$0x1E400] =	vst v63  }
0x11d: {  	_ =	swait.ge [sflag:s3], $0x50  }
0x11e: {  	[sflag:s3] =	ssyncset.done $0x0  }
0x11f: {  	[sflag:s3] =	ssyncadd.s32 $0xFFFFFFB0  }
0x120: {  	_ =	swait.ge [sflag:s3], $0x50  }
0x121: {  	[sflag:s3] =	ssyncset.done $0x0  }
0x122: {  	s25 =	simm.s32 $0x28;
	s12 =	smov.u32 s18;
	[sflag:s3] =	ssyncadd.s32 $0xFFFFFFB0  }
.LBB2_5:
0x123: {  	s19 =	simm.s32 $0x7C00;
	s30 =	simm.s32 $0x300  }
0x124: {  	[tilespmem:s19], [sflag:$0x8] =	stream.indirect.gather [hbm4b:s1+s22], $0x80, s30, s22, $0xb8;
	[tilespmem:$0x1E400] =	vst v63  }
0x125: {  	_ =	swait.ge [sflag:s31], $0x2800  }
0x126: {  	[sflag:s31] =	ssyncset.done $0x0  }
0x127: {  	s24 =	simm.s32 $0x400;
	s10 =	simm.s32 $0x80;
	[sflag:s31] =	ssyncadd.s32 $0xFFFFD800  }
0x128: {  	[spmem:s2] =	stream.indirect.scatter.add.f32 [tilespmem:s24], [sflag:$0x9], $0x80, s10, s22, $0xb8;
	[tilespmem:$0x1E400] =	vst v63  }
0x129: {  	_ =	swait.ge [sflag:s0], $0x2800  }
0x12a: {  	[sflag:s0] =	ssyncset.done $0x0  }
0x12b: {  	[sflag:s0] =	ssyncadd.s32 $0xFFFFD800  }
0x12c: {  	_ =	swait.ge [sflag:s5], $0x2800  }
0x12d: {  	s17 =	smov.u32 s25;
	s11 =	rddreg [dreg:$0x6]  }
0x12e: {  	[sflag:s5] =	ssyncset.done $0x0;
	s11 =	sadd.s32 s17, s11  }
0x12f: {  	[sflag:s5] =	ssyncadd.s32 $0xFFFFD800;
	s17 =	sadd.s32 s17, s12;
	s18 =	sadd.s32 $0x28, s11  }
0x130: {  	[tilespmem:s4], [sflag:$0x1] =	stream.linear.gather [hbm4b:s18+s4], $0x50, $0x38;
	[tilespmem:$0x1E400] =	vst v63  }
0x131: {  	s16 =	sadd.s32 $0x28, s17  }
0x132: {  	[tilespmem:s10], [sflag:$0x1] =	stream.linear.gather [hbm4b:s16+s4], $0x50, $0x38;
	[tilespmem:$0x1E400] =	vst v63  }
0x133: {  	s13 =	simm.s32 $0x2C00;
	s15 =	simm.s32 $0x180  }
0x134: {  	[spmem:s2] =	stream.indirect.scatter.add.f32 [tilespmem:s13], [sflag:$0xA], $0x80, s15, s22, $0xb8;
	[tilespmem:$0x1E400] =	vst v63  }
0x135: {  	_ =	swait.ge [sflag:s6], $0x2800  }
0x136: {  	[sflag:s6] =	ssyncset.done $0x0  }
0x137: {  	[sflag:s6] =	ssyncadd.s32 $0xFFFFD800  }
0x138: {  	_ =	swait.ge [sflag:s7], $0x2800  }
0x139: {  	[sflag:s7] =	ssyncset.done $0x0  }
0x13a: {  	s28 =	sadd.s32 $0x32, s11;
	s16 =	simm.s32 $0x100;
	[sflag:s7] =	ssyncadd.s32 $0xFFFFD800  }
0x13b: {  	[tilespmem:s16], [sflag:$0x2] =	stream.linear.gather [hbm4b:s28+s4], $0x50, $0x38;
	[tilespmem:$0x1E400] =	vst v63  }
0x13c: {  	s9 =	sadd.s32 $0x32, s17  }
0x13d: {  	[tilespmem:s15], [sflag:$0x2] =	stream.linear.gather [hbm4b:s9+s4], $0x50, $0x38;
	[tilespmem:$0x1E400] =	vst v63  }
0x13e: {  	s28 =	simm.s32 $0x5400;
	s15 =	simm.s32 $0x280  }
0x13f: {  	[spmem:s2] =	stream.indirect.scatter.add.f32 [tilespmem:s28], [sflag:$0xB], $0x80, s15, s22, $0xb8;
	[tilespmem:$0x1E400] =	vst v63  }
0x140: {  	_ =	swait.ge [sflag:s8], $0x2800  }
0x141: {  	[sflag:s8] =	ssyncset.done $0x0  }
0x142: {  	s9 =	simm.s32 $0xB;
	[sflag:s8] =	ssyncadd.s32 $0xFFFFD800  }
0x143: {  	_ =	swait.ge [sflag:s9], $0x2800  }
0x144: {  	[sflag:s9] =	ssyncset.done $0x0  }
0x145: {  	s18 =	sadd.s32 $0x3C, s11;
	[sflag:s9] =	ssyncadd.s32 $0xFFFFD800;
	s9 =	simm.s32 $0x200  }
0x146: {  	[tilespmem:s9], [sflag:$0x3] =	stream.linear.gather [hbm4b:s18+s4], $0x50, $0x38;
	[tilespmem:$0x1E400] =	vst v63  }
0x147: {  	s18 =	sadd.s32 $0x3C, s17  }
0x148: {  	[tilespmem:s15], [sflag:$0x3] =	stream.linear.gather [hbm4b:s18+s4], $0x50, $0x38;
	[tilespmem:$0x1E400] =	vst v63  }
0x149: {  	s15 =	simm.s32 $0x380  }
0x14a: {  	[spmem:s2] =	stream.indirect.scatter.add.f32 [tilespmem:s19], [sflag:$0xC], $0x80, s15, s22, $0xb8;
	[tilespmem:$0x1E400] =	vst v63  }
0x14b: {  	_ =	swait.ge [sflag:s14], $0x2800  }
0x14c: {  	[sflag:s14] =	ssyncset.done $0x0  }
0x14d: {  	s11 =	sadd.s32 $0x46, s11;
	[sflag:s14] =	ssyncadd.s32 $0xFFFFD800  }
0x14e: {  	[tilespmem:s30], [sflag:$0x4] =	stream.linear.gather [hbm4b:s11+s4], $0x50, $0x38;
	[tilespmem:$0x1E400] =	vst v63  }
0x14f: {  	s30 =	sadd.s32 $0x46, s17  }
0x150: {  	[tilespmem:s15], [sflag:$0x4] =	stream.linear.gather [hbm4b:s30+s4], $0x50, $0x38;
	[tilespmem:$0x1E400] =	vst v63  }
0x151: {  	_ =	swait.ge [sflag:s21], $0x50  }
0x152: {  	[sflag:s21] =	ssyncset.done $0x0  }
0x153: {  	[sflag:s21] =	ssyncadd.s32 $0xFFFFFFB0  }
0x154: {  	_ =	swait.ge [sflag:s21], $0x50  }
0x155: {  	[sflag:s21] =	ssyncset.done $0x0  }
0x156: {  	[sflag:s21] =	ssyncadd.s32 $0xFFFFFFB0  }
0x157: {  	[tilespmem:s24], [sflag:$0x5] =	stream.indirect.gather [hbm4b:s1+s22], $0x80, s4, s22, $0xb8;
	[tilespmem:$0x1E400] =	vst v63  }
0x158: {  	_ =	swait.ge [sflag:s23], $0x50  }
0x159: {  	[sflag:s23] =	ssyncset.done $0x0  }
0x15a: {  	[sflag:s23] =	ssyncadd.s32 $0xFFFFFFB0  }
0x15b: {  	_ =	swait.ge [sflag:s23], $0x50  }
0x15c: {  	[sflag:s23] =	ssyncset.done $0x0  }
0x15d: {  	[sflag:s23] =	ssyncadd.s32 $0xFFFFFFB0  }
0x15e: {  	[tilespmem:s13], [sflag:$0x6] =	stream.indirect.gather [hbm4b:s1+s22], $0x80, s16, s22, $0xb8;
	[tilespmem:$0x1E400] =	vst v63  }
0x15f: {  	_ =	swait.ge [sflag:s26], $0x50  }
0x160: {  	[sflag:s26] =	ssyncset.done $0x0  }
0x161: {  	[sflag:s26] =	ssyncadd.s32 $0xFFFFFFB0  }
0x162: {  	_ =	swait.ge [sflag:s26], $0x50  }
0x163: {  	[sflag:s26] =	ssyncset.done $0x0  }
0x164: {  	[sflag:s26] =	ssyncadd.s32 $0xFFFFFFB0  }
0x165: {  	[tilespmem:s28], [sflag:$0x7] =	stream.indirect.gather [hbm4b:s1+s22], $0x80, s9, s22, $0xb8;
	[tilespmem:$0x1E400] =	vst v63  }
0x166: {  	p1 =	sne.s32 s25, $0x758;
	_ =	swait.ge [sflag:s3], $0x50  }
.Ltmp4:
0x167: {  	s25 =	sadd.s32 $0x28, s25;
	[sflag:s3] =	ssyncset.done $0x0;
	(pc) =	sbr.rel @p1 .LBB2_5-.Ltmp4, $4  }
0x168: {  	s20 =	simm.s32 $0x80;
	s29 =	simm.s32 $0x280;
	[sflag:s3] =	ssyncadd.s32 $0xFFFFFFB0  }
0x169: {  	s10 =	simm.s32 $0x180;
	s18 =	simm.s32 $0x2C00;
	_ =	swait.ge [sflag:s3], $0x50  }
0x16a: {  	s19 =	simm.s32 $0x300;
	s17 =	simm.s32 $0x380;
	[sflag:s3] =	ssyncset.done $0x0  }
0x16b: {  	s11 =	simm.s32 $0x400;
	s15 =	simm.s32 $0x5400;
	[sflag:s3] =	ssyncadd.s32 $0xFFFFFFB0  }
0x16c: {  	s13 =	simm.s32 $0x7C00  }
0x16d: {  	[tilespmem:s13], [sflag:$0x8] =	stream.indirect.gather [hbm4b:s1+s22], $0x80, s19, s22, $0xb8;
	[tilespmem:$0x1E400] =	vst v63  }
0x16e: {  	_ =	swait.ge [sflag:s31], $0x2800  }
0x16f: {  	[sflag:s31] =	ssyncset.done $0x0  }
0x170: {  	[sflag:s31] =	ssyncadd.s32 $0xFFFFD800  }
0x171: {  	[spmem:s2] =	stream.indirect.scatter.add.f32 [tilespmem:s11], [sflag:$0x9], $0x80, s20, s22, $0xb8;
	[tilespmem:$0x1E400] =	vst v63  }
0x172: {  	_ =	swait.ge [sflag:s0], $0x2800  }
0x173: {  	[sflag:s0] =	ssyncset.done $0x0  }
0x174: {  	[sflag:s0] =	ssyncadd.s32 $0xFFFFD800  }
0x175: {  	_ =	swait.ge [sflag:s5], $0x2800  }
0x176: {  	[sflag:s5] =	ssyncset.done $0x0  }
0x177: {  	[sflag:s5] =	ssyncadd.s32 $0xFFFFD800  }
0x178: {  	[spmem:s2] =	stream.indirect.scatter.add.f32 [tilespmem:s18], [sflag:$0xA], $0x80, s10, s22, $0xb8;
	[tilespmem:$0x1E400] =	vst v63  }
0x179: {  	_ =	swait.ge [sflag:s6], $0x2800  }
0x17a: {  	[sflag:s6] =	ssyncset.done $0x0  }
0x17b: {  	s25 =	simm.s32 $0xB;
	[sflag:s6] =	ssyncadd.s32 $0xFFFFD800  }
0x17c: {  	s16 =	simm.s32 $0x280;
	s24 =	simm.s32 $0x2C00;
	_ =	swait.ge [sflag:s7], $0x2800  }
0x17d: {  	s28 =	simm.s32 $0x5400;
	s30 =	simm.s32 $0x5;
	[sflag:s7] =	ssyncset.done $0x0  }
0x17e: {  	s9 =	simm.s32 $0xC;
	s19 =	simm.s32 $0x300;
	[sflag:s7] =	ssyncadd.s32 $0xFFFFD800  }
0x17f: {  	[spmem:s2] =	stream.indirect.scatter.add.f32 [tilespmem:s15], [sflag:$0xB], $0x80, s29, s22, $0xb8;
	[tilespmem:$0x1E400] =	vst v63  }
0x180: {  	s31 =	simm.s32 $0x6;
	s11 =	simm.s32 $0xC;
	_ =	swait.ge [sflag:s8], $0x2800  }
0x181: {  	s20 =	simm.s32 $0x380;
	s0 =	simm.s32 $0x9;
	[sflag:s8] =	ssyncset.done $0x0  }
0x182: {  	s5 =	simm.s32 $0x7;
	s18 =	smov.u32 s12;
	[sflag:s8] =	ssyncadd.s32 $0xFFFFD800  }
.Ltmp5:
0x183: {  	s6 =	simm.s32 $0xA;
	_ =	swait.ge [sflag:s25], $0x2800;
	(pc) =	sbr.rel .LBB2_10-.Ltmp5, $4  }
0x184: {  	s7 =	simm.s32 $0x8;
	s15 =	simm.s32 $0x200;
	[sflag:s25] =	ssyncset.done $0x0  }
0x185: {  	s29 =	simm.s32 $0x7C00;
	s10 =	sld [smem:$0x7F7];
	[sflag:s25] =	ssyncadd.s32 $0xFFFFD800  }
0x186: {  	[spmem:s2] =	stream.indirect.scatter.add.f32 [tilespmem:s13], [sflag:$0xC], $0x80, s17, s22, $0xb8;
	[tilespmem:$0x1E400] =	vst v63  }
0x187: {  	s8 =	simm.s32 $0xB;
	s17 =	rddreg [dreg:$0x1b];
	s13 =	simm.s32 $0x400  }
.LBB2_7:
0x188: {  	s12 =	rddreg [dreg:$0x7]  }
0x189: {  	[tilespmem:s11], [sflag:$0x1] =	stream.linear.gather [hbm4b:s12+s11], $0x50, $0x38;
	[tilespmem:$0x1E400] =	vst v63  }
0x18a: {  	s10 =	rddreg [dreg:$0x8];
	s13 =	simm.s32 $0x80  }
0x18b: {  	[tilespmem:s13], [sflag:$0x1] =	stream.linear.gather [hbm4b:s10+s11], $0x50, $0x38;
	[tilespmem:$0x1E400] =	vst v63  }
0x18c: {  	s14 =	rddreg [dreg:$0x9];
	s10 =	simm.s32 $0x100  }
0x18d: {  	[tilespmem:s10], [sflag:$0x2] =	stream.linear.gather [hbm4b:s14+s11], $0x50, $0x38;
	[tilespmem:$0x1E400] =	vst v63  }
0x18e: {  	s17 =	rddreg [dreg:$0xa];
	s14 =	simm.s32 $0x180  }
0x18f: {  	[tilespmem:s14], [sflag:$0x2] =	stream.linear.gather [hbm4b:s17+s11], $0x50, $0x38;
	[tilespmem:$0x1E400] =	vst v63  }
0x190: {  	s18 =	rddreg [dreg:$0xb]  }
0x191: {  	[tilespmem:s15], [sflag:$0x3] =	stream.linear.gather [hbm4b:s18+s11], $0x50, $0x38;
	[tilespmem:$0x1E400] =	vst v63  }
0x192: {  	s25 =	rddreg [dreg:$0xc]  }
0x193: {  	[tilespmem:s16], [sflag:$0x3] =	stream.linear.gather [hbm4b:s25+s11], $0x50, $0x38;
	[tilespmem:$0x1E400] =	vst v63  }
0x194: {  	s13 =	rddreg [dreg:$0xd]  }
0x195: {  	[tilespmem:s19], [sflag:$0x4] =	stream.linear.gather [hbm4b:s13+s11], $0x50, $0x38;
	[tilespmem:$0x1E400] =	vst v63  }
0x196: {  	s17 =	rddreg [dreg:$0xe]  }
0x197: {  	[tilespmem:s20], [sflag:$0x4] =	stream.linear.gather [hbm4b:s17+s11], $0x50, $0x38;
	[tilespmem:$0x1E400] =	vst v63  }
0x198: {  	_ =	swait.ge [sflag:s21], $0x50  }
0x199: {  	[sflag:s21] =	ssyncset.done $0x0  }
0x19a: {  	[sflag:s21] =	ssyncadd.s32 $0xFFFFFFB0  }
0x19b: {  	_ =	swait.ge [sflag:s21], $0x50  }
0x19c: {  	[sflag:s21] =	ssyncset.done $0x0  }
0x19d: {  	s13 =	simm.s32 $0x400;
	[sflag:s21] =	ssyncadd.s32 $0xFFFFFFB0  }
0x19e: {  	[tilespmem:s13], [sflag:$0x5] =	stream.indirect.gather [hbm4b:s1+s22], $0x80, s11, s22, $0xb8;
	[tilespmem:$0x1E400] =	vst v63  }
0x19f: {  	_ =	swait.ge [sflag:s23], $0x50  }
0x1a0: {  	[sflag:s23] =	ssyncset.done $0x0  }
0x1a1: {  	[sflag:s23] =	ssyncadd.s32 $0xFFFFFFB0  }
0x1a2: {  	_ =	swait.ge [sflag:s23], $0x50  }
0x1a3: {  	[sflag:s23] =	ssyncset.done $0x0  }
0x1a4: {  	[sflag:s23] =	ssyncadd.s32 $0xFFFFFFB0  }
0x1a5: {  	[tilespmem:s24], [sflag:$0x6] =	stream.indirect.gather [hbm4b:s1+s22], $0x80, s10, s22, $0xb8;
	[tilespmem:$0x1E400] =	vst v63  }
0x1a6: {  	_ =	swait.ge [sflag:s26], $0x50  }
0x1a7: {  	[sflag:s26] =	ssyncset.done $0x0  }
0x1a8: {  	[sflag:s26] =	ssyncadd.s32 $0xFFFFFFB0  }
0x1a9: {  	_ =	swait.ge [sflag:s26], $0x50  }
0x1aa: {  	[sflag:s26] =	ssyncset.done $0x0  }
0x1ab: {  	[sflag:s26] =	ssyncadd.s32 $0xFFFFFFB0  }
0x1ac: {  	[tilespmem:s28], [sflag:$0x7] =	stream.indirect.gather [hbm4b:s1+s22], $0x80, s15, s22, $0xb8;
	[tilespmem:$0x1E400] =	vst v63  }
0x1ad: {  	_ =	swait.ge [sflag:s3], $0x50  }
0x1ae: {  	[sflag:s3] =	ssyncset.done $0x0  }
0x1af: {  	[sflag:s3] =	ssyncadd.s32 $0xFFFFFFB0  }
0x1b0: {  	_ =	swait.ge [sflag:s3], $0x50  }
0x1b1: {  	[sflag:s3] =	ssyncset.done $0x0  }
0x1b2: {  	[sflag:s3] =	ssyncadd.s32 $0xFFFFFFB0  }
0x1b3: {  	[tilespmem:s29], [sflag:$0x8] =	stream.indirect.gather [hbm4b:s1+s22], $0x80, s19, s22, $0xb8;
	[tilespmem:$0x1E400] =	vst v63  }
0x1b4: {  	_ =	swait.ge [sflag:s30], $0x2800  }
0x1b5: {  	[sflag:s30] =	ssyncset.done $0x0  }
0x1b6: {  	s12 =	simm.s32 $0x80;
	[sflag:s30] =	ssyncadd.s32 $0xFFFFD800  }
0x1b7: {  	[spmem:s2] =	stream.indirect.scatter.add.f32 [tilespmem:s13], [sflag:$0x9], $0x80, s12, s22, $0xb8;
	[tilespmem:$0x1E400] =	vst v63  }
0x1b8: {  	_ =	swait.ge [sflag:s31], $0x2800  }
0x1b9: {  	[sflag:s31] =	ssyncset.done $0x0  }
0x1ba: {  	[sflag:s31] =	ssyncadd.s32 $0xFFFFD800  }
0x1bb: {  	_ =	swait.ge [sflag:s0], $0x2800  }
0x1bc: {  	s18 =	rddreg [dreg:$0x4]  }
0x1bd: {  	s17 =	rddreg [dreg:$0x5];
	[sflag:s0] =	ssyncset.done $0x0;
	s11 =	sadd.s32 $0x0, s18  }
0x1be: {  	[sflag:s0] =	ssyncadd.s32 $0xFFFFD800;
	s17 =	sadd.s32 $0x0, s17;
	s18 =	sadd.s32 $0x7AA8, s11  }
0x1bf: {  	[tilespmem:s4], [sflag:$0x1] =	stream.linear.gather [hbm4b:s18+s4], $0x50, $0x38;
	[tilespmem:$0x1E400] =	vst v63  }
0x1c0: {  	s25 =	sadd.s32 $0x7AA8, s17  }
0x1c1: {  	[tilespmem:s12], [sflag:$0x1] =	stream.linear.gather [hbm4b:s25+s4], $0x50, $0x38;
	[tilespmem:$0x1E400] =	vst v63  }
0x1c2: {  	_ = 	snop  }
0x1c3: {  	[spmem:s2] =	stream.indirect.scatter.add.f32 [tilespmem:s24], [sflag:$0xA], $0x80, s14, s22, $0xb8;
	[tilespmem:$0x1E400] =	vst v63  }
0x1c4: {  	_ =	swait.ge [sflag:s5], $0x2800  }
0x1c5: {  	[sflag:s5] =	ssyncset.done $0x0  }
0x1c6: {  	[sflag:s5] =	ssyncadd.s32 $0xFFFFD800  }
0x1c7: {  	_ =	swait.ge [sflag:s6], $0x2800  }
0x1c8: {  	[sflag:s6] =	ssyncset.done $0x0  }
0x1c9: {  	s25 =	sadd.s32 $0x7AB2, s11;
	[sflag:s6] =	ssyncadd.s32 $0xFFFFD800  }
0x1ca: {  	[tilespmem:s10], [sflag:$0x2] =	stream.linear.gather [hbm4b:s25+s4], $0x50, $0x38;
	[tilespmem:$0x1E400] =	vst v63  }
0x1cb: {  	s25 =	sadd.s32 $0x7AB2, s17  }
0x1cc: {  	[tilespmem:s14], [sflag:$0x2] =	stream.linear.gather [hbm4b:s25+s4], $0x50, $0x38;
	[tilespmem:$0x1E400] =	vst v63  }
0x1cd: {  	_ = 	snop  }
0x1ce: {  	[spmem:s2] =	stream.indirect.scatter.add.f32 [tilespmem:s28], [sflag:$0xB], $0x80, s16, s22, $0xb8;
	[tilespmem:$0x1E400] =	vst v63  }
0x1cf: {  	_ =	swait.ge [sflag:s7], $0x2800  }
0x1d0: {  	[sflag:s7] =	ssyncset.done $0x0  }
0x1d1: {  	[sflag:s7] =	ssyncadd.s32 $0xFFFFD800  }
0x1d2: {  	_ =	swait.ge [sflag:s8], $0x2800  }
0x1d3: {  	[sflag:s8] =	ssyncset.done $0x0  }
0x1d4: {  	s25 =	sadd.s32 $0x7ABC, s11;
	[sflag:s8] =	ssyncadd.s32 $0xFFFFD800  }
0x1d5: {  	[tilespmem:s15], [sflag:$0x3] =	stream.linear.gather [hbm4b:s25+s4], $0x50, $0x38;
	[tilespmem:$0x1E400] =	vst v63  }
0x1d6: {  	s25 =	sadd.s32 $0x7ABC, s17  }
0x1d7: {  	[tilespmem:s16], [sflag:$0x3] =	stream.linear.gather [hbm4b:s25+s4], $0x50, $0x38;
	[tilespmem:$0x1E400] =	vst v63  }
0x1d8: {  	_ = 	snop  }
0x1d9: {  	[spmem:s2] =	stream.indirect.scatter.add.f32 [tilespmem:s29], [sflag:$0xC], $0x80, s20, s22, $0xb8;
	[tilespmem:$0x1E400] =	vst v63  }
0x1da: {  	_ =	swait.ge [sflag:s9], $0x2800  }
0x1db: {  	[sflag:s9] =	ssyncset.done $0x0  }
0x1dc: {  	s11 =	sadd.s32 $0x7AC6, s11;
	[sflag:s9] =	ssyncadd.s32 $0xFFFFD800  }
0x1dd: {  	[tilespmem:s19], [sflag:$0x4] =	stream.linear.gather [hbm4b:s11+s4], $0x50, $0x38;
	[tilespmem:$0x1E400] =	vst v63  }
0x1de: {  	s25 =	sadd.s32 $0x7AC6, s17  }
0x1df: {  	[tilespmem:s20], [sflag:$0x4] =	stream.linear.gather [hbm4b:s25+s4], $0x50, $0x38;
	[tilespmem:$0x1E400] =	vst v63  }
0x1e0: {  	_ =	swait.ge [sflag:s21], $0x50  }
0x1e1: {  	[sflag:s21] =	ssyncset.done $0x0  }
0x1e2: {  	[sflag:s21] =	ssyncadd.s32 $0xFFFFFFB0  }
0x1e3: {  	_ =	swait.ge [sflag:s21], $0x50  }
0x1e4: {  	[sflag:s21] =	ssyncset.done $0x0  }
0x1e5: {  	[sflag:s21] =	ssyncadd.s32 $0xFFFFFFB0  }
0x1e6: {  	[tilespmem:s13], [sflag:$0x5] =	stream.indirect.gather [hbm4b:s1+s22], $0x80, s4, s22, $0xb8;
	[tilespmem:$0x1E400] =	vst v63  }
0x1e7: {  	_ =	swait.ge [sflag:s23], $0x50  }
0x1e8: {  	[sflag:s23] =	ssyncset.done $0x0  }
0x1e9: {  	[sflag:s23] =	ssyncadd.s32 $0xFFFFFFB0  }
0x1ea: {  	_ =	swait.ge [sflag:s23], $0x50  }
0x1eb: {  	[sflag:s23] =	ssyncset.done $0x0  }
0x1ec: {  	[sflag:s23] =	ssyncadd.s32 $0xFFFFFFB0  }
0x1ed: {  	[tilespmem:s24], [sflag:$0x6] =	stream.indirect.gather [hbm4b:s1+s22], $0x80, s10, s22, $0xb8;
	[tilespmem:$0x1E400] =	vst v63  }
0x1ee: {  	_ =	swait.ge [sflag:s26], $0x50  }
0x1ef: {  	[sflag:s26] =	ssyncset.done $0x0  }
0x1f0: {  	[sflag:s26] =	ssyncadd.s32 $0xFFFFFFB0  }
0x1f1: {  	_ =	swait.ge [sflag:s26], $0x50  }
0x1f2: {  	[sflag:s26] =	ssyncset.done $0x0  }
0x1f3: {  	[sflag:s26] =	ssyncadd.s32 $0xFFFFFFB0  }
0x1f4: {  	[tilespmem:s28], [sflag:$0x7] =	stream.indirect.gather [hbm4b:s1+s22], $0x80, s15, s22, $0xb8;
	[tilespmem:$0x1E400] =	vst v63  }
0x1f5: {  	_ =	swait.ge [sflag:s3], $0x50  }
0x1f6: {  	[sflag:s3] =	ssyncset.done $0x0  }
0x1f7: {  	[sflag:s3] =	ssyncadd.s32 $0xFFFFFFB0  }
0x1f8: {  	_ =	swait.ge [sflag:s3], $0x50  }
0x1f9: {  	s25 =	simm.s32 $0x28;
	s13 =	simm.s32 $0x400;
	[sflag:s3] =	ssyncset.done $0x0  }
.LBB2_8:
0x1fa: {  	[sflag:s3] =	ssyncadd.s32 $0xFFFFFFB0  }
0x1fb: {  	[tilespmem:s29], [sflag:$0x8] =	stream.indirect.gather [hbm4b:s1+s22], $0x80, s19, s22, $0xb8;
	[tilespmem:$0x1E400] =	vst v63  }
0x1fc: {  	_ =	swait.ge [sflag:s30], $0x2800  }
0x1fd: {  	[sflag:s30] =	ssyncset.done $0x0  }
0x1fe: {  	[sflag:s30] =	ssyncadd.s32 $0xFFFFD800  }
0x1ff: {  	[spmem:s2] =	stream.indirect.scatter.add.f32 [tilespmem:s13], [sflag:$0x9], $0x80, s12, s22, $0xb8;
	[tilespmem:$0x1E400] =	vst v63  }
0x200: {  	_ =	swait.ge [sflag:s31], $0x2800  }
0x201: {  	[sflag:s31] =	ssyncset.done $0x0  }
0x202: {  	[sflag:s31] =	ssyncadd.s32 $0xFFFFD800  }
0x203: {  	_ =	swait.ge [sflag:s0], $0x2800  }
0x204: {  	s11 =	smov.u32 s25;
	s17 =	rddreg [dreg:$0x4]  }
0x205: {  	s18 =	rddreg [dreg:$0x5];
	[sflag:s0] =	ssyncset.done $0x0;
	s17 =	sadd.s32 s11, s17  }
0x206: {  	[sflag:s0] =	ssyncadd.s32 $0xFFFFD800;
	s11 =	sadd.s32 s11, s18;
	s12 =	sadd.s32 $0x7AA8, s17  }
0x207: {  	[tilespmem:s4], [sflag:$0x1] =	stream.linear.gather [hbm4b:s12+s4], $0x50, $0x38;
	[tilespmem:$0x1E400] =	vst v63  }
0x208: {  	s13 =	simm.s32 $0x80;
	s18 =	sadd.s32 $0x7AA8, s11  }
0x209: {  	[tilespmem:s13], [sflag:$0x1] =	stream.linear.gather [hbm4b:s18+s4], $0x50, $0x38;
	[tilespmem:$0x1E400] =	vst v63  }
0x20a: {  	_ = 	snop  }
0x20b: {  	[spmem:s2] =	stream.indirect.scatter.add.f32 [tilespmem:s24], [sflag:$0xA], $0x80, s14, s22, $0xb8;
	[tilespmem:$0x1E400] =	vst v63  }
0x20c: {  	_ =	swait.ge [sflag:s5], $0x2800  }
0x20d: {  	[sflag:s5] =	ssyncset.done $0x0  }
0x20e: {  	[sflag:s5] =	ssyncadd.s32 $0xFFFFD800  }
0x20f: {  	_ =	swait.ge [sflag:s6], $0x2800  }
0x210: {  	[sflag:s6] =	ssyncset.done $0x0  }
0x211: {  	s12 =	sadd.s32 $0x7AB2, s17;
	[sflag:s6] =	ssyncadd.s32 $0xFFFFD800  }
0x212: {  	[tilespmem:s10], [sflag:$0x2] =	stream.linear.gather [hbm4b:s12+s4], $0x50, $0x38;
	[tilespmem:$0x1E400] =	vst v63  }
0x213: {  	s18 =	sadd.s32 $0x7AB2, s11  }
0x214: {  	[tilespmem:s14], [sflag:$0x2] =	stream.linear.gather [hbm4b:s18+s4], $0x50, $0x38;
	[tilespmem:$0x1E400] =	vst v63  }
0x215: {  	_ = 	snop  }
0x216: {  	[spmem:s2] =	stream.indirect.scatter.add.f32 [tilespmem:s28], [sflag:$0xB], $0x80, s16, s22, $0xb8;
	[tilespmem:$0x1E400] =	vst v63  }
0x217: {  	_ =	swait.ge [sflag:s7], $0x2800  }
0x218: {  	[sflag:s7] =	ssyncset.done $0x0  }
0x219: {  	[sflag:s7] =	ssyncadd.s32 $0xFFFFD800  }
0x21a: {  	_ =	swait.ge [sflag:s8], $0x2800  }
0x21b: {  	[sflag:s8] =	ssyncset.done $0x0  }
0x21c: {  	s12 =	sadd.s32 $0x7ABC, s17;
	[sflag:s8] =	ssyncadd.s32 $0xFFFFD800  }
0x21d: {  	[tilespmem:s15], [sflag:$0x3] =	stream.linear.gather [hbm4b:s12+s4], $0x50, $0x38;
	[tilespmem:$0x1E400] =	vst v63  }
0x21e: {  	s18 =	sadd.s32 $0x7ABC, s11  }
0x21f: {  	[tilespmem:s16], [sflag:$0x3] =	stream.linear.gather [hbm4b:s18+s4], $0x50, $0x38;
	[tilespmem:$0x1E400] =	vst v63  }
0x220: {  	_ = 	snop  }
0x221: {  	[spmem:s2] =	stream.indirect.scatter.add.f32 [tilespmem:s29], [sflag:$0xC], $0x80, s20, s22, $0xb8;
	[tilespmem:$0x1E400] =	vst v63  }
0x222: {  	_ =	swait.ge [sflag:s9], $0x2800  }
0x223: {  	[sflag:s9] =	ssyncset.done $0x0  }
0x224: {  	s18 =	sadd.s32 $0x7AC6, s17;
	[sflag:s9] =	ssyncadd.s32 $0xFFFFD800  }
0x225: {  	[tilespmem:s19], [sflag:$0x4] =	stream.linear.gather [hbm4b:s18+s4], $0x50, $0x38;
	[tilespmem:$0x1E400] =	vst v63  }
0x226: {  	s11 =	sadd.s32 $0x7AC6, s11  }
0x227: {  	[tilespmem:s20], [sflag:$0x4] =	stream.linear.gather [hbm4b:s11+s4], $0x50, $0x38;
	[tilespmem:$0x1E400] =	vst v63  }
0x228: {  	_ =	swait.ge [sflag:s21], $0x50  }
0x229: {  	[sflag:s21] =	ssyncset.done $0x0  }
0x22a: {  	[sflag:s21] =	ssyncadd.s32 $0xFFFFFFB0  }
0x22b: {  	_ =	swait.ge [sflag:s21], $0x50  }
0x22c: {  	[sflag:s21] =	ssyncset.done $0x0  }
0x22d: {  	s13 =	simm.s32 $0x400;
	[sflag:s21] =	ssyncadd.s32 $0xFFFFFFB0  }
0x22e: {  	[tilespmem:s13], [sflag:$0x5] =	stream.indirect.gather [hbm4b:s1+s22], $0x80, s4, s22, $0xb8;
	[tilespmem:$0x1E400] =	vst v63  }
0x22f: {  	_ =	swait.ge [sflag:s23], $0x50  }
0x230: {  	[sflag:s23] =	ssyncset.done $0x0  }
0x231: {  	[sflag:s23] =	ssyncadd.s32 $0xFFFFFFB0  }
0x232: {  	_ =	swait.ge [sflag:s23], $0x50  }
0x233: {  	[sflag:s23] =	ssyncset.done $0x0  }
0x234: {  	[sflag:s23] =	ssyncadd.s32 $0xFFFFFFB0  }
0x235: {  	[tilespmem:s24], [sflag:$0x6] =	stream.indirect.gather [hbm4b:s1+s22], $0x80, s10, s22, $0xb8;
	[tilespmem:$0x1E400] =	vst v63  }
0x236: {  	_ =	swait.ge [sflag:s26], $0x50  }
0x237: {  	[sflag:s26] =	ssyncset.done $0x0  }
0x238: {  	[sflag:s26] =	ssyncadd.s32 $0xFFFFFFB0  }
0x239: {  	_ =	swait.ge [sflag:s26], $0x50  }
0x23a: {  	[sflag:s26] =	ssyncset.done $0x0  }
0x23b: {  	p1 =	sne.s32 s25, $0x1B8;
	[sflag:s26] =	ssyncadd.s32 $0xFFFFFFB0  }
0x23c: {  	[tilespmem:s28], [sflag:$0x7] =	stream.indirect.gather [hbm4b:s1+s22], $0x80, s15, s22, $0xb8;
	[tilespmem:$0x1E400] =	vst v63  }
.Ltmp6:
0x23d: {  	_ =	swait.ge [sflag:s3], $0x50;
	(pc) =	sbr.rel @p1 .LBB2_8-.Ltmp6, $4  }
0x23e: {  	[sflag:s3] =	ssyncset.done $0x0  }
0x23f: {  	[sflag:s3] =	ssyncadd.s32 $0xFFFFFFB0  }
0x240: {  	_ =	swait.ge [sflag:s3], $0x50  }
0x241: {  	s25 =	sadd.s32 $0x28, s25;
	s12 =	simm.s32 $0x80;
	[sflag:s3] =	ssyncset.done $0x0  }
.Ltmp7:
0x242: {  	_ = 	snop;
	(pc) =	sbr.rel .LBB2_9-.Ltmp7, $1  }
0x243: {  	_ =	sdelay $0x3  }
.LBB2_11:
0x244: {  	_ =	sfence.sel $0x180000  }
0x245: {  	[bflag:$0x0] =	sbarrier.arrive $0xFFFF  }
0x246: {  	_ =	strace $0x9000004A  }
0x247: {  	s0 =	stileid.u32;
	[bflag:$0x2] =	sbarrier.arrive $0xFFFF  }
0x248: {  	p0 =	sne.s32 s0, $0x0;
	s0 =	rddreg [dreg:$0x3]  }
0x249: {  	s0 =	sadd.s32 @!p0 $0x100000, s0  }
0x24a: {  	[sflag:s0] =	ssyncadd.tile.s32 @!p0 $0x1;
	_ =	shalt  }
.Lfunc_end2:
_tile_overlayer_lowered:
.L_overlay_start_2:
0x24b: {  	(tag) =	ssettag $0x2  }
0x24c: {  	s0 =	rddreg [dreg:$0x0];
	s2 =	stileid.u32  }
0x24d: {  	s1 =	rddreg [dreg:$0x1];
	p0 =	sne.s32 s2, $0x0  }
0x24e: {  	s3 =	rddreg [dreg:$0x2];
	[bflag:$0x3] =	sbarrier.arrive $0xFFFF;
	s2 =	simm.s32 @!p0 $0x1C0D  }
0x24f: {  	[timem:s3], [sflag:s2] =	dma.local @!p0 [hbm:s0], s1  }
0x250: {  	s0 =	simm.s32 @!p0 $0xD  }
0x251: {  	_ =	swait.ge @!p0 [sflag:s0], s1  }
0x252: {  	s1 =	ssub.s32 @!p0 $0x0, s1;
	[sflag:s0] =	ssyncset.done @!p0 $0x0  }
0x253: {  	[sflag:s0] =	ssyncadd.s32 @!p0 s1  }
0x254: {  	[bflag:$0x3] =	sbarrier.arrive $0xFFFF  }
0x255: {  	_ =	shalt  }

// kernel: kernel.7.cloned.1.call-start
scs
__scs_entry_jumppad:
0x0: {  	(pc) =	sbr.rel $0x88, $3  }
0x1: {  	(tag) =	ssettag $0x0;
	lr =	simm.s32 $0x1  }
0x2: {  	[smem:$0x3F9B] =	sst lr;
	_ =	strace $0xD0000000  }
0x3: {  	_ = 	snop  }
0x4: {  	_ = 	snop  }
0x5: {  	_ = 	snop  }
0x6: {  	_ = 	snop  }
0x7: {  	_ = 	snop  }
__scs_overlays_trampoline_lowered:
0x8: {  	[smem:$0x3FAA] =	sst s0  }
0x9: {  	[smem:$0x3FAB] =	sst s1  }
0xa: {  	[smem:$0x3FAC] =	sst s2  }
0xb: {  	[smem:$0x3FAD] =	sst s3  }
0xc: {  	[smem:$0x3FAE] =	sst s4  }
0xd: {  	[smem:$0x3FAF] =	sst s5  }
0xe: {  	[smem:$0x3FB0] =	sst s6  }
0xf: {  	[smem:$0x3FB1] =	sst s7  }
0x10: {  	[smem:$0x3FB2] =	sst s8  }
0x11: {  	[smem:$0x3FB3] =	sst s9;
	s0 =	simm.s32 @!p0 $0x0  }
0x12: {  	s1 =	sld [smem:$0x3F99];
	s0 =	simm.s32 @p0 $0x1  }
0x13: {  	[smem:$0x3FB4] =	sst s0;
	s0 =	simm.s32 @!p1 $0x0  }
0x14: {  	s2 =	sld [smem:$0x3F98];
	s0 =	simm.s32 @p1 $0x1  }
0x15: {  	[smem:$0x3FB5] =	sst s0;
	s0 =	simm.s32 @!p2 $0x0  }
0x16: {  	s3 =	sld [smem:$0x3FDB];
	s0 =	simm.s32 @p2 $0x1  }
0x17: {  	s4 =	simm.s32 $0x1BF5;
	[smem:$0x3FB7] =	sst s0  }
0x18: {  	s0 =	sld [smem:$0x3F9A];
	_ =	swait.ge [sflag:s4], $0x0  }
0x19: {  	s7 =	sld [smem:$0x3F9B]  }
0x1a: {  	s8 =	sadd.s32 $0xFFFFE003, lr  }
0x1b: {  	s9 =	sadd.s32 $0xFFFFFEF7, lr;
	s5 =	simm.s32 $0xFFFFFFFF;
	p2 =	slt.u32 s8, $0xFFFFF086  }
0x1c: {  	p1 =	slt.u32 s9, $0xF7A;
	s5 =	simm.s32 @!p2 $0x0  }
0x1d: {  	s5 =	simm.s32 @p1 $0x1;
	p0 =	seq.s32 s7, s2  }
0x1e: {  	s7 =	smul.u32 @!p0 $0xF7A, s2;
	p2 =	seq.s32 @!p0 s5, $0x0  }
0x1f: {  	s9 =	smul.u32 $0xF7A, s1;
	s8 =	simm.s32 @!p0 $0x1BF5;
	p2 =	por !p2, p0  }
0x20: {  	[sflag:s8] =	ssyncset.s32 @!p0 $0xFFFFF086;
	s6 =	sadd.s32 @!p0 s3, s7;
	s7 =	simm.s32 @!p0 $0x108  }
0x21: {  	s3 =	sadd.s32 s3, s9;
	s6 =	sadd.s32 @!p0 $0x88, s6;
	s7 =	simm.s32 @p2 $0x1082  }
0x22: {  	[simem:s7], [sflag:s8] =	dma.local @!p0 [hbm:s6], $0xF7A  }
0x23: {  	s9 =	sor.u32 $0xD0000000, s2;
	s6 =	simm.s32 $0x108;
	_ =	swait.ge @!p0 [sflag:s8], $0x0  }
0x24: {  	s3 =	sadd.s32 $0x88, s3;
	s6 =	simm.s32 @!p1 $0x1082;
	[sflag:s4] =	ssyncset.s32 $0xFFFFF086  }
0x25: {  	[simem:s6], [sflag:s4] =	dma.local [hbm:s3], $0xF7A  }
0x26: {  	[smem:$0x3F9B] =	sst s1;
	(tag) =	ssettag s2;
	_ =	strace s9  }
0x27: {  	s1 =	sld [smem:$0x3FAB]  }
0x28: {  	s2 =	sld [smem:$0x3FAC]  }
0x29: {  	s4 =	sld [smem:$0x3FAE]  }
0x2a: {  	p0 =	seq.s32 s5, $0x0;
	s5 =	sld [smem:$0x3FAF]  }
0x2b: {  	s6 =	sld [smem:$0x3FB0]  }
0x2c: {  	s7 =	sld [smem:$0x3FB1]  }
0x2d: {  	s3 =	simm.s32 $0x108;
	s8 =	sld [smem:$0x3FB2]  }
0x2e: {  	s3 =	simm.s32 @!p0 $0x1082;
	s9 =	sld [smem:$0x3FB3]  }
0x2f: {  	lr =	sadd.s32 s0, s3;
	s0 =	sld [smem:$0x3FAA]  }
0x30: {  	s3 =	sld [smem:$0x3FAD]  }
0x31: {  	[smem:$0x3FB6] =	sst s10  }
0x32: {  	s10 =	sld [smem:$0x3FB4];
	_ =	sdelay $0x3  }
0x33: {  	p0 =	seq.s32 s10, $0x1;
	s10 =	sld [smem:$0x3FB6];
	_ =	sdelay $0x3  }
0x34: {  	[smem:$0x3FB6] =	sst s10  }
0x35: {  	s10 =	sld [smem:$0x3FB5];
	_ =	sdelay $0x3  }
0x36: {  	p1 =	seq.s32 s10, $0x1;
	s10 =	sld [smem:$0x3FB6];
	_ =	sdelay $0x3  }
0x37: {  	[smem:$0x3FB6] =	sst s10  }
0x38: {  	s10 =	sld [smem:$0x3FB7]  }
0x39: {  	_ = 	snop;
	(pc) =	sbr.ind lr, $3  }
0x3a: {  	_ = 	snop  }
0x3b: {  	_ = 	snop  }
0x3c: {  	p2 =	seq.s32 s10, $0x1;
	s10 =	sld [smem:$0x3FB6]  }
0x3d: {  	_ =	shalt  }
0x3e: {  	_ =	shalt  }
0x3f: {  	_ =	shalt  }
0x40: {  	_ =	shalt  }
0x41: {  	_ =	shalt  }
0x42: {  	_ =	shalt  }
0x43: {  	_ =	shalt  }
0x44: {  	_ =	shalt  }
0x45: {  	_ =	shalt  }
0x46: {  	_ =	shalt  }
0x47: {  	_ =	shalt  }
0x48: {  	_ =	shalt  }
0x49: {  	_ =	shalt  }
0x4a: {  	_ =	shalt  }
0x4b: {  	_ =	shalt  }
0x4c: {  	_ =	shalt  }
0x4d: {  	_ =	shalt  }
0x4e: {  	_ =	shalt  }
0x4f: {  	_ =	shalt  }
0x50: {  	_ =	shalt  }
0x51: {  	_ =	shalt  }
0x52: {  	_ =	shalt  }
0x53: {  	_ =	shalt  }
0x54: {  	_ =	shalt  }
0x55: {  	_ =	shalt  }
0x56: {  	_ =	shalt  }
0x57: {  	_ =	shalt  }
0x58: {  	_ =	shalt  }
0x59: {  	_ =	shalt  }
0x5a: {  	_ =	shalt  }
0x5b: {  	_ =	shalt  }
0x5c: {  	_ =	shalt  }
0x5d: {  	_ =	shalt  }
0x5e: {  	_ =	shalt  }
0x5f: {  	_ =	shalt  }
0x60: {  	_ =	shalt  }
0x61: {  	_ =	shalt  }
0x62: {  	_ =	shalt  }
0x63: {  	_ =	shalt  }
0x64: {  	_ =	shalt  }
0x65: {  	_ =	shalt  }
0x66: {  	_ =	shalt  }
0x67: {  	_ =	shalt  }
0x68: {  	_ =	shalt  }
0x69: {  	_ =	shalt  }
0x6a: {  	_ =	shalt  }
0x6b: {  	_ =	shalt  }
0x6c: {  	_ =	shalt  }
0x6d: {  	_ =	shalt  }
0x6e: {  	_ =	shalt  }
0x6f: {  	_ =	shalt  }
0x70: {  	_ =	shalt  }
0x71: {  	_ =	shalt  }
0x72: {  	_ =	shalt  }
0x73: {  	_ =	shalt  }
0x74: {  	_ =	shalt  }
0x75: {  	_ =	shalt  }
0x76: {  	_ =	shalt  }
0x77: {  	_ =	shalt  }
0x78: {  	_ =	shalt  }
0x79: {  	_ =	shalt  }
0x7a: {  	_ =	shalt  }
0x7b: {  	_ =	shalt  }
0x7c: {  	_ =	shalt  }
0x7d: {  	_ =	shalt  }
0x7e: {  	_ =	shalt  }
0x7f: {  	_ =	shalt  }
0x80: {  	_ =	shalt  }
0x81: {  	_ =	shalt  }
0x82: {  	_ =	shalt  }
0x83: {  	_ =	shalt  }
0x84: {  	_ =	shalt  }
0x85: {  	_ =	shalt  }
0x86: {  	_ =	shalt  }
0x87: {  	_ =	shalt  }
.Lfunc_end0:
.L_simem_size_0:
called_computation_lowered:
.L_overlay_start_0:
0x88: {  	s2 =	sld [smem:$0x3FD9]  }
0x89: {  	s3 =	sld [smem:$0x3FFE];
	_ =	sdelay $0x1  }
0x8a: {  	s1 =	srdreg.scid  }
0x8b: {  	s0 =	sand.u32 $0x1, s1  }
0x8c: {  	s17 =	sshll.u32 s0, $0xA;
	s2 =	sadd.s32 s3, s2  }
0x8d: {  	s2 =	sadd.s32 s2, s17  }
0x8e: {  	[smem:$0x3FC2] =	sst s2  }
0x8f: {  	_ = 	snop  }
0x90: {  	s2 =	sld [smem:$0x3FD0];
	(tm) =	ssettm $0x1  }
0x91: {  	s18 =	sld [smem:$0x3FFB];
	_ =	sdelay $0x3  }
0x92: {  	_ =	strace s18  }
0x93: {  	s3 =	sld [smem:$0x3FFC];
	_ =	sdelay $0x3  }
0x94: {  	_ =	strace s3  }
0x95: {  	s3 =	sld [smem:$0x3FFD];
	_ =	sdelay $0x3  }
0x96: {  	_ =	strace s3  }
0x97: {  	_ =	strace $0x8FFFFFFF  }
0x98: {  	s19 =	sld [smem:$0x3FDB];
	_ =	sdelay $0x1  }
0x99: {  	s4 =	simm.s32 $_scs_section_size  }
0x9a: {  	s5 =	simm.s32 $_size__tile_overlayer_lowered;
	s6 =	simm.s32 $_tile_overlayer_lowered  }
0x9b: {  	s22 =	simm.s32 $0x1BFF;
	s21 =	sshll.u32 s6, $0x1;
	s3 =	sadd.s32 s4, s19  }
0x9c: {  	s7 =	simm.s32 $0x0;
	s20 =	sshll.u32 s5, $0x1;
	s5 =	sadd.s32 s21, s3  }
0x9d: {  	[timem:s7], [sflag:s22] =	dma.local [hbm:s5], s20  }
0x9e: {  	_ =	swait.ge [sflag:s22], s20  }
0x9f: {  	s4 =	ssub.s32 $0x0, s20;
	[sflag:s22] =	ssyncset.done $0x0  }
0xa0: {  	[sflag:s22] =	ssyncadd.s32 s4;
	_ =	sdelay $0x1  }
0xa1: {  	s23 =	simm.s32 $0x1B8B  }
0xa2: {  	_ =	swait.ge [sflag:s23], $0x1  }
0xa3: {  	[sflag:s23] =	ssyncset.done $0x0  }
0xa4: {  	s25 =	simm.s32 $0x1B8E;
	s24 =	sld [smem:$0x3FFE];
	[sflag:s23] =	ssyncadd.s32 $0xFFFFFFFF  }
0xa5: {  	s26 =	simm.s32 $execute0_lowered;
	[smem:$0x3FD2] =	sst s25  }
0xa6: {  	s5 =	sshll.u32 s26, $0x1;
	_ =	strace $0x80000046;
	[dreg:$0x1] =	wrdreg $0xFFFFFFFF  }
0xa7: {  	s28 =	simm.s32 $_size_execute0_lowered;
	s3 =	sadd.s32 s3, s5;
	[dreg:$0x0] =	wrdreg $0x0  }
0xa8: {  	s5 =	sshll.u32 s28, $0x1;
	[dreg:$0x2] =	wrdreg s3  }
0xa9: {  	[dreg:$0x3] =	wrdreg s5  }
0xaa: {  	[dreg:$0x4] =	wrdreg $0xC0  }
0xab: {  	_ =	task [dreg:s7], $0x5FFFF  }
0xac: {  	[dreg:$0x1] =	wrdreg $0xFFFFFFFF  }
0xad: {  	[dreg:$0x0] =	wrdreg $0x60  }
0xae: {  	[dreg:$0x2] =	wrdreg s24  }
0xaf: {  	[dreg:$0x3] =	wrdreg s2  }
0xb0: {  	[dreg:$0x4] =	wrdreg $0x3000  }
0xb1: {  	[dreg:$0x5] =	wrdreg $0x9  }
0xb2: {  	_ =	task.clear_ibuf [dreg:s7], $0x6FFFF;
	_ =	strace $0x90000046  }
0xb3: {  	s29 =	simm.s32 $0x9;
	_ =	strace $0x80000048  }
0xb4: {  	_ =	swait.ge [sflag:s29], $0x1  }
0xb5: {  	[sflag:s29] =	ssyncadd.s32 $0xFFFFFFFF  }
0xb6: {  	_ =	strace $0x90000048  }
0xb7: {  	_ =	sfence  }
0xb8: {  	s30 =	sld [smem:$0x0];
	_ =	sdelay $0x2  }
0xb9: {  	s31 =	sshll.u32 s1, $0xD;
	s1 =	sshrl.u32 s1, $0x2  }
0xba: {  	s3 =	sand.u32 $0x4000, s31;
	s1 =	sadd.s32 s1, s30  }
0xbb: {  	s0 =	sor.u32 s3, s0;
	s1 =	sshll.u32 s1, $0x11  }
0xbc: {  	s0 =	sor.u32 s1, s0  }
0xbd: {  	s0 =	sadd.s32 $0x8F2B, s0  }
0xbe: {  	[sflag:s0] =	ssyncadd.remote.s32 $0x1  }
0xbf: {  	_ =	sfence.sel $0xFFFF  }
0xc0: {  	[dreg:$0x0] =	wrdreg $0xFFFFFFFF;
	(pc) =	sbr.abs _section_cstart, $3  }
0xc1: {  	[dreg:$0x1] =	wrdreg $0xFFFFFFFF  }
0xc2: {  	_ =	task.clear_ibuf [dreg:s7], $0x2FFFF;
	_ =	strace $0x9FFFFFFF  }
0xc3: {  	(tm) =	ssettm $0x7FFFFFFF  }
tec
execute0_lowered:
.L_overlay_start_1:
0x0: {  	(tag) =	ssettag $0x1  }
0x1: {  	s0 =	rddreg [dreg:$0x0]  }
0x2: {  	s1 =	srdreg.scid;
	s6 =	rddreg [dreg:$0x1]  }
0x3: {  	s2 =	rddreg [dreg:$0x2];
	s10 =	stileid.u32;
	s3 =	simm.s32 $0x0  }
0x4: {  	s28 =	simm.s32 $0x50;
	s29 =	simm.s32 $0x200;
	s30 =	simm.s32 $0x2  }
0x5: {  	s31 =	simm.s32 $0x3;
	s1 =	sand.u32 $0x1, s1;
	s9 =	smul.u32 $0x280, s10  }
0x6: {  	[smem:$0x7FF] =	sst s3;
	s16 =	smul.u32 $0x2710, s10;
	s4 =	sshll.u32 s1, $0x4  }
0x7: {  	_ =	strace $0x80000047;
	s7 =	ssub.s32 $0x2, s1;
	s15 =	smul.u32 $0x27100, s1  }
0x8: {  	p0 =	seq.s32 s1, $0x1;
	s4 =	sor.u32 s10, s4;
	s8 =	sshrl.u32 s7, $0x1  }
0x9: {  	s20 =	sshrl.u32 s9, $0x3;
	s5 =	smul.u32 $0x2710, s4;
	s4 =	sadd.s32 $0xBC00, s0  }
0xa: {  	s0 =	sadd.s32 $0x15A00, s0;
	s7 =	ssub.s32 s7, s8;
	s8 =	sadd.s32 s9, s2  }
0xb: {  	s21 =	sadd.s32 s16, s15;
	s19 =	sadd.s32 $0x80, s8;
	s12 =	sadd.s32 $0x180, s8  }
0xc: {  	s13 =	sadd.s32 $0x200, s8;
	s6 =	smov.u32 @p0 s0;
	s15 =	smax.u32 s7, $0x1  }
0xd: {  	s22 =	sadd.s32 $0x230, s21;
	s23 =	sadd.s32 $0x1E0, s21;
	s24 =	sadd.s32 $0x190, s21  }
0xe: {  	s0 =	simm.s32 $0x4;
	s5 =	sshrl.u32 s5, $0x3;
	[dreg:$0x7] =	wrdreg s19  }
0xf: {  	s16 =	sadd.s32 s6, s20;
	s1 =	sshrl.u32 s22, $0x3;
	s25 =	sshrl.u32 s23, $0x3  }
0x10: {  	s26 =	sshrl.u32 s24, $0x3;
	s20 =	sadd.s32 $0x140, s21;
	s21 =	simm.s32 $0x80  }
0x11: {  	s22 =	simm.s32 $0x100;
	s23 =	simm.s32 $0x180;
	s5 =	sadd.s32 s4, s5  }
0x12: {  	s24 =	simm.s32 $0x280;
	s19 =	sadd.s32 s26, s4;
	s17 =	sadd.s32 $0xA, s5  }
0x13: {  	s26 =	simm.s32 $0x1;
	s18 =	sadd.s32 $0x14, s5;
	[dreg:$0x4] =	wrdreg s17  }
0x14: {  	s11 =	sadd.s32 $0x1E, s5;
	s14 =	sadd.s32 $0x4D8, s5;
	[dreg:$0x5] =	wrdreg s18  }
0x15: {  	[dreg:$0x6] =	wrdreg s11;
	s11 =	sadd.s32 $0x100, s8;
	s17 =	sadd.s32 s1, s4  }
0x16: {  	v0 =	vimm.f32 $1.000000000e+00;
	v1 =	vimm.f32 $0.0e+00;
	s18 =	sadd.s32 s25, s4;
	s25 =	simm.s32 $0x5;
	s1 =	simm.s32 $0x0  }
.LBB2_1:
0x17: {  	[tilespmem:s3], [sflag:$0x1] =	stream.linear.gather [hbm4b:s5+s3], $0x50, $0x38;
	[tilespmem:$0x580] =	vst v63  }
0x18: {  	s6 =	rddreg [dreg:$0x4]  }
0x19: {  	[tilespmem:s21], [sflag:$0x2] =	stream.linear.gather [hbm4b:s6+s3], $0x50, $0x38;
	[tilespmem:$0x580] =	vst v63  }
0x1a: {  	s7 =	rddreg [dreg:$0x5]  }
0x1b: {  	[tilespmem:s22], [sflag:$0x3] =	stream.linear.gather [hbm4b:s7+s3], $0x50, $0x38;
	[tilespmem:$0x580] =	vst v63  }
0x1c: {  	s9 =	rddreg [dreg:$0x6]  }
0x1d: {  	[tilespmem:s23], [sflag:$0x4] =	stream.linear.gather [hbm4b:s9+s3], $0x50, $0x38;
	[tilespmem:$0x580] =	vst v63  }
0x1e: {  	[tilespmem:$0x200] =	vst v0  }
0x1f: {  	[tilespmem:$0x210] =	vst v0  }
0x20: {  	[tilespmem:$0x220] =	vst v0  }
0x21: {  	[tilespmem:$0x230] =	vst v0  }
0x22: {  	[tilespmem:$0x240] =	vst v0  }
0x23: {  	[tilespmem:$0x280] =	vst v1  }
0x24: {  	[tilespmem:$0x290] =	vst v1  }
0x25: {  	[tilespmem:$0x2A0] =	vst v1  }
0x26: {  	[tilespmem:$0x2B0] =	vst v1  }
0x27: {  	[tilespmem:$0x2C0] =	vst v1  }
0x28: {  	[tilespmem:$0x2D0] =	vst v1  }
0x29: {  	[tilespmem:$0x2E0] =	vst v1  }
0x2a: {  	[tilespmem:$0x2F0] =	vst v1  }
0x2b: {  	[spmem:s8] =	stream.linear.scatter [tilespmem:s24], [sflag:$0x5], $0x80, $0x38;
	[tilespmem:$0x580] =	vst v63  }
0x2c: {  	_ =	swait.ge [sflag:s25], $0x80  }
0x2d: {  	[sflag:s25] =	ssyncset.done $0x0  }
0x2e: {  	s10 =	rddreg [dreg:$0x7];
	[sflag:s25] =	ssyncadd.s32 $0xFFFFFF80  }
0x2f: {  	[spmem:s10] =	stream.linear.scatter [tilespmem:s24], [sflag:$0x5], $0x80, $0x38;
	[tilespmem:$0x580] =	vst v63  }
0x30: {  	_ =	swait.ge [sflag:s25], $0x80  }
0x31: {  	[sflag:s25] =	ssyncset.done $0x0  }
0x32: {  	[sflag:s25] =	ssyncadd.s32 $0xFFFFFF80  }
0x33: {  	[spmem:s11] =	stream.linear.scatter [tilespmem:s24], [sflag:$0x5], $0x80, $0x38;
	[tilespmem:$0x580] =	vst v63  }
0x34: {  	_ =	swait.ge [sflag:s25], $0x80  }
0x35: {  	[sflag:s25] =	ssyncset.done $0x0  }
0x36: {  	[sflag:s25] =	ssyncadd.s32 $0xFFFFFF80  }
0x37: {  	[spmem:s12] =	stream.linear.scatter [tilespmem:s24], [sflag:$0x5], $0x80, $0x38;
	[tilespmem:$0x580] =	vst v63  }
0x38: {  	_ =	swait.ge [sflag:s25], $0x80  }
0x39: {  	[sflag:s25] =	ssyncset.done $0x0  }
0x3a: {  	[sflag:s25] =	ssyncadd.s32 $0xFFFFFF80  }
0x3b: {  	[spmem:s13] =	stream.linear.scatter [tilespmem:s24], [sflag:$0x5], $0x80, $0x38;
	[tilespmem:$0x580] =	vst v63  }
0x3c: {  	_ =	swait.ge [sflag:s25], $0x80  }
0x3d: {  	[sflag:s25] =	ssyncset.done $0x0  }
0x3e: {  	[sflag:s25] =	ssyncadd.s32 $0xFFFFFF80  }
0x3f: {  	[bflag:$0x0] =	sbarrier.arrive $0xFFFF  }
0x40: {  	_ =	swait.ge [sflag:s26], $0x50  }
0x41: {  	[sflag:s26] =	ssyncset.done $0x0  }
0x42: {  	[sflag:s26] =	ssyncadd.s32 $0xFFFFFFB0  }
0x43: {  	[spmem:s2] =	stream.indirect.scatter.add.f32 [tilespmem:s29], [sflag:$0x5], $0x1, s3, s28, $0xb8;
	[tilespmem:$0x580] =	vst v63  }
0x44: {  	_ =	swait.ge [sflag:s25], $0x50  }
0x45: {  	s7 =	sshrl.u32 s20, $0x3;
	[sflag:s25] =	ssyncset.done $0x0  }
0x46: {  	s6 =	sadd.s32 s4, s7;
	[sflag:s25] =	ssyncadd.s32 $0xFFFFFFB0  }
0x47: {  	[tilespmem:s3], [sflag:$0x1] =	stream.linear.gather [hbm4b:s6+s3], $0x50, $0x38;
	[tilespmem:$0x580] =	vst v63  }
0x48: {  	_ =	swait.ge [sflag:s30], $0x50  }
0x49: {  	[sflag:s30] =	ssyncset.done $0x0  }
0x4a: {  	[sflag:s30] =	ssyncadd.s32 $0xFFFFFFB0  }
0x4b: {  	[spmem:s2] =	stream.indirect.scatter.add.f32 [tilespmem:s29], [sflag:$0x5], $0x1, s21, s28, $0xb8;
	[tilespmem:$0x580] =	vst v63  }
0x4c: {  	_ =	swait.ge [sflag:s25], $0x50  }
0x4d: {  	[sflag:s25] =	ssyncset.done $0x0  }
0x4e: {  	s9 =	sadd.s32 $0x0, s19;
	[sflag:s25] =	ssyncadd.s32 $0xFFFFFFB0  }
0x4f: {  	[tilespmem:s21], [sflag:$0x2] =	stream.linear.gather [hbm4b:s9+s3], $0x50, $0x38;
	[tilespmem:$0x580] =	vst v63  }
0x50: {  	_ =	swait.ge [sflag:s31], $0x50  }
0x51: {  	[sflag:s31] =	ssyncset.done $0x0  }
0x52: {  	[sflag:s31] =	ssyncadd.s32 $0xFFFFFFB0  }
0x53: {  	[spmem:s2] =	stream.indirect.scatter.add.f32 [tilespmem:s29], [sflag:$0x5], $0x1, s22, s28, $0xb8;
	[tilespmem:$0x580] =	vst v63  }
0x54: {  	_ =	swait.ge [sflag:s25], $0x50  }
0x55: {  	[sflag:s25] =	ssyncset.done $0x0  }
0x56: {  	s10 =	sadd.s32 $0x0, s18;
	[sflag:s25] =	ssyncadd.s32 $0xFFFFFFB0  }
0x57: {  	[tilespmem:s22], [sflag:$0x3] =	stream.linear.gather [hbm4b:s10+s3], $0x50, $0x38;
	[tilespmem:$0x580] =	vst v63  }
0x58: {  	_ =	swait.ge [sflag:s0], $0x50  }
0x59: {  	[sflag:s0] =	ssyncset.done $0x0  }
0x5a: {  	[sflag:s0] =	ssyncadd.s32 $0xFFFFFFB0  }
0x5b: {  	[spmem:s2] =	stream.indirect.scatter.add.f32 [tilespmem:s29], [sflag:$0x5], $0x1, s23, s28, $0xb8;
	[tilespmem:$0x580] =	vst v63  }
0x5c: {  	_ =	swait.ge [sflag:s25], $0x50  }
0x5d: {  	s7 =	sadd.s32 $0x140, s20;
	[sflag:s25] =	ssyncset.done $0x0  }
0x5e: {  	s6 =	simm.s32 $0x28;
	s9 =	sadd.s32 $0x0, s17;
	[sflag:s25] =	ssyncadd.s32 $0xFFFFFFB0  }
.LBB2_2:
0x5f: {  	[tilespmem:s23], [sflag:$0x4] =	stream.linear.gather [hbm4b:s9+s3], $0x50, $0x38;
	[tilespmem:$0x580] =	vst v63  }
0x60: {  	s9 =	smov.u32 s6  }
0x61: {  	p0 =	sne.s32 s6, $0x488;
	s6 =	sadd.s32 $0x28, s6;
	_ =	swait.ge [sflag:s26], $0x50  }
0x62: {  	[sflag:s26] =	ssyncset.done $0x0  }
0x63: {  	[sflag:s26] =	ssyncadd.s32 $0xFFFFFFB0  }
0x64: {  	[spmem:s2] =	stream.indirect.scatter.add.f32 [tilespmem:s29], [sflag:$0x5], $0x1, s3, s28, $0xb8;
	[tilespmem:$0x580] =	vst v63  }
0x65: {  	_ =	swait.ge [sflag:s25], $0x50  }
0x66: {  	s10 =	sshrl.u32 s7, $0x3;
	[sflag:s25] =	ssyncset.done $0x0  }
0x67: {  	s10 =	sadd.s32 s4, s10;
	[sflag:s25] =	ssyncadd.s32 $0xFFFFFFB0  }
0x68: {  	[tilespmem:s3], [sflag:$0x1] =	stream.linear.gather [hbm4b:s10+s3], $0x50, $0x38;
	[tilespmem:$0x580] =	vst v63  }
0x69: {  	_ =	swait.ge [sflag:s30], $0x50  }
0x6a: {  	[sflag:s30] =	ssyncset.done $0x0  }
0x6b: {  	[sflag:s30] =	ssyncadd.s32 $0xFFFFFFB0  }
0x6c: {  	[spmem:s2] =	stream.indirect.scatter.add.f32 [tilespmem:s29], [sflag:$0x5], $0x1, s21, s28, $0xb8;
	[tilespmem:$0x580] =	vst v63  }
0x6d: {  	_ =	swait.ge [sflag:s25], $0x50  }
0x6e: {  	[sflag:s25] =	ssyncset.done $0x0  }
0x6f: {  	s10 =	sadd.s32 s9, s19;
	[sflag:s25] =	ssyncadd.s32 $0xFFFFFFB0  }
0x70: {  	[tilespmem:s21], [sflag:$0x2] =	stream.linear.gather [hbm4b:s10+s3], $0x50, $0x38;
	[tilespmem:$0x580] =	vst v63  }
0x71: {  	_ =	swait.ge [sflag:s31], $0x50  }
0x72: {  	[sflag:s31] =	ssyncset.done $0x0  }
0x73: {  	[sflag:s31] =	ssyncadd.s32 $0xFFFFFFB0  }
0x74: {  	[spmem:s2] =	stream.indirect.scatter.add.f32 [tilespmem:s29], [sflag:$0x5], $0x1, s22, s28, $0xb8;
	[tilespmem:$0x580] =	vst v63  }
0x75: {  	_ =	swait.ge [sflag:s25], $0x50  }
0x76: {  	[sflag:s25] =	ssyncset.done $0x0  }
0x77: {  	s10 =	sadd.s32 s9, s18;
	[sflag:s25] =	ssyncadd.s32 $0xFFFFFFB0  }
0x78: {  	[tilespmem:s22], [sflag:$0x3] =	stream.linear.gather [hbm4b:s10+s3], $0x50, $0x38;
	[tilespmem:$0x580] =	vst v63  }
0x79: {  	_ =	swait.ge [sflag:s0], $0x50  }
0x7a: {  	[sflag:s0] =	ssyncset.done $0x0  }
.Ltmp0:
0x7b: {  	[sflag:s0] =	ssyncadd.s32 $0xFFFFFFB0;
	(pc) =	sbr.rel @p0 .LBB2_2-.Ltmp0, $4  }
0x7c: {  	[spmem:s2] =	stream.indirect.scatter.add.f32 [tilespmem:s29], [sflag:$0x5], $0x1, s23, s28, $0xb8;
	[tilespmem:$0x580] =	vst v63  }
0x7d: {  	_ =	swait.ge [sflag:s25], $0x50  }
0x7e: {  	[sflag:s25] =	ssyncset.done $0x0  }
0x7f: {  	s7 =	sadd.s32 $0x140, s7;
	s9 =	sadd.s32 s9, s17;
	[sflag:s25] =	ssyncadd.s32 $0xFFFFFFB0  }
0x80: {  	[tilespmem:s23], [sflag:$0x4] =	stream.linear.gather [hbm4b:s9+s3], $0x50, $0x38;
	[tilespmem:$0x580] =	vst v63  }
0x81: {  	_ =	swait.ge [sflag:s26], $0x50  }
0x82: {  	[sflag:s26] =	ssyncset.done $0x0  }
0x83: {  	[sflag:s26] =	ssyncadd.s32 $0xFFFFFFB0  }
0x84: {  	[spmem:s2] =	stream.indirect.scatter.add.f32 [tilespmem:s29], [sflag:$0x5], $0x1, s3, s28, $0xb8;
	[tilespmem:$0x580] =	vst v63  }
0x85: {  	_ =	swait.ge [sflag:s25], $0x50  }
0x86: {  	[sflag:s25] =	ssyncset.done $0x0  }
0x87: {  	[sflag:s25] =	ssyncadd.s32 $0xFFFFFFB0  }
0x88: {  	_ =	swait.ge [sflag:s30], $0x50  }
0x89: {  	[sflag:s30] =	ssyncset.done $0x0  }
0x8a: {  	[sflag:s30] =	ssyncadd.s32 $0xFFFFFFB0  }
0x8b: {  	[spmem:s2] =	stream.indirect.scatter.add.f32 [tilespmem:s29], [sflag:$0x5], $0x1, s21, s28, $0xb8;
	[tilespmem:$0x580] =	vst v63  }
0x8c: {  	_ =	swait.ge [sflag:s25], $0x50  }
0x8d: {  	[sflag:s25] =	ssyncset.done $0x0  }
0x8e: {  	[sflag:s25] =	ssyncadd.s32 $0xFFFFFFB0  }
0x8f: {  	_ =	swait.ge [sflag:s31], $0x50  }
0x90: {  	[sflag:s31] =	ssyncset.done $0x0  }
0x91: {  	[sflag:s31] =	ssyncadd.s32 $0xFFFFFFB0  }
0x92: {  	[spmem:s2] =	stream.indirect.scatter.add.f32 [tilespmem:s29], [sflag:$0x5], $0x1, s22, s28, $0xb8;
	[tilespmem:$0x580] =	vst v63  }
0x93: {  	_ =	swait.ge [sflag:s25], $0x50  }
0x94: {  	[sflag:s25] =	ssyncset.done $0x0  }
0x95: {  	[sflag:s25] =	ssyncadd.s32 $0xFFFFFFB0  }
0x96: {  	_ =	swait.ge [sflag:s0], $0x50  }
0x97: {  	[sflag:s0] =	ssyncset.done $0x0  }
0x98: {  	[sflag:s0] =	ssyncadd.s32 $0xFFFFFFB0  }
0x99: {  	[spmem:s2] =	stream.indirect.scatter.add.f32 [tilespmem:s29], [sflag:$0x5], $0x1, s23, s28, $0xb8;
	[tilespmem:$0x580] =	vst v63  }
0x9a: {  	_ =	swait.ge [sflag:s25], $0x50  }
0x9b: {  	[sflag:s25] =	ssyncset.done $0x0  }
0x9c: {  	[sflag:s25] =	ssyncadd.s32 $0xFFFFFFB0  }
0x9d: {  	[tilespmem:s3], [sflag:$0x1] =	stream.linear.gather [hbm4b:s14+s3], $0x50, $0x38;
	[tilespmem:$0x580] =	vst v63  }
0x9e: {  	_ =	swait.ge [sflag:s26], $0x50  }
0x9f: {  	[sflag:s26] =	ssyncset.done $0x0  }
0xa0: {  	[sflag:s26] =	ssyncadd.s32 $0xFFFFFFB0  }
0xa1: {  	[spmem:s2] =	stream.indirect.scatter.add.f32 [tilespmem:s29], [sflag:$0x5], $0x1, s3, s28, $0xb8;
	[tilespmem:$0x580] =	vst v63  }
0xa2: {  	s6 =	stileid.u32;
	_ =	swait.ge [sflag:s25], $0x50  }
0xa3: {  	s7 =	sshrl.u32 s8, $0x3;
	s1 =	sadd.s32 $0x1, s1;
	[sflag:s25] =	ssyncset.done $0x0  }
0xa4: {  	s6 =	sshll.u32 s6, $0x6;
	p0 =	sne.s32 s1, s15;
	[sflag:s25] =	ssyncadd.s32 $0xFFFFFFB0  }
.Ltmp1:
0xa5: {  	s6 =	sor.u32 $0x1C05, s6;
	[bflag:$0x0] =	sbarrier.arrive $0xFFFF;
	(pc) =	sbr.rel @p0 .LBB2_1-.Ltmp1, $4  }
0xa6: {  	[hbm:s16], [sflag:s6] =	dma.local [spmem:s7], $0x50  }
0xa7: {  	_ =	swait.ge [sflag:s25], $0x50  }
0xa8: {  	[sflag:s25] =	ssyncset.done $0x0  }
0xa9: {  	[sflag:s25] =	ssyncadd.s32 $0xFFFFFFB0  }
0xaa: {  	_ =	sfence.sel $0x180000  }
0xab: {  	[bflag:$0x0] =	sbarrier.arrive $0xFFFF  }
0xac: {  	_ =	strace $0x90000047  }
0xad: {  	s0 =	stileid.u32;
	[bflag:$0x2] =	sbarrier.arrive $0xFFFF  }
0xae: {  	p0 =	sne.s32 s0, $0x0;
	s0 =	rddreg [dreg:$0x3]  }
0xaf: {  	s0 =	sadd.s32 @!p0 $0x100000, s0  }
0xb0: {  	[sflag:s0] =	ssyncadd.tile.s32 @!p0 $0x1;
	_ =	shalt  }
.Lfunc_end2:
_tile_overlayer_lowered:
.L_overlay_start_2:
0xb1: {  	(tag) =	ssettag $0x2  }
0xb2: {  	s0 =	rddreg [dreg:$0x0];
	s2 =	stileid.u32  }
0xb3: {  	s1 =	rddreg [dreg:$0x1];
	p0 =	sne.s32 s2, $0x0  }
0xb4: {  	s3 =	rddreg [dreg:$0x2];
	[bflag:$0x3] =	sbarrier.arrive $0xFFFF;
	s2 =	simm.s32 @!p0 $0x1C05  }
0xb5: {  	[timem:s3], [sflag:s2] =	dma.local @!p0 [hbm:s0], s1  }
0xb6: {  	s0 =	simm.s32 @!p0 $0x5  }
0xb7: {  	_ =	swait.ge @!p0 [sflag:s0], s1  }
0xb8: {  	s1 =	ssub.s32 @!p0 $0x0, s1;
	[sflag:s0] =	ssyncset.done @!p0 $0x0  }
0xb9: {  	[sflag:s0] =	ssyncadd.s32 @!p0 s1  }
0xba: {  	[bflag:$0x3] =	sbarrier.arrive $0xFFFF  }
0xbb: {  	_ =	shalt  }

</sc_bundles>
